<compile_context>
chip_gen: v7x
topology: tpu7x:2x2x1
jax: 0.10.2.dev20260603
libtpu: 0.0.44.dev20260713+nightly
codegen_flags: <defaults>
</compile_context>

<pallas_src>
import functools

import jax
import jax.numpy as jnp
from jax import lax
from jax.experimental import pallas as pl
from jax.experimental.pallas import tpu as pltpu
from jax.experimental.pallas import tpu_sc as plsc

N_NODES = 10000
N_PAD = 10240
D = 128
NC = 2
NS = 16
NT = NC * NS
LANES = 16
CH = 128
SUP = 8

ROW_STEP = 624
ROW_BUF = 640

_MESH = plsc.VectorSubcoreMesh(core_axis_name="c", subcore_axis_name="s")


def _sc_degree(dst2, dst_tail):
    n_ch = dst2.shape[0] - (dst2.shape[0] % SUP)
    n_sup = n_ch // SUP
    base_sup, extra_sup = divmod(n_sup, NT)
    tail_ch = dst_tail.shape[0]
    assert tail_ch <= NT

    @functools.partial(
        pl.kernel,
        out_type=jax.ShapeDtypeStruct((NT, N_PAD // 128, 128), jnp.float32),
        mesh=_MESH,
        scratch_types=[
            pltpu.VMEM((2, SUP, CH), jnp.int32),
            pltpu.VMEM((tail_ch, CH), jnp.int32),
            pltpu.VMEM((N_PAD // 128, 128), jnp.float32),
            pltpu.SemaphoreType.DMA,
        ],
        compiler_params=pltpu.CompilerParams(needs_layout_passes=False),
    )
    def k(dst_hbm, dtail_hbm, out_hbm, didx, dtail, hist, ksem):
        c = lax.axis_index("c")
        s = lax.axis_index("s")
        t = c * NS + s
        n_mine = base_sup + jnp.where(t < extra_sup, 1, 0)

        zv = jnp.zeros((LANES,), jnp.float32)

        def zfill(r, _):
            for j in range(128 // LANES):
                hist[r, pl.ds(j * LANES, LANES)] = zv
            return 0

        lax.fori_loop(0, N_PAD // 128, zfill, 0)

        ov = jnp.ones((LANES,), jnp.float32)

        def scatter_rows(idx_ref2d, j):
            for v in range(CH // LANES):
                idx = idx_ref2d[j, pl.ds(v * LANES, LANES)]
                ihi = lax.shift_right_logical(idx, 7)
                ilo = lax.bitwise_and(idx, 127)
                plsc.addupdate_scatter(hist, [ihi, ilo], ov)

        @pl.when(n_mine > 0)
        def _():
            pltpu.async_copy(dst_hbm.at[pl.ds(t * SUP, SUP)], didx.at[0], ksem)

        def sup_body(u, _):
            b = lax.rem(u, 2)
            pltpu.make_async_copy(dst_hbm.at[pl.ds(0, SUP)], didx.at[b],
                                  ksem).wait()

            @pl.when(u + 1 < n_mine)
            def _():
                row = (t + (u + 1) * NT) * SUP
                pltpu.async_copy(dst_hbm.at[pl.ds(row, SUP)], didx.at[1 - b],
                                 ksem)

            for j in range(SUP):
                scatter_rows(didx.at[b], j)
            return 0

        lax.fori_loop(0, n_mine, sup_body, 0)

        if tail_ch:
            @pl.when(t < tail_ch)
            def _():
                pltpu.sync_copy(dtail_hbm, dtail)
                scatter_rows(dtail, t)

        pltpu.sync_copy(hist, out_hbm.at[t])

    return k(dst2, dst_tail)


def _tc_dense(x, w, hist):
    n = x.shape[0]
    d_out = w.shape[1]

    def body(x_ref, w_ref, hist_ref, g_ref, recip_ref):
        deg = jnp.sum(hist_ref[...], axis=0).reshape(N_PAD) + 1.0
        dis_col = lax.rsqrt(deg)[:, None]
        recip_ref[...] = (1.0 / deg)[:, None]
        h = jnp.dot(x_ref[...], w_ref[...], preferred_element_type=jnp.float32)
        g_ref[...] = h * dis_col[0:n]

    return pl.pallas_call(
        body,
        out_shape=[
            jax.ShapeDtypeStruct((n, d_out), jnp.float32),
            jax.ShapeDtypeStruct((N_PAD, 1), jnp.float32),
        ],
    )(x, w, hist)


def _sc_aggregate(g, src2, dst2, src_tail, dst_tail, zeros_rows):
    n_ch = src2.shape[0] - (src2.shape[0] % SUP)
    n_sup = n_ch // SUP
    base_sup, extra_sup = divmod(n_sup, NT)
    tail_ch = src_tail.shape[0]

    @functools.partial(
        pl.kernel,
        out_type=jax.ShapeDtypeStruct((NC, N_NODES, D), jnp.float32),
        mesh=_MESH,
        scratch_types=[
            pltpu.VMEM((2, SUP, CH), jnp.int32),
            pltpu.VMEM((2, SUP, CH), jnp.int32),
            pltpu.VMEM((2, CH, D), jnp.float32),
            pltpu.VMEM((tail_ch, CH), jnp.int32),
            pltpu.VMEM((tail_ch, CH), jnp.int32),
            pltpu.VMEM_SHARED((N_NODES, D), jnp.float32),
            pltpu.SemaphoreType.DMA,
            pltpu.SemaphoreType.DMA,
            pltpu.SemaphoreType.DMA,
            pltpu.SemaphoreType.DMA,
            pltpu.SemaphoreType.DMA,
        ],
    )
    def k(g_hbm, src_hbm, dst_hbm, stail_hbm, dtail_hbm, zer_hbm, out_hbm,
          sidx, didx, rows, stail, dtail, acc_sp, ksem,
          gsem0, gsem1, ssem0, ssem1):
        c = lax.axis_index("c")
        s = lax.axis_index("s")
        t = c * NS + s
        n_mine = base_sup + jnp.where(t < extra_sup, 1, 0)
        gsems = (gsem0, gsem1)
        ssems = (ssem0, ssem1)

        r0 = s * ROW_STEP

        @pl.when(c == 0)
        def _():
            pltpu.sync_copy(g_hbm.at[pl.ds(r0, ROW_BUF)],
                            acc_sp.at[pl.ds(r0, ROW_BUF)])

        @pl.when(c == 1)
        def _():
            pltpu.sync_copy(zer_hbm, acc_sp.at[pl.ds(r0, ROW_BUF)])

        plsc.subcore_barrier()

        @pl.when(n_mine > 0)
        def _():
            pltpu.async_copy(src_hbm.at[pl.ds(t * SUP, SUP)], sidx.at[0], ksem)
            pltpu.async_copy(dst_hbm.at[pl.ds(t * SUP, SUP)], didx.at[0], ksem)
            pltpu.make_async_copy(src_hbm.at[pl.ds(0, SUP)], sidx.at[0],
                                  ksem).wait()
            pltpu.make_async_copy(dst_hbm.at[pl.ds(0, SUP)], didx.at[0],
                                  ksem).wait()
            pltpu.async_copy(g_hbm.at[sidx.at[0, 0]], rows.at[0], gsem0)

        def sup_body(u, _):
            b = lax.rem(u, 2)

            @pl.when(u + 1 < n_mine)
            def _():
                row = (t + (u + 1) * NT) * SUP
                pltpu.async_copy(src_hbm.at[pl.ds(row, SUP)], sidx.at[1 - b],
                                 ksem)
                pltpu.async_copy(dst_hbm.at[pl.ds(row, SUP)], didx.at[1 - b],
                                 ksem)

            gdesc = [None, None]
            sdesc = [None, None]
            for j in range(SUP):
                r2 = j & 1
                n2 = 1 - r2
                if j == 0:
                    @pl.when(u > 0)
                    def _():
                        pltpu.make_async_copy(
                            rows.at[1], acc_sp.at[didx.at[b, 0]],
                            ssems[1]).wait()
                else:
                    sdesc[n2].wait()
                if j + 1 < SUP:
                    gdesc[n2] = pltpu.async_copy(
                        g_hbm.at[sidx.at[b, j + 1]], rows.at[n2], gsems[n2])
                if j == 0:
                    pltpu.make_async_copy(g_hbm.at[sidx.at[b, 0]],
                                          rows.at[0], gsems[0]).wait()
                else:
                    gdesc[r2].wait()
                sdesc[r2] = pltpu.async_copy(
                    rows.at[r2], acc_sp.at[didx.at[b, j]], ssems[r2],
                    add=True)

            @pl.when(u + 1 < n_mine)
            def _():
                pltpu.make_async_copy(src_hbm.at[pl.ds(0, SUP)],
                                      sidx.at[1 - b], ksem).wait()
                pltpu.make_async_copy(dst_hbm.at[pl.ds(0, SUP)],
                                      didx.at[1 - b], ksem).wait()
                pltpu.async_copy(g_hbm.at[sidx.at[1 - b, 0]], rows.at[0],
                                 gsem0)
            return 0

        lax.fori_loop(0, n_mine, sup_body, 0)
        pltpu.make_async_copy(rows.at[1], acc_sp.at[didx.at[0, 0]],
                              ssems[1]).wait()

        if tail_ch:
            @pl.when(t < tail_ch)
            def _():
                pltpu.sync_copy(stail_hbm, stail)
                pltpu.sync_copy(dtail_hbm, dtail)
                pltpu.async_copy(g_hbm.at[stail.at[t]], rows.at[0],
                                 gsem0).wait()
                pltpu.sync_copy(rows.at[0], acc_sp.at[dtail.at[t]], add=True)

        plsc.subcore_barrier()

        pltpu.sync_copy(acc_sp.at[pl.ds(r0, ROW_BUF)],
                        out_hbm.at[c].at[pl.ds(r0, ROW_BUF)])

    return k(g, src2, dst2, src_tail, dst_tail, zeros_rows)


def _tc_finalize(acc2, recip, b):
    _, n, d = acc2.shape

    def body(a_ref, r_ref, b_ref, o_ref):
        v = (a_ref[0] + a_ref[1]) * r_ref[0:n] + b_ref[...][None, :]
        o_ref[...] = v / (1.0 + jnp.exp(-v))

    return pl.pallas_call(
        body,
        out_shape=jax.ShapeDtypeStruct((n, d), jnp.float32),
    )(acc2, recip, b)


def kernel(x, edge_index, W, b):
    src2 = edge_index[0].astype(jnp.int32).reshape(-1, CH)
    dst2 = edge_index[1].astype(jnp.int32).reshape(-1, CH)
    n_full = (src2.shape[0] // SUP) * SUP
    src_tail = src2[n_full:]
    dst_tail = dst2[n_full:]
    hist = _sc_degree(dst2, dst_tail)
    g, recip = _tc_dense(x, W, hist)
    acc2 = _sc_aggregate(g, src2, dst2, src_tail, dst_tail,
                         jnp.zeros((ROW_BUF, D), jnp.float32))
    return _tc_finalize(acc2, recip, b)

# --- scband reference (transcript-rebuilt; emitter-appended) ---
"""Pipeline reference for scband-moral-framework-graph-layer-63101659513102 (READ-ONLY COPY).

The authoritative reference and input builder live on the scoring server;
editing this copy changes nothing except your own understanding.
"""

import jax, jax.numpy as jnp
import numpy as np

N_NODES = 10000
N_EDGES = 320000
D_IN = 128
D_OUT = 128


def setup_inputs(seed: int = 0) -> dict:
    key = jax.random.key(seed)
    k1, k2, k3 = jax.random.split(key, 3)
    x = jax.random.normal(k1, (N_NODES, D_IN), dtype=jnp.float32)
    edge_index = jax.random.randint(k2, (2, N_EDGES), 0, N_NODES, dtype=jnp.int64)
    # GCNConv linear weight (in_channels -> out_channels) and bias
    W = jax.random.normal(k3, (D_IN, D_OUT), dtype=jnp.float32) * (1.0 / np.sqrt(D_IN))
    b = jnp.zeros((D_OUT,), dtype=jnp.float32)
    return {"x": x, "edge_index": edge_index, "W": W, "b": b}


def reference(x, edge_index, W, b):
    N = x.shape[0]
    # --- add self-loops (GCNConv default add_self_loops=True) ---
    loop = jnp.arange(N, dtype=edge_index.dtype)
    src = jnp.concatenate([edge_index[0], loop])
    dst = jnp.concatenate([edge_index[1], loop])
    # --- gcn_norm: symmetric degree normalization over dst ---
    ones = jnp.ones(src.shape[0], dtype=jnp.float32)
    deg = jax.ops.segment_sum(ones, dst, num_segments=N)
    deg_inv_sqrt = jnp.where(deg > 0, jax.lax.rsqrt(jnp.maximum(deg, 1e-12)), 0.0)
    norm = deg_inv_sqrt[src] * deg_inv_sqrt[dst]
    # --- linear transform first (GCNConv applies lin before propagate) ---
    h = x @ W
    # --- message: norm * x_j (gather on src) ---
    msgs = norm[:, None] * jnp.take(h, src, axis=0)
    # --- VariancePreservingAggregation: sum(messages) / sqrt(count) per dst ---
    agg = jax.ops.segment_sum(msgs, dst, num_segments=N)
    cnt = jax.ops.segment_sum(ones, dst, num_segments=N)
    out = agg * jax.lax.rsqrt(jnp.maximum(cnt, 1.0))[:, None]
    # --- bias + SiLU activation ---
    out = out + b
    return jax.nn.silu(out)

if __name__ == "__main__":
    import jax
    _d = setup_inputs()
    print(jax.jit(kernel)(*tuple(_d.values())))

</pallas_src>

<mosaic_0001>
#map = affine_map<(d0, d1) -> (0, 0)>
#map1 = affine_map<(d0, d1) -> (0, 0, 0)>
module attributes {stable_mosaic.version = 14 : i64} {
  func.func @k(%arg0: i32, %arg1: i32, %arg2: memref<10000x128xf32, #tpu.memory_space<hbm>>, %arg3: memref<2500x128xi32, #tpu.memory_space<hbm>>, %arg4: memref<2500x128xi32, #tpu.memory_space<hbm>>, %arg5: memref<4x128xi32, #tpu.memory_space<hbm>>, %arg6: memref<4x128xi32, #tpu.memory_space<hbm>>, %arg7: memref<640x128xf32, #tpu.memory_space<hbm>>, %arg8: memref<2x10000x128xf32, #tpu.memory_space<hbm>>, %arg9: memref<2x8x128xi32, #tpu.memory_space<vmem>>, %arg10: memref<2x8x128xi32, #tpu.memory_space<vmem>>, %arg11: memref<2x128x128xf32, #tpu.memory_space<vmem>>, %arg12: memref<4x128xi32, #tpu.memory_space<vmem>>, %arg13: memref<4x128xi32, #tpu.memory_space<vmem>>, %arg14: memref<10000x128xf32, #tpu.memory_space<vmem_shared>>, %arg15: memref<!tpu.dma_semaphore, #tpu.memory_space<semaphore_mem>>, %arg16: memref<!tpu.dma_semaphore, #tpu.memory_space<semaphore_mem>>, %arg17: memref<!tpu.dma_semaphore, #tpu.memory_space<semaphore_mem>>, %arg18: memref<!tpu.dma_semaphore, #tpu.memory_space<semaphore_mem>>, %arg19: memref<!tpu.dma_semaphore, #tpu.memory_space<semaphore_mem>>) attributes {dimension_semantics = [#tpu.dimension_semantics<core_parallel>, #tpu.dimension_semantics<subcore_parallel>], iteration_bounds = array<i64: 2, 16>, scalar_prefetch = 0 : i64, scratch_operands = 11 : i64, tpu.core_type = #tpu.core_type<sc_vector_subcore>, window_params = [{transform_indices = #map}, {transform_indices = #map}, {transform_indices = #map}, {transform_indices = #map}, {transform_indices = #map}, {transform_indices = #map}, {transform_indices = #map1}]} {
    %mul3A = arith.constant 16 : i32
    %mul3A_0 = arith.muli %arg0, %mul3A : i32
    %add3A = arith.addi %mul3A_0, %arg1 : i32
    %lt3A = arith.constant 24 : i32
    %lt3A_1 = arith.cmpi slt, %add3A, %lt3A : i32
    %jit3A = arith.constant 1 : i32
    %jit3A_2 = arith.constant 0 : i32
    %select_n3A = arith.select %lt3A_1, %jit3A, %jit3A_2 : i32
    %add3A_3 = arith.constant 9 : i32
    %add3A_4 = arith.addi %add3A_3, %select_n3A : i32
    %mul3A_5 = arith.constant 624 : i32
    %mul3A_6 = arith.muli %arg1, %mul3A_5 : i32
    %eq3A = arith.constant 0 : i32
    %eq3A_7 = arith.cmpi eq, %arg0, %eq3A : i32
    %convert_element_type3A = arith.extui %eq3A_7 : i1 to i32
    %cond3A = arith.constant 0 : i32
    %cond3A_8 = arith.cmpi ne, %convert_element_type3A, %cond3A : i32
    scf.if %cond3A_8 {
      "tpu.region"() ({
        %run_scoped3A = tpu.sem_alloc : memref<!tpu.dma_semaphore, #tpu.memory_space<semaphore_mem>>
        %dma_start3A = arith.constant 0 : i32
        %dma_start3A_47 = tpu.memref_slice %arg14[%mul3A_6, %dma_start3A] : memref<10000x128xf32, #tpu.memory_space<vmem_shared>> -> memref<640x128xf32, #tpu.memory_space<vmem_shared>>
        %dma_start3A_48 = arith.constant 0 : i32
        %dma_start3A_49 = tpu.memref_slice %arg2[%mul3A_6, %dma_start3A_48] : memref<10000x128xf32, #tpu.memory_space<hbm>> -> memref<640x128xf32, #tpu.memory_space<hbm>>
        tpu.enqueue_dma source(%dma_start3A_49 : memref<640x128xf32, #tpu.memory_space<hbm>>) target(%dma_start3A_47 : memref<640x128xf32, #tpu.memory_space<vmem_shared>>) target_semaphore(%run_scoped3A : memref<!tpu.dma_semaphore, #tpu.memory_space<semaphore_mem>>)
        %dma_wait3A_50 = arith.constant 0 : i32
        %dma_wait3A_51 = tpu.memref_slice %arg14[%mul3A_6, %dma_wait3A_50] : memref<10000x128xf32, #tpu.memory_space<vmem_shared>> -> memref<640x128xf32, #tpu.memory_space<vmem_shared>>
        %dma_wait3A_52 = arith.constant 0 : i32
        %dma_wait3A_53 = tpu.memref_slice %arg2[%mul3A_6, %dma_wait3A_52] : memref<10000x128xf32, #tpu.memory_space<hbm>> -> memref<640x128xf32, #tpu.memory_space<hbm>>
        tpu.wait_dma2 semaphore(%run_scoped3A : memref<!tpu.dma_semaphore, #tpu.memory_space<semaphore_mem>>) src(%dma_wait3A_53 : memref<640x128xf32, #tpu.memory_space<hbm>>) dst(%dma_wait3A_51 : memref<640x128xf32, #tpu.memory_space<vmem_shared>>)
        tpu.yield
      }) : () -> ()
    } else {
    }
    %eq3A_9 = arith.constant 1 : i32
    %eq3A_10 = arith.cmpi eq, %arg0, %eq3A_9 : i32
    %convert_element_type3A_11 = arith.extui %eq3A_10 : i1 to i32
    %cond3A_12 = arith.constant 0 : i32
    %cond3A_13 = arith.cmpi ne, %convert_element_type3A_11, %cond3A_12 : i32
    scf.if %cond3A_13 {
      "tpu.region"() ({
        %run_scoped3A = tpu.sem_alloc : memref<!tpu.dma_semaphore, #tpu.memory_space<semaphore_mem>>
        %dma_start3A = arith.constant 0 : i32
        %dma_start3A_47 = tpu.memref_slice %arg14[%mul3A_6, %dma_start3A] : memref<10000x128xf32, #tpu.memory_space<vmem_shared>> -> memref<640x128xf32, #tpu.memory_space<vmem_shared>>
        tpu.enqueue_dma source(%arg7 : memref<640x128xf32, #tpu.memory_space<hbm>>) target(%dma_start3A_47 : memref<640x128xf32, #tpu.memory_space<vmem_shared>>) target_semaphore(%run_scoped3A : memref<!tpu.dma_semaphore, #tpu.memory_space<semaphore_mem>>)
        %dma_wait3A_48 = arith.constant 0 : i32
        %dma_wait3A_49 = tpu.memref_slice %arg14[%mul3A_6, %dma_wait3A_48] : memref<10000x128xf32, #tpu.memory_space<vmem_shared>> -> memref<640x128xf32, #tpu.memory_space<vmem_shared>>
        tpu.wait_dma2 semaphore(%run_scoped3A : memref<!tpu.dma_semaphore, #tpu.memory_space<semaphore_mem>>) src(%arg7 : memref<640x128xf32, #tpu.memory_space<hbm>>) dst(%dma_wait3A_49 : memref<640x128xf32, #tpu.memory_space<vmem_shared>>)
        tpu.yield
      }) : () -> ()
    } else {
    }
    %barrier3A = arith.constant 0 : index
    tpu.barrier barrier_id(%barrier3A)
    %gt3A = arith.constant 0 : i32
    %gt3A_14 = arith.cmpi sgt, %add3A_4, %gt3A : i32
    %convert_element_type3A_15 = arith.extui %gt3A_14 : i1 to i32
    %cond3A_16 = arith.constant 0 : i32
    %cond3A_17 = arith.cmpi ne, %convert_element_type3A_15, %cond3A_16 : i32
    scf.if %cond3A_17 {
      %mul3A_47 = arith.constant 8 : i32
      %mul3A_48 = arith.muli %add3A, %mul3A_47 : i32
      %dma_start3A = arith.constant 0 : i32
      %dma_start3A_49 = arith.constant 0 : i32
      %dma_start3A_50 = arith.constant 0 : i32
      %dma_start3A_51 = tpu.memref_slice %arg9[%dma_start3A, %dma_start3A_49, %dma_start3A_50] : memref<2x8x128xi32, #tpu.memory_space<vmem>> -> memref<1x8x128xi32, #tpu.memory_space<vmem>>
      %dma_start3A_52 = tpu.memref_squeeze %dma_start3A_51 : memref<1x8x128xi32, #tpu.memory_space<vmem>> -> memref<8x128xi32, #tpu.memory_space<vmem>>
      %dma_start3A_53 = arith.constant 0 : i32
      %dma_start3A_54 = tpu.memref_slice %arg3[%mul3A_48, %dma_start3A_53] : memref<2500x128xi32, #tpu.memory_space<hbm>> -> memref<8x128xi32, #tpu.memory_space<hbm>>
      %dma_start3A_55 = arith.constant 0 : i32
      %dma_start3A_56 = arith.constant 0 : i32
      %dma_start3A_57 = tpu.memref_slice %arg9[%dma_start3A, %dma_start3A_55, %dma_start3A_56] : memref<2x8x128xi32, #tpu.memory_space<vmem>> -> memref<1x8x128xi32, #tpu.memory_space<vmem>>
      %dma_start3A_58 = tpu.memref_squeeze %dma_start3A_57 : memref<1x8x128xi32, #tpu.memory_space<vmem>> -> memref<8x128xi32, #tpu.memory_space<vmem>>
      %dma_start3A_59 = arith.constant 0 : i32
      %dma_start3A_60 = tpu.memref_slice %arg3[%mul3A_48, %dma_start3A_59] : memref<2500x128xi32, #tpu.memory_space<hbm>> -> memref<8x128xi32, #tpu.memory_space<hbm>>
      tpu.enqueue_dma source(%dma_start3A_60 : memref<8x128xi32, #tpu.memory_space<hbm>>) target(%dma_start3A_58 : memref<8x128xi32, #tpu.memory_space<vmem>>) target_semaphore(%arg15 : memref<!tpu.dma_semaphore, #tpu.memory_space<semaphore_mem>>)
      %mul3A_61 = arith.constant 8 : i32
      %mul3A_62 = arith.muli %add3A, %mul3A_61 : i32
      %dma_start3A_63 = arith.constant 0 : i32
      %dma_start3A_64 = arith.constant 0 : i32
      %dma_start3A_65 = arith.constant 0 : i32
      %dma_start3A_66 = tpu.memref_slice %arg10[%dma_start3A_63, %dma_start3A_64, %dma_start3A_65] : memref<2x8x128xi32, #tpu.memory_space<vmem>> -> memref<1x8x128xi32, #tpu.memory_space<vmem>>
      %dma_start3A_67 = tpu.memref_squeeze %dma_start3A_66 : memref<1x8x128xi32, #tpu.memory_space<vmem>> -> memref<8x128xi32, #tpu.memory_space<vmem>>
      %dma_start3A_68 = arith.constant 0 : i32
      %dma_start3A_69 = tpu.memref_slice %arg4[%mul3A_62, %dma_start3A_68] : memref<2500x128xi32, #tpu.memory_space<hbm>> -> memref<8x128xi32, #tpu.memory_space<hbm>>
      %dma_start3A_70 = arith.constant 0 : i32
      %dma_start3A_71 = arith.constant 0 : i32
      %dma_start3A_72 = tpu.memref_slice %arg10[%dma_start3A_63, %dma_start3A_70, %dma_start3A_71] : memref<2x8x128xi32, #tpu.memory_space<vmem>> -> memref<1x8x128xi32, #tpu.memory_space<vmem>>
      %dma_start3A_73 = tpu.memref_squeeze %dma_start3A_72 : memref<1x8x128xi32, #tpu.memory_space<vmem>> -> memref<8x128xi32, #tpu.memory_space<vmem>>
      %dma_start3A_74 = arith.constant 0 : i32
      %dma_start3A_75 = tpu.memref_slice %arg4[%mul3A_62, %dma_start3A_74] : memref<2500x128xi32, #tpu.memory_space<hbm>> -> memref<8x128xi32, #tpu.memory_space<hbm>>
      tpu.enqueue_dma source(%dma_start3A_75 : memref<8x128xi32, #tpu.memory_space<hbm>>) target(%dma_start3A_73 : memref<8x128xi32, #tpu.memory_space<vmem>>) target_semaphore(%arg15 : memref<!tpu.dma_semaphore, #tpu.memory_space<semaphore_mem>>)
      %dma_wait3A_76 = arith.constant 0 : i32
      %dma_wait3A_77 = arith.constant 0 : i32
      %dma_wait3A_78 = arith.constant 0 : i32
      %dma_wait3A_79 = tpu.memref_slice %arg9[%dma_wait3A_76, %dma_wait3A_77, %dma_wait3A_78] : memref<2x8x128xi32, #tpu.memory_space<vmem>> -> memref<1x8x128xi32, #tpu.memory_space<vmem>>
      %dma_wait3A_80 = tpu.memref_squeeze %dma_wait3A_79 : memref<1x8x128xi32, #tpu.memory_space<vmem>> -> memref<8x128xi32, #tpu.memory_space<vmem>>
      %dma_wait3A_81 = arith.constant 0 : i32
      %dma_wait3A_82 = arith.constant 0 : i32
      %dma_wait3A_83 = tpu.memref_slice %arg3[%dma_wait3A_81, %dma_wait3A_82] : memref<2500x128xi32, #tpu.memory_space<hbm>> -> memref<8x128xi32, #tpu.memory_space<hbm>>
      %dma_wait3A_84 = arith.constant 0 : i32
      %dma_wait3A_85 = arith.constant 0 : i32
      %dma_wait3A_86 = tpu.memref_slice %arg9[%dma_wait3A_76, %dma_wait3A_84, %dma_wait3A_85] : memref<2x8x128xi32, #tpu.memory_space<vmem>> -> memref<1x8x128xi32, #tpu.memory_space<vmem>>
      %dma_wait3A_87 = tpu.memref_squeeze %dma_wait3A_86 : memref<1x8x128xi32, #tpu.memory_space<vmem>> -> memref<8x128xi32, #tpu.memory_space<vmem>>
      %dma_wait3A_88 = arith.constant 0 : i32
      %dma_wait3A_89 = arith.constant 0 : i32
      %dma_wait3A_90 = tpu.memref_slice %arg3[%dma_wait3A_88, %dma_wait3A_89] : memref<2500x128xi32, #tpu.memory_space<hbm>> -> memref<8x128xi32, #tpu.memory_space<hbm>>
      tpu.wait_dma2 semaphore(%arg15 : memref<!tpu.dma_semaphore, #tpu.memory_space<semaphore_mem>>) src(%dma_wait3A_90 : memref<8x128xi32, #tpu.memory_space<hbm>>) dst(%dma_wait3A_87 : memref<8x128xi32, #tpu.memory_space<vmem>>)
      %dma_wait3A_91 = arith.constant 0 : i32
      %dma_wait3A_92 = arith.constant 0 : i32
      %dma_wait3A_93 = arith.constant 0 : i32
      %dma_wait3A_94 = tpu.memref_slice %arg10[%dma_wait3A_91, %dma_wait3A_92, %dma_wait3A_93] : memref<2x8x128xi32, #tpu.memory_space<vmem>> -> memref<1x8x128xi32, #tpu.memory_space<vmem>>
      %dma_wait3A_95 = tpu.memref_squeeze %dma_wait3A_94 : memref<1x8x128xi32, #tpu.memory_space<vmem>> -> memref<8x128xi32, #tpu.memory_space<vmem>>
      %dma_wait3A_96 = arith.constant 0 : i32
      %dma_wait3A_97 = arith.constant 0 : i32
      %dma_wait3A_98 = tpu.memref_slice %arg4[%dma_wait3A_96, %dma_wait3A_97] : memref<2500x128xi32, #tpu.memory_space<hbm>> -> memref<8x128xi32, #tpu.memory_space<hbm>>
      %dma_wait3A_99 = arith.constant 0 : i32
      %dma_wait3A_100 = arith.constant 0 : i32
      %dma_wait3A_101 = tpu.memref_slice %arg10[%dma_wait3A_91, %dma_wait3A_99, %dma_wait3A_100] : memref<2x8x128xi32, #tpu.memory_space<vmem>> -> memref<1x8x128xi32, #tpu.memory_space<vmem>>
      %dma_wait3A_102 = tpu.memref_squeeze %dma_wait3A_101 : memref<1x8x128xi32, #tpu.memory_space<vmem>> -> memref<8x128xi32, #tpu.memory_space<vmem>>
      %dma_wait3A_103 = arith.constant 0 : i32
      %dma_wait3A_104 = arith.constant 0 : i32
      %dma_wait3A_105 = tpu.memref_slice %arg4[%dma_wait3A_103, %dma_wait3A_104] : memref<2500x128xi32, #tpu.memory_space<hbm>> -> memref<8x128xi32, #tpu.memory_space<hbm>>
      tpu.wait_dma2 semaphore(%arg15 : memref<!tpu.dma_semaphore, #tpu.memory_space<semaphore_mem>>) src(%dma_wait3A_105 : memref<8x128xi32, #tpu.memory_space<hbm>>) dst(%dma_wait3A_102 : memref<8x128xi32, #tpu.memory_space<vmem>>)
      %dma_start3A_106 = arith.constant 0 : i32
      %dma_start3A_107 = arith.constant 0 : i32
      %dma_start3A_108 = arith.constant 0 : i32
      %dma_start3A_109 = arith.constant 0 : i32
      %dma_start3A_110 = arith.constant 0 : i32
      %dma_start3A_111 = tpu.memref_slice %arg11[%dma_start3A_108, %dma_start3A_109, %dma_start3A_110] : memref<2x128x128xf32, #tpu.memory_space<vmem>> -> memref<1x128x128xf32, #tpu.memory_space<vmem>>
      %dma_start3A_112 = tpu.memref_squeeze %dma_start3A_111 : memref<1x128x128xf32, #tpu.memory_space<vmem>> -> memref<128x128xf32, #tpu.memory_space<vmem>>
      %dma_start3A_113 = arith.constant 0 : i32
      %dma_start3A_114 = tpu.memref_slice %arg9[%dma_start3A_106, %dma_start3A_107, %dma_start3A_113] : memref<2x8x128xi32, #tpu.memory_space<vmem>> -> memref<1x1x128xi32, #tpu.memory_space<vmem>>
      %dma_start3A_115 = tpu.memref_squeeze %dma_start3A_114 : memref<1x1x128xi32, #tpu.memory_space<vmem>> -> memref<128xi32, #tpu.memory_space<vmem>>
      %dma_start3A_116 = arith.constant 0 : i32
      %dma_start3A_117 = arith.constant 0 : i32
      %dma_start3A_118 = tpu.memref_slice %arg2[%dma_start3A_116, %dma_start3A_117] : memref<10000x128xf32, #tpu.memory_space<hbm>> -> memref<10000x128xf32, #tpu.memory_space<hbm>>
      tpu.enqueue_indirect_dma source(%dma_start3A_118 : memref<10000x128xf32, #tpu.memory_space<hbm>>) target(%dma_start3A_112 : memref<128x128xf32, #tpu.memory_space<vmem>>) offsets(%dma_start3A_115 : memref<128xi32, #tpu.memory_space<vmem>>) semaphore(%arg16 : memref<!tpu.dma_semaphore, #tpu.memory_space<semaphore_mem>>)
    } else {
    }
    %while3A = arith.constant 0 : i32
    %while3A_18 = arith.constant 0 : i32
    %while3A_19 = arith.subi %add3A_4, %while3A : i32
    %while3A_20 = arith.addi %while3A, %while3A_19 : i32
    %while3A_21 = arith.constant 1 : i32
    %while3A_22 = arith.divsi %while3A_19, %while3A_21 : i32
    %while3A_23 = arith.muli %while3A_22, %while3A_21 : i32
    %while3A_24 = arith.addi %while3A, %while3A_23 : i32
    %while3A_25 = arith.constant 1 : i32
    %while3A_26 = scf.for %while3A_47 = %while3A to %while3A_24 step %while3A_25 iter_args(%while3A_48 = %while3A_18) -> (i32)  : i32 {
      %rem3A = arith.constant 2 : i32
      %rem3A_49 = arith.remsi %while3A_47, %rem3A : i32
      %add3A_50 = arith.constant 1 : i32
      %add3A_51 = arith.addi %while3A_47, %add3A_50 : i32
      %lt3A_52 = arith.cmpi slt, %add3A_51, %add3A_4 : i32
      %convert_element_type3A_53 = arith.extui %lt3A_52 : i1 to i32
      %cond3A_54 = arith.constant 0 : i32
      %cond3A_55 = arith.cmpi ne, %convert_element_type3A_53, %cond3A_54 : i32
      scf.if %cond3A_55 {
        %add3A_427 = arith.constant 1 : i32
        %add3A_428 = arith.addi %while3A_47, %add3A_427 : i32
        %mul3A_429 = arith.constant 32 : i32
        %mul3A_430 = arith.muli %add3A_428, %mul3A_429 : i32
        %add3A_431 = arith.addi %add3A, %mul3A_430 : i32
        %mul3A_432 = arith.constant 8 : i32
        %mul3A_433 = arith.muli %add3A_431, %mul3A_432 : i32
        %sub3A = arith.constant 1 : i32
        %sub3A_434 = arith.subi %sub3A, %rem3A_49 : i32
        %dma_start3A_435 = arith.constant 0 : i32
        %dma_start3A_436 = arith.constant 0 : i32
        %dma_start3A_437 = tpu.memref_slice %arg9[%sub3A_434, %dma_start3A_435, %dma_start3A_436] : memref<2x8x128xi32, #tpu.memory_space<vmem>> -> memref<1x8x128xi32, #tpu.memory_space<vmem>>
        %dma_start3A_438 = tpu.memref_squeeze %dma_start3A_437 : memref<1x8x128xi32, #tpu.memory_space<vmem>> -> memref<8x128xi32, #tpu.memory_space<vmem>>
        %dma_start3A_439 = arith.constant 0 : i32
        %dma_start3A_440 = tpu.memref_slice %arg3[%mul3A_433, %dma_start3A_439] : memref<2500x128xi32, #tpu.memory_space<hbm>> -> memref<8x128xi32, #tpu.memory_space<hbm>>
        %dma_start3A_441 = arith.constant 0 : i32
        %dma_start3A_442 = arith.constant 0 : i32
        %dma_start3A_443 = tpu.memref_slice %arg9[%sub3A_434, %dma_start3A_441, %dma_start3A_442] : memref<2x8x128xi32, #tpu.memory_space<vmem>> -> memref<1x8x128xi32, #tpu.memory_space<vmem>>
        %dma_start3A_444 = tpu.memref_squeeze %dma_start3A_443 : memref<1x8x128xi32, #tpu.memory_space<vmem>> -> memref<8x128xi32, #tpu.memory_space<vmem>>
        %dma_start3A_445 = arith.constant 0 : i32
        %dma_start3A_446 = tpu.memref_slice %arg3[%mul3A_433, %dma_start3A_445] : memref<2500x128xi32, #tpu.memory_space<hbm>> -> memref<8x128xi32, #tpu.memory_space<hbm>>
        tpu.enqueue_dma source(%dma_start3A_446 : memref<8x128xi32, #tpu.memory_space<hbm>>) target(%dma_start3A_444 : memref<8x128xi32, #tpu.memory_space<vmem>>) target_semaphore(%arg15 : memref<!tpu.dma_semaphore, #tpu.memory_space<semaphore_mem>>)
        %sub3A_447 = arith.constant 1 : i32
        %sub3A_448 = arith.subi %sub3A_447, %rem3A_49 : i32
        %dma_start3A_449 = arith.constant 0 : i32
        %dma_start3A_450 = arith.constant 0 : i32
        %dma_start3A_451 = tpu.memref_slice %arg10[%sub3A_448, %dma_start3A_449, %dma_start3A_450] : memref<2x8x128xi32, #tpu.memory_space<vmem>> -> memref<1x8x128xi32, #tpu.memory_space<vmem>>
        %dma_start3A_452 = tpu.memref_squeeze %dma_start3A_451 : memref<1x8x128xi32, #tpu.memory_space<vmem>> -> memref<8x128xi32, #tpu.memory_space<vmem>>
        %dma_start3A_453 = arith.constant 0 : i32
        %dma_start3A_454 = tpu.memref_slice %arg4[%mul3A_433, %dma_start3A_453] : memref<2500x128xi32, #tpu.memory_space<hbm>> -> memref<8x128xi32, #tpu.memory_space<hbm>>
        %dma_start3A_455 = arith.constant 0 : i32
        %dma_start3A_456 = arith.constant 0 : i32
        %dma_start3A_457 = tpu.memref_slice %arg10[%sub3A_448, %dma_start3A_455, %dma_start3A_456] : memref<2x8x128xi32, #tpu.memory_space<vmem>> -> memref<1x8x128xi32, #tpu.memory_space<vmem>>
        %dma_start3A_458 = tpu.memref_squeeze %dma_start3A_457 : memref<1x8x128xi32, #tpu.memory_space<vmem>> -> memref<8x128xi32, #tpu.memory_space<vmem>>
        %dma_start3A_459 = arith.constant 0 : i32
        %dma_start3A_460 = tpu.memref_slice %arg4[%mul3A_433, %dma_start3A_459] : memref<2500x128xi32, #tpu.memory_space<hbm>> -> memref<8x128xi32, #tpu.memory_space<hbm>>
        tpu.enqueue_dma source(%dma_start3A_460 : memref<8x128xi32, #tpu.memory_space<hbm>>) target(%dma_start3A_458 : memref<8x128xi32, #tpu.memory_space<vmem>>) target_semaphore(%arg15 : memref<!tpu.dma_semaphore, #tpu.memory_space<semaphore_mem>>)
      } else {
      }
      %gt3A_56 = arith.constant 0 : i32
      %gt3A_57 = arith.cmpi sgt, %while3A_47, %gt3A_56 : i32
      %convert_element_type3A_58 = arith.extui %gt3A_57 : i1 to i32
      %cond3A_59 = arith.constant 0 : i32
      %cond3A_60 = arith.cmpi ne, %convert_element_type3A_58, %cond3A_59 : i32
      scf.if %cond3A_60 {
        %dma_wait3A_427 = arith.constant 1 : i32
        %dma_wait3A_428 = arith.constant 0 : i32
        %dma_wait3A_429 = arith.constant 0 : i32
        %dma_wait3A_430 = arith.constant 0 : i32
        %dma_wait3A_431 = tpu.memref_slice %arg11[%dma_wait3A_427, %dma_wait3A_429, %dma_wait3A_430] : memref<2x128x128xf32, #tpu.memory_space<vmem>> -> memref<1x128x128xf32, #tpu.memory_space<vmem>>
        %dma_wait3A_432 = tpu.memref_squeeze %dma_wait3A_431 : memref<1x128x128xf32, #tpu.memory_space<vmem>> -> memref<128x128xf32, #tpu.memory_space<vmem>>
        %dma_wait3A_433 = arith.constant 0 : i32
        %dma_wait3A_434 = tpu.memref_slice %arg10[%rem3A_49, %dma_wait3A_428, %dma_wait3A_433] : memref<2x8x128xi32, #tpu.memory_space<vmem>> -> memref<1x1x128xi32, #tpu.memory_space<vmem>>
        %dma_wait3A_435 = tpu.memref_squeeze %dma_wait3A_434 : memref<1x1x128xi32, #tpu.memory_space<vmem>> -> memref<128xi32, #tpu.memory_space<vmem>>
        %dma_wait3A_436 = arith.constant 0 : i32
        %dma_wait3A_437 = arith.constant 0 : i32
        %dma_wait3A_438 = tpu.memref_slice %arg14[%dma_wait3A_436, %dma_wait3A_437] : memref<10000x128xf32, #tpu.memory_space<vmem_shared>> -> memref<10000x128xf32, #tpu.memory_space<vmem_shared>>
        tpu.wait_indirect_dma semaphore(%arg19 : memref<!tpu.dma_semaphore, #tpu.memory_space<semaphore_mem>>) src(%dma_wait3A_432 : memref<128x128xf32, #tpu.memory_space<vmem>>) dst(%dma_wait3A_438 : memref<10000x128xf32, #tpu.memory_space<vmem_shared>>)
      } else {
      }
      %dma_start3A = arith.constant 1 : i32
      %dma_start3A_61 = arith.constant 1 : i32
      %dma_start3A_62 = arith.constant 0 : i32
      %dma_start3A_63 = arith.constant 0 : i32
      %dma_start3A_64 = tpu.memref_slice %arg11[%dma_start3A_61, %dma_start3A_62, %dma_start3A_63] : memref<2x128x128xf32, #tpu.memory_space<vmem>> -> memref<1x128x128xf32, #tpu.memory_space<vmem>>
      %dma_start3A_65 = tpu.memref_squeeze %dma_start3A_64 : memref<1x128x128xf32, #tpu.memory_space<vmem>> -> memref<128x128xf32, #tpu.memory_space<vmem>>
      %dma_start3A_66 = arith.constant 0 : i32
      %dma_start3A_67 = tpu.memref_slice %arg9[%rem3A_49, %dma_start3A, %dma_start3A_66] : memref<2x8x128xi32, #tpu.memory_space<vmem>> -> memref<1x1x128xi32, #tpu.memory_space<vmem>>
      %dma_start3A_68 = tpu.memref_squeeze %dma_start3A_67 : memref<1x1x128xi32, #tpu.memory_space<vmem>> -> memref<128xi32, #tpu.memory_space<vmem>>
      %dma_start3A_69 = arith.constant 0 : i32
      %dma_start3A_70 = arith.constant 0 : i32
      %dma_start3A_71 = tpu.memref_slice %arg2[%dma_start3A_69, %dma_start3A_70] : memref<10000x128xf32, #tpu.memory_space<hbm>> -> memref<10000x128xf32, #tpu.memory_space<hbm>>
      tpu.enqueue_indirect_dma source(%dma_start3A_71 : memref<10000x128xf32, #tpu.memory_space<hbm>>) target(%dma_start3A_65 : memref<128x128xf32, #tpu.memory_space<vmem>>) offsets(%dma_start3A_68 : memref<128xi32, #tpu.memory_space<vmem>>) semaphore(%arg17 : memref<!tpu.dma_semaphore, #tpu.memory_space<semaphore_mem>>)
      %dma_wait3A_72 = arith.constant 0 : i32
      %dma_wait3A_73 = arith.constant 0 : i32
      %dma_wait3A_74 = arith.constant 0 : i32
      %dma_wait3A_75 = arith.constant 0 : i32
      %dma_wait3A_76 = tpu.memref_slice %arg11[%dma_wait3A_73, %dma_wait3A_74, %dma_wait3A_75] : memref<2x128x128xf32, #tpu.memory_space<vmem>> -> memref<1x128x128xf32, #tpu.memory_space<vmem>>
      %dma_wait3A_77 = tpu.memref_squeeze %dma_wait3A_76 : memref<1x128x128xf32, #tpu.memory_space<vmem>> -> memref<128x128xf32, #tpu.memory_space<vmem>>
      %dma_wait3A_78 = arith.constant 0 : i32
      %dma_wait3A_79 = tpu.memref_slice %arg9[%rem3A_49, %dma_wait3A_72, %dma_wait3A_78] : memref<2x8x128xi32, #tpu.memory_space<vmem>> -> memref<1x1x128xi32, #tpu.memory_space<vmem>>
      %dma_wait3A_80 = tpu.memref_squeeze %dma_wait3A_79 : memref<1x1x128xi32, #tpu.memory_space<vmem>> -> memref<128xi32, #tpu.memory_space<vmem>>
      %dma_wait3A_81 = arith.constant 0 : i32
      %dma_wait3A_82 = arith.constant 0 : i32
      %dma_wait3A_83 = tpu.memref_slice %arg2[%dma_wait3A_81, %dma_wait3A_82] : memref<10000x128xf32, #tpu.memory_space<hbm>> -> memref<10000x128xf32, #tpu.memory_space<hbm>>
      tpu.wait_indirect_dma semaphore(%arg16 : memref<!tpu.dma_semaphore, #tpu.memory_space<semaphore_mem>>) src(%dma_wait3A_83 : memref<10000x128xf32, #tpu.memory_space<hbm>>) dst(%dma_wait3A_77 : memref<128x128xf32, #tpu.memory_space<vmem>>)
      %dma_start3A_84 = arith.constant 0 : i32
      %dma_start3A_85 = arith.constant 0 : i32
      %dma_start3A_86 = arith.constant 0 : i32
      %dma_start3A_87 = arith.constant 0 : i32
      %dma_start3A_88 = tpu.memref_slice %arg11[%dma_start3A_84, %dma_start3A_86, %dma_start3A_87] : memref<2x128x128xf32, #tpu.memory_space<vmem>> -> memref<1x128x128xf32, #tpu.memory_space<vmem>>
      %dma_start3A_89 = tpu.memref_squeeze %dma_start3A_88 : memref<1x128x128xf32, #tpu.memory_space<vmem>> -> memref<128x128xf32, #tpu.memory_space<vmem>>
      %dma_start3A_90 = arith.constant 0 : i32
      %dma_start3A_91 = tpu.memref_slice %arg10[%rem3A_49, %dma_start3A_85, %dma_start3A_90] : memref<2x8x128xi32, #tpu.memory_space<vmem>> -> memref<1x1x128xi32, #tpu.memory_space<vmem>>
      %dma_start3A_92 = tpu.memref_squeeze %dma_start3A_91 : memref<1x1x128xi32, #tpu.memory_space<vmem>> -> memref<128xi32, #tpu.memory_space<vmem>>
      %dma_start3A_93 = arith.constant 0 : i32
      %dma_start3A_94 = arith.constant 0 : i32
      %dma_start3A_95 = tpu.memref_slice %arg14[%dma_start3A_93, %dma_start3A_94] : memref<10000x128xf32, #tpu.memory_space<vmem_shared>> -> memref<10000x128xf32, #tpu.memory_space<vmem_shared>>
      tpu.enqueue_indirect_dma source(%dma_start3A_89 : memref<128x128xf32, #tpu.memory_space<vmem>>) target(%dma_start3A_95 : memref<10000x128xf32, #tpu.memory_space<vmem_shared>>) offsets(%dma_start3A_92 : memref<128xi32, #tpu.memory_space<vmem>>) semaphore(%arg18 : memref<!tpu.dma_semaphore, #tpu.memory_space<semaphore_mem>>) {add = true}
      %dma_wait3A_96 = arith.constant 0 : i32
      %dma_wait3A_97 = arith.constant 0 : i32
      %dma_wait3A_98 = arith.constant 0 : i32
      %dma_wait3A_99 = arith.constant 0 : i32
      %dma_wait3A_100 = tpu.memref_slice %arg11[%dma_wait3A_96, %dma_wait3A_98, %dma_wait3A_99] : memref<2x128x128xf32, #tpu.memory_space<vmem>> -> memref<1x128x128xf32, #tpu.memory_space<vmem>>
      %dma_wait3A_101 = tpu.memref_squeeze %dma_wait3A_100 : memref<1x128x128xf32, #tpu.memory_space<vmem>> -> memref<128x128xf32, #tpu.memory_space<vmem>>
      %dma_wait3A_102 = arith.constant 0 : i32
      %dma_wait3A_103 = tpu.memref_slice %arg10[%rem3A_49, %dma_wait3A_97, %dma_wait3A_102] : memref<2x8x128xi32, #tpu.memory_space<vmem>> -> memref<1x1x128xi32, #tpu.memory_space<vmem>>
      %dma_wait3A_104 = tpu.memref_squeeze %dma_wait3A_103 : memref<1x1x128xi32, #tpu.memory_space<vmem>> -> memref<128xi32, #tpu.memory_space<vmem>>
      %dma_wait3A_105 = arith.constant 0 : i32
      %dma_wait3A_106 = arith.constant 0 : i32
      %dma_wait3A_107 = tpu.memref_slice %arg14[%dma_wait3A_105, %dma_wait3A_106] : memref<10000x128xf32, #tpu.memory_space<vmem_shared>> -> memref<10000x128xf32, #tpu.memory_space<vmem_shared>>
      tpu.wait_indirect_dma semaphore(%arg18 : memref<!tpu.dma_semaphore, #tpu.memory_space<semaphore_mem>>) src(%dma_wait3A_101 : memref<128x128xf32, #tpu.memory_space<vmem>>) dst(%dma_wait3A_107 : memref<10000x128xf32, #tpu.memory_space<vmem_shared>>)
      %dma_start3A_108 = arith.constant 2 : i32
      %dma_start3A_109 = arith.constant 0 : i32
      %dma_start3A_110 = arith.constant 0 : i32
      %dma_start3A_111 = arith.constant 0 : i32
      %dma_start3A_112 = tpu.memref_slice %arg11[%dma_start3A_109, %dma_start3A_110, %dma_start3A_111] : memref<2x128x128xf32, #tpu.memory_space<vmem>> -> memref<1x128x128xf32, #tpu.memory_space<vmem>>
      %dma_start3A_113 = tpu.memref_squeeze %dma_start3A_112 : memref<1x128x128xf32, #tpu.memory_space<vmem>> -> memref<128x128xf32, #tpu.memory_space<vmem>>
      %dma_start3A_114 = arith.constant 0 : i32
      %dma_start3A_115 = tpu.memref_slice %arg9[%rem3A_49, %dma_start3A_108, %dma_start3A_114] : memref<2x8x128xi32, #tpu.memory_space<vmem>> -> memref<1x1x128xi32, #tpu.memory_space<vmem>>
      %dma_start3A_116 = tpu.memref_squeeze %dma_start3A_115 : memref<1x1x128xi32, #tpu.memory_space<vmem>> -> memref<128xi32, #tpu.memory_space<vmem>>
      %dma_start3A_117 = arith.constant 0 : i32
      %dma_start3A_118 = arith.constant 0 : i32
      %dma_start3A_119 = tpu.memref_slice %arg2[%dma_start3A_117, %dma_start3A_118] : memref<10000x128xf32, #tpu.memory_space<hbm>> -> memref<10000x128xf32, #tpu.memory_space<hbm>>
      tpu.enqueue_indirect_dma source(%dma_start3A_119 : memref<10000x128xf32, #tpu.memory_space<hbm>>) target(%dma_start3A_113 : memref<128x128xf32, #tpu.memory_space<vmem>>) offsets(%dma_start3A_116 : memref<128xi32, #tpu.memory_space<vmem>>) semaphore(%arg16 : memref<!tpu.dma_semaphore, #tpu.memory_space<semaphore_mem>>)
      %dma_wait3A_120 = arith.constant 1 : i32
      %dma_wait3A_121 = arith.constant 1 : i32
      %dma_wait3A_122 = arith.constant 0 : i32
      %dma_wait3A_123 = arith.constant 0 : i32
      %dma_wait3A_124 = tpu.memref_slice %arg11[%dma_wait3A_121, %dma_wait3A_122, %dma_wait3A_123] : memref<2x128x128xf32, #tpu.memory_space<vmem>> -> memref<1x128x128xf32, #tpu.memory_space<vmem>>
      %dma_wait3A_125 = tpu.memref_squeeze %dma_wait3A_124 : memref<1x128x128xf32, #tpu.memory_space<vmem>> -> memref<128x128xf32, #tpu.memory_space<vmem>>
      %dma_wait3A_126 = arith.constant 0 : i32
      %dma_wait3A_127 = tpu.memref_slice %arg9[%rem3A_49, %dma_wait3A_120, %dma_wait3A_126] : memref<2x8x128xi32, #tpu.memory_space<vmem>> -> memref<1x1x128xi32, #tpu.memory_space<vmem>>
      %dma_wait3A_128 = tpu.memref_squeeze %dma_wait3A_127 : memref<1x1x128xi32, #tpu.memory_space<vmem>> -> memref<128xi32, #tpu.memory_space<vmem>>
      %dma_wait3A_129 = arith.constant 0 : i32
      %dma_wait3A_130 = arith.constant 0 : i32
      %dma_wait3A_131 = tpu.memref_slice %arg2[%dma_wait3A_129, %dma_wait3A_130] : memref<10000x128xf32, #tpu.memory_space<hbm>> -> memref<10000x128xf32, #tpu.memory_space<hbm>>
      tpu.wait_indirect_dma semaphore(%arg17 : memref<!tpu.dma_semaphore, #tpu.memory_space<semaphore_mem>>) src(%dma_wait3A_131 : memref<10000x128xf32, #tpu.memory_space<hbm>>) dst(%dma_wait3A_125 : memref<128x128xf32, #tpu.memory_space<vmem>>)
      %dma_start3A_132 = arith.constant 1 : i32
      %dma_start3A_133 = arith.constant 1 : i32
      %dma_start3A_134 = arith.constant 0 : i32
      %dma_start3A_135 = arith.constant 0 : i32
      %dma_start3A_136 = tpu.memref_slice %arg11[%dma_start3A_132, %dma_start3A_134, %dma_start3A_135] : memref<2x128x128xf32, #tpu.memory_space<vmem>> -> memref<1x128x128xf32, #tpu.memory_space<vmem>>
      %dma_start3A_137 = tpu.memref_squeeze %dma_start3A_136 : memref<1x128x128xf32, #tpu.memory_space<vmem>> -> memref<128x128xf32, #tpu.memory_space<vmem>>
      %dma_start3A_138 = arith.constant 0 : i32
      %dma_start3A_139 = tpu.memref_slice %arg10[%rem3A_49, %dma_start3A_133, %dma_start3A_138] : memref<2x8x128xi32, #tpu.memory_space<vmem>> -> memref<1x1x128xi32, #tpu.memory_space<vmem>>
      %dma_start3A_140 = tpu.memref_squeeze %dma_start3A_139 : memref<1x1x128xi32, #tpu.memory_space<vmem>> -> memref<128xi32, #tpu.memory_space<vmem>>
      %dma_start3A_141 = arith.constant 0 : i32
      %dma_start3A_142 = arith.constant 0 : i32
      %dma_start3A_143 = tpu.memref_slice %arg14[%dma_start3A_141, %dma_start3A_142] : memref<10000x128xf32, #tpu.memory_space<vmem_shared>> -> memref<10000x128xf32, #tpu.memory_space<vmem_shared>>
      tpu.enqueue_indirect_dma source(%dma_start3A_137 : memref<128x128xf32, #tpu.memory_space<vmem>>) target(%dma_start3A_143 : memref<10000x128xf32, #tpu.memory_space<vmem_shared>>) offsets(%dma_start3A_140 : memref<128xi32, #tpu.memory_space<vmem>>) semaphore(%arg19 : memref<!tpu.dma_semaphore, #tpu.memory_space<semaphore_mem>>) {add = true}
      %dma_wait3A_144 = arith.constant 1 : i32
      %dma_wait3A_145 = arith.constant 1 : i32
      %dma_wait3A_146 = arith.constant 0 : i32
      %dma_wait3A_147 = arith.constant 0 : i32
      %dma_wait3A_148 = tpu.memref_slice %arg11[%dma_wait3A_144, %dma_wait3A_146, %dma_wait3A_147] : memref<2x128x128xf32, #tpu.memory_space<vmem>> -> memref<1x128x128xf32, #tpu.memory_space<vmem>>
      %dma_wait3A_149 = tpu.memref_squeeze %dma_wait3A_148 : memref<1x128x128xf32, #tpu.memory_space<vmem>> -> memref<128x128xf32, #tpu.memory_space<vmem>>
      %dma_wait3A_150 = arith.constant 0 : i32
      %dma_wait3A_151 = tpu.memref_slice %arg10[%rem3A_49, %dma_wait3A_145, %dma_wait3A_150] : memref<2x8x128xi32, #tpu.memory_space<vmem>> -> memref<1x1x128xi32, #tpu.memory_space<vmem>>
      %dma_wait3A_152 = tpu.memref_squeeze %dma_wait3A_151 : memref<1x1x128xi32, #tpu.memory_space<vmem>> -> memref<128xi32, #tpu.memory_space<vmem>>
      %dma_wait3A_153 = arith.constant 0 : i32
      %dma_wait3A_154 = arith.constant 0 : i32
      %dma_wait3A_155 = tpu.memref_slice %arg14[%dma_wait3A_153, %dma_wait3A_154] : memref<10000x128xf32, #tpu.memory_space<vmem_shared>> -> memref<10000x128xf32, #tpu.memory_space<vmem_shared>>
      tpu.wait_indirect_dma semaphore(%arg19 : memref<!tpu.dma_semaphore, #tpu.memory_space<semaphore_mem>>) src(%dma_wait3A_149 : memref<128x128xf32, #tpu.memory_space<vmem>>) dst(%dma_wait3A_155 : memref<10000x128xf32, #tpu.memory_space<vmem_shared>>)
      %dma_start3A_156 = arith.constant 3 : i32
      %dma_start3A_157 = arith.constant 1 : i32
      %dma_start3A_158 = arith.constant 0 : i32
      %dma_start3A_159 = arith.constant 0 : i32
      %dma_start3A_160 = tpu.memref_slice %arg11[%dma_start3A_157, %dma_start3A_158, %dma_start3A_159] : memref<2x128x128xf32, #tpu.memory_space<vmem>> -> memref<1x128x128xf32, #tpu.memory_space<vmem>>
      %dma_start3A_161 = tpu.memref_squeeze %dma_start3A_160 : memref<1x128x128xf32, #tpu.memory_space<vmem>> -> memref<128x128xf32, #tpu.memory_space<vmem>>
      %dma_start3A_162 = arith.constant 0 : i32
      %dma_start3A_163 = tpu.memref_slice %arg9[%rem3A_49, %dma_start3A_156, %dma_start3A_162] : memref<2x8x128xi32, #tpu.memory_space<vmem>> -> memref<1x1x128xi32, #tpu.memory_space<vmem>>
      %dma_start3A_164 = tpu.memref_squeeze %dma_start3A_163 : memref<1x1x128xi32, #tpu.memory_space<vmem>> -> memref<128xi32, #tpu.memory_space<vmem>>
      %dma_start3A_165 = arith.constant 0 : i32
      %dma_start3A_166 = arith.constant 0 : i32
      %dma_start3A_167 = tpu.memref_slice %arg2[%dma_start3A_165, %dma_start3A_166] : memref<10000x128xf32, #tpu.memory_space<hbm>> -> memref<10000x128xf32, #tpu.memory_space<hbm>>
      tpu.enqueue_indirect_dma source(%dma_start3A_167 : memref<10000x128xf32, #tpu.memory_space<hbm>>) target(%dma_start3A_161 : memref<128x128xf32, #tpu.memory_space<vmem>>) offsets(%dma_start3A_164 : memref<128xi32, #tpu.memory_space<vmem>>) semaphore(%arg17 : memref<!tpu.dma_semaphore, #tpu.memory_space<semaphore_mem>>)
      %dma_wait3A_168 = arith.constant 2 : i32
      %dma_wait3A_169 = arith.constant 0 : i32
      %dma_wait3A_170 = arith.constant 0 : i32
      %dma_wait3A_171 = arith.constant 0 : i32
      %dma_wait3A_172 = tpu.memref_slice %arg11[%dma_wait3A_169, %dma_wait3A_170, %dma_wait3A_171] : memref<2x128x128xf32, #tpu.memory_space<vmem>> -> memref<1x128x128xf32, #tpu.memory_space<vmem>>
      %dma_wait3A_173 = tpu.memref_squeeze %dma_wait3A_172 : memref<1x128x128xf32, #tpu.memory_space<vmem>> -> memref<128x128xf32, #tpu.memory_space<vmem>>
      %dma_wait3A_174 = arith.constant 0 : i32
      %dma_wait3A_175 = tpu.memref_slice %arg9[%rem3A_49, %dma_wait3A_168, %dma_wait3A_174] : memref<2x8x128xi32, #tpu.memory_space<vmem>> -> memref<1x1x128xi32, #tpu.memory_space<vmem>>
      %dma_wait3A_176 = tpu.memref_squeeze %dma_wait3A_175 : memref<1x1x128xi32, #tpu.memory_space<vmem>> -> memref<128xi32, #tpu.memory_space<vmem>>
      %dma_wait3A_177 = arith.constant 0 : i32
      %dma_wait3A_178 = arith.constant 0 : i32
      %dma_wait3A_179 = tpu.memref_slice %arg2[%dma_wait3A_177, %dma_wait3A_178] : memref<10000x128xf32, #tpu.memory_space<hbm>> -> memref<10000x128xf32, #tpu.memory_space<hbm>>
      tpu.wait_indirect_dma semaphore(%arg16 : memref<!tpu.dma_semaphore, #tpu.memory_space<semaphore_mem>>) src(%dma_wait3A_179 : memref<10000x128xf32, #tpu.memory_space<hbm>>) dst(%dma_wait3A_173 : memref<128x128xf32, #tpu.memory_space<vmem>>)
      %dma_start3A_180 = arith.constant 0 : i32
      %dma_start3A_181 = arith.constant 2 : i32
      %dma_start3A_182 = arith.constant 0 : i32
      %dma_start3A_183 = arith.constant 0 : i32
      %dma_start3A_184 = tpu.memref_slice %arg11[%dma_start3A_180, %dma_start3A_182, %dma_start3A_183] : memref<2x128x128xf32, #tpu.memory_space<vmem>> -> memref<1x128x128xf32, #tpu.memory_space<vmem>>
      %dma_start3A_185 = tpu.memref_squeeze %dma_start3A_184 : memref<1x128x128xf32, #tpu.memory_space<vmem>> -> memref<128x128xf32, #tpu.memory_space<vmem>>
      %dma_start3A_186 = arith.constant 0 : i32
      %dma_start3A_187 = tpu.memref_slice %arg10[%rem3A_49, %dma_start3A_181, %dma_start3A_186] : memref<2x8x128xi32, #tpu.memory_space<vmem>> -> memref<1x1x128xi32, #tpu.memory_space<vmem>>
      %dma_start3A_188 = tpu.memref_squeeze %dma_start3A_187 : memref<1x1x128xi32, #tpu.memory_space<vmem>> -> memref<128xi32, #tpu.memory_space<vmem>>
      %dma_start3A_189 = arith.constant 0 : i32
      %dma_start3A_190 = arith.constant 0 : i32
      %dma_start3A_191 = tpu.memref_slice %arg14[%dma_start3A_189, %dma_start3A_190] : memref<10000x128xf32, #tpu.memory_space<vmem_shared>> -> memref<10000x128xf32, #tpu.memory_space<vmem_shared>>
      tpu.enqueue_indirect_dma source(%dma_start3A_185 : memref<128x128xf32, #tpu.memory_space<vmem>>) target(%dma_start3A_191 : memref<10000x128xf32, #tpu.memory_space<vmem_shared>>) offsets(%dma_start3A_188 : memref<128xi32, #tpu.memory_space<vmem>>) semaphore(%arg18 : memref<!tpu.dma_semaphore, #tpu.memory_space<semaphore_mem>>) {add = true}
      %dma_wait3A_192 = arith.constant 0 : i32
      %dma_wait3A_193 = arith.constant 2 : i32
      %dma_wait3A_194 = arith.constant 0 : i32
      %dma_wait3A_195 = arith.constant 0 : i32
      %dma_wait3A_196 = tpu.memref_slice %arg11[%dma_wait3A_192, %dma_wait3A_194, %dma_wait3A_195] : memref<2x128x128xf32, #tpu.memory_space<vmem>> -> memref<1x128x128xf32, #tpu.memory_space<vmem>>
      %dma_wait3A_197 = tpu.memref_squeeze %dma_wait3A_196 : memref<1x128x128xf32, #tpu.memory_space<vmem>> -> memref<128x128xf32, #tpu.memory_space<vmem>>
      %dma_wait3A_198 = arith.constant 0 : i32
      %dma_wait3A_199 = tpu.memref_slice %arg10[%rem3A_49, %dma_wait3A_193, %dma_wait3A_198] : memref<2x8x128xi32, #tpu.memory_space<vmem>> -> memref<1x1x128xi32, #tpu.memory_space<vmem>>
      %dma_wait3A_200 = tpu.memref_squeeze %dma_wait3A_199 : memref<1x1x128xi32, #tpu.memory_space<vmem>> -> memref<128xi32, #tpu.memory_space<vmem>>
      %dma_wait3A_201 = arith.constant 0 : i32
      %dma_wait3A_202 = arith.constant 0 : i32
      %dma_wait3A_203 = tpu.memref_slice %arg14[%dma_wait3A_201, %dma_wait3A_202] : memref<10000x128xf32, #tpu.memory_space<vmem_shared>> -> memref<10000x128xf32, #tpu.memory_space<vmem_shared>>
      tpu.wait_indirect_dma semaphore(%arg18 : memref<!tpu.dma_semaphore, #tpu.memory_space<semaphore_mem>>) src(%dma_wait3A_197 : memref<128x128xf32, #tpu.memory_space<vmem>>) dst(%dma_wait3A_203 : memref<10000x128xf32, #tpu.memory_space<vmem_shared>>)
      %dma_start3A_204 = arith.constant 4 : i32
      %dma_start3A_205 = arith.constant 0 : i32
      %dma_start3A_206 = arith.constant 0 : i32
      %dma_start3A_207 = arith.constant 0 : i32
      %dma_start3A_208 = tpu.memref_slice %arg11[%dma_start3A_205, %dma_start3A_206, %dma_start3A_207] : memref<2x128x128xf32, #tpu.memory_space<vmem>> -> memref<1x128x128xf32, #tpu.memory_space<vmem>>
      %dma_start3A_209 = tpu.memref_squeeze %dma_start3A_208 : memref<1x128x128xf32, #tpu.memory_space<vmem>> -> memref<128x128xf32, #tpu.memory_space<vmem>>
      %dma_start3A_210 = arith.constant 0 : i32
      %dma_start3A_211 = tpu.memref_slice %arg9[%rem3A_49, %dma_start3A_204, %dma_start3A_210] : memref<2x8x128xi32, #tpu.memory_space<vmem>> -> memref<1x1x128xi32, #tpu.memory_space<vmem>>
      %dma_start3A_212 = tpu.memref_squeeze %dma_start3A_211 : memref<1x1x128xi32, #tpu.memory_space<vmem>> -> memref<128xi32, #tpu.memory_space<vmem>>
      %dma_start3A_213 = arith.constant 0 : i32
      %dma_start3A_214 = arith.constant 0 : i32
      %dma_start3A_215 = tpu.memref_slice %arg2[%dma_start3A_213, %dma_start3A_214] : memref<10000x128xf32, #tpu.memory_space<hbm>> -> memref<10000x128xf32, #tpu.memory_space<hbm>>
      tpu.enqueue_indirect_dma source(%dma_start3A_215 : memref<10000x128xf32, #tpu.memory_space<hbm>>) target(%dma_start3A_209 : memref<128x128xf32, #tpu.memory_space<vmem>>) offsets(%dma_start3A_212 : memref<128xi32, #tpu.memory_space<vmem>>) semaphore(%arg16 : memref<!tpu.dma_semaphore, #tpu.memory_space<semaphore_mem>>)
      %dma_wait3A_216 = arith.constant 3 : i32
      %dma_wait3A_217 = arith.constant 1 : i32
      %dma_wait3A_218 = arith.constant 0 : i32
      %dma_wait3A_219 = arith.constant 0 : i32
      %dma_wait3A_220 = tpu.memref_slice %arg11[%dma_wait3A_217, %dma_wait3A_218, %dma_wait3A_219] : memref<2x128x128xf32, #tpu.memory_space<vmem>> -> memref<1x128x128xf32, #tpu.memory_space<vmem>>
      %dma_wait3A_221 = tpu.memref_squeeze %dma_wait3A_220 : memref<1x128x128xf32, #tpu.memory_space<vmem>> -> memref<128x128xf32, #tpu.memory_space<vmem>>
      %dma_wait3A_222 = arith.constant 0 : i32
      %dma_wait3A_223 = tpu.memref_slice %arg9[%rem3A_49, %dma_wait3A_216, %dma_wait3A_222] : memref<2x8x128xi32, #tpu.memory_space<vmem>> -> memref<1x1x128xi32, #tpu.memory_space<vmem>>
      %dma_wait3A_224 = tpu.memref_squeeze %dma_wait3A_223 : memref<1x1x128xi32, #tpu.memory_space<vmem>> -> memref<128xi32, #tpu.memory_space<vmem>>
      %dma_wait3A_225 = arith.constant 0 : i32
      %dma_wait3A_226 = arith.constant 0 : i32
      %dma_wait3A_227 = tpu.memref_slice %arg2[%dma_wait3A_225, %dma_wait3A_226] : memref<10000x128xf32, #tpu.memory_space<hbm>> -> memref<10000x128xf32, #tpu.memory_space<hbm>>
      tpu.wait_indirect_dma semaphore(%arg17 : memref<!tpu.dma_semaphore, #tpu.memory_space<semaphore_mem>>) src(%dma_wait3A_227 : memref<10000x128xf32, #tpu.memory_space<hbm>>) dst(%dma_wait3A_221 : memref<128x128xf32, #tpu.memory_space<vmem>>)
      %dma_start3A_228 = arith.constant 1 : i32
      %dma_start3A_229 = arith.constant 3 : i32
      %dma_start3A_230 = arith.constant 0 : i32
      %dma_start3A_231 = arith.constant 0 : i32
      %dma_start3A_232 = tpu.memref_slice %arg11[%dma_start3A_228, %dma_start3A_230, %dma_start3A_231] : memref<2x128x128xf32, #tpu.memory_space<vmem>> -> memref<1x128x128xf32, #tpu.memory_space<vmem>>
      %dma_start3A_233 = tpu.memref_squeeze %dma_start3A_232 : memref<1x128x128xf32, #tpu.memory_space<vmem>> -> memref<128x128xf32, #tpu.memory_space<vmem>>
      %dma_start3A_234 = arith.constant 0 : i32
      %dma_start3A_235 = tpu.memref_slice %arg10[%rem3A_49, %dma_start3A_229, %dma_start3A_234] : memref<2x8x128xi32, #tpu.memory_space<vmem>> -> memref<1x1x128xi32, #tpu.memory_space<vmem>>
      %dma_start3A_236 = tpu.memref_squeeze %dma_start3A_235 : memref<1x1x128xi32, #tpu.memory_space<vmem>> -> memref<128xi32, #tpu.memory_space<vmem>>
      %dma_start3A_237 = arith.constant 0 : i32
      %dma_start3A_238 = arith.constant 0 : i32
      %dma_start3A_239 = tpu.memref_slice %arg14[%dma_start3A_237, %dma_start3A_238] : memref<10000x128xf32, #tpu.memory_space<vmem_shared>> -> memref<10000x128xf32, #tpu.memory_space<vmem_shared>>
      tpu.enqueue_indirect_dma source(%dma_start3A_233 : memref<128x128xf32, #tpu.memory_space<vmem>>) target(%dma_start3A_239 : memref<10000x128xf32, #tpu.memory_space<vmem_shared>>) offsets(%dma_start3A_236 : memref<128xi32, #tpu.memory_space<vmem>>) semaphore(%arg19 : memref<!tpu.dma_semaphore, #tpu.memory_space<semaphore_mem>>) {add = true}
      %dma_wait3A_240 = arith.constant 1 : i32
      %dma_wait3A_241 = arith.constant 3 : i32
      %dma_wait3A_242 = arith.constant 0 : i32
      %dma_wait3A_243 = arith.constant 0 : i32
      %dma_wait3A_244 = tpu.memref_slice %arg11[%dma_wait3A_240, %dma_wait3A_242, %dma_wait3A_243] : memref<2x128x128xf32, #tpu.memory_space<vmem>> -> memref<1x128x128xf32, #tpu.memory_space<vmem>>
      %dma_wait3A_245 = tpu.memref_squeeze %dma_wait3A_244 : memref<1x128x128xf32, #tpu.memory_space<vmem>> -> memref<128x128xf32, #tpu.memory_space<vmem>>
      %dma_wait3A_246 = arith.constant 0 : i32
      %dma_wait3A_247 = tpu.memref_slice %arg10[%rem3A_49, %dma_wait3A_241, %dma_wait3A_246] : memref<2x8x128xi32, #tpu.memory_space<vmem>> -> memref<1x1x128xi32, #tpu.memory_space<vmem>>
      %dma_wait3A_248 = tpu.memref_squeeze %dma_wait3A_247 : memref<1x1x128xi32, #tpu.memory_space<vmem>> -> memref<128xi32, #tpu.memory_space<vmem>>
      %dma_wait3A_249 = arith.constant 0 : i32
      %dma_wait3A_250 = arith.constant 0 : i32
      %dma_wait3A_251 = tpu.memref_slice %arg14[%dma_wait3A_249, %dma_wait3A_250] : memref<10000x128xf32, #tpu.memory_space<vmem_shared>> -> memref<10000x128xf32, #tpu.memory_space<vmem_shared>>
      tpu.wait_indirect_dma semaphore(%arg19 : memref<!tpu.dma_semaphore, #tpu.memory_space<semaphore_mem>>) src(%dma_wait3A_245 : memref<128x128xf32, #tpu.memory_space<vmem>>) dst(%dma_wait3A_251 : memref<10000x128xf32, #tpu.memory_space<vmem_shared>>)
      %dma_start3A_252 = arith.constant 5 : i32
      %dma_start3A_253 = arith.constant 1 : i32
      %dma_start3A_254 = arith.constant 0 : i32
      %dma_start3A_255 = arith.constant 0 : i32
      %dma_start3A_256 = tpu.memref_slice %arg11[%dma_start3A_253, %dma_start3A_254, %dma_start3A_255] : memref<2x128x128xf32, #tpu.memory_space<vmem>> -> memref<1x128x128xf32, #tpu.memory_space<vmem>>
      %dma_start3A_257 = tpu.memref_squeeze %dma_start3A_256 : memref<1x128x128xf32, #tpu.memory_space<vmem>> -> memref<128x128xf32, #tpu.memory_space<vmem>>
      %dma_start3A_258 = arith.constant 0 : i32
      %dma_start3A_259 = tpu.memref_slice %arg9[%rem3A_49, %dma_start3A_252, %dma_start3A_258] : memref<2x8x128xi32, #tpu.memory_space<vmem>> -> memref<1x1x128xi32, #tpu.memory_space<vmem>>
      %dma_start3A_260 = tpu.memref_squeeze %dma_start3A_259 : memref<1x1x128xi32, #tpu.memory_space<vmem>> -> memref<128xi32, #tpu.memory_space<vmem>>
      %dma_start3A_261 = arith.constant 0 : i32
      %dma_start3A_262 = arith.constant 0 : i32
      %dma_start3A_263 = tpu.memref_slice %arg2[%dma_start3A_261, %dma_start3A_262] : memref<10000x128xf32, #tpu.memory_space<hbm>> -> memref<10000x128xf32, #tpu.memory_space<hbm>>
      tpu.enqueue_indirect_dma source(%dma_start3A_263 : memref<10000x128xf32, #tpu.memory_space<hbm>>) target(%dma_start3A_257 : memref<128x128xf32, #tpu.memory_space<vmem>>) offsets(%dma_start3A_260 : memref<128xi32, #tpu.memory_space<vmem>>) semaphore(%arg17 : memref<!tpu.dma_semaphore, #tpu.memory_space<semaphore_mem>>)
      %dma_wait3A_264 = arith.constant 4 : i32
      %dma_wait3A_265 = arith.constant 0 : i32
      %dma_wait3A_266 = arith.constant 0 : i32
      %dma_wait3A_267 = arith.constant 0 : i32
      %dma_wait3A_268 = tpu.memref_slice %arg11[%dma_wait3A_265, %dma_wait3A_266, %dma_wait3A_267] : memref<2x128x128xf32, #tpu.memory_space<vmem>> -> memref<1x128x128xf32, #tpu.memory_space<vmem>>
      %dma_wait3A_269 = tpu.memref_squeeze %dma_wait3A_268 : memref<1x128x128xf32, #tpu.memory_space<vmem>> -> memref<128x128xf32, #tpu.memory_space<vmem>>
      %dma_wait3A_270 = arith.constant 0 : i32
      %dma_wait3A_271 = tpu.memref_slice %arg9[%rem3A_49, %dma_wait3A_264, %dma_wait3A_270] : memref<2x8x128xi32, #tpu.memory_space<vmem>> -> memref<1x1x128xi32, #tpu.memory_space<vmem>>
      %dma_wait3A_272 = tpu.memref_squeeze %dma_wait3A_271 : memref<1x1x128xi32, #tpu.memory_space<vmem>> -> memref<128xi32, #tpu.memory_space<vmem>>
      %dma_wait3A_273 = arith.constant 0 : i32
      %dma_wait3A_274 = arith.constant 0 : i32
      %dma_wait3A_275 = tpu.memref_slice %arg2[%dma_wait3A_273, %dma_wait3A_274] : memref<10000x128xf32, #tpu.memory_space<hbm>> -> memref<10000x128xf32, #tpu.memory_space<hbm>>
      tpu.wait_indirect_dma semaphore(%arg16 : memref<!tpu.dma_semaphore, #tpu.memory_space<semaphore_mem>>) src(%dma_wait3A_275 : memref<10000x128xf32, #tpu.memory_space<hbm>>) dst(%dma_wait3A_269 : memref<128x128xf32, #tpu.memory_space<vmem>>)
      %dma_start3A_276 = arith.constant 0 : i32
      %dma_start3A_277 = arith.constant 4 : i32
      %dma_start3A_278 = arith.constant 0 : i32
      %dma_start3A_279 = arith.constant 0 : i32
      %dma_start3A_280 = tpu.memref_slice %arg11[%dma_start3A_276, %dma_start3A_278, %dma_start3A_279] : memref<2x128x128xf32, #tpu.memory_space<vmem>> -> memref<1x128x128xf32, #tpu.memory_space<vmem>>
      %dma_start3A_281 = tpu.memref_squeeze %dma_start3A_280 : memref<1x128x128xf32, #tpu.memory_space<vmem>> -> memref<128x128xf32, #tpu.memory_space<vmem>>
      %dma_start3A_282 = arith.constant 0 : i32
      %dma_start3A_283 = tpu.memref_slice %arg10[%rem3A_49, %dma_start3A_277, %dma_start3A_282] : memref<2x8x128xi32, #tpu.memory_space<vmem>> -> memref<1x1x128xi32, #tpu.memory_space<vmem>>
      %dma_start3A_284 = tpu.memref_squeeze %dma_start3A_283 : memref<1x1x128xi32, #tpu.memory_space<vmem>> -> memref<128xi32, #tpu.memory_space<vmem>>
      %dma_start3A_285 = arith.constant 0 : i32
      %dma_start3A_286 = arith.constant 0 : i32
      %dma_start3A_287 = tpu.memref_slice %arg14[%dma_start3A_285, %dma_start3A_286] : memref<10000x128xf32, #tpu.memory_space<vmem_shared>> -> memref<10000x128xf32, #tpu.memory_space<vmem_shared>>
      tpu.enqueue_indirect_dma source(%dma_start3A_281 : memref<128x128xf32, #tpu.memory_space<vmem>>) target(%dma_start3A_287 : memref<10000x128xf32, #tpu.memory_space<vmem_shared>>) offsets(%dma_start3A_284 : memref<128xi32, #tpu.memory_space<vmem>>) semaphore(%arg18 : memref<!tpu.dma_semaphore, #tpu.memory_space<semaphore_mem>>) {add = true}
      %dma_wait3A_288 = arith.constant 0 : i32
      %dma_wait3A_289 = arith.constant 4 : i32
      %dma_wait3A_290 = arith.constant 0 : i32
      %dma_wait3A_291 = arith.constant 0 : i32
      %dma_wait3A_292 = tpu.memref_slice %arg11[%dma_wait3A_288, %dma_wait3A_290, %dma_wait3A_291] : memref<2x128x128xf32, #tpu.memory_space<vmem>> -> memref<1x128x128xf32, #tpu.memory_space<vmem>>
      %dma_wait3A_293 = tpu.memref_squeeze %dma_wait3A_292 : memref<1x128x128xf32, #tpu.memory_space<vmem>> -> memref<128x128xf32, #tpu.memory_space<vmem>>
      %dma_wait3A_294 = arith.constant 0 : i32
      %dma_wait3A_295 = tpu.memref_slice %arg10[%rem3A_49, %dma_wait3A_289, %dma_wait3A_294] : memref<2x8x128xi32, #tpu.memory_space<vmem>> -> memref<1x1x128xi32, #tpu.memory_space<vmem>>
      %dma_wait3A_296 = tpu.memref_squeeze %dma_wait3A_295 : memref<1x1x128xi32, #tpu.memory_space<vmem>> -> memref<128xi32, #tpu.memory_space<vmem>>
      %dma_wait3A_297 = arith.constant 0 : i32
      %dma_wait3A_298 = arith.constant 0 : i32
      %dma_wait3A_299 = tpu.memref_slice %arg14[%dma_wait3A_297, %dma_wait3A_298] : memref<10000x128xf32, #tpu.memory_space<vmem_shared>> -> memref<10000x128xf32, #tpu.memory_space<vmem_shared>>
      tpu.wait_indirect_dma semaphore(%arg18 : memref<!tpu.dma_semaphore, #tpu.memory_space<semaphore_mem>>) src(%dma_wait3A_293 : memref<128x128xf32, #tpu.memory_space<vmem>>) dst(%dma_wait3A_299 : memref<10000x128xf32, #tpu.memory_space<vmem_shared>>)
      %dma_start3A_300 = arith.constant 6 : i32
      %dma_start3A_301 = arith.constant 0 : i32
      %dma_start3A_302 = arith.constant 0 : i32
      %dma_start3A_303 = arith.constant 0 : i32
      %dma_start3A_304 = tpu.memref_slice %arg11[%dma_start3A_301, %dma_start3A_302, %dma_start3A_303] : memref<2x128x128xf32, #tpu.memory_space<vmem>> -> memref<1x128x128xf32, #tpu.memory_space<vmem>>
      %dma_start3A_305 = tpu.memref_squeeze %dma_start3A_304 : memref<1x128x128xf32, #tpu.memory_space<vmem>> -> memref<128x128xf32, #tpu.memory_space<vmem>>
      %dma_start3A_306 = arith.constant 0 : i32
      %dma_start3A_307 = tpu.memref_slice %arg9[%rem3A_49, %dma_start3A_300, %dma_start3A_306] : memref<2x8x128xi32, #tpu.memory_space<vmem>> -> memref<1x1x128xi32, #tpu.memory_space<vmem>>
      %dma_start3A_308 = tpu.memref_squeeze %dma_start3A_307 : memref<1x1x128xi32, #tpu.memory_space<vmem>> -> memref<128xi32, #tpu.memory_space<vmem>>
      %dma_start3A_309 = arith.constant 0 : i32
      %dma_start3A_310 = arith.constant 0 : i32
      %dma_start3A_311 = tpu.memref_slice %arg2[%dma_start3A_309, %dma_start3A_310] : memref<10000x128xf32, #tpu.memory_space<hbm>> -> memref<10000x128xf32, #tpu.memory_space<hbm>>
      tpu.enqueue_indirect_dma source(%dma_start3A_311 : memref<10000x128xf32, #tpu.memory_space<hbm>>) target(%dma_start3A_305 : memref<128x128xf32, #tpu.memory_space<vmem>>) offsets(%dma_start3A_308 : memref<128xi32, #tpu.memory_space<vmem>>) semaphore(%arg16 : memref<!tpu.dma_semaphore, #tpu.memory_space<semaphore_mem>>)
      %dma_wait3A_312 = arith.constant 5 : i32
      %dma_wait3A_313 = arith.constant 1 : i32
      %dma_wait3A_314 = arith.constant 0 : i32
      %dma_wait3A_315 = arith.constant 0 : i32
      %dma_wait3A_316 = tpu.memref_slice %arg11[%dma_wait3A_313, %dma_wait3A_314, %dma_wait3A_315] : memref<2x128x128xf32, #tpu.memory_space<vmem>> -> memref<1x128x128xf32, #tpu.memory_space<vmem>>
      %dma_wait3A_317 = tpu.memref_squeeze %dma_wait3A_316 : memref<1x128x128xf32, #tpu.memory_space<vmem>> -> memref<128x128xf32, #tpu.memory_space<vmem>>
      %dma_wait3A_318 = arith.constant 0 : i32
      %dma_wait3A_319 = tpu.memref_slice %arg9[%rem3A_49, %dma_wait3A_312, %dma_wait3A_318] : memref<2x8x128xi32, #tpu.memory_space<vmem>> -> memref<1x1x128xi32, #tpu.memory_space<vmem>>
      %dma_wait3A_320 = tpu.memref_squeeze %dma_wait3A_319 : memref<1x1x128xi32, #tpu.memory_space<vmem>> -> memref<128xi32, #tpu.memory_space<vmem>>
      %dma_wait3A_321 = arith.constant 0 : i32
      %dma_wait3A_322 = arith.constant 0 : i32
      %dma_wait3A_323 = tpu.memref_slice %arg2[%dma_wait3A_321, %dma_wait3A_322] : memref<10000x128xf32, #tpu.memory_space<hbm>> -> memref<10000x128xf32, #tpu.memory_space<hbm>>
      tpu.wait_indirect_dma semaphore(%arg17 : memref<!tpu.dma_semaphore, #tpu.memory_space<semaphore_mem>>) src(%dma_wait3A_323 : memref<10000x128xf32, #tpu.memory_space<hbm>>) dst(%dma_wait3A_317 : memref<128x128xf32, #tpu.memory_space<vmem>>)
      %dma_start3A_324 = arith.constant 1 : i32
      %dma_start3A_325 = arith.constant 5 : i32
      %dma_start3A_326 = arith.constant 0 : i32
      %dma_start3A_327 = arith.constant 0 : i32
      %dma_start3A_328 = tpu.memref_slice %arg11[%dma_start3A_324, %dma_start3A_326, %dma_start3A_327] : memref<2x128x128xf32, #tpu.memory_space<vmem>> -> memref<1x128x128xf32, #tpu.memory_space<vmem>>
      %dma_start3A_329 = tpu.memref_squeeze %dma_start3A_328 : memref<1x128x128xf32, #tpu.memory_space<vmem>> -> memref<128x128xf32, #tpu.memory_space<vmem>>
      %dma_start3A_330 = arith.constant 0 : i32
      %dma_start3A_331 = tpu.memref_slice %arg10[%rem3A_49, %dma_start3A_325, %dma_start3A_330] : memref<2x8x128xi32, #tpu.memory_space<vmem>> -> memref<1x1x128xi32, #tpu.memory_space<vmem>>
      %dma_start3A_332 = tpu.memref_squeeze %dma_start3A_331 : memref<1x1x128xi32, #tpu.memory_space<vmem>> -> memref<128xi32, #tpu.memory_space<vmem>>
      %dma_start3A_333 = arith.constant 0 : i32
      %dma_start3A_334 = arith.constant 0 : i32
      %dma_start3A_335 = tpu.memref_slice %arg14[%dma_start3A_333, %dma_start3A_334] : memref<10000x128xf32, #tpu.memory_space<vmem_shared>> -> memref<10000x128xf32, #tpu.memory_space<vmem_shared>>
      tpu.enqueue_indirect_dma source(%dma_start3A_329 : memref<128x128xf32, #tpu.memory_space<vmem>>) target(%dma_start3A_335 : memref<10000x128xf32, #tpu.memory_space<vmem_shared>>) offsets(%dma_start3A_332 : memref<128xi32, #tpu.memory_space<vmem>>) semaphore(%arg19 : memref<!tpu.dma_semaphore, #tpu.memory_space<semaphore_mem>>) {add = true}
      %dma_wait3A_336 = arith.constant 1 : i32
      %dma_wait3A_337 = arith.constant 5 : i32
      %dma_wait3A_338 = arith.constant 0 : i32
      %dma_wait3A_339 = arith.constant 0 : i32
      %dma_wait3A_340 = tpu.memref_slice %arg11[%dma_wait3A_336, %dma_wait3A_338, %dma_wait3A_339] : memref<2x128x128xf32, #tpu.memory_space<vmem>> -> memref<1x128x128xf32, #tpu.memory_space<vmem>>
      %dma_wait3A_341 = tpu.memref_squeeze %dma_wait3A_340 : memref<1x128x128xf32, #tpu.memory_space<vmem>> -> memref<128x128xf32, #tpu.memory_space<vmem>>
      %dma_wait3A_342 = arith.constant 0 : i32
      %dma_wait3A_343 = tpu.memref_slice %arg10[%rem3A_49, %dma_wait3A_337, %dma_wait3A_342] : memref<2x8x128xi32, #tpu.memory_space<vmem>> -> memref<1x1x128xi32, #tpu.memory_space<vmem>>
      %dma_wait3A_344 = tpu.memref_squeeze %dma_wait3A_343 : memref<1x1x128xi32, #tpu.memory_space<vmem>> -> memref<128xi32, #tpu.memory_space<vmem>>
      %dma_wait3A_345 = arith.constant 0 : i32
      %dma_wait3A_346 = arith.constant 0 : i32
      %dma_wait3A_347 = tpu.memref_slice %arg14[%dma_wait3A_345, %dma_wait3A_346] : memref<10000x128xf32, #tpu.memory_space<vmem_shared>> -> memref<10000x128xf32, #tpu.memory_space<vmem_shared>>
      tpu.wait_indirect_dma semaphore(%arg19 : memref<!tpu.dma_semaphore, #tpu.memory_space<semaphore_mem>>) src(%dma_wait3A_341 : memref<128x128xf32, #tpu.memory_space<vmem>>) dst(%dma_wait3A_347 : memref<10000x128xf32, #tpu.memory_space<vmem_shared>>)
      %dma_start3A_348 = arith.constant 7 : i32
      %dma_start3A_349 = arith.constant 1 : i32
      %dma_start3A_350 = arith.constant 0 : i32
      %dma_start3A_351 = arith.constant 0 : i32
      %dma_start3A_352 = tpu.memref_slice %arg11[%dma_start3A_349, %dma_start3A_350, %dma_start3A_351] : memref<2x128x128xf32, #tpu.memory_space<vmem>> -> memref<1x128x128xf32, #tpu.memory_space<vmem>>
      %dma_start3A_353 = tpu.memref_squeeze %dma_start3A_352 : memref<1x128x128xf32, #tpu.memory_space<vmem>> -> memref<128x128xf32, #tpu.memory_space<vmem>>
      %dma_start3A_354 = arith.constant 0 : i32
      %dma_start3A_355 = tpu.memref_slice %arg9[%rem3A_49, %dma_start3A_348, %dma_start3A_354] : memref<2x8x128xi32, #tpu.memory_space<vmem>> -> memref<1x1x128xi32, #tpu.memory_space<vmem>>
      %dma_start3A_356 = tpu.memref_squeeze %dma_start3A_355 : memref<1x1x128xi32, #tpu.memory_space<vmem>> -> memref<128xi32, #tpu.memory_space<vmem>>
      %dma_start3A_357 = arith.constant 0 : i32
      %dma_start3A_358 = arith.constant 0 : i32
      %dma_start3A_359 = tpu.memref_slice %arg2[%dma_start3A_357, %dma_start3A_358] : memref<10000x128xf32, #tpu.memory_space<hbm>> -> memref<10000x128xf32, #tpu.memory_space<hbm>>
      tpu.enqueue_indirect_dma source(%dma_start3A_359 : memref<10000x128xf32, #tpu.memory_space<hbm>>) target(%dma_start3A_353 : memref<128x128xf32, #tpu.memory_space<vmem>>) offsets(%dma_start3A_356 : memref<128xi32, #tpu.memory_space<vmem>>) semaphore(%arg17 : memref<!tpu.dma_semaphore, #tpu.memory_space<semaphore_mem>>)
      %dma_wait3A_360 = arith.constant 6 : i32
      %dma_wait3A_361 = arith.constant 0 : i32
      %dma_wait3A_362 = arith.constant 0 : i32
      %dma_wait3A_363 = arith.constant 0 : i32
      %dma_wait3A_364 = tpu.memref_slice %arg11[%dma_wait3A_361, %dma_wait3A_362, %dma_wait3A_363] : memref<2x128x128xf32, #tpu.memory_space<vmem>> -> memref<1x128x128xf32, #tpu.memory_space<vmem>>
      %dma_wait3A_365 = tpu.memref_squeeze %dma_wait3A_364 : memref<1x128x128xf32, #tpu.memory_space<vmem>> -> memref<128x128xf32, #tpu.memory_space<vmem>>
      %dma_wait3A_366 = arith.constant 0 : i32
      %dma_wait3A_367 = tpu.memref_slice %arg9[%rem3A_49, %dma_wait3A_360, %dma_wait3A_366] : memref<2x8x128xi32, #tpu.memory_space<vmem>> -> memref<1x1x128xi32, #tpu.memory_space<vmem>>
      %dma_wait3A_368 = tpu.memref_squeeze %dma_wait3A_367 : memref<1x1x128xi32, #tpu.memory_space<vmem>> -> memref<128xi32, #tpu.memory_space<vmem>>
      %dma_wait3A_369 = arith.constant 0 : i32
      %dma_wait3A_370 = arith.constant 0 : i32
      %dma_wait3A_371 = tpu.memref_slice %arg2[%dma_wait3A_369, %dma_wait3A_370] : memref<10000x128xf32, #tpu.memory_space<hbm>> -> memref<10000x128xf32, #tpu.memory_space<hbm>>
      tpu.wait_indirect_dma semaphore(%arg16 : memref<!tpu.dma_semaphore, #tpu.memory_space<semaphore_mem>>) src(%dma_wait3A_371 : memref<10000x128xf32, #tpu.memory_space<hbm>>) dst(%dma_wait3A_365 : memref<128x128xf32, #tpu.memory_space<vmem>>)
      %dma_start3A_372 = arith.constant 0 : i32
      %dma_start3A_373 = arith.constant 6 : i32
      %dma_start3A_374 = arith.constant 0 : i32
      %dma_start3A_375 = arith.constant 0 : i32
      %dma_start3A_376 = tpu.memref_slice %arg11[%dma_start3A_372, %dma_start3A_374, %dma_start3A_375] : memref<2x128x128xf32, #tpu.memory_space<vmem>> -> memref<1x128x128xf32, #tpu.memory_space<vmem>>
      %dma_start3A_377 = tpu.memref_squeeze %dma_start3A_376 : memref<1x128x128xf32, #tpu.memory_space<vmem>> -> memref<128x128xf32, #tpu.memory_space<vmem>>
      %dma_start3A_378 = arith.constant 0 : i32
      %dma_start3A_379 = tpu.memref_slice %arg10[%rem3A_49, %dma_start3A_373, %dma_start3A_378] : memref<2x8x128xi32, #tpu.memory_space<vmem>> -> memref<1x1x128xi32, #tpu.memory_space<vmem>>
      %dma_start3A_380 = tpu.memref_squeeze %dma_start3A_379 : memref<1x1x128xi32, #tpu.memory_space<vmem>> -> memref<128xi32, #tpu.memory_space<vmem>>
      %dma_start3A_381 = arith.constant 0 : i32
      %dma_start3A_382 = arith.constant 0 : i32
      %dma_start3A_383 = tpu.memref_slice %arg14[%dma_start3A_381, %dma_start3A_382] : memref<10000x128xf32, #tpu.memory_space<vmem_shared>> -> memref<10000x128xf32, #tpu.memory_space<vmem_shared>>
      tpu.enqueue_indirect_dma source(%dma_start3A_377 : memref<128x128xf32, #tpu.memory_space<vmem>>) target(%dma_start3A_383 : memref<10000x128xf32, #tpu.memory_space<vmem_shared>>) offsets(%dma_start3A_380 : memref<128xi32, #tpu.memory_space<vmem>>) semaphore(%arg18 : memref<!tpu.dma_semaphore, #tpu.memory_space<semaphore_mem>>) {add = true}
      %dma_wait3A_384 = arith.constant 0 : i32
      %dma_wait3A_385 = arith.constant 6 : i32
      %dma_wait3A_386 = arith.constant 0 : i32
      %dma_wait3A_387 = arith.constant 0 : i32
      %dma_wait3A_388 = tpu.memref_slice %arg11[%dma_wait3A_384, %dma_wait3A_386, %dma_wait3A_387] : memref<2x128x128xf32, #tpu.memory_space<vmem>> -> memref<1x128x128xf32, #tpu.memory_space<vmem>>
      %dma_wait3A_389 = tpu.memref_squeeze %dma_wait3A_388 : memref<1x128x128xf32, #tpu.memory_space<vmem>> -> memref<128x128xf32, #tpu.memory_space<vmem>>
      %dma_wait3A_390 = arith.constant 0 : i32
      %dma_wait3A_391 = tpu.memref_slice %arg10[%rem3A_49, %dma_wait3A_385, %dma_wait3A_390] : memref<2x8x128xi32, #tpu.memory_space<vmem>> -> memref<1x1x128xi32, #tpu.memory_space<vmem>>
      %dma_wait3A_392 = tpu.memref_squeeze %dma_wait3A_391 : memref<1x1x128xi32, #tpu.memory_space<vmem>> -> memref<128xi32, #tpu.memory_space<vmem>>
      %dma_wait3A_393 = arith.constant 0 : i32
      %dma_wait3A_394 = arith.constant 0 : i32
      %dma_wait3A_395 = tpu.memref_slice %arg14[%dma_wait3A_393, %dma_wait3A_394] : memref<10000x128xf32, #tpu.memory_space<vmem_shared>> -> memref<10000x128xf32, #tpu.memory_space<vmem_shared>>
      tpu.wait_indirect_dma semaphore(%arg18 : memref<!tpu.dma_semaphore, #tpu.memory_space<semaphore_mem>>) src(%dma_wait3A_389 : memref<128x128xf32, #tpu.memory_space<vmem>>) dst(%dma_wait3A_395 : memref<10000x128xf32, #tpu.memory_space<vmem_shared>>)
      %dma_wait3A_396 = arith.constant 7 : i32
      %dma_wait3A_397 = arith.constant 1 : i32
      %dma_wait3A_398 = arith.constant 0 : i32
      %dma_wait3A_399 = arith.constant 0 : i32
      %dma_wait3A_400 = tpu.memref_slice %arg11[%dma_wait3A_397, %dma_wait3A_398, %dma_wait3A_399] : memref<2x128x128xf32, #tpu.memory_space<vmem>> -> memref<1x128x128xf32, #tpu.memory_space<vmem>>
      %dma_wait3A_401 = tpu.memref_squeeze %dma_wait3A_400 : memref<1x128x128xf32, #tpu.memory_space<vmem>> -> memref<128x128xf32, #tpu.memory_space<vmem>>
      %dma_wait3A_402 = arith.constant 0 : i32
      %dma_wait3A_403 = tpu.memref_slice %arg9[%rem3A_49, %dma_wait3A_396, %dma_wait3A_402] : memref<2x8x128xi32, #tpu.memory_space<vmem>> -> memref<1x1x128xi32, #tpu.memory_space<vmem>>
      %dma_wait3A_404 = tpu.memref_squeeze %dma_wait3A_403 : memref<1x1x128xi32, #tpu.memory_space<vmem>> -> memref<128xi32, #tpu.memory_space<vmem>>
      %dma_wait3A_405 = arith.constant 0 : i32
      %dma_wait3A_406 = arith.constant 0 : i32
      %dma_wait3A_407 = tpu.memref_slice %arg2[%dma_wait3A_405, %dma_wait3A_406] : memref<10000x128xf32, #tpu.memory_space<hbm>> -> memref<10000x128xf32, #tpu.memory_space<hbm>>
      tpu.wait_indirect_dma semaphore(%arg17 : memref<!tpu.dma_semaphore, #tpu.memory_space<semaphore_mem>>) src(%dma_wait3A_407 : memref<10000x128xf32, #tpu.memory_space<hbm>>) dst(%dma_wait3A_401 : memref<128x128xf32, #tpu.memory_space<vmem>>)
      %dma_start3A_408 = arith.constant 1 : i32
      %dma_start3A_409 = arith.constant 7 : i32
      %dma_start3A_410 = arith.constant 0 : i32
      %dma_start3A_411 = arith.constant 0 : i32
      %dma_start3A_412 = tpu.memref_slice %arg11[%dma_start3A_408, %dma_start3A_410, %dma_start3A_411] : memref<2x128x128xf32, #tpu.memory_space<vmem>> -> memref<1x128x128xf32, #tpu.memory_space<vmem>>
      %dma_start3A_413 = tpu.memref_squeeze %dma_start3A_412 : memref<1x128x128xf32, #tpu.memory_space<vmem>> -> memref<128x128xf32, #tpu.memory_space<vmem>>
      %dma_start3A_414 = arith.constant 0 : i32
      %dma_start3A_415 = tpu.memref_slice %arg10[%rem3A_49, %dma_start3A_409, %dma_start3A_414] : memref<2x8x128xi32, #tpu.memory_space<vmem>> -> memref<1x1x128xi32, #tpu.memory_space<vmem>>
      %dma_start3A_416 = tpu.memref_squeeze %dma_start3A_415 : memref<1x1x128xi32, #tpu.memory_space<vmem>> -> memref<128xi32, #tpu.memory_space<vmem>>
      %dma_start3A_417 = arith.constant 0 : i32
      %dma_start3A_418 = arith.constant 0 : i32
      %dma_start3A_419 = tpu.memref_slice %arg14[%dma_start3A_417, %dma_start3A_418] : memref<10000x128xf32, #tpu.memory_space<vmem_shared>> -> memref<10000x128xf32, #tpu.memory_space<vmem_shared>>
      tpu.enqueue_indirect_dma source(%dma_start3A_413 : memref<128x128xf32, #tpu.memory_space<vmem>>) target(%dma_start3A_419 : memref<10000x128xf32, #tpu.memory_space<vmem_shared>>) offsets(%dma_start3A_416 : memref<128xi32, #tpu.memory_space<vmem>>) semaphore(%arg19 : memref<!tpu.dma_semaphore, #tpu.memory_space<semaphore_mem>>) {add = true}
      %add3A_420 = arith.constant 1 : i32
      %add3A_421 = arith.addi %while3A_47, %add3A_420 : i32
      %lt3A_422 = arith.cmpi slt, %add3A_421, %add3A_4 : i32
      %convert_element_type3A_423 = arith.extui %lt3A_422 : i1 to i32
      %cond3A_424 = arith.constant 0 : i32
      %cond3A_425 = arith.cmpi ne, %convert_element_type3A_423, %cond3A_424 : i32
      scf.if %cond3A_425 {
        %sub3A = arith.constant 1 : i32
        %sub3A_427 = arith.subi %sub3A, %rem3A_49 : i32
        %dma_wait3A_428 = arith.constant 0 : i32
        %dma_wait3A_429 = arith.constant 0 : i32
        %dma_wait3A_430 = tpu.memref_slice %arg9[%sub3A_427, %dma_wait3A_428, %dma_wait3A_429] : memref<2x8x128xi32, #tpu.memory_space<vmem>> -> memref<1x8x128xi32, #tpu.memory_space<vmem>>
        %dma_wait3A_431 = tpu.memref_squeeze %dma_wait3A_430 : memref<1x8x128xi32, #tpu.memory_space<vmem>> -> memref<8x128xi32, #tpu.memory_space<vmem>>
        %dma_wait3A_432 = arith.constant 0 : i32
        %dma_wait3A_433 = arith.constant 0 : i32
        %dma_wait3A_434 = tpu.memref_slice %arg3[%dma_wait3A_432, %dma_wait3A_433] : memref<2500x128xi32, #tpu.memory_space<hbm>> -> memref<8x128xi32, #tpu.memory_space<hbm>>
        %dma_wait3A_435 = arith.constant 0 : i32
        %dma_wait3A_436 = arith.constant 0 : i32
        %dma_wait3A_437 = tpu.memref_slice %arg9[%sub3A_427, %dma_wait3A_435, %dma_wait3A_436] : memref<2x8x128xi32, #tpu.memory_space<vmem>> -> memref<1x8x128xi32, #tpu.memory_space<vmem>>
        %dma_wait3A_438 = tpu.memref_squeeze %dma_wait3A_437 : memref<1x8x128xi32, #tpu.memory_space<vmem>> -> memref<8x128xi32, #tpu.memory_space<vmem>>
        %dma_wait3A_439 = arith.constant 0 : i32
        %dma_wait3A_440 = arith.constant 0 : i32
        %dma_wait3A_441 = tpu.memref_slice %arg3[%dma_wait3A_439, %dma_wait3A_440] : memref<2500x128xi32, #tpu.memory_space<hbm>> -> memref<8x128xi32, #tpu.memory_space<hbm>>
        tpu.wait_dma2 semaphore(%arg15 : memref<!tpu.dma_semaphore, #tpu.memory_space<semaphore_mem>>) src(%dma_wait3A_441 : memref<8x128xi32, #tpu.memory_space<hbm>>) dst(%dma_wait3A_438 : memref<8x128xi32, #tpu.memory_space<vmem>>)
        %sub3A_442 = arith.constant 1 : i32
        %sub3A_443 = arith.subi %sub3A_442, %rem3A_49 : i32
        %dma_wait3A_444 = arith.constant 0 : i32
        %dma_wait3A_445 = arith.constant 0 : i32
        %dma_wait3A_446 = tpu.memref_slice %arg10[%sub3A_443, %dma_wait3A_444, %dma_wait3A_445] : memref<2x8x128xi32, #tpu.memory_space<vmem>> -> memref<1x8x128xi32, #tpu.memory_space<vmem>>
        %dma_wait3A_447 = tpu.memref_squeeze %dma_wait3A_446 : memref<1x8x128xi32, #tpu.memory_space<vmem>> -> memref<8x128xi32, #tpu.memory_space<vmem>>
        %dma_wait3A_448 = arith.constant 0 : i32
        %dma_wait3A_449 = arith.constant 0 : i32
        %dma_wait3A_450 = tpu.memref_slice %arg4[%dma_wait3A_448, %dma_wait3A_449] : memref<2500x128xi32, #tpu.memory_space<hbm>> -> memref<8x128xi32, #tpu.memory_space<hbm>>
        %dma_wait3A_451 = arith.constant 0 : i32
        %dma_wait3A_452 = arith.constant 0 : i32
        %dma_wait3A_453 = tpu.memref_slice %arg10[%sub3A_443, %dma_wait3A_451, %dma_wait3A_452] : memref<2x8x128xi32, #tpu.memory_space<vmem>> -> memref<1x8x128xi32, #tpu.memory_space<vmem>>
        %dma_wait3A_454 = tpu.memref_squeeze %dma_wait3A_453 : memref<1x8x128xi32, #tpu.memory_space<vmem>> -> memref<8x128xi32, #tpu.memory_space<vmem>>
        %dma_wait3A_455 = arith.constant 0 : i32
        %dma_wait3A_456 = arith.constant 0 : i32
        %dma_wait3A_457 = tpu.memref_slice %arg4[%dma_wait3A_455, %dma_wait3A_456] : memref<2500x128xi32, #tpu.memory_space<hbm>> -> memref<8x128xi32, #tpu.memory_space<hbm>>
        tpu.wait_dma2 semaphore(%arg15 : memref<!tpu.dma_semaphore, #tpu.memory_space<semaphore_mem>>) src(%dma_wait3A_457 : memref<8x128xi32, #tpu.memory_space<hbm>>) dst(%dma_wait3A_454 : memref<8x128xi32, #tpu.memory_space<vmem>>)
        %sub3A_458 = arith.constant 1 : i32
        %sub3A_459 = arith.subi %sub3A_458, %rem3A_49 : i32
        %dma_start3A_460 = arith.constant 0 : i32
        %dma_start3A_461 = arith.constant 0 : i32
        %dma_start3A_462 = arith.constant 0 : i32
        %dma_start3A_463 = arith.constant 0 : i32
        %dma_start3A_464 = tpu.memref_slice %arg11[%dma_start3A_461, %dma_start3A_462, %dma_start3A_463] : memref<2x128x128xf32, #tpu.memory_space<vmem>> -> memref<1x128x128xf32, #tpu.memory_space<vmem>>
        %dma_start3A_465 = tpu.memref_squeeze %dma_start3A_464 : memref<1x128x128xf32, #tpu.memory_space<vmem>> -> memref<128x128xf32, #tpu.memory_space<vmem>>
        %dma_start3A_466 = arith.constant 0 : i32
        %dma_start3A_467 = tpu.memref_slice %arg9[%sub3A_459, %dma_start3A_460, %dma_start3A_466] : memref<2x8x128xi32, #tpu.memory_space<vmem>> -> memref<1x1x128xi32, #tpu.memory_space<vmem>>
        %dma_start3A_468 = tpu.memref_squeeze %dma_start3A_467 : memref<1x1x128xi32, #tpu.memory_space<vmem>> -> memref<128xi32, #tpu.memory_space<vmem>>
        %dma_start3A_469 = arith.constant 0 : i32
        %dma_start3A_470 = arith.constant 0 : i32
        %dma_start3A_471 = tpu.memref_slice %arg2[%dma_start3A_469, %dma_start3A_470] : memref<10000x128xf32, #tpu.memory_space<hbm>> -> memref<10000x128xf32, #tpu.memory_space<hbm>>
        tpu.enqueue_indirect_dma source(%dma_start3A_471 : memref<10000x128xf32, #tpu.memory_space<hbm>>) target(%dma_start3A_465 : memref<128x128xf32, #tpu.memory_space<vmem>>) offsets(%dma_start3A_468 : memref<128xi32, #tpu.memory_space<vmem>>) semaphore(%arg16 : memref<!tpu.dma_semaphore, #tpu.memory_space<semaphore_mem>>)
      } else {
      }
      %while3A_426 = arith.constant 0 : i32
      scf.yield %while3A_426 : i32
    }
    %while3A_27 = arith.constant 1 : i32
    %while3A_28 = scf.for %while3A_47 = %while3A_24 to %while3A_20 step %while3A_27 iter_args(%while3A_48 = %while3A_26) -> (i32)  : i32 {
      %rem3A = arith.constant 2 : i32
      %rem3A_49 = arith.remsi %while3A_47, %rem3A : i32
      %add3A_50 = arith.constant 1 : i32
      %add3A_51 = arith.addi %while3A_47, %add3A_50 : i32
      %lt3A_52 = arith.cmpi slt, %add3A_51, %add3A_4 : i32
      %convert_element_type3A_53 = arith.extui %lt3A_52 : i1 to i32
      %cond3A_54 = arith.constant 0 : i32
      %cond3A_55 = arith.cmpi ne, %convert_element_type3A_53, %cond3A_54 : i32
      scf.if %cond3A_55 {
        %add3A_427 = arith.constant 1 : i32
        %add3A_428 = arith.addi %while3A_47, %add3A_427 : i32
        %mul3A_429 = arith.constant 32 : i32
        %mul3A_430 = arith.muli %add3A_428, %mul3A_429 : i32
        %add3A_431 = arith.addi %add3A, %mul3A_430 : i32
        %mul3A_432 = arith.constant 8 : i32
        %mul3A_433 = arith.muli %add3A_431, %mul3A_432 : i32
        %sub3A = arith.constant 1 : i32
        %sub3A_434 = arith.subi %sub3A, %rem3A_49 : i32
        %dma_start3A_435 = arith.constant 0 : i32
        %dma_start3A_436 = arith.constant 0 : i32
        %dma_start3A_437 = tpu.memref_slice %arg9[%sub3A_434, %dma_start3A_435, %dma_start3A_436] : memref<2x8x128xi32, #tpu.memory_space<vmem>> -> memref<1x8x128xi32, #tpu.memory_space<vmem>>
        %dma_start3A_438 = tpu.memref_squeeze %dma_start3A_437 : memref<1x8x128xi32, #tpu.memory_space<vmem>> -> memref<8x128xi32, #tpu.memory_space<vmem>>
        %dma_start3A_439 = arith.constant 0 : i32
        %dma_start3A_440 = tpu.memref_slice %arg3[%mul3A_433, %dma_start3A_439] : memref<2500x128xi32, #tpu.memory_space<hbm>> -> memref<8x128xi32, #tpu.memory_space<hbm>>
        %dma_start3A_441 = arith.constant 0 : i32
        %dma_start3A_442 = arith.constant 0 : i32
        %dma_start3A_443 = tpu.memref_slice %arg9[%sub3A_434, %dma_start3A_441, %dma_start3A_442] : memref<2x8x128xi32, #tpu.memory_space<vmem>> -> memref<1x8x128xi32, #tpu.memory_space<vmem>>
        %dma_start3A_444 = tpu.memref_squeeze %dma_start3A_443 : memref<1x8x128xi32, #tpu.memory_space<vmem>> -> memref<8x128xi32, #tpu.memory_space<vmem>>
        %dma_start3A_445 = arith.constant 0 : i32
        %dma_start3A_446 = tpu.memref_slice %arg3[%mul3A_433, %dma_start3A_445] : memref<2500x128xi32, #tpu.memory_space<hbm>> -> memref<8x128xi32, #tpu.memory_space<hbm>>
        tpu.enqueue_dma source(%dma_start3A_446 : memref<8x128xi32, #tpu.memory_space<hbm>>) target(%dma_start3A_444 : memref<8x128xi32, #tpu.memory_space<vmem>>) target_semaphore(%arg15 : memref<!tpu.dma_semaphore, #tpu.memory_space<semaphore_mem>>)
        %sub3A_447 = arith.constant 1 : i32
        %sub3A_448 = arith.subi %sub3A_447, %rem3A_49 : i32
        %dma_start3A_449 = arith.constant 0 : i32
        %dma_start3A_450 = arith.constant 0 : i32
        %dma_start3A_451 = tpu.memref_slice %arg10[%sub3A_448, %dma_start3A_449, %dma_start3A_450] : memref<2x8x128xi32, #tpu.memory_space<vmem>> -> memref<1x8x128xi32, #tpu.memory_space<vmem>>
        %dma_start3A_452 = tpu.memref_squeeze %dma_start3A_451 : memref<1x8x128xi32, #tpu.memory_space<vmem>> -> memref<8x128xi32, #tpu.memory_space<vmem>>
        %dma_start3A_453 = arith.constant 0 : i32
        %dma_start3A_454 = tpu.memref_slice %arg4[%mul3A_433, %dma_start3A_453] : memref<2500x128xi32, #tpu.memory_space<hbm>> -> memref<8x128xi32, #tpu.memory_space<hbm>>
        %dma_start3A_455 = arith.constant 0 : i32
        %dma_start3A_456 = arith.constant 0 : i32
        %dma_start3A_457 = tpu.memref_slice %arg10[%sub3A_448, %dma_start3A_455, %dma_start3A_456] : memref<2x8x128xi32, #tpu.memory_space<vmem>> -> memref<1x8x128xi32, #tpu.memory_space<vmem>>
        %dma_start3A_458 = tpu.memref_squeeze %dma_start3A_457 : memref<1x8x128xi32, #tpu.memory_space<vmem>> -> memref<8x128xi32, #tpu.memory_space<vmem>>
        %dma_start3A_459 = arith.constant 0 : i32
        %dma_start3A_460 = tpu.memref_slice %arg4[%mul3A_433, %dma_start3A_459] : memref<2500x128xi32, #tpu.memory_space<hbm>> -> memref<8x128xi32, #tpu.memory_space<hbm>>
        tpu.enqueue_dma source(%dma_start3A_460 : memref<8x128xi32, #tpu.memory_space<hbm>>) target(%dma_start3A_458 : memref<8x128xi32, #tpu.memory_space<vmem>>) target_semaphore(%arg15 : memref<!tpu.dma_semaphore, #tpu.memory_space<semaphore_mem>>)
      } else {
      }
      %gt3A_56 = arith.constant 0 : i32
      %gt3A_57 = arith.cmpi sgt, %while3A_47, %gt3A_56 : i32
      %convert_element_type3A_58 = arith.extui %gt3A_57 : i1 to i32
      %cond3A_59 = arith.constant 0 : i32
      %cond3A_60 = arith.cmpi ne, %convert_element_type3A_58, %cond3A_59 : i32
      scf.if %cond3A_60 {
        %dma_wait3A_427 = arith.constant 1 : i32
        %dma_wait3A_428 = arith.constant 0 : i32
        %dma_wait3A_429 = arith.constant 0 : i32
        %dma_wait3A_430 = arith.constant 0 : i32
        %dma_wait3A_431 = tpu.memref_slice %arg11[%dma_wait3A_427, %dma_wait3A_429, %dma_wait3A_430] : memref<2x128x128xf32, #tpu.memory_space<vmem>> -> memref<1x128x128xf32, #tpu.memory_space<vmem>>
        %dma_wait3A_432 = tpu.memref_squeeze %dma_wait3A_431 : memref<1x128x128xf32, #tpu.memory_space<vmem>> -> memref<128x128xf32, #tpu.memory_space<vmem>>
        %dma_wait3A_433 = arith.constant 0 : i32
        %dma_wait3A_434 = tpu.memref_slice %arg10[%rem3A_49, %dma_wait3A_428, %dma_wait3A_433] : memref<2x8x128xi32, #tpu.memory_space<vmem>> -> memref<1x1x128xi32, #tpu.memory_space<vmem>>
        %dma_wait3A_435 = tpu.memref_squeeze %dma_wait3A_434 : memref<1x1x128xi32, #tpu.memory_space<vmem>> -> memref<128xi32, #tpu.memory_space<vmem>>
        %dma_wait3A_436 = arith.constant 0 : i32
        %dma_wait3A_437 = arith.constant 0 : i32
        %dma_wait3A_438 = tpu.memref_slice %arg14[%dma_wait3A_436, %dma_wait3A_437] : memref<10000x128xf32, #tpu.memory_space<vmem_shared>> -> memref<10000x128xf32, #tpu.memory_space<vmem_shared>>
        tpu.wait_indirect_dma semaphore(%arg19 : memref<!tpu.dma_semaphore, #tpu.memory_space<semaphore_mem>>) src(%dma_wait3A_432 : memref<128x128xf32, #tpu.memory_space<vmem>>) dst(%dma_wait3A_438 : memref<10000x128xf32, #tpu.memory_space<vmem_shared>>)
      } else {
      }
      %dma_start3A = arith.constant 1 : i32
      %dma_start3A_61 = arith.constant 1 : i32
      %dma_start3A_62 = arith.constant 0 : i32
      %dma_start3A_63 = arith.constant 0 : i32
      %dma_start3A_64 = tpu.memref_slice %arg11[%dma_start3A_61, %dma_start3A_62, %dma_start3A_63] : memref<2x128x128xf32, #tpu.memory_space<vmem>> -> memref<1x128x128xf32, #tpu.memory_space<vmem>>
      %dma_start3A_65 = tpu.memref_squeeze %dma_start3A_64 : memref<1x128x128xf32, #tpu.memory_space<vmem>> -> memref<128x128xf32, #tpu.memory_space<vmem>>
      %dma_start3A_66 = arith.constant 0 : i32
      %dma_start3A_67 = tpu.memref_slice %arg9[%rem3A_49, %dma_start3A, %dma_start3A_66] : memref<2x8x128xi32, #tpu.memory_space<vmem>> -> memref<1x1x128xi32, #tpu.memory_space<vmem>>
      %dma_start3A_68 = tpu.memref_squeeze %dma_start3A_67 : memref<1x1x128xi32, #tpu.memory_space<vmem>> -> memref<128xi32, #tpu.memory_space<vmem>>
      %dma_start3A_69 = arith.constant 0 : i32
      %dma_start3A_70 = arith.constant 0 : i32
      %dma_start3A_71 = tpu.memref_slice %arg2[%dma_start3A_69, %dma_start3A_70] : memref<10000x128xf32, #tpu.memory_space<hbm>> -> memref<10000x128xf32, #tpu.memory_space<hbm>>
      tpu.enqueue_indirect_dma source(%dma_start3A_71 : memref<10000x128xf32, #tpu.memory_space<hbm>>) target(%dma_start3A_65 : memref<128x128xf32, #tpu.memory_space<vmem>>) offsets(%dma_start3A_68 : memref<128xi32, #tpu.memory_space<vmem>>) semaphore(%arg17 : memref<!tpu.dma_semaphore, #tpu.memory_space<semaphore_mem>>)
      %dma_wait3A_72 = arith.constant 0 : i32
      %dma_wait3A_73 = arith.constant 0 : i32
      %dma_wait3A_74 = arith.constant 0 : i32
      %dma_wait3A_75 = arith.constant 0 : i32
      %dma_wait3A_76 = tpu.memref_slice %arg11[%dma_wait3A_73, %dma_wait3A_74, %dma_wait3A_75] : memref<2x128x128xf32, #tpu.memory_space<vmem>> -> memref<1x128x128xf32, #tpu.memory_space<vmem>>
      %dma_wait3A_77 = tpu.memref_squeeze %dma_wait3A_76 : memref<1x128x128xf32, #tpu.memory_space<vmem>> -> memref<128x128xf32, #tpu.memory_space<vmem>>
      %dma_wait3A_78 = arith.constant 0 : i32
      %dma_wait3A_79 = tpu.memref_slice %arg9[%rem3A_49, %dma_wait3A_72, %dma_wait3A_78] : memref<2x8x128xi32, #tpu.memory_space<vmem>> -> memref<1x1x128xi32, #tpu.memory_space<vmem>>
      %dma_wait3A_80 = tpu.memref_squeeze %dma_wait3A_79 : memref<1x1x128xi32, #tpu.memory_space<vmem>> -> memref<128xi32, #tpu.memory_space<vmem>>
      %dma_wait3A_81 = arith.constant 0 : i32
      %dma_wait3A_82 = arith.constant 0 : i32
      %dma_wait3A_83 = tpu.memref_slice %arg2[%dma_wait3A_81, %dma_wait3A_82] : memref<10000x128xf32, #tpu.memory_space<hbm>> -> memref<10000x128xf32, #tpu.memory_space<hbm>>
      tpu.wait_indirect_dma semaphore(%arg16 : memref<!tpu.dma_semaphore, #tpu.memory_space<semaphore_mem>>) src(%dma_wait3A_83 : memref<10000x128xf32, #tpu.memory_space<hbm>>) dst(%dma_wait3A_77 : memref<128x128xf32, #tpu.memory_space<vmem>>)
      %dma_start3A_84 = arith.constant 0 : i32
      %dma_start3A_85 = arith.constant 0 : i32
      %dma_start3A_86 = arith.constant 0 : i32
      %dma_start3A_87 = arith.constant 0 : i32
      %dma_start3A_88 = tpu.memref_slice %arg11[%dma_start3A_84, %dma_start3A_86, %dma_start3A_87] : memref<2x128x128xf32, #tpu.memory_space<vmem>> -> memref<1x128x128xf32, #tpu.memory_space<vmem>>
      %dma_start3A_89 = tpu.memref_squeeze %dma_start3A_88 : memref<1x128x128xf32, #tpu.memory_space<vmem>> -> memref<128x128xf32, #tpu.memory_space<vmem>>
      %dma_start3A_90 = arith.constant 0 : i32
      %dma_start3A_91 = tpu.memref_slice %arg10[%rem3A_49, %dma_start3A_85, %dma_start3A_90] : memref<2x8x128xi32, #tpu.memory_space<vmem>> -> memref<1x1x128xi32, #tpu.memory_space<vmem>>
      %dma_start3A_92 = tpu.memref_squeeze %dma_start3A_91 : memref<1x1x128xi32, #tpu.memory_space<vmem>> -> memref<128xi32, #tpu.memory_space<vmem>>
      %dma_start3A_93 = arith.constant 0 : i32
      %dma_start3A_94 = arith.constant 0 : i32
      %dma_start3A_95 = tpu.memref_slice %arg14[%dma_start3A_93, %dma_start3A_94] : memref<10000x128xf32, #tpu.memory_space<vmem_shared>> -> memref<10000x128xf32, #tpu.memory_space<vmem_shared>>
      tpu.enqueue_indirect_dma source(%dma_start3A_89 : memref<128x128xf32, #tpu.memory_space<vmem>>) target(%dma_start3A_95 : memref<10000x128xf32, #tpu.memory_space<vmem_shared>>) offsets(%dma_start3A_92 : memref<128xi32, #tpu.memory_space<vmem>>) semaphore(%arg18 : memref<!tpu.dma_semaphore, #tpu.memory_space<semaphore_mem>>) {add = true}
      %dma_wait3A_96 = arith.constant 0 : i32
      %dma_wait3A_97 = arith.constant 0 : i32
      %dma_wait3A_98 = arith.constant 0 : i32
      %dma_wait3A_99 = arith.constant 0 : i32
      %dma_wait3A_100 = tpu.memref_slice %arg11[%dma_wait3A_96, %dma_wait3A_98, %dma_wait3A_99] : memref<2x128x128xf32, #tpu.memory_space<vmem>> -> memref<1x128x128xf32, #tpu.memory_space<vmem>>
      %dma_wait3A_101 = tpu.memref_squeeze %dma_wait3A_100 : memref<1x128x128xf32, #tpu.memory_space<vmem>> -> memref<128x128xf32, #tpu.memory_space<vmem>>
      %dma_wait3A_102 = arith.constant 0 : i32
      %dma_wait3A_103 = tpu.memref_slice %arg10[%rem3A_49, %dma_wait3A_97, %dma_wait3A_102] : memref<2x8x128xi32, #tpu.memory_space<vmem>> -> memref<1x1x128xi32, #tpu.memory_space<vmem>>
      %dma_wait3A_104 = tpu.memref_squeeze %dma_wait3A_103 : memref<1x1x128xi32, #tpu.memory_space<vmem>> -> memref<128xi32, #tpu.memory_space<vmem>>
      %dma_wait3A_105 = arith.constant 0 : i32
      %dma_wait3A_106 = arith.constant 0 : i32
      %dma_wait3A_107 = tpu.memref_slice %arg14[%dma_wait3A_105, %dma_wait3A_106] : memref<10000x128xf32, #tpu.memory_space<vmem_shared>> -> memref<10000x128xf32, #tpu.memory_space<vmem_shared>>
      tpu.wait_indirect_dma semaphore(%arg18 : memref<!tpu.dma_semaphore, #tpu.memory_space<semaphore_mem>>) src(%dma_wait3A_101 : memref<128x128xf32, #tpu.memory_space<vmem>>) dst(%dma_wait3A_107 : memref<10000x128xf32, #tpu.memory_space<vmem_shared>>)
      %dma_start3A_108 = arith.constant 2 : i32
      %dma_start3A_109 = arith.constant 0 : i32
      %dma_start3A_110 = arith.constant 0 : i32
      %dma_start3A_111 = arith.constant 0 : i32
      %dma_start3A_112 = tpu.memref_slice %arg11[%dma_start3A_109, %dma_start3A_110, %dma_start3A_111] : memref<2x128x128xf32, #tpu.memory_space<vmem>> -> memref<1x128x128xf32, #tpu.memory_space<vmem>>
      %dma_start3A_113 = tpu.memref_squeeze %dma_start3A_112 : memref<1x128x128xf32, #tpu.memory_space<vmem>> -> memref<128x128xf32, #tpu.memory_space<vmem>>
      %dma_start3A_114 = arith.constant 0 : i32
      %dma_start3A_115 = tpu.memref_slice %arg9[%rem3A_49, %dma_start3A_108, %dma_start3A_114] : memref<2x8x128xi32, #tpu.memory_space<vmem>> -> memref<1x1x128xi32, #tpu.memory_space<vmem>>
      %dma_start3A_116 = tpu.memref_squeeze %dma_start3A_115 : memref<1x1x128xi32, #tpu.memory_space<vmem>> -> memref<128xi32, #tpu.memory_space<vmem>>
      %dma_start3A_117 = arith.constant 0 : i32
      %dma_start3A_118 = arith.constant 0 : i32
      %dma_start3A_119 = tpu.memref_slice %arg2[%dma_start3A_117, %dma_start3A_118] : memref<10000x128xf32, #tpu.memory_space<hbm>> -> memref<10000x128xf32, #tpu.memory_space<hbm>>
      tpu.enqueue_indirect_dma source(%dma_start3A_119 : memref<10000x128xf32, #tpu.memory_space<hbm>>) target(%dma_start3A_113 : memref<128x128xf32, #tpu.memory_space<vmem>>) offsets(%dma_start3A_116 : memref<128xi32, #tpu.memory_space<vmem>>) semaphore(%arg16 : memref<!tpu.dma_semaphore, #tpu.memory_space<semaphore_mem>>)
      %dma_wait3A_120 = arith.constant 1 : i32
      %dma_wait3A_121 = arith.constant 1 : i32
      %dma_wait3A_122 = arith.constant 0 : i32
      %dma_wait3A_123 = arith.constant 0 : i32
      %dma_wait3A_124 = tpu.memref_slice %arg11[%dma_wait3A_121, %dma_wait3A_122, %dma_wait3A_123] : memref<2x128x128xf32, #tpu.memory_space<vmem>> -> memref<1x128x128xf32, #tpu.memory_space<vmem>>
      %dma_wait3A_125 = tpu.memref_squeeze %dma_wait3A_124 : memref<1x128x128xf32, #tpu.memory_space<vmem>> -> memref<128x128xf32, #tpu.memory_space<vmem>>
      %dma_wait3A_126 = arith.constant 0 : i32
      %dma_wait3A_127 = tpu.memref_slice %arg9[%rem3A_49, %dma_wait3A_120, %dma_wait3A_126] : memref<2x8x128xi32, #tpu.memory_space<vmem>> -> memref<1x1x128xi32, #tpu.memory_space<vmem>>
      %dma_wait3A_128 = tpu.memref_squeeze %dma_wait3A_127 : memref<1x1x128xi32, #tpu.memory_space<vmem>> -> memref<128xi32, #tpu.memory_space<vmem>>
      %dma_wait3A_129 = arith.constant 0 : i32
      %dma_wait3A_130 = arith.constant 0 : i32
      %dma_wait3A_131 = tpu.memref_slice %arg2[%dma_wait3A_129, %dma_wait3A_130] : memref<10000x128xf32, #tpu.memory_space<hbm>> -> memref<10000x128xf32, #tpu.memory_space<hbm>>
      tpu.wait_indirect_dma semaphore(%arg17 : memref<!tpu.dma_semaphore, #tpu.memory_space<semaphore_mem>>) src(%dma_wait3A_131 : memref<10000x128xf32, #tpu.memory_space<hbm>>) dst(%dma_wait3A_125 : memref<128x128xf32, #tpu.memory_space<vmem>>)
      %dma_start3A_132 = arith.constant 1 : i32
      %dma_start3A_133 = arith.constant 1 : i32
      %dma_start3A_134 = arith.constant 0 : i32
      %dma_start3A_135 = arith.constant 0 : i32
      %dma_start3A_136 = tpu.memref_slice %arg11[%dma_start3A_132, %dma_start3A_134, %dma_start3A_135] : memref<2x128x128xf32, #tpu.memory_space<vmem>> -> memref<1x128x128xf32, #tpu.memory_space<vmem>>
      %dma_start3A_137 = tpu.memref_squeeze %dma_start3A_136 : memref<1x128x128xf32, #tpu.memory_space<vmem>> -> memref<128x128xf32, #tpu.memory_space<vmem>>
      %dma_start3A_138 = arith.constant 0 : i32
      %dma_start3A_139 = tpu.memref_slice %arg10[%rem3A_49, %dma_start3A_133, %dma_start3A_138] : memref<2x8x128xi32, #tpu.memory_space<vmem>> -> memref<1x1x128xi32, #tpu.memory_space<vmem>>
      %dma_start3A_140 = tpu.memref_squeeze %dma_start3A_139 : memref<1x1x128xi32, #tpu.memory_space<vmem>> -> memref<128xi32, #tpu.memory_space<vmem>>
      %dma_start3A_141 = arith.constant 0 : i32
      %dma_start3A_142 = arith.constant 0 : i32
      %dma_start3A_143 = tpu.memref_slice %arg14[%dma_start3A_141, %dma_start3A_142] : memref<10000x128xf32, #tpu.memory_space<vmem_shared>> -> memref<10000x128xf32, #tpu.memory_space<vmem_shared>>
      tpu.enqueue_indirect_dma source(%dma_start3A_137 : memref<128x128xf32, #tpu.memory_space<vmem>>) target(%dma_start3A_143 : memref<10000x128xf32, #tpu.memory_space<vmem_shared>>) offsets(%dma_start3A_140 : memref<128xi32, #tpu.memory_space<vmem>>) semaphore(%arg19 : memref<!tpu.dma_semaphore, #tpu.memory_space<semaphore_mem>>) {add = true}
      %dma_wait3A_144 = arith.constant 1 : i32
      %dma_wait3A_145 = arith.constant 1 : i32
      %dma_wait3A_146 = arith.constant 0 : i32
      %dma_wait3A_147 = arith.constant 0 : i32
      %dma_wait3A_148 = tpu.memref_slice %arg11[%dma_wait3A_144, %dma_wait3A_146, %dma_wait3A_147] : memref<2x128x128xf32, #tpu.memory_space<vmem>> -> memref<1x128x128xf32, #tpu.memory_space<vmem>>
      %dma_wait3A_149 = tpu.memref_squeeze %dma_wait3A_148 : memref<1x128x128xf32, #tpu.memory_space<vmem>> -> memref<128x128xf32, #tpu.memory_space<vmem>>
      %dma_wait3A_150 = arith.constant 0 : i32
      %dma_wait3A_151 = tpu.memref_slice %arg10[%rem3A_49, %dma_wait3A_145, %dma_wait3A_150] : memref<2x8x128xi32, #tpu.memory_space<vmem>> -> memref<1x1x128xi32, #tpu.memory_space<vmem>>
      %dma_wait3A_152 = tpu.memref_squeeze %dma_wait3A_151 : memref<1x1x128xi32, #tpu.memory_space<vmem>> -> memref<128xi32, #tpu.memory_space<vmem>>
      %dma_wait3A_153 = arith.constant 0 : i32
      %dma_wait3A_154 = arith.constant 0 : i32
      %dma_wait3A_155 = tpu.memref_slice %arg14[%dma_wait3A_153, %dma_wait3A_154] : memref<10000x128xf32, #tpu.memory_space<vmem_shared>> -> memref<10000x128xf32, #tpu.memory_space<vmem_shared>>
      tpu.wait_indirect_dma semaphore(%arg19 : memref<!tpu.dma_semaphore, #tpu.memory_space<semaphore_mem>>) src(%dma_wait3A_149 : memref<128x128xf32, #tpu.memory_space<vmem>>) dst(%dma_wait3A_155 : memref<10000x128xf32, #tpu.memory_space<vmem_shared>>)
      %dma_start3A_156 = arith.constant 3 : i32
      %dma_start3A_157 = arith.constant 1 : i32
      %dma_start3A_158 = arith.constant 0 : i32
      %dma_start3A_159 = arith.constant 0 : i32
      %dma_start3A_160 = tpu.memref_slice %arg11[%dma_start3A_157, %dma_start3A_158, %dma_start3A_159] : memref<2x128x128xf32, #tpu.memory_space<vmem>> -> memref<1x128x128xf32, #tpu.memory_space<vmem>>
      %dma_start3A_161 = tpu.memref_squeeze %dma_start3A_160 : memref<1x128x128xf32, #tpu.memory_space<vmem>> -> memref<128x128xf32, #tpu.memory_space<vmem>>
      %dma_start3A_162 = arith.constant 0 : i32
      %dma_start3A_163 = tpu.memref_slice %arg9[%rem3A_49, %dma_start3A_156, %dma_start3A_162] : memref<2x8x128xi32, #tpu.memory_space<vmem>> -> memref<1x1x128xi32, #tpu.memory_space<vmem>>
      %dma_start3A_164 = tpu.memref_squeeze %dma_start3A_163 : memref<1x1x128xi32, #tpu.memory_space<vmem>> -> memref<128xi32, #tpu.memory_space<vmem>>
      %dma_start3A_165 = arith.constant 0 : i32
      %dma_start3A_166 = arith.constant 0 : i32
      %dma_start3A_167 = tpu.memref_slice %arg2[%dma_start3A_165, %dma_start3A_166] : memref<10000x128xf32, #tpu.memory_space<hbm>> -> memref<10000x128xf32, #tpu.memory_space<hbm>>
      tpu.enqueue_indirect_dma source(%dma_start3A_167 : memref<10000x128xf32, #tpu.memory_space<hbm>>) target(%dma_start3A_161 : memref<128x128xf32, #tpu.memory_space<vmem>>) offsets(%dma_start3A_164 : memref<128xi32, #tpu.memory_space<vmem>>) semaphore(%arg17 : memref<!tpu.dma_semaphore, #tpu.memory_space<semaphore_mem>>)
      %dma_wait3A_168 = arith.constant 2 : i32
      %dma_wait3A_169 = arith.constant 0 : i32
      %dma_wait3A_170 = arith.constant 0 : i32
      %dma_wait3A_171 = arith.constant 0 : i32
      %dma_wait3A_172 = tpu.memref_slice %arg11[%dma_wait3A_169, %dma_wait3A_170, %dma_wait3A_171] : memref<2x128x128xf32, #tpu.memory_space<vmem>> -> memref<1x128x128xf32, #tpu.memory_space<vmem>>
      %dma_wait3A_173 = tpu.memref_squeeze %dma_wait3A_172 : memref<1x128x128xf32, #tpu.memory_space<vmem>> -> memref<128x128xf32, #tpu.memory_space<vmem>>
      %dma_wait3A_174 = arith.constant 0 : i32
      %dma_wait3A_175 = tpu.memref_slice %arg9[%rem3A_49, %dma_wait3A_168, %dma_wait3A_174] : memref<2x8x128xi32, #tpu.memory_space<vmem>> -> memref<1x1x128xi32, #tpu.memory_space<vmem>>
      %dma_wait3A_176 = tpu.memref_squeeze %dma_wait3A_175 : memref<1x1x128xi32, #tpu.memory_space<vmem>> -> memref<128xi32, #tpu.memory_space<vmem>>
      %dma_wait3A_177 = arith.constant 0 : i32
      %dma_wait3A_178 = arith.constant 0 : i32
      %dma_wait3A_179 = tpu.memref_slice %arg2[%dma_wait3A_177, %dma_wait3A_178] : memref<10000x128xf32, #tpu.memory_space<hbm>> -> memref<10000x128xf32, #tpu.memory_space<hbm>>
      tpu.wait_indirect_dma semaphore(%arg16 : memref<!tpu.dma_semaphore, #tpu.memory_space<semaphore_mem>>) src(%dma_wait3A_179 : memref<10000x128xf32, #tpu.memory_space<hbm>>) dst(%dma_wait3A_173 : memref<128x128xf32, #tpu.memory_space<vmem>>)
      %dma_start3A_180 = arith.constant 0 : i32
      %dma_start3A_181 = arith.constant 2 : i32
      %dma_start3A_182 = arith.constant 0 : i32
      %dma_start3A_183 = arith.constant 0 : i32
      %dma_start3A_184 = tpu.memref_slice %arg11[%dma_start3A_180, %dma_start3A_182, %dma_start3A_183] : memref<2x128x128xf32, #tpu.memory_space<vmem>> -> memref<1x128x128xf32, #tpu.memory_space<vmem>>
      %dma_start3A_185 = tpu.memref_squeeze %dma_start3A_184 : memref<1x128x128xf32, #tpu.memory_space<vmem>> -> memref<128x128xf32, #tpu.memory_space<vmem>>
      %dma_start3A_186 = arith.constant 0 : i32
      %dma_start3A_187 = tpu.memref_slice %arg10[%rem3A_49, %dma_start3A_181, %dma_start3A_186] : memref<2x8x128xi32, #tpu.memory_space<vmem>> -> memref<1x1x128xi32, #tpu.memory_space<vmem>>
      %dma_start3A_188 = tpu.memref_squeeze %dma_start3A_187 : memref<1x1x128xi32, #tpu.memory_space<vmem>> -> memref<128xi32, #tpu.memory_space<vmem>>
      %dma_start3A_189 = arith.constant 0 : i32
      %dma_start3A_190 = arith.constant 0 : i32
      %dma_start3A_191 = tpu.memref_slice %arg14[%dma_start3A_189, %dma_start3A_190] : memref<10000x128xf32, #tpu.memory_space<vmem_shared>> -> memref<10000x128xf32, #tpu.memory_space<vmem_shared>>
      tpu.enqueue_indirect_dma source(%dma_start3A_185 : memref<128x128xf32, #tpu.memory_space<vmem>>) target(%dma_start3A_191 : memref<10000x128xf32, #tpu.memory_space<vmem_shared>>) offsets(%dma_start3A_188 : memref<128xi32, #tpu.memory_space<vmem>>) semaphore(%arg18 : memref<!tpu.dma_semaphore, #tpu.memory_space<semaphore_mem>>) {add = true}
      %dma_wait3A_192 = arith.constant 0 : i32
      %dma_wait3A_193 = arith.constant 2 : i32
      %dma_wait3A_194 = arith.constant 0 : i32
      %dma_wait3A_195 = arith.constant 0 : i32
      %dma_wait3A_196 = tpu.memref_slice %arg11[%dma_wait3A_192, %dma_wait3A_194, %dma_wait3A_195] : memref<2x128x128xf32, #tpu.memory_space<vmem>> -> memref<1x128x128xf32, #tpu.memory_space<vmem>>
      %dma_wait3A_197 = tpu.memref_squeeze %dma_wait3A_196 : memref<1x128x128xf32, #tpu.memory_space<vmem>> -> memref<128x128xf32, #tpu.memory_space<vmem>>
      %dma_wait3A_198 = arith.constant 0 : i32
      %dma_wait3A_199 = tpu.memref_slice %arg10[%rem3A_49, %dma_wait3A_193, %dma_wait3A_198] : memref<2x8x128xi32, #tpu.memory_space<vmem>> -> memref<1x1x128xi32, #tpu.memory_space<vmem>>
      %dma_wait3A_200 = tpu.memref_squeeze %dma_wait3A_199 : memref<1x1x128xi32, #tpu.memory_space<vmem>> -> memref<128xi32, #tpu.memory_space<vmem>>
      %dma_wait3A_201 = arith.constant 0 : i32
      %dma_wait3A_202 = arith.constant 0 : i32
      %dma_wait3A_203 = tpu.memref_slice %arg14[%dma_wait3A_201, %dma_wait3A_202] : memref<10000x128xf32, #tpu.memory_space<vmem_shared>> -> memref<10000x128xf32, #tpu.memory_space<vmem_shared>>
      tpu.wait_indirect_dma semaphore(%arg18 : memref<!tpu.dma_semaphore, #tpu.memory_space<semaphore_mem>>) src(%dma_wait3A_197 : memref<128x128xf32, #tpu.memory_space<vmem>>) dst(%dma_wait3A_203 : memref<10000x128xf32, #tpu.memory_space<vmem_shared>>)
      %dma_start3A_204 = arith.constant 4 : i32
      %dma_start3A_205 = arith.constant 0 : i32
      %dma_start3A_206 = arith.constant 0 : i32
      %dma_start3A_207 = arith.constant 0 : i32
      %dma_start3A_208 = tpu.memref_slice %arg11[%dma_start3A_205, %dma_start3A_206, %dma_start3A_207] : memref<2x128x128xf32, #tpu.memory_space<vmem>> -> memref<1x128x128xf32, #tpu.memory_space<vmem>>
      %dma_start3A_209 = tpu.memref_squeeze %dma_start3A_208 : memref<1x128x128xf32, #tpu.memory_space<vmem>> -> memref<128x128xf32, #tpu.memory_space<vmem>>
      %dma_start3A_210 = arith.constant 0 : i32
      %dma_start3A_211 = tpu.memref_slice %arg9[%rem3A_49, %dma_start3A_204, %dma_start3A_210] : memref<2x8x128xi32, #tpu.memory_space<vmem>> -> memref<1x1x128xi32, #tpu.memory_space<vmem>>
      %dma_start3A_212 = tpu.memref_squeeze %dma_start3A_211 : memref<1x1x128xi32, #tpu.memory_space<vmem>> -> memref<128xi32, #tpu.memory_space<vmem>>
      %dma_start3A_213 = arith.constant 0 : i32
      %dma_start3A_214 = arith.constant 0 : i32
      %dma_start3A_215 = tpu.memref_slice %arg2[%dma_start3A_213, %dma_start3A_214] : memref<10000x128xf32, #tpu.memory_space<hbm>> -> memref<10000x128xf32, #tpu.memory_space<hbm>>
      tpu.enqueue_indirect_dma source(%dma_start3A_215 : memref<10000x128xf32, #tpu.memory_space<hbm>>) target(%dma_start3A_209 : memref<128x128xf32, #tpu.memory_space<vmem>>) offsets(%dma_start3A_212 : memref<128xi32, #tpu.memory_space<vmem>>) semaphore(%arg16 : memref<!tpu.dma_semaphore, #tpu.memory_space<semaphore_mem>>)
      %dma_wait3A_216 = arith.constant 3 : i32
      %dma_wait3A_217 = arith.constant 1 : i32
      %dma_wait3A_218 = arith.constant 0 : i32
      %dma_wait3A_219 = arith.constant 0 : i32
      %dma_wait3A_220 = tpu.memref_slice %arg11[%dma_wait3A_217, %dma_wait3A_218, %dma_wait3A_219] : memref<2x128x128xf32, #tpu.memory_space<vmem>> -> memref<1x128x128xf32, #tpu.memory_space<vmem>>
      %dma_wait3A_221 = tpu.memref_squeeze %dma_wait3A_220 : memref<1x128x128xf32, #tpu.memory_space<vmem>> -> memref<128x128xf32, #tpu.memory_space<vmem>>
      %dma_wait3A_222 = arith.constant 0 : i32
      %dma_wait3A_223 = tpu.memref_slice %arg9[%rem3A_49, %dma_wait3A_216, %dma_wait3A_222] : memref<2x8x128xi32, #tpu.memory_space<vmem>> -> memref<1x1x128xi32, #tpu.memory_space<vmem>>
      %dma_wait3A_224 = tpu.memref_squeeze %dma_wait3A_223 : memref<1x1x128xi32, #tpu.memory_space<vmem>> -> memref<128xi32, #tpu.memory_space<vmem>>
      %dma_wait3A_225 = arith.constant 0 : i32
      %dma_wait3A_226 = arith.constant 0 : i32
      %dma_wait3A_227 = tpu.memref_slice %arg2[%dma_wait3A_225, %dma_wait3A_226] : memref<10000x128xf32, #tpu.memory_space<hbm>> -> memref<10000x128xf32, #tpu.memory_space<hbm>>
      tpu.wait_indirect_dma semaphore(%arg17 : memref<!tpu.dma_semaphore, #tpu.memory_space<semaphore_mem>>) src(%dma_wait3A_227 : memref<10000x128xf32, #tpu.memory_space<hbm>>) dst(%dma_wait3A_221 : memref<128x128xf32, #tpu.memory_space<vmem>>)
      %dma_start3A_228 = arith.constant 1 : i32
      %dma_start3A_229 = arith.constant 3 : i32
      %dma_start3A_230 = arith.constant 0 : i32
      %dma_start3A_231 = arith.constant 0 : i32
      %dma_start3A_232 = tpu.memref_slice %arg11[%dma_start3A_228, %dma_start3A_230, %dma_start3A_231] : memref<2x128x128xf32, #tpu.memory_space<vmem>> -> memref<1x128x128xf32, #tpu.memory_space<vmem>>
      %dma_start3A_233 = tpu.memref_squeeze %dma_start3A_232 : memref<1x128x128xf32, #tpu.memory_space<vmem>> -> memref<128x128xf32, #tpu.memory_space<vmem>>
      %dma_start3A_234 = arith.constant 0 : i32
      %dma_start3A_235 = tpu.memref_slice %arg10[%rem3A_49, %dma_start3A_229, %dma_start3A_234] : memref<2x8x128xi32, #tpu.memory_space<vmem>> -> memref<1x1x128xi32, #tpu.memory_space<vmem>>
      %dma_start3A_236 = tpu.memref_squeeze %dma_start3A_235 : memref<1x1x128xi32, #tpu.memory_space<vmem>> -> memref<128xi32, #tpu.memory_space<vmem>>
      %dma_start3A_237 = arith.constant 0 : i32
      %dma_start3A_238 = arith.constant 0 : i32
      %dma_start3A_239 = tpu.memref_slice %arg14[%dma_start3A_237, %dma_start3A_238] : memref<10000x128xf32, #tpu.memory_space<vmem_shared>> -> memref<10000x128xf32, #tpu.memory_space<vmem_shared>>
      tpu.enqueue_indirect_dma source(%dma_start3A_233 : memref<128x128xf32, #tpu.memory_space<vmem>>) target(%dma_start3A_239 : memref<10000x128xf32, #tpu.memory_space<vmem_shared>>) offsets(%dma_start3A_236 : memref<128xi32, #tpu.memory_space<vmem>>) semaphore(%arg19 : memref<!tpu.dma_semaphore, #tpu.memory_space<semaphore_mem>>) {add = true}
      %dma_wait3A_240 = arith.constant 1 : i32
      %dma_wait3A_241 = arith.constant 3 : i32
      %dma_wait3A_242 = arith.constant 0 : i32
      %dma_wait3A_243 = arith.constant 0 : i32
      %dma_wait3A_244 = tpu.memref_slice %arg11[%dma_wait3A_240, %dma_wait3A_242, %dma_wait3A_243] : memref<2x128x128xf32, #tpu.memory_space<vmem>> -> memref<1x128x128xf32, #tpu.memory_space<vmem>>
      %dma_wait3A_245 = tpu.memref_squeeze %dma_wait3A_244 : memref<1x128x128xf32, #tpu.memory_space<vmem>> -> memref<128x128xf32, #tpu.memory_space<vmem>>
      %dma_wait3A_246 = arith.constant 0 : i32
      %dma_wait3A_247 = tpu.memref_slice %arg10[%rem3A_49, %dma_wait3A_241, %dma_wait3A_246] : memref<2x8x128xi32, #tpu.memory_space<vmem>> -> memref<1x1x128xi32, #tpu.memory_space<vmem>>
      %dma_wait3A_248 = tpu.memref_squeeze %dma_wait3A_247 : memref<1x1x128xi32, #tpu.memory_space<vmem>> -> memref<128xi32, #tpu.memory_space<vmem>>
      %dma_wait3A_249 = arith.constant 0 : i32
      %dma_wait3A_250 = arith.constant 0 : i32
      %dma_wait3A_251 = tpu.memref_slice %arg14[%dma_wait3A_249, %dma_wait3A_250] : memref<10000x128xf32, #tpu.memory_space<vmem_shared>> -> memref<10000x128xf32, #tpu.memory_space<vmem_shared>>
      tpu.wait_indirect_dma semaphore(%arg19 : memref<!tpu.dma_semaphore, #tpu.memory_space<semaphore_mem>>) src(%dma_wait3A_245 : memref<128x128xf32, #tpu.memory_space<vmem>>) dst(%dma_wait3A_251 : memref<10000x128xf32, #tpu.memory_space<vmem_shared>>)
      %dma_start3A_252 = arith.constant 5 : i32
      %dma_start3A_253 = arith.constant 1 : i32
      %dma_start3A_254 = arith.constant 0 : i32
      %dma_start3A_255 = arith.constant 0 : i32
      %dma_start3A_256 = tpu.memref_slice %arg11[%dma_start3A_253, %dma_start3A_254, %dma_start3A_255] : memref<2x128x128xf32, #tpu.memory_space<vmem>> -> memref<1x128x128xf32, #tpu.memory_space<vmem>>
      %dma_start3A_257 = tpu.memref_squeeze %dma_start3A_256 : memref<1x128x128xf32, #tpu.memory_space<vmem>> -> memref<128x128xf32, #tpu.memory_space<vmem>>
      %dma_start3A_258 = arith.constant 0 : i32
      %dma_start3A_259 = tpu.memref_slice %arg9[%rem3A_49, %dma_start3A_252, %dma_start3A_258] : memref<2x8x128xi32, #tpu.memory_space<vmem>> -> memref<1x1x128xi32, #tpu.memory_space<vmem>>
      %dma_start3A_260 = tpu.memref_squeeze %dma_start3A_259 : memref<1x1x128xi32, #tpu.memory_space<vmem>> -> memref<128xi32, #tpu.memory_space<vmem>>
      %dma_start3A_261 = arith.constant 0 : i32
      %dma_start3A_262 = arith.constant 0 : i32
      %dma_start3A_263 = tpu.memref_slice %arg2[%dma_start3A_261, %dma_start3A_262] : memref<10000x128xf32, #tpu.memory_space<hbm>> -> memref<10000x128xf32, #tpu.memory_space<hbm>>
      tpu.enqueue_indirect_dma source(%dma_start3A_263 : memref<10000x128xf32, #tpu.memory_space<hbm>>) target(%dma_start3A_257 : memref<128x128xf32, #tpu.memory_space<vmem>>) offsets(%dma_start3A_260 : memref<128xi32, #tpu.memory_space<vmem>>) semaphore(%arg17 : memref<!tpu.dma_semaphore, #tpu.memory_space<semaphore_mem>>)
      %dma_wait3A_264 = arith.constant 4 : i32
      %dma_wait3A_265 = arith.constant 0 : i32
      %dma_wait3A_266 = arith.constant 0 : i32
      %dma_wait3A_267 = arith.constant 0 : i32
      %dma_wait3A_268 = tpu.memref_slice %arg11[%dma_wait3A_265, %dma_wait3A_266, %dma_wait3A_267] : memref<2x128x128xf32, #tpu.memory_space<vmem>> -> memref<1x128x128xf32, #tpu.memory_space<vmem>>
      %dma_wait3A_269 = tpu.memref_squeeze %dma_wait3A_268 : memref<1x128x128xf32, #tpu.memory_space<vmem>> -> memref<128x128xf32, #tpu.memory_space<vmem>>
      %dma_wait3A_270 = arith.constant 0 : i32
      %dma_wait3A_271 = tpu.memref_slice %arg9[%rem3A_49, %dma_wait3A_264, %dma_wait3A_270] : memref<2x8x128xi32, #tpu.memory_space<vmem>> -> memref<1x1x128xi32, #tpu.memory_space<vmem>>
      %dma_wait3A_272 = tpu.memref_squeeze %dma_wait3A_271 : memref<1x1x128xi32, #tpu.memory_space<vmem>> -> memref<128xi32, #tpu.memory_space<vmem>>
      %dma_wait3A_273 = arith.constant 0 : i32
      %dma_wait3A_274 = arith.constant 0 : i32
      %dma_wait3A_275 = tpu.memref_slice %arg2[%dma_wait3A_273, %dma_wait3A_274] : memref<10000x128xf32, #tpu.memory_space<hbm>> -> memref<10000x128xf32, #tpu.memory_space<hbm>>
      tpu.wait_indirect_dma semaphore(%arg16 : memref<!tpu.dma_semaphore, #tpu.memory_space<semaphore_mem>>) src(%dma_wait3A_275 : memref<10000x128xf32, #tpu.memory_space<hbm>>) dst(%dma_wait3A_269 : memref<128x128xf32, #tpu.memory_space<vmem>>)
      %dma_start3A_276 = arith.constant 0 : i32
      %dma_start3A_277 = arith.constant 4 : i32
      %dma_start3A_278 = arith.constant 0 : i32
      %dma_start3A_279 = arith.constant 0 : i32
      %dma_start3A_280 = tpu.memref_slice %arg11[%dma_start3A_276, %dma_start3A_278, %dma_start3A_279] : memref<2x128x128xf32, #tpu.memory_space<vmem>> -> memref<1x128x128xf32, #tpu.memory_space<vmem>>
      %dma_start3A_281 = tpu.memref_squeeze %dma_start3A_280 : memref<1x128x128xf32, #tpu.memory_space<vmem>> -> memref<128x128xf32, #tpu.memory_space<vmem>>
      %dma_start3A_282 = arith.constant 0 : i32
      %dma_start3A_283 = tpu.memref_slice %arg10[%rem3A_49, %dma_start3A_277, %dma_start3A_282] : memref<2x8x128xi32, #tpu.memory_space<vmem>> -> memref<1x1x128xi32, #tpu.memory_space<vmem>>
      %dma_start3A_284 = tpu.memref_squeeze %dma_start3A_283 : memref<1x1x128xi32, #tpu.memory_space<vmem>> -> memref<128xi32, #tpu.memory_space<vmem>>
      %dma_start3A_285 = arith.constant 0 : i32
      %dma_start3A_286 = arith.constant 0 : i32
      %dma_start3A_287 = tpu.memref_slice %arg14[%dma_start3A_285, %dma_start3A_286] : memref<10000x128xf32, #tpu.memory_space<vmem_shared>> -> memref<10000x128xf32, #tpu.memory_space<vmem_shared>>
      tpu.enqueue_indirect_dma source(%dma_start3A_281 : memref<128x128xf32, #tpu.memory_space<vmem>>) target(%dma_start3A_287 : memref<10000x128xf32, #tpu.memory_space<vmem_shared>>) offsets(%dma_start3A_284 : memref<128xi32, #tpu.memory_space<vmem>>) semaphore(%arg18 : memref<!tpu.dma_semaphore, #tpu.memory_space<semaphore_mem>>) {add = true}
      %dma_wait3A_288 = arith.constant 0 : i32
      %dma_wait3A_289 = arith.constant 4 : i32
      %dma_wait3A_290 = arith.constant 0 : i32
      %dma_wait3A_291 = arith.constant 0 : i32
      %dma_wait3A_292 = tpu.memref_slice %arg11[%dma_wait3A_288, %dma_wait3A_290, %dma_wait3A_291] : memref<2x128x128xf32, #tpu.memory_space<vmem>> -> memref<1x128x128xf32, #tpu.memory_space<vmem>>
      %dma_wait3A_293 = tpu.memref_squeeze %dma_wait3A_292 : memref<1x128x128xf32, #tpu.memory_space<vmem>> -> memref<128x128xf32, #tpu.memory_space<vmem>>
      %dma_wait3A_294 = arith.constant 0 : i32
      %dma_wait3A_295 = tpu.memref_slice %arg10[%rem3A_49, %dma_wait3A_289, %dma_wait3A_294] : memref<2x8x128xi32, #tpu.memory_space<vmem>> -> memref<1x1x128xi32, #tpu.memory_space<vmem>>
      %dma_wait3A_296 = tpu.memref_squeeze %dma_wait3A_295 : memref<1x1x128xi32, #tpu.memory_space<vmem>> -> memref<128xi32, #tpu.memory_space<vmem>>
      %dma_wait3A_297 = arith.constant 0 : i32
      %dma_wait3A_298 = arith.constant 0 : i32
      %dma_wait3A_299 = tpu.memref_slice %arg14[%dma_wait3A_297, %dma_wait3A_298] : memref<10000x128xf32, #tpu.memory_space<vmem_shared>> -> memref<10000x128xf32, #tpu.memory_space<vmem_shared>>
      tpu.wait_indirect_dma semaphore(%arg18 : memref<!tpu.dma_semaphore, #tpu.memory_space<semaphore_mem>>) src(%dma_wait3A_293 : memref<128x128xf32, #tpu.memory_space<vmem>>) dst(%dma_wait3A_299 : memref<10000x128xf32, #tpu.memory_space<vmem_shared>>)
      %dma_start3A_300 = arith.constant 6 : i32
      %dma_start3A_301 = arith.constant 0 : i32
      %dma_start3A_302 = arith.constant 0 : i32
      %dma_start3A_303 = arith.constant 0 : i32
      %dma_start3A_304 = tpu.memref_slice %arg11[%dma_start3A_301, %dma_start3A_302, %dma_start3A_303] : memref<2x128x128xf32, #tpu.memory_space<vmem>> -> memref<1x128x128xf32, #tpu.memory_space<vmem>>
      %dma_start3A_305 = tpu.memref_squeeze %dma_start3A_304 : memref<1x128x128xf32, #tpu.memory_space<vmem>> -> memref<128x128xf32, #tpu.memory_space<vmem>>
      %dma_start3A_306 = arith.constant 0 : i32
      %dma_start3A_307 = tpu.memref_slice %arg9[%rem3A_49, %dma_start3A_300, %dma_start3A_306] : memref<2x8x128xi32, #tpu.memory_space<vmem>> -> memref<1x1x128xi32, #tpu.memory_space<vmem>>
      %dma_start3A_308 = tpu.memref_squeeze %dma_start3A_307 : memref<1x1x128xi32, #tpu.memory_space<vmem>> -> memref<128xi32, #tpu.memory_space<vmem>>
      %dma_start3A_309 = arith.constant 0 : i32
      %dma_start3A_310 = arith.constant 0 : i32
      %dma_start3A_311 = tpu.memref_slice %arg2[%dma_start3A_309, %dma_start3A_310] : memref<10000x128xf32, #tpu.memory_space<hbm>> -> memref<10000x128xf32, #tpu.memory_space<hbm>>
      tpu.enqueue_indirect_dma source(%dma_start3A_311 : memref<10000x128xf32, #tpu.memory_space<hbm>>) target(%dma_start3A_305 : memref<128x128xf32, #tpu.memory_space<vmem>>) offsets(%dma_start3A_308 : memref<128xi32, #tpu.memory_space<vmem>>) semaphore(%arg16 : memref<!tpu.dma_semaphore, #tpu.memory_space<semaphore_mem>>)
      %dma_wait3A_312 = arith.constant 5 : i32
      %dma_wait3A_313 = arith.constant 1 : i32
      %dma_wait3A_314 = arith.constant 0 : i32
      %dma_wait3A_315 = arith.constant 0 : i32
      %dma_wait3A_316 = tpu.memref_slice %arg11[%dma_wait3A_313, %dma_wait3A_314, %dma_wait3A_315] : memref<2x128x128xf32, #tpu.memory_space<vmem>> -> memref<1x128x128xf32, #tpu.memory_space<vmem>>
      %dma_wait3A_317 = tpu.memref_squeeze %dma_wait3A_316 : memref<1x128x128xf32, #tpu.memory_space<vmem>> -> memref<128x128xf32, #tpu.memory_space<vmem>>
      %dma_wait3A_318 = arith.constant 0 : i32
      %dma_wait3A_319 = tpu.memref_slice %arg9[%rem3A_49, %dma_wait3A_312, %dma_wait3A_318] : memref<2x8x128xi32, #tpu.memory_space<vmem>> -> memref<1x1x128xi32, #tpu.memory_space<vmem>>
      %dma_wait3A_320 = tpu.memref_squeeze %dma_wait3A_319 : memref<1x1x128xi32, #tpu.memory_space<vmem>> -> memref<128xi32, #tpu.memory_space<vmem>>
      %dma_wait3A_321 = arith.constant 0 : i32
      %dma_wait3A_322 = arith.constant 0 : i32
      %dma_wait3A_323 = tpu.memref_slice %arg2[%dma_wait3A_321, %dma_wait3A_322] : memref<10000x128xf32, #tpu.memory_space<hbm>> -> memref<10000x128xf32, #tpu.memory_space<hbm>>
      tpu.wait_indirect_dma semaphore(%arg17 : memref<!tpu.dma_semaphore, #tpu.memory_space<semaphore_mem>>) src(%dma_wait3A_323 : memref<10000x128xf32, #tpu.memory_space<hbm>>) dst(%dma_wait3A_317 : memref<128x128xf32, #tpu.memory_space<vmem>>)
      %dma_start3A_324 = arith.constant 1 : i32
      %dma_start3A_325 = arith.constant 5 : i32
      %dma_start3A_326 = arith.constant 0 : i32
      %dma_start3A_327 = arith.constant 0 : i32
      %dma_start3A_328 = tpu.memref_slice %arg11[%dma_start3A_324, %dma_start3A_326, %dma_start3A_327] : memref<2x128x128xf32, #tpu.memory_space<vmem>> -> memref<1x128x128xf32, #tpu.memory_space<vmem>>
      %dma_start3A_329 = tpu.memref_squeeze %dma_start3A_328 : memref<1x128x128xf32, #tpu.memory_space<vmem>> -> memref<128x128xf32, #tpu.memory_space<vmem>>
      %dma_start3A_330 = arith.constant 0 : i32
      %dma_start3A_331 = tpu.memref_slice %arg10[%rem3A_49, %dma_start3A_325, %dma_start3A_330] : memref<2x8x128xi32, #tpu.memory_space<vmem>> -> memref<1x1x128xi32, #tpu.memory_space<vmem>>
      %dma_start3A_332 = tpu.memref_squeeze %dma_start3A_331 : memref<1x1x128xi32, #tpu.memory_space<vmem>> -> memref<128xi32, #tpu.memory_space<vmem>>
      %dma_start3A_333 = arith.constant 0 : i32
      %dma_start3A_334 = arith.constant 0 : i32
      %dma_start3A_335 = tpu.memref_slice %arg14[%dma_start3A_333, %dma_start3A_334] : memref<10000x128xf32, #tpu.memory_space<vmem_shared>> -> memref<10000x128xf32, #tpu.memory_space<vmem_shared>>
      tpu.enqueue_indirect_dma source(%dma_start3A_329 : memref<128x128xf32, #tpu.memory_space<vmem>>) target(%dma_start3A_335 : memref<10000x128xf32, #tpu.memory_space<vmem_shared>>) offsets(%dma_start3A_332 : memref<128xi32, #tpu.memory_space<vmem>>) semaphore(%arg19 : memref<!tpu.dma_semaphore, #tpu.memory_space<semaphore_mem>>) {add = true}
      %dma_wait3A_336 = arith.constant 1 : i32
      %dma_wait3A_337 = arith.constant 5 : i32
      %dma_wait3A_338 = arith.constant 0 : i32
      %dma_wait3A_339 = arith.constant 0 : i32
      %dma_wait3A_340 = tpu.memref_slice %arg11[%dma_wait3A_336, %dma_wait3A_338, %dma_wait3A_339] : memref<2x128x128xf32, #tpu.memory_space<vmem>> -> memref<1x128x128xf32, #tpu.memory_space<vmem>>
      %dma_wait3A_341 = tpu.memref_squeeze %dma_wait3A_340 : memref<1x128x128xf32, #tpu.memory_space<vmem>> -> memref<128x128xf32, #tpu.memory_space<vmem>>
      %dma_wait3A_342 = arith.constant 0 : i32
      %dma_wait3A_343 = tpu.memref_slice %arg10[%rem3A_49, %dma_wait3A_337, %dma_wait3A_342] : memref<2x8x128xi32, #tpu.memory_space<vmem>> -> memref<1x1x128xi32, #tpu.memory_space<vmem>>
      %dma_wait3A_344 = tpu.memref_squeeze %dma_wait3A_343 : memref<1x1x128xi32, #tpu.memory_space<vmem>> -> memref<128xi32, #tpu.memory_space<vmem>>
      %dma_wait3A_345 = arith.constant 0 : i32
      %dma_wait3A_346 = arith.constant 0 : i32
      %dma_wait3A_347 = tpu.memref_slice %arg14[%dma_wait3A_345, %dma_wait3A_346] : memref<10000x128xf32, #tpu.memory_space<vmem_shared>> -> memref<10000x128xf32, #tpu.memory_space<vmem_shared>>
      tpu.wait_indirect_dma semaphore(%arg19 : memref<!tpu.dma_semaphore, #tpu.memory_space<semaphore_mem>>) src(%dma_wait3A_341 : memref<128x128xf32, #tpu.memory_space<vmem>>) dst(%dma_wait3A_347 : memref<10000x128xf32, #tpu.memory_space<vmem_shared>>)
      %dma_start3A_348 = arith.constant 7 : i32
      %dma_start3A_349 = arith.constant 1 : i32
      %dma_start3A_350 = arith.constant 0 : i32
      %dma_start3A_351 = arith.constant 0 : i32
      %dma_start3A_352 = tpu.memref_slice %arg11[%dma_start3A_349, %dma_start3A_350, %dma_start3A_351] : memref<2x128x128xf32, #tpu.memory_space<vmem>> -> memref<1x128x128xf32, #tpu.memory_space<vmem>>
      %dma_start3A_353 = tpu.memref_squeeze %dma_start3A_352 : memref<1x128x128xf32, #tpu.memory_space<vmem>> -> memref<128x128xf32, #tpu.memory_space<vmem>>
      %dma_start3A_354 = arith.constant 0 : i32
      %dma_start3A_355 = tpu.memref_slice %arg9[%rem3A_49, %dma_start3A_348, %dma_start3A_354] : memref<2x8x128xi32, #tpu.memory_space<vmem>> -> memref<1x1x128xi32, #tpu.memory_space<vmem>>
      %dma_start3A_356 = tpu.memref_squeeze %dma_start3A_355 : memref<1x1x128xi32, #tpu.memory_space<vmem>> -> memref<128xi32, #tpu.memory_space<vmem>>
      %dma_start3A_357 = arith.constant 0 : i32
      %dma_start3A_358 = arith.constant 0 : i32
      %dma_start3A_359 = tpu.memref_slice %arg2[%dma_start3A_357, %dma_start3A_358] : memref<10000x128xf32, #tpu.memory_space<hbm>> -> memref<10000x128xf32, #tpu.memory_space<hbm>>
      tpu.enqueue_indirect_dma source(%dma_start3A_359 : memref<10000x128xf32, #tpu.memory_space<hbm>>) target(%dma_start3A_353 : memref<128x128xf32, #tpu.memory_space<vmem>>) offsets(%dma_start3A_356 : memref<128xi32, #tpu.memory_space<vmem>>) semaphore(%arg17 : memref<!tpu.dma_semaphore, #tpu.memory_space<semaphore_mem>>)
      %dma_wait3A_360 = arith.constant 6 : i32
      %dma_wait3A_361 = arith.constant 0 : i32
      %dma_wait3A_362 = arith.constant 0 : i32
      %dma_wait3A_363 = arith.constant 0 : i32
      %dma_wait3A_364 = tpu.memref_slice %arg11[%dma_wait3A_361, %dma_wait3A_362, %dma_wait3A_363] : memref<2x128x128xf32, #tpu.memory_space<vmem>> -> memref<1x128x128xf32, #tpu.memory_space<vmem>>
      %dma_wait3A_365 = tpu.memref_squeeze %dma_wait3A_364 : memref<1x128x128xf32, #tpu.memory_space<vmem>> -> memref<128x128xf32, #tpu.memory_space<vmem>>
      %dma_wait3A_366 = arith.constant 0 : i32
      %dma_wait3A_367 = tpu.memref_slice %arg9[%rem3A_49, %dma_wait3A_360, %dma_wait3A_366] : memref<2x8x128xi32, #tpu.memory_space<vmem>> -> memref<1x1x128xi32, #tpu.memory_space<vmem>>
      %dma_wait3A_368 = tpu.memref_squeeze %dma_wait3A_367 : memref<1x1x128xi32, #tpu.memory_space<vmem>> -> memref<128xi32, #tpu.memory_space<vmem>>
      %dma_wait3A_369 = arith.constant 0 : i32
      %dma_wait3A_370 = arith.constant 0 : i32
      %dma_wait3A_371 = tpu.memref_slice %arg2[%dma_wait3A_369, %dma_wait3A_370] : memref<10000x128xf32, #tpu.memory_space<hbm>> -> memref<10000x128xf32, #tpu.memory_space<hbm>>
      tpu.wait_indirect_dma semaphore(%arg16 : memref<!tpu.dma_semaphore, #tpu.memory_space<semaphore_mem>>) src(%dma_wait3A_371 : memref<10000x128xf32, #tpu.memory_space<hbm>>) dst(%dma_wait3A_365 : memref<128x128xf32, #tpu.memory_space<vmem>>)
      %dma_start3A_372 = arith.constant 0 : i32
      %dma_start3A_373 = arith.constant 6 : i32
      %dma_start3A_374 = arith.constant 0 : i32
      %dma_start3A_375 = arith.constant 0 : i32
      %dma_start3A_376 = tpu.memref_slice %arg11[%dma_start3A_372, %dma_start3A_374, %dma_start3A_375] : memref<2x128x128xf32, #tpu.memory_space<vmem>> -> memref<1x128x128xf32, #tpu.memory_space<vmem>>
      %dma_start3A_377 = tpu.memref_squeeze %dma_start3A_376 : memref<1x128x128xf32, #tpu.memory_space<vmem>> -> memref<128x128xf32, #tpu.memory_space<vmem>>
      %dma_start3A_378 = arith.constant 0 : i32
      %dma_start3A_379 = tpu.memref_slice %arg10[%rem3A_49, %dma_start3A_373, %dma_start3A_378] : memref<2x8x128xi32, #tpu.memory_space<vmem>> -> memref<1x1x128xi32, #tpu.memory_space<vmem>>
      %dma_start3A_380 = tpu.memref_squeeze %dma_start3A_379 : memref<1x1x128xi32, #tpu.memory_space<vmem>> -> memref<128xi32, #tpu.memory_space<vmem>>
      %dma_start3A_381 = arith.constant 0 : i32
      %dma_start3A_382 = arith.constant 0 : i32
      %dma_start3A_383 = tpu.memref_slice %arg14[%dma_start3A_381, %dma_start3A_382] : memref<10000x128xf32, #tpu.memory_space<vmem_shared>> -> memref<10000x128xf32, #tpu.memory_space<vmem_shared>>
      tpu.enqueue_indirect_dma source(%dma_start3A_377 : memref<128x128xf32, #tpu.memory_space<vmem>>) target(%dma_start3A_383 : memref<10000x128xf32, #tpu.memory_space<vmem_shared>>) offsets(%dma_start3A_380 : memref<128xi32, #tpu.memory_space<vmem>>) semaphore(%arg18 : memref<!tpu.dma_semaphore, #tpu.memory_space<semaphore_mem>>) {add = true}
      %dma_wait3A_384 = arith.constant 0 : i32
      %dma_wait3A_385 = arith.constant 6 : i32
      %dma_wait3A_386 = arith.constant 0 : i32
      %dma_wait3A_387 = arith.constant 0 : i32
      %dma_wait3A_388 = tpu.memref_slice %arg11[%dma_wait3A_384, %dma_wait3A_386, %dma_wait3A_387] : memref<2x128x128xf32, #tpu.memory_space<vmem>> -> memref<1x128x128xf32, #tpu.memory_space<vmem>>
      %dma_wait3A_389 = tpu.memref_squeeze %dma_wait3A_388 : memref<1x128x128xf32, #tpu.memory_space<vmem>> -> memref<128x128xf32, #tpu.memory_space<vmem>>
      %dma_wait3A_390 = arith.constant 0 : i32
      %dma_wait3A_391 = tpu.memref_slice %arg10[%rem3A_49, %dma_wait3A_385, %dma_wait3A_390] : memref<2x8x128xi32, #tpu.memory_space<vmem>> -> memref<1x1x128xi32, #tpu.memory_space<vmem>>
      %dma_wait3A_392 = tpu.memref_squeeze %dma_wait3A_391 : memref<1x1x128xi32, #tpu.memory_space<vmem>> -> memref<128xi32, #tpu.memory_space<vmem>>
      %dma_wait3A_393 = arith.constant 0 : i32
      %dma_wait3A_394 = arith.constant 0 : i32
      %dma_wait3A_395 = tpu.memref_slice %arg14[%dma_wait3A_393, %dma_wait3A_394] : memref<10000x128xf32, #tpu.memory_space<vmem_shared>> -> memref<10000x128xf32, #tpu.memory_space<vmem_shared>>
      tpu.wait_indirect_dma semaphore(%arg18 : memref<!tpu.dma_semaphore, #tpu.memory_space<semaphore_mem>>) src(%dma_wait3A_389 : memref<128x128xf32, #tpu.memory_space<vmem>>) dst(%dma_wait3A_395 : memref<10000x128xf32, #tpu.memory_space<vmem_shared>>)
      %dma_wait3A_396 = arith.constant 7 : i32
      %dma_wait3A_397 = arith.constant 1 : i32
      %dma_wait3A_398 = arith.constant 0 : i32
      %dma_wait3A_399 = arith.constant 0 : i32
      %dma_wait3A_400 = tpu.memref_slice %arg11[%dma_wait3A_397, %dma_wait3A_398, %dma_wait3A_399] : memref<2x128x128xf32, #tpu.memory_space<vmem>> -> memref<1x128x128xf32, #tpu.memory_space<vmem>>
      %dma_wait3A_401 = tpu.memref_squeeze %dma_wait3A_400 : memref<1x128x128xf32, #tpu.memory_space<vmem>> -> memref<128x128xf32, #tpu.memory_space<vmem>>
      %dma_wait3A_402 = arith.constant 0 : i32
      %dma_wait3A_403 = tpu.memref_slice %arg9[%rem3A_49, %dma_wait3A_396, %dma_wait3A_402] : memref<2x8x128xi32, #tpu.memory_space<vmem>> -> memref<1x1x128xi32, #tpu.memory_space<vmem>>
      %dma_wait3A_404 = tpu.memref_squeeze %dma_wait3A_403 : memref<1x1x128xi32, #tpu.memory_space<vmem>> -> memref<128xi32, #tpu.memory_space<vmem>>
      %dma_wait3A_405 = arith.constant 0 : i32
      %dma_wait3A_406 = arith.constant 0 : i32
      %dma_wait3A_407 = tpu.memref_slice %arg2[%dma_wait3A_405, %dma_wait3A_406] : memref<10000x128xf32, #tpu.memory_space<hbm>> -> memref<10000x128xf32, #tpu.memory_space<hbm>>
      tpu.wait_indirect_dma semaphore(%arg17 : memref<!tpu.dma_semaphore, #tpu.memory_space<semaphore_mem>>) src(%dma_wait3A_407 : memref<10000x128xf32, #tpu.memory_space<hbm>>) dst(%dma_wait3A_401 : memref<128x128xf32, #tpu.memory_space<vmem>>)
      %dma_start3A_408 = arith.constant 1 : i32
      %dma_start3A_409 = arith.constant 7 : i32
      %dma_start3A_410 = arith.constant 0 : i32
      %dma_start3A_411 = arith.constant 0 : i32
      %dma_start3A_412 = tpu.memref_slice %arg11[%dma_start3A_408, %dma_start3A_410, %dma_start3A_411] : memref<2x128x128xf32, #tpu.memory_space<vmem>> -> memref<1x128x128xf32, #tpu.memory_space<vmem>>
      %dma_start3A_413 = tpu.memref_squeeze %dma_start3A_412 : memref<1x128x128xf32, #tpu.memory_space<vmem>> -> memref<128x128xf32, #tpu.memory_space<vmem>>
      %dma_start3A_414 = arith.constant 0 : i32
      %dma_start3A_415 = tpu.memref_slice %arg10[%rem3A_49, %dma_start3A_409, %dma_start3A_414] : memref<2x8x128xi32, #tpu.memory_space<vmem>> -> memref<1x1x128xi32, #tpu.memory_space<vmem>>
      %dma_start3A_416 = tpu.memref_squeeze %dma_start3A_415 : memref<1x1x128xi32, #tpu.memory_space<vmem>> -> memref<128xi32, #tpu.memory_space<vmem>>
      %dma_start3A_417 = arith.constant 0 : i32
      %dma_start3A_418 = arith.constant 0 : i32
      %dma_start3A_419 = tpu.memref_slice %arg14[%dma_start3A_417, %dma_start3A_418] : memref<10000x128xf32, #tpu.memory_space<vmem_shared>> -> memref<10000x128xf32, #tpu.memory_space<vmem_shared>>
      tpu.enqueue_indirect_dma source(%dma_start3A_413 : memref<128x128xf32, #tpu.memory_space<vmem>>) target(%dma_start3A_419 : memref<10000x128xf32, #tpu.memory_space<vmem_shared>>) offsets(%dma_start3A_416 : memref<128xi32, #tpu.memory_space<vmem>>) semaphore(%arg19 : memref<!tpu.dma_semaphore, #tpu.memory_space<semaphore_mem>>) {add = true}
      %add3A_420 = arith.constant 1 : i32
      %add3A_421 = arith.addi %while3A_47, %add3A_420 : i32
      %lt3A_422 = arith.cmpi slt, %add3A_421, %add3A_4 : i32
      %convert_element_type3A_423 = arith.extui %lt3A_422 : i1 to i32
      %cond3A_424 = arith.constant 0 : i32
      %cond3A_425 = arith.cmpi ne, %convert_element_type3A_423, %cond3A_424 : i32
      scf.if %cond3A_425 {
        %sub3A = arith.constant 1 : i32
        %sub3A_427 = arith.subi %sub3A, %rem3A_49 : i32
        %dma_wait3A_428 = arith.constant 0 : i32
        %dma_wait3A_429 = arith.constant 0 : i32
        %dma_wait3A_430 = tpu.memref_slice %arg9[%sub3A_427, %dma_wait3A_428, %dma_wait3A_429] : memref<2x8x128xi32, #tpu.memory_space<vmem>> -> memref<1x8x128xi32, #tpu.memory_space<vmem>>
        %dma_wait3A_431 = tpu.memref_squeeze %dma_wait3A_430 : memref<1x8x128xi32, #tpu.memory_space<vmem>> -> memref<8x128xi32, #tpu.memory_space<vmem>>
        %dma_wait3A_432 = arith.constant 0 : i32
        %dma_wait3A_433 = arith.constant 0 : i32
        %dma_wait3A_434 = tpu.memref_slice %arg3[%dma_wait3A_432, %dma_wait3A_433] : memref<2500x128xi32, #tpu.memory_space<hbm>> -> memref<8x128xi32, #tpu.memory_space<hbm>>
        %dma_wait3A_435 = arith.constant 0 : i32
        %dma_wait3A_436 = arith.constant 0 : i32
        %dma_wait3A_437 = tpu.memref_slice %arg9[%sub3A_427, %dma_wait3A_435, %dma_wait3A_436] : memref<2x8x128xi32, #tpu.memory_space<vmem>> -> memref<1x8x128xi32, #tpu.memory_space<vmem>>
        %dma_wait3A_438 = tpu.memref_squeeze %dma_wait3A_437 : memref<1x8x128xi32, #tpu.memory_space<vmem>> -> memref<8x128xi32, #tpu.memory_space<vmem>>
        %dma_wait3A_439 = arith.constant 0 : i32
        %dma_wait3A_440 = arith.constant 0 : i32
        %dma_wait3A_441 = tpu.memref_slice %arg3[%dma_wait3A_439, %dma_wait3A_440] : memref<2500x128xi32, #tpu.memory_space<hbm>> -> memref<8x128xi32, #tpu.memory_space<hbm>>
        tpu.wait_dma2 semaphore(%arg15 : memref<!tpu.dma_semaphore, #tpu.memory_space<semaphore_mem>>) src(%dma_wait3A_441 : memref<8x128xi32, #tpu.memory_space<hbm>>) dst(%dma_wait3A_438 : memref<8x128xi32, #tpu.memory_space<vmem>>)
        %sub3A_442 = arith.constant 1 : i32
        %sub3A_443 = arith.subi %sub3A_442, %rem3A_49 : i32
        %dma_wait3A_444 = arith.constant 0 : i32
        %dma_wait3A_445 = arith.constant 0 : i32
        %dma_wait3A_446 = tpu.memref_slice %arg10[%sub3A_443, %dma_wait3A_444, %dma_wait3A_445] : memref<2x8x128xi32, #tpu.memory_space<vmem>> -> memref<1x8x128xi32, #tpu.memory_space<vmem>>
        %dma_wait3A_447 = tpu.memref_squeeze %dma_wait3A_446 : memref<1x8x128xi32, #tpu.memory_space<vmem>> -> memref<8x128xi32, #tpu.memory_space<vmem>>
        %dma_wait3A_448 = arith.constant 0 : i32
        %dma_wait3A_449 = arith.constant 0 : i32
        %dma_wait3A_450 = tpu.memref_slice %arg4[%dma_wait3A_448, %dma_wait3A_449] : memref<2500x128xi32, #tpu.memory_space<hbm>> -> memref<8x128xi32, #tpu.memory_space<hbm>>
        %dma_wait3A_451 = arith.constant 0 : i32
        %dma_wait3A_452 = arith.constant 0 : i32
        %dma_wait3A_453 = tpu.memref_slice %arg10[%sub3A_443, %dma_wait3A_451, %dma_wait3A_452] : memref<2x8x128xi32, #tpu.memory_space<vmem>> -> memref<1x8x128xi32, #tpu.memory_space<vmem>>
        %dma_wait3A_454 = tpu.memref_squeeze %dma_wait3A_453 : memref<1x8x128xi32, #tpu.memory_space<vmem>> -> memref<8x128xi32, #tpu.memory_space<vmem>>
        %dma_wait3A_455 = arith.constant 0 : i32
        %dma_wait3A_456 = arith.constant 0 : i32
        %dma_wait3A_457 = tpu.memref_slice %arg4[%dma_wait3A_455, %dma_wait3A_456] : memref<2500x128xi32, #tpu.memory_space<hbm>> -> memref<8x128xi32, #tpu.memory_space<hbm>>
        tpu.wait_dma2 semaphore(%arg15 : memref<!tpu.dma_semaphore, #tpu.memory_space<semaphore_mem>>) src(%dma_wait3A_457 : memref<8x128xi32, #tpu.memory_space<hbm>>) dst(%dma_wait3A_454 : memref<8x128xi32, #tpu.memory_space<vmem>>)
        %sub3A_458 = arith.constant 1 : i32
        %sub3A_459 = arith.subi %sub3A_458, %rem3A_49 : i32
        %dma_start3A_460 = arith.constant 0 : i32
        %dma_start3A_461 = arith.constant 0 : i32
        %dma_start3A_462 = arith.constant 0 : i32
        %dma_start3A_463 = arith.constant 0 : i32
        %dma_start3A_464 = tpu.memref_slice %arg11[%dma_start3A_461, %dma_start3A_462, %dma_start3A_463] : memref<2x128x128xf32, #tpu.memory_space<vmem>> -> memref<1x128x128xf32, #tpu.memory_space<vmem>>
        %dma_start3A_465 = tpu.memref_squeeze %dma_start3A_464 : memref<1x128x128xf32, #tpu.memory_space<vmem>> -> memref<128x128xf32, #tpu.memory_space<vmem>>
        %dma_start3A_466 = arith.constant 0 : i32
        %dma_start3A_467 = tpu.memref_slice %arg9[%sub3A_459, %dma_start3A_460, %dma_start3A_466] : memref<2x8x128xi32, #tpu.memory_space<vmem>> -> memref<1x1x128xi32, #tpu.memory_space<vmem>>
        %dma_start3A_468 = tpu.memref_squeeze %dma_start3A_467 : memref<1x1x128xi32, #tpu.memory_space<vmem>> -> memref<128xi32, #tpu.memory_space<vmem>>
        %dma_start3A_469 = arith.constant 0 : i32
        %dma_start3A_470 = arith.constant 0 : i32
        %dma_start3A_471 = tpu.memref_slice %arg2[%dma_start3A_469, %dma_start3A_470] : memref<10000x128xf32, #tpu.memory_space<hbm>> -> memref<10000x128xf32, #tpu.memory_space<hbm>>
        tpu.enqueue_indirect_dma source(%dma_start3A_471 : memref<10000x128xf32, #tpu.memory_space<hbm>>) target(%dma_start3A_465 : memref<128x128xf32, #tpu.memory_space<vmem>>) offsets(%dma_start3A_468 : memref<128xi32, #tpu.memory_space<vmem>>) semaphore(%arg16 : memref<!tpu.dma_semaphore, #tpu.memory_space<semaphore_mem>>)
      } else {
      }
      %while3A_426 = arith.constant 0 : i32
      scf.yield %while3A_426 : i32
    }
    %dma_wait3A = arith.constant 1 : i32
    %dma_wait3A_29 = arith.constant 0 : i32
    %dma_wait3A_30 = arith.constant 0 : i32
    %dma_wait3A_31 = arith.constant 0 : i32
    %dma_wait3A_32 = arith.constant 0 : i32
    %dma_wait3A_33 = tpu.memref_slice %arg11[%dma_wait3A, %dma_wait3A_31, %dma_wait3A_32] : memref<2x128x128xf32, #tpu.memory_space<vmem>> -> memref<1x128x128xf32, #tpu.memory_space<vmem>>
    %dma_wait3A_34 = tpu.memref_squeeze %dma_wait3A_33 : memref<1x128x128xf32, #tpu.memory_space<vmem>> -> memref<128x128xf32, #tpu.memory_space<vmem>>
    %dma_wait3A_35 = arith.constant 0 : i32
    %dma_wait3A_36 = tpu.memref_slice %arg10[%dma_wait3A_29, %dma_wait3A_30, %dma_wait3A_35] : memref<2x8x128xi32, #tpu.memory_space<vmem>> -> memref<1x1x128xi32, #tpu.memory_space<vmem>>
    %dma_wait3A_37 = tpu.memref_squeeze %dma_wait3A_36 : memref<1x1x128xi32, #tpu.memory_space<vmem>> -> memref<128xi32, #tpu.memory_space<vmem>>
    %dma_wait3A_38 = arith.constant 0 : i32
    %dma_wait3A_39 = arith.constant 0 : i32
    %dma_wait3A_40 = tpu.memref_slice %arg14[%dma_wait3A_38, %dma_wait3A_39] : memref<10000x128xf32, #tpu.memory_space<vmem_shared>> -> memref<10000x128xf32, #tpu.memory_space<vmem_shared>>
    tpu.wait_indirect_dma semaphore(%arg19 : memref<!tpu.dma_semaphore, #tpu.memory_space<semaphore_mem>>) src(%dma_wait3A_34 : memref<128x128xf32, #tpu.memory_space<vmem>>) dst(%dma_wait3A_40 : memref<10000x128xf32, #tpu.memory_space<vmem_shared>>)
    %lt3A_41 = arith.constant 4 : i32
    %lt3A_42 = arith.cmpi slt, %add3A, %lt3A_41 : i32
    %convert_element_type3A_43 = arith.extui %lt3A_42 : i1 to i32
    %cond3A_44 = arith.constant 0 : i32
    %cond3A_45 = arith.cmpi ne, %convert_element_type3A_43, %cond3A_44 : i32
    scf.if %cond3A_45 {
      "tpu.region"() ({
        %run_scoped3A_68 = tpu.sem_alloc : memref<!tpu.dma_semaphore, #tpu.memory_space<semaphore_mem>>
        tpu.enqueue_dma source(%arg5 : memref<4x128xi32, #tpu.memory_space<hbm>>) target(%arg12 : memref<4x128xi32, #tpu.memory_space<vmem>>) target_semaphore(%run_scoped3A_68 : memref<!tpu.dma_semaphore, #tpu.memory_space<semaphore_mem>>)
        tpu.wait_dma2 semaphore(%run_scoped3A_68 : memref<!tpu.dma_semaphore, #tpu.memory_space<semaphore_mem>>) src(%arg5 : memref<4x128xi32, #tpu.memory_space<hbm>>) dst(%arg12 : memref<4x128xi32, #tpu.memory_space<vmem>>)
        tpu.yield
      }) : () -> ()
      "tpu.region"() ({
        %run_scoped3A_68 = tpu.sem_alloc : memref<!tpu.dma_semaphore, #tpu.memory_space<semaphore_mem>>
        tpu.enqueue_dma source(%arg6 : memref<4x128xi32, #tpu.memory_space<hbm>>) target(%arg13 : memref<4x128xi32, #tpu.memory_space<vmem>>) target_semaphore(%run_scoped3A_68 : memref<!tpu.dma_semaphore, #tpu.memory_space<semaphore_mem>>)
        tpu.wait_dma2 semaphore(%run_scoped3A_68 : memref<!tpu.dma_semaphore, #tpu.memory_space<semaphore_mem>>) src(%arg6 : memref<4x128xi32, #tpu.memory_space<hbm>>) dst(%arg13 : memref<4x128xi32, #tpu.memory_space<vmem>>)
        tpu.yield
      }) : () -> ()
      %dma_start3A = arith.constant 0 : i32
      %dma_start3A_47 = arith.constant 0 : i32
      %dma_start3A_48 = arith.constant 0 : i32
      %dma_start3A_49 = tpu.memref_slice %arg11[%dma_start3A, %dma_start3A_47, %dma_start3A_48] : memref<2x128x128xf32, #tpu.memory_space<vmem>> -> memref<1x128x128xf32, #tpu.memory_space<vmem>>
      %dma_start3A_50 = tpu.memref_squeeze %dma_start3A_49 : memref<1x128x128xf32, #tpu.memory_space<vmem>> -> memref<128x128xf32, #tpu.memory_space<vmem>>
      %dma_start3A_51 = arith.constant 0 : i32
      %dma_start3A_52 = tpu.memref_slice %arg12[%add3A, %dma_start3A_51] : memref<4x128xi32, #tpu.memory_space<vmem>> -> memref<1x128xi32, #tpu.memory_space<vmem>>
      %dma_start3A_53 = tpu.memref_squeeze %dma_start3A_52 : memref<1x128xi32, #tpu.memory_space<vmem>> -> memref<128xi32, #tpu.memory_space<vmem>>
      %dma_start3A_54 = arith.constant 0 : i32
      %dma_start3A_55 = arith.constant 0 : i32
      %dma_start3A_56 = tpu.memref_slice %arg2[%dma_start3A_54, %dma_start3A_55] : memref<10000x128xf32, #tpu.memory_space<hbm>> -> memref<10000x128xf32, #tpu.memory_space<hbm>>
      tpu.enqueue_indirect_dma source(%dma_start3A_56 : memref<10000x128xf32, #tpu.memory_space<hbm>>) target(%dma_start3A_50 : memref<128x128xf32, #tpu.memory_space<vmem>>) offsets(%dma_start3A_53 : memref<128xi32, #tpu.memory_space<vmem>>) semaphore(%arg16 : memref<!tpu.dma_semaphore, #tpu.memory_space<semaphore_mem>>)
      %dma_wait3A_57 = arith.constant 0 : i32
      %dma_wait3A_58 = arith.constant 0 : i32
      %dma_wait3A_59 = arith.constant 0 : i32
      %dma_wait3A_60 = tpu.memref_slice %arg11[%dma_wait3A_57, %dma_wait3A_58, %dma_wait3A_59] : memref<2x128x128xf32, #tpu.memory_space<vmem>> -> memref<1x128x128xf32, #tpu.memory_space<vmem>>
      %dma_wait3A_61 = tpu.memref_squeeze %dma_wait3A_60 : memref<1x128x128xf32, #tpu.memory_space<vmem>> -> memref<128x128xf32, #tpu.memory_space<vmem>>
      %dma_wait3A_62 = arith.constant 0 : i32
      %dma_wait3A_63 = tpu.memref_slice %arg12[%add3A, %dma_wait3A_62] : memref<4x128xi32, #tpu.memory_space<vmem>> -> memref<1x128xi32, #tpu.memory_space<vmem>>
      %dma_wait3A_64 = tpu.memref_squeeze %dma_wait3A_63 : memref<1x128xi32, #tpu.memory_space<vmem>> -> memref<128xi32, #tpu.memory_space<vmem>>
      %dma_wait3A_65 = arith.constant 0 : i32
      %dma_wait3A_66 = arith.constant 0 : i32
      %dma_wait3A_67 = tpu.memref_slice %arg2[%dma_wait3A_65, %dma_wait3A_66] : memref<10000x128xf32, #tpu.memory_space<hbm>> -> memref<10000x128xf32, #tpu.memory_space<hbm>>
      tpu.wait_indirect_dma semaphore(%arg16 : memref<!tpu.dma_semaphore, #tpu.memory_space<semaphore_mem>>) src(%dma_wait3A_67 : memref<10000x128xf32, #tpu.memory_space<hbm>>) dst(%dma_wait3A_61 : memref<128x128xf32, #tpu.memory_space<vmem>>)
      %run_scoped3A = arith.constant 0 : i32
      "tpu.region"() ({
        %run_scoped3A_68 = tpu.sem_alloc : memref<!tpu.dma_semaphore, #tpu.memory_space<semaphore_mem>>
        %dma_start3A_69 = arith.constant 0 : i32
        %dma_start3A_70 = arith.constant 0 : i32
        %dma_start3A_71 = tpu.memref_slice %arg11[%run_scoped3A, %dma_start3A_69, %dma_start3A_70] : memref<2x128x128xf32, #tpu.memory_space<vmem>> -> memref<1x128x128xf32, #tpu.memory_space<vmem>>
        %dma_start3A_72 = tpu.memref_squeeze %dma_start3A_71 : memref<1x128x128xf32, #tpu.memory_space<vmem>> -> memref<128x128xf32, #tpu.memory_space<vmem>>
        %dma_start3A_73 = arith.constant 0 : i32
        %dma_start3A_74 = tpu.memref_slice %arg13[%add3A, %dma_start3A_73] : memref<4x128xi32, #tpu.memory_space<vmem>> -> memref<1x128xi32, #tpu.memory_space<vmem>>
        %dma_start3A_75 = tpu.memref_squeeze %dma_start3A_74 : memref<1x128xi32, #tpu.memory_space<vmem>> -> memref<128xi32, #tpu.memory_space<vmem>>
        %dma_start3A_76 = arith.constant 0 : i32
        %dma_start3A_77 = arith.constant 0 : i32
        %dma_start3A_78 = tpu.memref_slice %arg14[%dma_start3A_76, %dma_start3A_77] : memref<10000x128xf32, #tpu.memory_space<vmem_shared>> -> memref<10000x128xf32, #tpu.memory_space<vmem_shared>>
        tpu.enqueue_indirect_dma source(%dma_start3A_72 : memref<128x128xf32, #tpu.memory_space<vmem>>) target(%dma_start3A_78 : memref<10000x128xf32, #tpu.memory_space<vmem_shared>>) offsets(%dma_start3A_75 : memref<128xi32, #tpu.memory_space<vmem>>) semaphore(%run_scoped3A_68 : memref<!tpu.dma_semaphore, #tpu.memory_space<semaphore_mem>>) {add = true}
        %dma_wait3A_79 = arith.constant 0 : i32
        %dma_wait3A_80 = arith.constant 0 : i32
        %dma_wait3A_81 = tpu.memref_slice %arg11[%run_scoped3A, %dma_wait3A_79, %dma_wait3A_80] : memref<2x128x128xf32, #tpu.memory_space<vmem>> -> memref<1x128x128xf32, #tpu.memory_space<vmem>>
        %dma_wait3A_82 = tpu.memref_squeeze %dma_wait3A_81 : memref<1x128x128xf32, #tpu.memory_space<vmem>> -> memref<128x128xf32, #tpu.memory_space<vmem>>
        %dma_wait3A_83 = arith.constant 0 : i32
        %dma_wait3A_84 = tpu.memref_slice %arg13[%add3A, %dma_wait3A_83] : memref<4x128xi32, #tpu.memory_space<vmem>> -> memref<1x128xi32, #tpu.memory_space<vmem>>
        %dma_wait3A_85 = tpu.memref_squeeze %dma_wait3A_84 : memref<1x128xi32, #tpu.memory_space<vmem>> -> memref<128xi32, #tpu.memory_space<vmem>>
        %dma_wait3A_86 = arith.constant 0 : i32
        %dma_wait3A_87 = arith.constant 0 : i32
        %dma_wait3A_88 = tpu.memref_slice %arg14[%dma_wait3A_86, %dma_wait3A_87] : memref<10000x128xf32, #tpu.memory_space<vmem_shared>> -> memref<10000x128xf32, #tpu.memory_space<vmem_shared>>
        tpu.wait_indirect_dma semaphore(%run_scoped3A_68 : memref<!tpu.dma_semaphore, #tpu.memory_space<semaphore_mem>>) src(%dma_wait3A_82 : memref<128x128xf32, #tpu.memory_space<vmem>>) dst(%dma_wait3A_88 : memref<10000x128xf32, #tpu.memory_space<vmem_shared>>)
        tpu.yield
      }) : () -> ()
    } else {
    }
    %barrier3A_46 = arith.constant 0 : index
    tpu.barrier barrier_id(%barrier3A_46)
    "tpu.region"() ({
      %run_scoped3A = tpu.sem_alloc : memref<!tpu.dma_semaphore, #tpu.memory_space<semaphore_mem>>
      %dma_start3A = arith.constant 0 : i32
      %dma_start3A_47 = arith.constant 0 : i32
      %dma_start3A_48 = tpu.memref_slice %arg8[%arg0, %dma_start3A, %dma_start3A_47] : memref<2x10000x128xf32, #tpu.memory_space<hbm>> -> memref<1x10000x128xf32, #tpu.memory_space<hbm>>
      %dma_start3A_49 = tpu.memref_squeeze %dma_start3A_48 : memref<1x10000x128xf32, #tpu.memory_space<hbm>> -> memref<10000x128xf32, #tpu.memory_space<hbm>>
      %dma_start3A_50 = arith.constant 0 : i32
      %dma_start3A_51 = tpu.memref_slice %dma_start3A_49[%mul3A_6, %dma_start3A_50] : memref<10000x128xf32, #tpu.memory_space<hbm>> -> memref<640x128xf32, #tpu.memory_space<hbm>>
      %dma_start3A_52 = arith.constant 0 : i32
      %dma_start3A_53 = tpu.memref_slice %arg14[%mul3A_6, %dma_start3A_52] : memref<10000x128xf32, #tpu.memory_space<vmem_shared>> -> memref<640x128xf32, #tpu.memory_space<vmem_shared>>
      tpu.enqueue_dma source(%dma_start3A_53 : memref<640x128xf32, #tpu.memory_space<vmem_shared>>) target(%dma_start3A_51 : memref<640x128xf32, #tpu.memory_space<hbm>>) target_semaphore(%run_scoped3A : memref<!tpu.dma_semaphore, #tpu.memory_space<semaphore_mem>>)
      %dma_wait3A_54 = arith.constant 0 : i32
      %dma_wait3A_55 = arith.constant 0 : i32
      %dma_wait3A_56 = tpu.memref_slice %arg8[%arg0, %dma_wait3A_54, %dma_wait3A_55] : memref<2x10000x128xf32, #tpu.memory_space<hbm>> -> memref<1x10000x128xf32, #tpu.memory_space<hbm>>
      %dma_wait3A_57 = tpu.memref_squeeze %dma_wait3A_56 : memref<1x10000x128xf32, #tpu.memory_space<hbm>> -> memref<10000x128xf32, #tpu.memory_space<hbm>>
      %dma_wait3A_58 = arith.constant 0 : i32
      %dma_wait3A_59 = tpu.memref_slice %dma_wait3A_57[%mul3A_6, %dma_wait3A_58] : memref<10000x128xf32, #tpu.memory_space<hbm>> -> memref<640x128xf32, #tpu.memory_space<hbm>>
      %dma_wait3A_60 = arith.constant 0 : i32
      %dma_wait3A_61 = tpu.memref_slice %arg14[%mul3A_6, %dma_wait3A_60] : memref<10000x128xf32, #tpu.memory_space<vmem_shared>> -> memref<640x128xf32, #tpu.memory_space<vmem_shared>>
      tpu.wait_dma2 semaphore(%run_scoped3A : memref<!tpu.dma_semaphore, #tpu.memory_space<semaphore_mem>>) src(%dma_wait3A_61 : memref<640x128xf32, #tpu.memory_space<vmem_shared>>) dst(%dma_wait3A_59 : memref<640x128xf32, #tpu.memory_space<hbm>>)
      tpu.yield
    }) : () -> ()
    return
  }
}

#map = affine_map<(d0, d1) -> (0, 0)>
#map1 = affine_map<(d0, d1) -> (0, 0, 0)>
module attributes {stable_mosaic.version = 14 : i64} {
  func.func @k(%arg0: i32, %arg1: i32, %arg2: memref<2500x128xi32, #tpu.memory_space<hbm>>, %arg3: memref<4x128xi32, #tpu.memory_space<hbm>>, %arg4: memref<32x80x128xf32, #tpu.memory_space<hbm>>, %arg5: memref<2x8x128xi32, #tpu.memory_space<vmem>>, %arg6: memref<4x128xi32, #tpu.memory_space<vmem>>, %arg7: memref<80x128xf32, #tpu.memory_space<vmem>>, %arg8: memref<!tpu.dma_semaphore, #tpu.memory_space<semaphore_mem>>) attributes {dimension_semantics = [#tpu.dimension_semantics<core_parallel>, #tpu.dimension_semantics<subcore_parallel>], iteration_bounds = array<i64: 2, 16>, scalar_prefetch = 0 : i64, scratch_operands = 4 : i64, tpu.core_type = #tpu.core_type<sc_vector_subcore>, window_params = [{transform_indices = #map}, {transform_indices = #map}, {transform_indices = #map1}]} {
    %mul3A = arith.constant 16 : i32
    %mul3A_0 = arith.muli %arg0, %mul3A : i32
    %add3A = arith.addi %mul3A_0, %arg1 : i32
    %lt3A = arith.constant 24 : i32
    %lt3A_1 = arith.cmpi slt, %add3A, %lt3A : i32
    %jit3A = arith.constant 1 : i32
    %jit3A_2 = arith.constant 0 : i32
    %select_n3A = arith.select %lt3A_1, %jit3A, %jit3A_2 : i32
    %add3A_3 = arith.constant 9 : i32
    %add3A_4 = arith.addi %add3A_3, %select_n3A : i32
    %broadcast_in_dim3A = arith.constant 0.000000e+00 : f32
    %broadcast_in_dim3A_5 = vector.broadcast %broadcast_in_dim3A : f32 to vector<16xf32>
    %scan3A = arith.constant 0 : i32
    %scan3A_6 = arith.constant 0 : i32
    %scan3A_7 = arith.constant 80 : i32
    %scan3A_8 = arith.addi %scan3A_6, %scan3A_7 : i32
    %scan3A_9 = arith.constant 1 : i32
    %scan3A_10 = scf.for %scan3A_32 = %scan3A_6 to %scan3A_8 step %scan3A_9 iter_args(%scan3A_33 = %scan3A) -> (i32)  : i32 {
      %swap3A = arith.index_cast %scan3A_32 : i32 to index
      %swap3A_34 = arith.constant 0 : index
      %swap3A_35 = tpu.vector_load %arg7[%swap3A, %swap3A_34] {strides = array<i32>} : memref<80x128xf32, #tpu.memory_space<vmem>>, vector<16xf32>,
      tpu.vector_store %arg7[%swap3A, %swap3A_34], %broadcast_in_dim3A_5 {strides = array<i32>} : memref<80x128xf32, #tpu.memory_space<vmem>>, vector<16xf32>,
      %swap3A_36 = arith.index_cast %scan3A_32 : i32 to index
      %swap3A_37 = arith.constant 16 : index
      %swap3A_38 = tpu.vector_load %arg7[%swap3A_36, %swap3A_37] {strides = array<i32>} : memref<80x128xf32, #tpu.memory_space<vmem>>, vector<16xf32>,
      tpu.vector_store %arg7[%swap3A_36, %swap3A_37], %broadcast_in_dim3A_5 {strides = array<i32>} : memref<80x128xf32, #tpu.memory_space<vmem>>, vector<16xf32>,
      %swap3A_39 = arith.index_cast %scan3A_32 : i32 to index
      %swap3A_40 = arith.constant 32 : index
      %swap3A_41 = tpu.vector_load %arg7[%swap3A_39, %swap3A_40] {strides = array<i32>} : memref<80x128xf32, #tpu.memory_space<vmem>>, vector<16xf32>,
      tpu.vector_store %arg7[%swap3A_39, %swap3A_40], %broadcast_in_dim3A_5 {strides = array<i32>} : memref<80x128xf32, #tpu.memory_space<vmem>>, vector<16xf32>,
      %swap3A_42 = arith.index_cast %scan3A_32 : i32 to index
      %swap3A_43 = arith.constant 48 : index
      %swap3A_44 = tpu.vector_load %arg7[%swap3A_42, %swap3A_43] {strides = array<i32>} : memref<80x128xf32, #tpu.memory_space<vmem>>, vector<16xf32>,
      tpu.vector_store %arg7[%swap3A_42, %swap3A_43], %broadcast_in_dim3A_5 {strides = array<i32>} : memref<80x128xf32, #tpu.memory_space<vmem>>, vector<16xf32>,
      %swap3A_45 = arith.index_cast %scan3A_32 : i32 to index
      %swap3A_46 = arith.constant 64 : index
      %swap3A_47 = tpu.vector_load %arg7[%swap3A_45, %swap3A_46] {strides = array<i32>} : memref<80x128xf32, #tpu.memory_space<vmem>>, vector<16xf32>,
      tpu.vector_store %arg7[%swap3A_45, %swap3A_46], %broadcast_in_dim3A_5 {strides = array<i32>} : memref<80x128xf32, #tpu.memory_space<vmem>>, vector<16xf32>,
      %swap3A_48 = arith.index_cast %scan3A_32 : i32 to index
      %swap3A_49 = arith.constant 80 : index
      %swap3A_50 = tpu.vector_load %arg7[%swap3A_48, %swap3A_49] {strides = array<i32>} : memref<80x128xf32, #tpu.memory_space<vmem>>, vector<16xf32>,
      tpu.vector_store %arg7[%swap3A_48, %swap3A_49], %broadcast_in_dim3A_5 {strides = array<i32>} : memref<80x128xf32, #tpu.memory_space<vmem>>, vector<16xf32>,
      %swap3A_51 = arith.index_cast %scan3A_32 : i32 to index
      %swap3A_52 = arith.constant 96 : index
      %swap3A_53 = tpu.vector_load %arg7[%swap3A_51, %swap3A_52] {strides = array<i32>} : memref<80x128xf32, #tpu.memory_space<vmem>>, vector<16xf32>,
      tpu.vector_store %arg7[%swap3A_51, %swap3A_52], %broadcast_in_dim3A_5 {strides = array<i32>} : memref<80x128xf32, #tpu.memory_space<vmem>>, vector<16xf32>,
      %swap3A_54 = arith.index_cast %scan3A_32 : i32 to index
      %swap3A_55 = arith.constant 112 : index
      %swap3A_56 = tpu.vector_load %arg7[%swap3A_54, %swap3A_55] {strides = array<i32>} : memref<80x128xf32, #tpu.memory_space<vmem>>, vector<16xf32>,
      tpu.vector_store %arg7[%swap3A_54, %swap3A_55], %broadcast_in_dim3A_5 {strides = array<i32>} : memref<80x128xf32, #tpu.memory_space<vmem>>, vector<16xf32>,
      %scan3A_57 = arith.constant 0 : i32
      scf.yield %scan3A_57 : i32
    }
    %scan3A_11 = arith.constant 80 : i32
    %broadcast_in_dim3A_12 = arith.constant 1.000000e+00 : f32
    %broadcast_in_dim3A_13 = vector.broadcast %broadcast_in_dim3A_12 : f32 to vector<16xf32>
    %gt3A = arith.constant 0 : i32
    %gt3A_14 = arith.cmpi sgt, %add3A_4, %gt3A : i32
    %convert_element_type3A = arith.extui %gt3A_14 : i1 to i32
    %cond3A = arith.constant 0 : i32
    %cond3A_15 = arith.cmpi ne, %convert_element_type3A, %cond3A : i32
    scf.if %cond3A_15 {
      %mul3A_32 = arith.constant 8 : i32
      %mul3A_33 = arith.muli %add3A, %mul3A_32 : i32
      %dma_start3A = arith.constant 0 : i32
      %dma_start3A_34 = arith.constant 0 : i32
      %dma_start3A_35 = arith.constant 0 : i32
      %dma_start3A_36 = tpu.memref_slice %arg5[%dma_start3A, %dma_start3A_34, %dma_start3A_35] : memref<2x8x128xi32, #tpu.memory_space<vmem>> -> memref<1x8x128xi32, #tpu.memory_space<vmem>>
      %dma_start3A_37 = tpu.memref_squeeze %dma_start3A_36 : memref<1x8x128xi32, #tpu.memory_space<vmem>> -> memref<8x128xi32, #tpu.memory_space<vmem>>
      %dma_start3A_38 = arith.constant 0 : i32
      %dma_start3A_39 = tpu.memref_slice %arg2[%mul3A_33, %dma_start3A_38] : memref<2500x128xi32, #tpu.memory_space<hbm>> -> memref<8x128xi32, #tpu.memory_space<hbm>>
      %dma_start3A_40 = arith.constant 0 : i32
      %dma_start3A_41 = arith.constant 0 : i32
      %dma_start3A_42 = tpu.memref_slice %arg5[%dma_start3A, %dma_start3A_40, %dma_start3A_41] : memref<2x8x128xi32, #tpu.memory_space<vmem>> -> memref<1x8x128xi32, #tpu.memory_space<vmem>>
      %dma_start3A_43 = tpu.memref_squeeze %dma_start3A_42 : memref<1x8x128xi32, #tpu.memory_space<vmem>> -> memref<8x128xi32, #tpu.memory_space<vmem>>
      %dma_start3A_44 = arith.constant 0 : i32
      %dma_start3A_45 = tpu.memref_slice %arg2[%mul3A_33, %dma_start3A_44] : memref<2500x128xi32, #tpu.memory_space<hbm>> -> memref<8x128xi32, #tpu.memory_space<hbm>>
      tpu.enqueue_dma source(%dma_start3A_45 : memref<8x128xi32, #tpu.memory_space<hbm>>) target(%dma_start3A_43 : memref<8x128xi32, #tpu.memory_space<vmem>>) target_semaphore(%arg8 : memref<!tpu.dma_semaphore, #tpu.memory_space<semaphore_mem>>)
    } else {
    }
    %while3A = arith.constant 0 : i32
    %while3A_16 = arith.constant 0 : i32
    %while3A_17 = arith.subi %add3A_4, %while3A : i32
    %while3A_18 = arith.addi %while3A, %while3A_17 : i32
    %while3A_19 = arith.constant 1 : i32
    %while3A_20 = arith.divsi %while3A_17, %while3A_19 : i32
    %while3A_21 = arith.muli %while3A_20, %while3A_19 : i32
    %while3A_22 = arith.addi %while3A, %while3A_21 : i32
    %while3A_23 = arith.constant 1 : i32
    %while3A_24 = scf.for %while3A_32 = %while3A to %while3A_22 step %while3A_23 iter_args(%while3A_33 = %while3A_16) -> (i32)  : i32 {
      %rem3A = arith.constant 2 : i32
      %rem3A_34 = arith.remsi %while3A_32, %rem3A : i32
      %dma_wait3A = arith.constant 0 : i32
      %dma_wait3A_35 = arith.constant 0 : i32
      %dma_wait3A_36 = tpu.memref_slice %arg5[%rem3A_34, %dma_wait3A, %dma_wait3A_35] : memref<2x8x128xi32, #tpu.memory_space<vmem>> -> memref<1x8x128xi32, #tpu.memory_space<vmem>>
      %dma_wait3A_37 = tpu.memref_squeeze %dma_wait3A_36 : memref<1x8x128xi32, #tpu.memory_space<vmem>> -> memref<8x128xi32, #tpu.memory_space<vmem>>
      %dma_wait3A_38 = arith.constant 0 : i32
      %dma_wait3A_39 = arith.constant 0 : i32
      %dma_wait3A_40 = tpu.memref_slice %arg2[%dma_wait3A_38, %dma_wait3A_39] : memref<2500x128xi32, #tpu.memory_space<hbm>> -> memref<8x128xi32, #tpu.memory_space<hbm>>
      %dma_wait3A_41 = arith.constant 0 : i32
      %dma_wait3A_42 = arith.constant 0 : i32
      %dma_wait3A_43 = tpu.memref_slice %arg5[%rem3A_34, %dma_wait3A_41, %dma_wait3A_42] : memref<2x8x128xi32, #tpu.memory_space<vmem>> -> memref<1x8x128xi32, #tpu.memory_space<vmem>>
      %dma_wait3A_44 = tpu.memref_squeeze %dma_wait3A_43 : memref<1x8x128xi32, #tpu.memory_space<vmem>> -> memref<8x128xi32, #tpu.memory_space<vmem>>
      %dma_wait3A_45 = arith.constant 0 : i32
      %dma_wait3A_46 = arith.constant 0 : i32
      %dma_wait3A_47 = tpu.memref_slice %arg2[%dma_wait3A_45, %dma_wait3A_46] : memref<2500x128xi32, #tpu.memory_space<hbm>> -> memref<8x128xi32, #tpu.memory_space<hbm>>
      tpu.wait_dma2 semaphore(%arg8 : memref<!tpu.dma_semaphore, #tpu.memory_space<semaphore_mem>>) src(%dma_wait3A_47 : memref<8x128xi32, #tpu.memory_space<hbm>>) dst(%dma_wait3A_44 : memref<8x128xi32, #tpu.memory_space<vmem>>)
      %add3A_48 = arith.constant 1 : i32
      %add3A_49 = arith.addi %while3A_32, %add3A_48 : i32
      %lt3A_50 = arith.cmpi slt, %add3A_49, %add3A_4 : i32
      %convert_element_type3A_51 = arith.extui %lt3A_50 : i1 to i32
      %cond3A_52 = arith.constant 0 : i32
      %cond3A_53 = arith.cmpi ne, %convert_element_type3A_51, %cond3A_52 : i32
      scf.if %cond3A_53 {
        %add3A_948 = arith.constant 1 : i32
        %add3A_949 = arith.addi %while3A_32, %add3A_948 : i32
        %mul3A_950 = arith.constant 32 : i32
        %mul3A_951 = arith.muli %add3A_949, %mul3A_950 : i32
        %add3A_952 = arith.addi %add3A, %mul3A_951 : i32
        %mul3A_953 = arith.constant 8 : i32
        %mul3A_954 = arith.muli %add3A_952, %mul3A_953 : i32
        %sub3A = arith.constant 1 : i32
        %sub3A_955 = arith.subi %sub3A, %rem3A_34 : i32
        %dma_start3A = arith.constant 0 : i32
        %dma_start3A_956 = arith.constant 0 : i32
        %dma_start3A_957 = tpu.memref_slice %arg5[%sub3A_955, %dma_start3A, %dma_start3A_956] : memref<2x8x128xi32, #tpu.memory_space<vmem>> -> memref<1x8x128xi32, #tpu.memory_space<vmem>>
        %dma_start3A_958 = tpu.memref_squeeze %dma_start3A_957 : memref<1x8x128xi32, #tpu.memory_space<vmem>> -> memref<8x128xi32, #tpu.memory_space<vmem>>
        %dma_start3A_959 = arith.constant 0 : i32
        %dma_start3A_960 = tpu.memref_slice %arg2[%mul3A_954, %dma_start3A_959] : memref<2500x128xi32, #tpu.memory_space<hbm>> -> memref<8x128xi32, #tpu.memory_space<hbm>>
        %dma_start3A_961 = arith.constant 0 : i32
        %dma_start3A_962 = arith.constant 0 : i32
        %dma_start3A_963 = tpu.memref_slice %arg5[%sub3A_955, %dma_start3A_961, %dma_start3A_962] : memref<2x8x128xi32, #tpu.memory_space<vmem>> -> memref<1x8x128xi32, #tpu.memory_space<vmem>>
        %dma_start3A_964 = tpu.memref_squeeze %dma_start3A_963 : memref<1x8x128xi32, #tpu.memory_space<vmem>> -> memref<8x128xi32, #tpu.memory_space<vmem>>
        %dma_start3A_965 = arith.constant 0 : i32
        %dma_start3A_966 = tpu.memref_slice %arg2[%mul3A_954, %dma_start3A_965] : memref<2500x128xi32, #tpu.memory_space<hbm>> -> memref<8x128xi32, #tpu.memory_space<hbm>>
        tpu.enqueue_dma source(%dma_start3A_966 : memref<8x128xi32, #tpu.memory_space<hbm>>) target(%dma_start3A_964 : memref<8x128xi32, #tpu.memory_space<vmem>>) target_semaphore(%arg8 : memref<!tpu.dma_semaphore, #tpu.memory_space<semaphore_mem>>)
      } else {
      }
      %get3A = arith.constant 0 : i32
      %get3A_54 = arith.constant 0 : i32
      %get3A_55 = arith.constant 0 : i32
      %get3A_56 = tpu.memref_slice %arg5[%rem3A_34, %get3A_54, %get3A_55] : memref<2x8x128xi32, #tpu.memory_space<vmem>> -> memref<1x8x128xi32, #tpu.memory_space<vmem>>
      %get3A_57 = tpu.memref_squeeze %get3A_56 : memref<1x8x128xi32, #tpu.memory_space<vmem>> -> memref<8x128xi32, #tpu.memory_space<vmem>>
      %get3A_58 = arith.index_cast %get3A : i32 to index
      %get3A_59 = arith.constant 0 : index
      %get3A_60 = tpu.vector_load %get3A_57[%get3A_58, %get3A_59] {strides = array<i32>} : memref<8x128xi32, #tpu.memory_space<vmem>>, vector<16xi32>,
      %shift_right_logical3A = arith.constant 7 : i32
      %shift_right_logical3A_61 = vector.broadcast %shift_right_logical3A : i32 to vector<16xi32>
      %shift_right_logical3A_62 = arith.shrui %get3A_60, %shift_right_logical3A_61 : vector<16xi32>
      %and3A = arith.constant 127 : i32
      %and3A_63 = vector.broadcast %and3A : i32 to vector<16xi32>
      %and3A_64 = arith.andi %get3A_60, %and3A_63 : vector<16xi32>
      tpu.vector_store_idx %arg7[%shift_right_logical3A_62, %and3A_64], %broadcast_in_dim3A_13 {add = true} : memref<80x128xf32, #tpu.memory_space<vmem>>[vector<16xi32>, vector<16xi32>], vector<16xf32>,
      %get3A_65 = arith.constant 0 : i32
      %get3A_66 = arith.constant 0 : i32
      %get3A_67 = arith.constant 0 : i32
      %get3A_68 = tpu.memref_slice %arg5[%rem3A_34, %get3A_66, %get3A_67] : memref<2x8x128xi32, #tpu.memory_space<vmem>> -> memref<1x8x128xi32, #tpu.memory_space<vmem>>
      %get3A_69 = tpu.memref_squeeze %get3A_68 : memref<1x8x128xi32, #tpu.memory_space<vmem>> -> memref<8x128xi32, #tpu.memory_space<vmem>>
      %get3A_70 = arith.index_cast %get3A_65 : i32 to index
      %get3A_71 = arith.constant 16 : index
      %get3A_72 = tpu.vector_load %get3A_69[%get3A_70, %get3A_71] {strides = array<i32>} : memref<8x128xi32, #tpu.memory_space<vmem>>, vector<16xi32>,
      %shift_right_logical3A_73 = arith.constant 7 : i32
      %shift_right_logical3A_74 = vector.broadcast %shift_right_logical3A_73 : i32 to vector<16xi32>
      %shift_right_logical3A_75 = arith.shrui %get3A_72, %shift_right_logical3A_74 : vector<16xi32>
      %and3A_76 = arith.constant 127 : i32
      %and3A_77 = vector.broadcast %and3A_76 : i32 to vector<16xi32>
      %and3A_78 = arith.andi %get3A_72, %and3A_77 : vector<16xi32>
      tpu.vector_store_idx %arg7[%shift_right_logical3A_75, %and3A_78], %broadcast_in_dim3A_13 {add = true} : memref<80x128xf32, #tpu.memory_space<vmem>>[vector<16xi32>, vector<16xi32>], vector<16xf32>,
      %get3A_79 = arith.constant 0 : i32
      %get3A_80 = arith.constant 0 : i32
      %get3A_81 = arith.constant 0 : i32
      %get3A_82 = tpu.memref_slice %arg5[%rem3A_34, %get3A_80, %get3A_81] : memref<2x8x128xi32, #tpu.memory_space<vmem>> -> memref<1x8x128xi32, #tpu.memory_space<vmem>>
      %get3A_83 = tpu.memref_squeeze %get3A_82 : memref<1x8x128xi32, #tpu.memory_space<vmem>> -> memref<8x128xi32, #tpu.memory_space<vmem>>
      %get3A_84 = arith.index_cast %get3A_79 : i32 to index
      %get3A_85 = arith.constant 32 : index
      %get3A_86 = tpu.vector_load %get3A_83[%get3A_84, %get3A_85] {strides = array<i32>} : memref<8x128xi32, #tpu.memory_space<vmem>>, vector<16xi32>,
      %shift_right_logical3A_87 = arith.constant 7 : i32
      %shift_right_logical3A_88 = vector.broadcast %shift_right_logical3A_87 : i32 to vector<16xi32>
      %shift_right_logical3A_89 = arith.shrui %get3A_86, %shift_right_logical3A_88 : vector<16xi32>
      %and3A_90 = arith.constant 127 : i32
      %and3A_91 = vector.broadcast %and3A_90 : i32 to vector<16xi32>
      %and3A_92 = arith.andi %get3A_86, %and3A_91 : vector<16xi32>
      tpu.vector_store_idx %arg7[%shift_right_logical3A_89, %and3A_92], %broadcast_in_dim3A_13 {add = true} : memref<80x128xf32, #tpu.memory_space<vmem>>[vector<16xi32>, vector<16xi32>], vector<16xf32>,
      %get3A_93 = arith.constant 0 : i32
      %get3A_94 = arith.constant 0 : i32
      %get3A_95 = arith.constant 0 : i32
      %get3A_96 = tpu.memref_slice %arg5[%rem3A_34, %get3A_94, %get3A_95] : memref<2x8x128xi32, #tpu.memory_space<vmem>> -> memref<1x8x128xi32, #tpu.memory_space<vmem>>
      %get3A_97 = tpu.memref_squeeze %get3A_96 : memref<1x8x128xi32, #tpu.memory_space<vmem>> -> memref<8x128xi32, #tpu.memory_space<vmem>>
      %get3A_98 = arith.index_cast %get3A_93 : i32 to index
      %get3A_99 = arith.constant 48 : index
      %get3A_100 = tpu.vector_load %get3A_97[%get3A_98, %get3A_99] {strides = array<i32>} : memref<8x128xi32, #tpu.memory_space<vmem>>, vector<16xi32>,
      %shift_right_logical3A_101 = arith.constant 7 : i32
      %shift_right_logical3A_102 = vector.broadcast %shift_right_logical3A_101 : i32 to vector<16xi32>
      %shift_right_logical3A_103 = arith.shrui %get3A_100, %shift_right_logical3A_102 : vector<16xi32>
      %and3A_104 = arith.constant 127 : i32
      %and3A_105 = vector.broadcast %and3A_104 : i32 to vector<16xi32>
      %and3A_106 = arith.andi %get3A_100, %and3A_105 : vector<16xi32>
      tpu.vector_store_idx %arg7[%shift_right_logical3A_103, %and3A_106], %broadcast_in_dim3A_13 {add = true} : memref<80x128xf32, #tpu.memory_space<vmem>>[vector<16xi32>, vector<16xi32>], vector<16xf32>,
      %get3A_107 = arith.constant 0 : i32
      %get3A_108 = arith.constant 0 : i32
      %get3A_109 = arith.constant 0 : i32
      %get3A_110 = tpu.memref_slice %arg5[%rem3A_34, %get3A_108, %get3A_109] : memref<2x8x128xi32, #tpu.memory_space<vmem>> -> memref<1x8x128xi32, #tpu.memory_space<vmem>>
      %get3A_111 = tpu.memref_squeeze %get3A_110 : memref<1x8x128xi32, #tpu.memory_space<vmem>> -> memref<8x128xi32, #tpu.memory_space<vmem>>
      %get3A_112 = arith.index_cast %get3A_107 : i32 to index
      %get3A_113 = arith.constant 64 : index
      %get3A_114 = tpu.vector_load %get3A_111[%get3A_112, %get3A_113] {strides = array<i32>} : memref<8x128xi32, #tpu.memory_space<vmem>>, vector<16xi32>,
      %shift_right_logical3A_115 = arith.constant 7 : i32
      %shift_right_logical3A_116 = vector.broadcast %shift_right_logical3A_115 : i32 to vector<16xi32>
      %shift_right_logical3A_117 = arith.shrui %get3A_114, %shift_right_logical3A_116 : vector<16xi32>
      %and3A_118 = arith.constant 127 : i32
      %and3A_119 = vector.broadcast %and3A_118 : i32 to vector<16xi32>
      %and3A_120 = arith.andi %get3A_114, %and3A_119 : vector<16xi32>
      tpu.vector_store_idx %arg7[%shift_right_logical3A_117, %and3A_120], %broadcast_in_dim3A_13 {add = true} : memref<80x128xf32, #tpu.memory_space<vmem>>[vector<16xi32>, vector<16xi32>], vector<16xf32>,
      %get3A_121 = arith.constant 0 : i32
      %get3A_122 = arith.constant 0 : i32
      %get3A_123 = arith.constant 0 : i32
      %get3A_124 = tpu.memref_slice %arg5[%rem3A_34, %get3A_122, %get3A_123] : memref<2x8x128xi32, #tpu.memory_space<vmem>> -> memref<1x8x128xi32, #tpu.memory_space<vmem>>
      %get3A_125 = tpu.memref_squeeze %get3A_124 : memref<1x8x128xi32, #tpu.memory_space<vmem>> -> memref<8x128xi32, #tpu.memory_space<vmem>>
      %get3A_126 = arith.index_cast %get3A_121 : i32 to index
      %get3A_127 = arith.constant 80 : index
      %get3A_128 = tpu.vector_load %get3A_125[%get3A_126, %get3A_127] {strides = array<i32>} : memref<8x128xi32, #tpu.memory_space<vmem>>, vector<16xi32>,
      %shift_right_logical3A_129 = arith.constant 7 : i32
      %shift_right_logical3A_130 = vector.broadcast %shift_right_logical3A_129 : i32 to vector<16xi32>
      %shift_right_logical3A_131 = arith.shrui %get3A_128, %shift_right_logical3A_130 : vector<16xi32>
      %and3A_132 = arith.constant 127 : i32
      %and3A_133 = vector.broadcast %and3A_132 : i32 to vector<16xi32>
      %and3A_134 = arith.andi %get3A_128, %and3A_133 : vector<16xi32>
      tpu.vector_store_idx %arg7[%shift_right_logical3A_131, %and3A_134], %broadcast_in_dim3A_13 {add = true} : memref<80x128xf32, #tpu.memory_space<vmem>>[vector<16xi32>, vector<16xi32>], vector<16xf32>,
      %get3A_135 = arith.constant 0 : i32
      %get3A_136 = arith.constant 0 : i32
      %get3A_137 = arith.constant 0 : i32
      %get3A_138 = tpu.memref_slice %arg5[%rem3A_34, %get3A_136, %get3A_137] : memref<2x8x128xi32, #tpu.memory_space<vmem>> -> memref<1x8x128xi32, #tpu.memory_space<vmem>>
      %get3A_139 = tpu.memref_squeeze %get3A_138 : memref<1x8x128xi32, #tpu.memory_space<vmem>> -> memref<8x128xi32, #tpu.memory_space<vmem>>
      %get3A_140 = arith.index_cast %get3A_135 : i32 to index
      %get3A_141 = arith.constant 96 : index
      %get3A_142 = tpu.vector_load %get3A_139[%get3A_140, %get3A_141] {strides = array<i32>} : memref<8x128xi32, #tpu.memory_space<vmem>>, vector<16xi32>,
      %shift_right_logical3A_143 = arith.constant 7 : i32
      %shift_right_logical3A_144 = vector.broadcast %shift_right_logical3A_143 : i32 to vector<16xi32>
      %shift_right_logical3A_145 = arith.shrui %get3A_142, %shift_right_logical3A_144 : vector<16xi32>
      %and3A_146 = arith.constant 127 : i32
      %and3A_147 = vector.broadcast %and3A_146 : i32 to vector<16xi32>
      %and3A_148 = arith.andi %get3A_142, %and3A_147 : vector<16xi32>
      tpu.vector_store_idx %arg7[%shift_right_logical3A_145, %and3A_148], %broadcast_in_dim3A_13 {add = true} : memref<80x128xf32, #tpu.memory_space<vmem>>[vector<16xi32>, vector<16xi32>], vector<16xf32>,
      %get3A_149 = arith.constant 0 : i32
      %get3A_150 = arith.constant 0 : i32
      %get3A_151 = arith.constant 0 : i32
      %get3A_152 = tpu.memref_slice %arg5[%rem3A_34, %get3A_150, %get3A_151] : memref<2x8x128xi32, #tpu.memory_space<vmem>> -> memref<1x8x128xi32, #tpu.memory_space<vmem>>
      %get3A_153 = tpu.memref_squeeze %get3A_152 : memref<1x8x128xi32, #tpu.memory_space<vmem>> -> memref<8x128xi32, #tpu.memory_space<vmem>>
      %get3A_154 = arith.index_cast %get3A_149 : i32 to index
      %get3A_155 = arith.constant 112 : index
      %get3A_156 = tpu.vector_load %get3A_153[%get3A_154, %get3A_155] {strides = array<i32>} : memref<8x128xi32, #tpu.memory_space<vmem>>, vector<16xi32>,
      %shift_right_logical3A_157 = arith.constant 7 : i32
      %shift_right_logical3A_158 = vector.broadcast %shift_right_logical3A_157 : i32 to vector<16xi32>
      %shift_right_logical3A_159 = arith.shrui %get3A_156, %shift_right_logical3A_158 : vector<16xi32>
      %and3A_160 = arith.constant 127 : i32
      %and3A_161 = vector.broadcast %and3A_160 : i32 to vector<16xi32>
      %and3A_162 = arith.andi %get3A_156, %and3A_161 : vector<16xi32>
      tpu.vector_store_idx %arg7[%shift_right_logical3A_159, %and3A_162], %broadcast_in_dim3A_13 {add = true} : memref<80x128xf32, #tpu.memory_space<vmem>>[vector<16xi32>, vector<16xi32>], vector<16xf32>,
      %get3A_163 = arith.constant 1 : i32
      %get3A_164 = arith.constant 0 : i32
      %get3A_165 = arith.constant 0 : i32
      %get3A_166 = tpu.memref_slice %arg5[%rem3A_34, %get3A_164, %get3A_165] : memref<2x8x128xi32, #tpu.memory_space<vmem>> -> memref<1x8x128xi32, #tpu.memory_space<vmem>>
      %get3A_167 = tpu.memref_squeeze %get3A_166 : memref<1x8x128xi32, #tpu.memory_space<vmem>> -> memref<8x128xi32, #tpu.memory_space<vmem>>
      %get3A_168 = arith.index_cast %get3A_163 : i32 to index
      %get3A_169 = arith.constant 0 : index
      %get3A_170 = tpu.vector_load %get3A_167[%get3A_168, %get3A_169] {strides = array<i32>} : memref<8x128xi32, #tpu.memory_space<vmem>>, vector<16xi32>,
      %shift_right_logical3A_171 = arith.constant 7 : i32
      %shift_right_logical3A_172 = vector.broadcast %shift_right_logical3A_171 : i32 to vector<16xi32>
      %shift_right_logical3A_173 = arith.shrui %get3A_170, %shift_right_logical3A_172 : vector<16xi32>
      %and3A_174 = arith.constant 127 : i32
      %and3A_175 = vector.broadcast %and3A_174 : i32 to vector<16xi32>
      %and3A_176 = arith.andi %get3A_170, %and3A_175 : vector<16xi32>
      tpu.vector_store_idx %arg7[%shift_right_logical3A_173, %and3A_176], %broadcast_in_dim3A_13 {add = true} : memref<80x128xf32, #tpu.memory_space<vmem>>[vector<16xi32>, vector<16xi32>], vector<16xf32>,
      %get3A_177 = arith.constant 1 : i32
      %get3A_178 = arith.constant 0 : i32
      %get3A_179 = arith.constant 0 : i32
      %get3A_180 = tpu.memref_slice %arg5[%rem3A_34, %get3A_178, %get3A_179] : memref<2x8x128xi32, #tpu.memory_space<vmem>> -> memref<1x8x128xi32, #tpu.memory_space<vmem>>
      %get3A_181 = tpu.memref_squeeze %get3A_180 : memref<1x8x128xi32, #tpu.memory_space<vmem>> -> memref<8x128xi32, #tpu.memory_space<vmem>>
      %get3A_182 = arith.index_cast %get3A_177 : i32 to index
      %get3A_183 = arith.constant 16 : index
      %get3A_184 = tpu.vector_load %get3A_181[%get3A_182, %get3A_183] {strides = array<i32>} : memref<8x128xi32, #tpu.memory_space<vmem>>, vector<16xi32>,
      %shift_right_logical3A_185 = arith.constant 7 : i32
      %shift_right_logical3A_186 = vector.broadcast %shift_right_logical3A_185 : i32 to vector<16xi32>
      %shift_right_logical3A_187 = arith.shrui %get3A_184, %shift_right_logical3A_186 : vector<16xi32>
      %and3A_188 = arith.constant 127 : i32
      %and3A_189 = vector.broadcast %and3A_188 : i32 to vector<16xi32>
      %and3A_190 = arith.andi %get3A_184, %and3A_189 : vector<16xi32>
      tpu.vector_store_idx %arg7[%shift_right_logical3A_187, %and3A_190], %broadcast_in_dim3A_13 {add = true} : memref<80x128xf32, #tpu.memory_space<vmem>>[vector<16xi32>, vector<16xi32>], vector<16xf32>,
      %get3A_191 = arith.constant 1 : i32
      %get3A_192 = arith.constant 0 : i32
      %get3A_193 = arith.constant 0 : i32
      %get3A_194 = tpu.memref_slice %arg5[%rem3A_34, %get3A_192, %get3A_193] : memref<2x8x128xi32, #tpu.memory_space<vmem>> -> memref<1x8x128xi32, #tpu.memory_space<vmem>>
      %get3A_195 = tpu.memref_squeeze %get3A_194 : memref<1x8x128xi32, #tpu.memory_space<vmem>> -> memref<8x128xi32, #tpu.memory_space<vmem>>
      %get3A_196 = arith.index_cast %get3A_191 : i32 to index
      %get3A_197 = arith.constant 32 : index
      %get3A_198 = tpu.vector_load %get3A_195[%get3A_196, %get3A_197] {strides = array<i32>} : memref<8x128xi32, #tpu.memory_space<vmem>>, vector<16xi32>,
      %shift_right_logical3A_199 = arith.constant 7 : i32
      %shift_right_logical3A_200 = vector.broadcast %shift_right_logical3A_199 : i32 to vector<16xi32>
      %shift_right_logical3A_201 = arith.shrui %get3A_198, %shift_right_logical3A_200 : vector<16xi32>
      %and3A_202 = arith.constant 127 : i32
      %and3A_203 = vector.broadcast %and3A_202 : i32 to vector<16xi32>
      %and3A_204 = arith.andi %get3A_198, %and3A_203 : vector<16xi32>
      tpu.vector_store_idx %arg7[%shift_right_logical3A_201, %and3A_204], %broadcast_in_dim3A_13 {add = true} : memref<80x128xf32, #tpu.memory_space<vmem>>[vector<16xi32>, vector<16xi32>], vector<16xf32>,
      %get3A_205 = arith.constant 1 : i32
      %get3A_206 = arith.constant 0 : i32
      %get3A_207 = arith.constant 0 : i32
      %get3A_208 = tpu.memref_slice %arg5[%rem3A_34, %get3A_206, %get3A_207] : memref<2x8x128xi32, #tpu.memory_space<vmem>> -> memref<1x8x128xi32, #tpu.memory_space<vmem>>
      %get3A_209 = tpu.memref_squeeze %get3A_208 : memref<1x8x128xi32, #tpu.memory_space<vmem>> -> memref<8x128xi32, #tpu.memory_space<vmem>>
      %get3A_210 = arith.index_cast %get3A_205 : i32 to index
      %get3A_211 = arith.constant 48 : index
      %get3A_212 = tpu.vector_load %get3A_209[%get3A_210, %get3A_211] {strides = array<i32>} : memref<8x128xi32, #tpu.memory_space<vmem>>, vector<16xi32>,
      %shift_right_logical3A_213 = arith.constant 7 : i32
      %shift_right_logical3A_214 = vector.broadcast %shift_right_logical3A_213 : i32 to vector<16xi32>
      %shift_right_logical3A_215 = arith.shrui %get3A_212, %shift_right_logical3A_214 : vector<16xi32>
      %and3A_216 = arith.constant 127 : i32
      %and3A_217 = vector.broadcast %and3A_216 : i32 to vector<16xi32>
      %and3A_218 = arith.andi %get3A_212, %and3A_217 : vector<16xi32>
      tpu.vector_store_idx %arg7[%shift_right_logical3A_215, %and3A_218], %broadcast_in_dim3A_13 {add = true} : memref<80x128xf32, #tpu.memory_space<vmem>>[vector<16xi32>, vector<16xi32>], vector<16xf32>,
      %get3A_219 = arith.constant 1 : i32
      %get3A_220 = arith.constant 0 : i32
      %get3A_221 = arith.constant 0 : i32
      %get3A_222 = tpu.memref_slice %arg5[%rem3A_34, %get3A_220, %get3A_221] : memref<2x8x128xi32, #tpu.memory_space<vmem>> -> memref<1x8x128xi32, #tpu.memory_space<vmem>>
      %get3A_223 = tpu.memref_squeeze %get3A_222 : memref<1x8x128xi32, #tpu.memory_space<vmem>> -> memref<8x128xi32, #tpu.memory_space<vmem>>
      %get3A_224 = arith.index_cast %get3A_219 : i32 to index
      %get3A_225 = arith.constant 64 : index
      %get3A_226 = tpu.vector_load %get3A_223[%get3A_224, %get3A_225] {strides = array<i32>} : memref<8x128xi32, #tpu.memory_space<vmem>>, vector<16xi32>,
      %shift_right_logical3A_227 = arith.constant 7 : i32
      %shift_right_logical3A_228 = vector.broadcast %shift_right_logical3A_227 : i32 to vector<16xi32>
      %shift_right_logical3A_229 = arith.shrui %get3A_226, %shift_right_logical3A_228 : vector<16xi32>
      %and3A_230 = arith.constant 127 : i32
      %and3A_231 = vector.broadcast %and3A_230 : i32 to vector<16xi32>
      %and3A_232 = arith.andi %get3A_226, %and3A_231 : vector<16xi32>
      tpu.vector_store_idx %arg7[%shift_right_logical3A_229, %and3A_232], %broadcast_in_dim3A_13 {add = true} : memref<80x128xf32, #tpu.memory_space<vmem>>[vector<16xi32>, vector<16xi32>], vector<16xf32>,
      %get3A_233 = arith.constant 1 : i32
      %get3A_234 = arith.constant 0 : i32
      %get3A_235 = arith.constant 0 : i32
      %get3A_236 = tpu.memref_slice %arg5[%rem3A_34, %get3A_234, %get3A_235] : memref<2x8x128xi32, #tpu.memory_space<vmem>> -> memref<1x8x128xi32, #tpu.memory_space<vmem>>
      %get3A_237 = tpu.memref_squeeze %get3A_236 : memref<1x8x128xi32, #tpu.memory_space<vmem>> -> memref<8x128xi32, #tpu.memory_space<vmem>>
      %get3A_238 = arith.index_cast %get3A_233 : i32 to index
      %get3A_239 = arith.constant 80 : index
      %get3A_240 = tpu.vector_load %get3A_237[%get3A_238, %get3A_239] {strides = array<i32>} : memref<8x128xi32, #tpu.memory_space<vmem>>, vector<16xi32>,
      %shift_right_logical3A_241 = arith.constant 7 : i32
      %shift_right_logical3A_242 = vector.broadcast %shift_right_logical3A_241 : i32 to vector<16xi32>
      %shift_right_logical3A_243 = arith.shrui %get3A_240, %shift_right_logical3A_242 : vector<16xi32>
      %and3A_244 = arith.constant 127 : i32
      %and3A_245 = vector.broadcast %and3A_244 : i32 to vector<16xi32>
      %and3A_246 = arith.andi %get3A_240, %and3A_245 : vector<16xi32>
      tpu.vector_store_idx %arg7[%shift_right_logical3A_243, %and3A_246], %broadcast_in_dim3A_13 {add = true} : memref<80x128xf32, #tpu.memory_space<vmem>>[vector<16xi32>, vector<16xi32>], vector<16xf32>,
      %get3A_247 = arith.constant 1 : i32
      %get3A_248 = arith.constant 0 : i32
      %get3A_249 = arith.constant 0 : i32
      %get3A_250 = tpu.memref_slice %arg5[%rem3A_34, %get3A_248, %get3A_249] : memref<2x8x128xi32, #tpu.memory_space<vmem>> -> memref<1x8x128xi32, #tpu.memory_space<vmem>>
      %get3A_251 = tpu.memref_squeeze %get3A_250 : memref<1x8x128xi32, #tpu.memory_space<vmem>> -> memref<8x128xi32, #tpu.memory_space<vmem>>
      %get3A_252 = arith.index_cast %get3A_247 : i32 to index
      %get3A_253 = arith.constant 96 : index
      %get3A_254 = tpu.vector_load %get3A_251[%get3A_252, %get3A_253] {strides = array<i32>} : memref<8x128xi32, #tpu.memory_space<vmem>>, vector<16xi32>,
      %shift_right_logical3A_255 = arith.constant 7 : i32
      %shift_right_logical3A_256 = vector.broadcast %shift_right_logical3A_255 : i32 to vector<16xi32>
      %shift_right_logical3A_257 = arith.shrui %get3A_254, %shift_right_logical3A_256 : vector<16xi32>
      %and3A_258 = arith.constant 127 : i32
      %and3A_259 = vector.broadcast %and3A_258 : i32 to vector<16xi32>
      %and3A_260 = arith.andi %get3A_254, %and3A_259 : vector<16xi32>
      tpu.vector_store_idx %arg7[%shift_right_logical3A_257, %and3A_260], %broadcast_in_dim3A_13 {add = true} : memref<80x128xf32, #tpu.memory_space<vmem>>[vector<16xi32>, vector<16xi32>], vector<16xf32>,
      %get3A_261 = arith.constant 1 : i32
      %get3A_262 = arith.constant 0 : i32
      %get3A_263 = arith.constant 0 : i32
      %get3A_264 = tpu.memref_slice %arg5[%rem3A_34, %get3A_262, %get3A_263] : memref<2x8x128xi32, #tpu.memory_space<vmem>> -> memref<1x8x128xi32, #tpu.memory_space<vmem>>
      %get3A_265 = tpu.memref_squeeze %get3A_264 : memref<1x8x128xi32, #tpu.memory_space<vmem>> -> memref<8x128xi32, #tpu.memory_space<vmem>>
      %get3A_266 = arith.index_cast %get3A_261 : i32 to index
      %get3A_267 = arith.constant 112 : index
      %get3A_268 = tpu.vector_load %get3A_265[%get3A_266, %get3A_267] {strides = array<i32>} : memref<8x128xi32, #tpu.memory_space<vmem>>, vector<16xi32>,
      %shift_right_logical3A_269 = arith.constant 7 : i32
      %shift_right_logical3A_270 = vector.broadcast %shift_right_logical3A_269 : i32 to vector<16xi32>
      %shift_right_logical3A_271 = arith.shrui %get3A_268, %shift_right_logical3A_270 : vector<16xi32>
      %and3A_272 = arith.constant 127 : i32
      %and3A_273 = vector.broadcast %and3A_272 : i32 to vector<16xi32>
      %and3A_274 = arith.andi %get3A_268, %and3A_273 : vector<16xi32>
      tpu.vector_store_idx %arg7[%shift_right_logical3A_271, %and3A_274], %broadcast_in_dim3A_13 {add = true} : memref<80x128xf32, #tpu.memory_space<vmem>>[vector<16xi32>, vector<16xi32>], vector<16xf32>,
      %get3A_275 = arith.constant 2 : i32
      %get3A_276 = arith.constant 0 : i32
      %get3A_277 = arith.constant 0 : i32
      %get3A_278 = tpu.memref_slice %arg5[%rem3A_34, %get3A_276, %get3A_277] : memref<2x8x128xi32, #tpu.memory_space<vmem>> -> memref<1x8x128xi32, #tpu.memory_space<vmem>>
      %get3A_279 = tpu.memref_squeeze %get3A_278 : memref<1x8x128xi32, #tpu.memory_space<vmem>> -> memref<8x128xi32, #tpu.memory_space<vmem>>
      %get3A_280 = arith.index_cast %get3A_275 : i32 to index
      %get3A_281 = arith.constant 0 : index
      %get3A_282 = tpu.vector_load %get3A_279[%get3A_280, %get3A_281] {strides = array<i32>} : memref<8x128xi32, #tpu.memory_space<vmem>>, vector<16xi32>,
      %shift_right_logical3A_283 = arith.constant 7 : i32
      %shift_right_logical3A_284 = vector.broadcast %shift_right_logical3A_283 : i32 to vector<16xi32>
      %shift_right_logical3A_285 = arith.shrui %get3A_282, %shift_right_logical3A_284 : vector<16xi32>
      %and3A_286 = arith.constant 127 : i32
      %and3A_287 = vector.broadcast %and3A_286 : i32 to vector<16xi32>
      %and3A_288 = arith.andi %get3A_282, %and3A_287 : vector<16xi32>
      tpu.vector_store_idx %arg7[%shift_right_logical3A_285, %and3A_288], %broadcast_in_dim3A_13 {add = true} : memref<80x128xf32, #tpu.memory_space<vmem>>[vector<16xi32>, vector<16xi32>], vector<16xf32>,
      %get3A_289 = arith.constant 2 : i32
      %get3A_290 = arith.constant 0 : i32
      %get3A_291 = arith.constant 0 : i32
      %get3A_292 = tpu.memref_slice %arg5[%rem3A_34, %get3A_290, %get3A_291] : memref<2x8x128xi32, #tpu.memory_space<vmem>> -> memref<1x8x128xi32, #tpu.memory_space<vmem>>
      %get3A_293 = tpu.memref_squeeze %get3A_292 : memref<1x8x128xi32, #tpu.memory_space<vmem>> -> memref<8x128xi32, #tpu.memory_space<vmem>>
      %get3A_294 = arith.index_cast %get3A_289 : i32 to index
      %get3A_295 = arith.constant 16 : index
      %get3A_296 = tpu.vector_load %get3A_293[%get3A_294, %get3A_295] {strides = array<i32>} : memref<8x128xi32, #tpu.memory_space<vmem>>, vector<16xi32>,
      %shift_right_logical3A_297 = arith.constant 7 : i32
      %shift_right_logical3A_298 = vector.broadcast %shift_right_logical3A_297 : i32 to vector<16xi32>
      %shift_right_logical3A_299 = arith.shrui %get3A_296, %shift_right_logical3A_298 : vector<16xi32>
      %and3A_300 = arith.constant 127 : i32
      %and3A_301 = vector.broadcast %and3A_300 : i32 to vector<16xi32>
      %and3A_302 = arith.andi %get3A_296, %and3A_301 : vector<16xi32>
      tpu.vector_store_idx %arg7[%shift_right_logical3A_299, %and3A_302], %broadcast_in_dim3A_13 {add = true} : memref<80x128xf32, #tpu.memory_space<vmem>>[vector<16xi32>, vector<16xi32>], vector<16xf32>,
      %get3A_303 = arith.constant 2 : i32
      %get3A_304 = arith.constant 0 : i32
      %get3A_305 = arith.constant 0 : i32
      %get3A_306 = tpu.memref_slice %arg5[%rem3A_34, %get3A_304, %get3A_305] : memref<2x8x128xi32, #tpu.memory_space<vmem>> -> memref<1x8x128xi32, #tpu.memory_space<vmem>>
      %get3A_307 = tpu.memref_squeeze %get3A_306 : memref<1x8x128xi32, #tpu.memory_space<vmem>> -> memref<8x128xi32, #tpu.memory_space<vmem>>
      %get3A_308 = arith.index_cast %get3A_303 : i32 to index
      %get3A_309 = arith.constant 32 : index
      %get3A_310 = tpu.vector_load %get3A_307[%get3A_308, %get3A_309] {strides = array<i32>} : memref<8x128xi32, #tpu.memory_space<vmem>>, vector<16xi32>,
      %shift_right_logical3A_311 = arith.constant 7 : i32
      %shift_right_logical3A_312 = vector.broadcast %shift_right_logical3A_311 : i32 to vector<16xi32>
      %shift_right_logical3A_313 = arith.shrui %get3A_310, %shift_right_logical3A_312 : vector<16xi32>
      %and3A_314 = arith.constant 127 : i32
      %and3A_315 = vector.broadcast %and3A_314 : i32 to vector<16xi32>
      %and3A_316 = arith.andi %get3A_310, %and3A_315 : vector<16xi32>
      tpu.vector_store_idx %arg7[%shift_right_logical3A_313, %and3A_316], %broadcast_in_dim3A_13 {add = true} : memref<80x128xf32, #tpu.memory_space<vmem>>[vector<16xi32>, vector<16xi32>], vector<16xf32>,
      %get3A_317 = arith.constant 2 : i32
      %get3A_318 = arith.constant 0 : i32
      %get3A_319 = arith.constant 0 : i32
      %get3A_320 = tpu.memref_slice %arg5[%rem3A_34, %get3A_318, %get3A_319] : memref<2x8x128xi32, #tpu.memory_space<vmem>> -> memref<1x8x128xi32, #tpu.memory_space<vmem>>
      %get3A_321 = tpu.memref_squeeze %get3A_320 : memref<1x8x128xi32, #tpu.memory_space<vmem>> -> memref<8x128xi32, #tpu.memory_space<vmem>>
      %get3A_322 = arith.index_cast %get3A_317 : i32 to index
      %get3A_323 = arith.constant 48 : index
      %get3A_324 = tpu.vector_load %get3A_321[%get3A_322, %get3A_323] {strides = array<i32>} : memref<8x128xi32, #tpu.memory_space<vmem>>, vector<16xi32>,
      %shift_right_logical3A_325 = arith.constant 7 : i32
      %shift_right_logical3A_326 = vector.broadcast %shift_right_logical3A_325 : i32 to vector<16xi32>
      %shift_right_logical3A_327 = arith.shrui %get3A_324, %shift_right_logical3A_326 : vector<16xi32>
      %and3A_328 = arith.constant 127 : i32
      %and3A_329 = vector.broadcast %and3A_328 : i32 to vector<16xi32>
      %and3A_330 = arith.andi %get3A_324, %and3A_329 : vector<16xi32>
      tpu.vector_store_idx %arg7[%shift_right_logical3A_327, %and3A_330], %broadcast_in_dim3A_13 {add = true} : memref<80x128xf32, #tpu.memory_space<vmem>>[vector<16xi32>, vector<16xi32>], vector<16xf32>,
      %get3A_331 = arith.constant 2 : i32
      %get3A_332 = arith.constant 0 : i32
      %get3A_333 = arith.constant 0 : i32
      %get3A_334 = tpu.memref_slice %arg5[%rem3A_34, %get3A_332, %get3A_333] : memref<2x8x128xi32, #tpu.memory_space<vmem>> -> memref<1x8x128xi32, #tpu.memory_space<vmem>>
      %get3A_335 = tpu.memref_squeeze %get3A_334 : memref<1x8x128xi32, #tpu.memory_space<vmem>> -> memref<8x128xi32, #tpu.memory_space<vmem>>
      %get3A_336 = arith.index_cast %get3A_331 : i32 to index
      %get3A_337 = arith.constant 64 : index
      %get3A_338 = tpu.vector_load %get3A_335[%get3A_336, %get3A_337] {strides = array<i32>} : memref<8x128xi32, #tpu.memory_space<vmem>>, vector<16xi32>,
      %shift_right_logical3A_339 = arith.constant 7 : i32
      %shift_right_logical3A_340 = vector.broadcast %shift_right_logical3A_339 : i32 to vector<16xi32>
      %shift_right_logical3A_341 = arith.shrui %get3A_338, %shift_right_logical3A_340 : vector<16xi32>
      %and3A_342 = arith.constant 127 : i32
      %and3A_343 = vector.broadcast %and3A_342 : i32 to vector<16xi32>
      %and3A_344 = arith.andi %get3A_338, %and3A_343 : vector<16xi32>
      tpu.vector_store_idx %arg7[%shift_right_logical3A_341, %and3A_344], %broadcast_in_dim3A_13 {add = true} : memref<80x128xf32, #tpu.memory_space<vmem>>[vector<16xi32>, vector<16xi32>], vector<16xf32>,
      %get3A_345 = arith.constant 2 : i32
      %get3A_346 = arith.constant 0 : i32
      %get3A_347 = arith.constant 0 : i32
      %get3A_348 = tpu.memref_slice %arg5[%rem3A_34, %get3A_346, %get3A_347] : memref<2x8x128xi32, #tpu.memory_space<vmem>> -> memref<1x8x128xi32, #tpu.memory_space<vmem>>
      %get3A_349 = tpu.memref_squeeze %get3A_348 : memref<1x8x128xi32, #tpu.memory_space<vmem>> -> memref<8x128xi32, #tpu.memory_space<vmem>>
      %get3A_350 = arith.index_cast %get3A_345 : i32 to index
      %get3A_351 = arith.constant 80 : index
      %get3A_352 = tpu.vector_load %get3A_349[%get3A_350, %get3A_351] {strides = array<i32>} : memref<8x128xi32, #tpu.memory_space<vmem>>, vector<16xi32>,
      %shift_right_logical3A_353 = arith.constant 7 : i32
      %shift_right_logical3A_354 = vector.broadcast %shift_right_logical3A_353 : i32 to vector<16xi32>
      %shift_right_logical3A_355 = arith.shrui %get3A_352, %shift_right_logical3A_354 : vector<16xi32>
      %and3A_356 = arith.constant 127 : i32
      %and3A_357 = vector.broadcast %and3A_356 : i32 to vector<16xi32>
      %and3A_358 = arith.andi %get3A_352, %and3A_357 : vector<16xi32>
      tpu.vector_store_idx %arg7[%shift_right_logical3A_355, %and3A_358], %broadcast_in_dim3A_13 {add = true} : memref<80x128xf32, #tpu.memory_space<vmem>>[vector<16xi32>, vector<16xi32>], vector<16xf32>,
      %get3A_359 = arith.constant 2 : i32
      %get3A_360 = arith.constant 0 : i32
      %get3A_361 = arith.constant 0 : i32
      %get3A_362 = tpu.memref_slice %arg5[%rem3A_34, %get3A_360, %get3A_361] : memref<2x8x128xi32, #tpu.memory_space<vmem>> -> memref<1x8x128xi32, #tpu.memory_space<vmem>>
      %get3A_363 = tpu.memref_squeeze %get3A_362 : memref<1x8x128xi32, #tpu.memory_space<vmem>> -> memref<8x128xi32, #tpu.memory_space<vmem>>
      %get3A_364 = arith.index_cast %get3A_359 : i32 to index
      %get3A_365 = arith.constant 96 : index
      %get3A_366 = tpu.vector_load %get3A_363[%get3A_364, %get3A_365] {strides = array<i32>} : memref<8x128xi32, #tpu.memory_space<vmem>>, vector<16xi32>,
      %shift_right_logical3A_367 = arith.constant 7 : i32
      %shift_right_logical3A_368 = vector.broadcast %shift_right_logical3A_367 : i32 to vector<16xi32>
      %shift_right_logical3A_369 = arith.shrui %get3A_366, %shift_right_logical3A_368 : vector<16xi32>
      %and3A_370 = arith.constant 127 : i32
      %and3A_371 = vector.broadcast %and3A_370 : i32 to vector<16xi32>
      %and3A_372 = arith.andi %get3A_366, %and3A_371 : vector<16xi32>
      tpu.vector_store_idx %arg7[%shift_right_logical3A_369, %and3A_372], %broadcast_in_dim3A_13 {add = true} : memref<80x128xf32, #tpu.memory_space<vmem>>[vector<16xi32>, vector<16xi32>], vector<16xf32>,
      %get3A_373 = arith.constant 2 : i32
      %get3A_374 = arith.constant 0 : i32
      %get3A_375 = arith.constant 0 : i32
      %get3A_376 = tpu.memref_slice %arg5[%rem3A_34, %get3A_374, %get3A_375] : memref<2x8x128xi32, #tpu.memory_space<vmem>> -> memref<1x8x128xi32, #tpu.memory_space<vmem>>
      %get3A_377 = tpu.memref_squeeze %get3A_376 : memref<1x8x128xi32, #tpu.memory_space<vmem>> -> memref<8x128xi32, #tpu.memory_space<vmem>>
      %get3A_378 = arith.index_cast %get3A_373 : i32 to index
      %get3A_379 = arith.constant 112 : index
      %get3A_380 = tpu.vector_load %get3A_377[%get3A_378, %get3A_379] {strides = array<i32>} : memref<8x128xi32, #tpu.memory_space<vmem>>, vector<16xi32>,
      %shift_right_logical3A_381 = arith.constant 7 : i32
      %shift_right_logical3A_382 = vector.broadcast %shift_right_logical3A_381 : i32 to vector<16xi32>
      %shift_right_logical3A_383 = arith.shrui %get3A_380, %shift_right_logical3A_382 : vector<16xi32>
      %and3A_384 = arith.constant 127 : i32
      %and3A_385 = vector.broadcast %and3A_384 : i32 to vector<16xi32>
      %and3A_386 = arith.andi %get3A_380, %and3A_385 : vector<16xi32>
      tpu.vector_store_idx %arg7[%shift_right_logical3A_383, %and3A_386], %broadcast_in_dim3A_13 {add = true} : memref<80x128xf32, #tpu.memory_space<vmem>>[vector<16xi32>, vector<16xi32>], vector<16xf32>,
      %get3A_387 = arith.constant 3 : i32
      %get3A_388 = arith.constant 0 : i32
      %get3A_389 = arith.constant 0 : i32
      %get3A_390 = tpu.memref_slice %arg5[%rem3A_34, %get3A_388, %get3A_389] : memref<2x8x128xi32, #tpu.memory_space<vmem>> -> memref<1x8x128xi32, #tpu.memory_space<vmem>>
      %get3A_391 = tpu.memref_squeeze %get3A_390 : memref<1x8x128xi32, #tpu.memory_space<vmem>> -> memref<8x128xi32, #tpu.memory_space<vmem>>
      %get3A_392 = arith.index_cast %get3A_387 : i32 to index
      %get3A_393 = arith.constant 0 : index
      %get3A_394 = tpu.vector_load %get3A_391[%get3A_392, %get3A_393] {strides = array<i32>} : memref<8x128xi32, #tpu.memory_space<vmem>>, vector<16xi32>,
      %shift_right_logical3A_395 = arith.constant 7 : i32
      %shift_right_logical3A_396 = vector.broadcast %shift_right_logical3A_395 : i32 to vector<16xi32>
      %shift_right_logical3A_397 = arith.shrui %get3A_394, %shift_right_logical3A_396 : vector<16xi32>
      %and3A_398 = arith.constant 127 : i32
      %and3A_399 = vector.broadcast %and3A_398 : i32 to vector<16xi32>
      %and3A_400 = arith.andi %get3A_394, %and3A_399 : vector<16xi32>
      tpu.vector_store_idx %arg7[%shift_right_logical3A_397, %and3A_400], %broadcast_in_dim3A_13 {add = true} : memref<80x128xf32, #tpu.memory_space<vmem>>[vector<16xi32>, vector<16xi32>], vector<16xf32>,
      %get3A_401 = arith.constant 3 : i32
      %get3A_402 = arith.constant 0 : i32
      %get3A_403 = arith.constant 0 : i32
      %get3A_404 = tpu.memref_slice %arg5[%rem3A_34, %get3A_402, %get3A_403] : memref<2x8x128xi32, #tpu.memory_space<vmem>> -> memref<1x8x128xi32, #tpu.memory_space<vmem>>
      %get3A_405 = tpu.memref_squeeze %get3A_404 : memref<1x8x128xi32, #tpu.memory_space<vmem>> -> memref<8x128xi32, #tpu.memory_space<vmem>>
      %get3A_406 = arith.index_cast %get3A_401 : i32 to index
      %get3A_407 = arith.constant 16 : index
      %get3A_408 = tpu.vector_load %get3A_405[%get3A_406, %get3A_407] {strides = array<i32>} : memref<8x128xi32, #tpu.memory_space<vmem>>, vector<16xi32>,
      %shift_right_logical3A_409 = arith.constant 7 : i32
      %shift_right_logical3A_410 = vector.broadcast %shift_right_logical3A_409 : i32 to vector<16xi32>
      %shift_right_logical3A_411 = arith.shrui %get3A_408, %shift_right_logical3A_410 : vector<16xi32>
      %and3A_412 = arith.constant 127 : i32
      %and3A_413 = vector.broadcast %and3A_412 : i32 to vector<16xi32>
      %and3A_414 = arith.andi %get3A_408, %and3A_413 : vector<16xi32>
      tpu.vector_store_idx %arg7[%shift_right_logical3A_411, %and3A_414], %broadcast_in_dim3A_13 {add = true} : memref<80x128xf32, #tpu.memory_space<vmem>>[vector<16xi32>, vector<16xi32>], vector<16xf32>,
      %get3A_415 = arith.constant 3 : i32
      %get3A_416 = arith.constant 0 : i32
      %get3A_417 = arith.constant 0 : i32
      %get3A_418 = tpu.memref_slice %arg5[%rem3A_34, %get3A_416, %get3A_417] : memref<2x8x128xi32, #tpu.memory_space<vmem>> -> memref<1x8x128xi32, #tpu.memory_space<vmem>>
      %get3A_419 = tpu.memref_squeeze %get3A_418 : memref<1x8x128xi32, #tpu.memory_space<vmem>> -> memref<8x128xi32, #tpu.memory_space<vmem>>
      %get3A_420 = arith.index_cast %get3A_415 : i32 to index
      %get3A_421 = arith.constant 32 : index
      %get3A_422 = tpu.vector_load %get3A_419[%get3A_420, %get3A_421] {strides = array<i32>} : memref<8x128xi32, #tpu.memory_space<vmem>>, vector<16xi32>,
      %shift_right_logical3A_423 = arith.constant 7 : i32
      %shift_right_logical3A_424 = vector.broadcast %shift_right_logical3A_423 : i32 to vector<16xi32>
      %shift_right_logical3A_425 = arith.shrui %get3A_422, %shift_right_logical3A_424 : vector<16xi32>
      %and3A_426 = arith.constant 127 : i32
      %and3A_427 = vector.broadcast %and3A_426 : i32 to vector<16xi32>
      %and3A_428 = arith.andi %get3A_422, %and3A_427 : vector<16xi32>
      tpu.vector_store_idx %arg7[%shift_right_logical3A_425, %and3A_428], %broadcast_in_dim3A_13 {add = true} : memref<80x128xf32, #tpu.memory_space<vmem>>[vector<16xi32>, vector<16xi32>], vector<16xf32>,
      %get3A_429 = arith.constant 3 : i32
      %get3A_430 = arith.constant 0 : i32
      %get3A_431 = arith.constant 0 : i32
      %get3A_432 = tpu.memref_slice %arg5[%rem3A_34, %get3A_430, %get3A_431] : memref<2x8x128xi32, #tpu.memory_space<vmem>> -> memref<1x8x128xi32, #tpu.memory_space<vmem>>
      %get3A_433 = tpu.memref_squeeze %get3A_432 : memref<1x8x128xi32, #tpu.memory_space<vmem>> -> memref<8x128xi32, #tpu.memory_space<vmem>>
      %get3A_434 = arith.index_cast %get3A_429 : i32 to index
      %get3A_435 = arith.constant 48 : index
      %get3A_436 = tpu.vector_load %get3A_433[%get3A_434, %get3A_435] {strides = array<i32>} : memref<8x128xi32, #tpu.memory_space<vmem>>, vector<16xi32>,
      %shift_right_logical3A_437 = arith.constant 7 : i32
      %shift_right_logical3A_438 = vector.broadcast %shift_right_logical3A_437 : i32 to vector<16xi32>
      %shift_right_logical3A_439 = arith.shrui %get3A_436, %shift_right_logical3A_438 : vector<16xi32>
      %and3A_440 = arith.constant 127 : i32
      %and3A_441 = vector.broadcast %and3A_440 : i32 to vector<16xi32>
      %and3A_442 = arith.andi %get3A_436, %and3A_441 : vector<16xi32>
      tpu.vector_store_idx %arg7[%shift_right_logical3A_439, %and3A_442], %broadcast_in_dim3A_13 {add = true} : memref<80x128xf32, #tpu.memory_space<vmem>>[vector<16xi32>, vector<16xi32>], vector<16xf32>,
      %get3A_443 = arith.constant 3 : i32
      %get3A_444 = arith.constant 0 : i32
      %get3A_445 = arith.constant 0 : i32
      %get3A_446 = tpu.memref_slice %arg5[%rem3A_34, %get3A_444, %get3A_445] : memref<2x8x128xi32, #tpu.memory_space<vmem>> -> memref<1x8x128xi32, #tpu.memory_space<vmem>>
      %get3A_447 = tpu.memref_squeeze %get3A_446 : memref<1x8x128xi32, #tpu.memory_space<vmem>> -> memref<8x128xi32, #tpu.memory_space<vmem>>
      %get3A_448 = arith.index_cast %get3A_443 : i32 to index
      %get3A_449 = arith.constant 64 : index
      %get3A_450 = tpu.vector_load %get3A_447[%get3A_448, %get3A_449] {strides = array<i32>} : memref<8x128xi32, #tpu.memory_space<vmem>>, vector<16xi32>,
      %shift_right_logical3A_451 = arith.constant 7 : i32
      %shift_right_logical3A_452 = vector.broadcast %shift_right_logical3A_451 : i32 to vector<16xi32>
      %shift_right_logical3A_453 = arith.shrui %get3A_450, %shift_right_logical3A_452 : vector<16xi32>
      %and3A_454 = arith.constant 127 : i32
      %and3A_455 = vector.broadcast %and3A_454 : i32 to vector<16xi32>
      %and3A_456 = arith.andi %get3A_450, %and3A_455 : vector<16xi32>
      tpu.vector_store_idx %arg7[%shift_right_logical3A_453, %and3A_456], %broadcast_in_dim3A_13 {add = true} : memref<80x128xf32, #tpu.memory_space<vmem>>[vector<16xi32>, vector<16xi32>], vector<16xf32>,
      %get3A_457 = arith.constant 3 : i32
      %get3A_458 = arith.constant 0 : i32
      %get3A_459 = arith.constant 0 : i32
      %get3A_460 = tpu.memref_slice %arg5[%rem3A_34, %get3A_458, %get3A_459] : memref<2x8x128xi32, #tpu.memory_space<vmem>> -> memref<1x8x128xi32, #tpu.memory_space<vmem>>
      %get3A_461 = tpu.memref_squeeze %get3A_460 : memref<1x8x128xi32, #tpu.memory_space<vmem>> -> memref<8x128xi32, #tpu.memory_space<vmem>>
      %get3A_462 = arith.index_cast %get3A_457 : i32 to index
      %get3A_463 = arith.constant 80 : index
      %get3A_464 = tpu.vector_load %get3A_461[%get3A_462, %get3A_463] {strides = array<i32>} : memref<8x128xi32, #tpu.memory_space<vmem>>, vector<16xi32>,
      %shift_right_logical3A_465 = arith.constant 7 : i32
      %shift_right_logical3A_466 = vector.broadcast %shift_right_logical3A_465 : i32 to vector<16xi32>
      %shift_right_logical3A_467 = arith.shrui %get3A_464, %shift_right_logical3A_466 : vector<16xi32>
      %and3A_468 = arith.constant 127 : i32
      %and3A_469 = vector.broadcast %and3A_468 : i32 to vector<16xi32>
      %and3A_470 = arith.andi %get3A_464, %and3A_469 : vector<16xi32>
      tpu.vector_store_idx %arg7[%shift_right_logical3A_467, %and3A_470], %broadcast_in_dim3A_13 {add = true} : memref<80x128xf32, #tpu.memory_space<vmem>>[vector<16xi32>, vector<16xi32>], vector<16xf32>,
      %get3A_471 = arith.constant 3 : i32
      %get3A_472 = arith.constant 0 : i32
      %get3A_473 = arith.constant 0 : i32
      %get3A_474 = tpu.memref_slice %arg5[%rem3A_34, %get3A_472, %get3A_473] : memref<2x8x128xi32, #tpu.memory_space<vmem>> -> memref<1x8x128xi32, #tpu.memory_space<vmem>>
      %get3A_475 = tpu.memref_squeeze %get3A_474 : memref<1x8x128xi32, #tpu.memory_space<vmem>> -> memref<8x128xi32, #tpu.memory_space<vmem>>
      %get3A_476 = arith.index_cast %get3A_471 : i32 to index
      %get3A_477 = arith.constant 96 : index
      %get3A_478 = tpu.vector_load %get3A_475[%get3A_476, %get3A_477] {strides = array<i32>} : memref<8x128xi32, #tpu.memory_space<vmem>>, vector<16xi32>,
      %shift_right_logical3A_479 = arith.constant 7 : i32
      %shift_right_logical3A_480 = vector.broadcast %shift_right_logical3A_479 : i32 to vector<16xi32>
      %shift_right_logical3A_481 = arith.shrui %get3A_478, %shift_right_logical3A_480 : vector<16xi32>
      %and3A_482 = arith.constant 127 : i32
      %and3A_483 = vector.broadcast %and3A_482 : i32 to vector<16xi32>
      %and3A_484 = arith.andi %get3A_478, %and3A_483 : vector<16xi32>
      tpu.vector_store_idx %arg7[%shift_right_logical3A_481, %and3A_484], %broadcast_in_dim3A_13 {add = true} : memref<80x128xf32, #tpu.memory_space<vmem>>[vector<16xi32>, vector<16xi32>], vector<16xf32>,
      %get3A_485 = arith.constant 3 : i32
      %get3A_486 = arith.constant 0 : i32
      %get3A_487 = arith.constant 0 : i32
      %get3A_488 = tpu.memref_slice %arg5[%rem3A_34, %get3A_486, %get3A_487] : memref<2x8x128xi32, #tpu.memory_space<vmem>> -> memref<1x8x128xi32, #tpu.memory_space<vmem>>
      %get3A_489 = tpu.memref_squeeze %get3A_488 : memref<1x8x128xi32, #tpu.memory_space<vmem>> -> memref<8x128xi32, #tpu.memory_space<vmem>>
      %get3A_490 = arith.index_cast %get3A_485 : i32 to index
      %get3A_491 = arith.constant 112 : index
      %get3A_492 = tpu.vector_load %get3A_489[%get3A_490, %get3A_491] {strides = array<i32>} : memref<8x128xi32, #tpu.memory_space<vmem>>, vector<16xi32>,
      %shift_right_logical3A_493 = arith.constant 7 : i32
      %shift_right_logical3A_494 = vector.broadcast %shift_right_logical3A_493 : i32 to vector<16xi32>
      %shift_right_logical3A_495 = arith.shrui %get3A_492, %shift_right_logical3A_494 : vector<16xi32>
      %and3A_496 = arith.constant 127 : i32
      %and3A_497 = vector.broadcast %and3A_496 : i32 to vector<16xi32>
      %and3A_498 = arith.andi %get3A_492, %and3A_497 : vector<16xi32>
      tpu.vector_store_idx %arg7[%shift_right_logical3A_495, %and3A_498], %broadcast_in_dim3A_13 {add = true} : memref<80x128xf32, #tpu.memory_space<vmem>>[vector<16xi32>, vector<16xi32>], vector<16xf32>,
      %get3A_499 = arith.constant 4 : i32
      %get3A_500 = arith.constant 0 : i32
      %get3A_501 = arith.constant 0 : i32
      %get3A_502 = tpu.memref_slice %arg5[%rem3A_34, %get3A_500, %get3A_501] : memref<2x8x128xi32, #tpu.memory_space<vmem>> -> memref<1x8x128xi32, #tpu.memory_space<vmem>>
      %get3A_503 = tpu.memref_squeeze %get3A_502 : memref<1x8x128xi32, #tpu.memory_space<vmem>> -> memref<8x128xi32, #tpu.memory_space<vmem>>
      %get3A_504 = arith.index_cast %get3A_499 : i32 to index
      %get3A_505 = arith.constant 0 : index
      %get3A_506 = tpu.vector_load %get3A_503[%get3A_504, %get3A_505] {strides = array<i32>} : memref<8x128xi32, #tpu.memory_space<vmem>>, vector<16xi32>,
      %shift_right_logical3A_507 = arith.constant 7 : i32
      %shift_right_logical3A_508 = vector.broadcast %shift_right_logical3A_507 : i32 to vector<16xi32>
      %shift_right_logical3A_509 = arith.shrui %get3A_506, %shift_right_logical3A_508 : vector<16xi32>
      %and3A_510 = arith.constant 127 : i32
      %and3A_511 = vector.broadcast %and3A_510 : i32 to vector<16xi32>
      %and3A_512 = arith.andi %get3A_506, %and3A_511 : vector<16xi32>
      tpu.vector_store_idx %arg7[%shift_right_logical3A_509, %and3A_512], %broadcast_in_dim3A_13 {add = true} : memref<80x128xf32, #tpu.memory_space<vmem>>[vector<16xi32>, vector<16xi32>], vector<16xf32>,
      %get3A_513 = arith.constant 4 : i32
      %get3A_514 = arith.constant 0 : i32
      %get3A_515 = arith.constant 0 : i32
      %get3A_516 = tpu.memref_slice %arg5[%rem3A_34, %get3A_514, %get3A_515] : memref<2x8x128xi32, #tpu.memory_space<vmem>> -> memref<1x8x128xi32, #tpu.memory_space<vmem>>
      %get3A_517 = tpu.memref_squeeze %get3A_516 : memref<1x8x128xi32, #tpu.memory_space<vmem>> -> memref<8x128xi32, #tpu.memory_space<vmem>>
      %get3A_518 = arith.index_cast %get3A_513 : i32 to index
      %get3A_519 = arith.constant 16 : index
      %get3A_520 = tpu.vector_load %get3A_517[%get3A_518, %get3A_519] {strides = array<i32>} : memref<8x128xi32, #tpu.memory_space<vmem>>, vector<16xi32>,
      %shift_right_logical3A_521 = arith.constant 7 : i32
      %shift_right_logical3A_522 = vector.broadcast %shift_right_logical3A_521 : i32 to vector<16xi32>
      %shift_right_logical3A_523 = arith.shrui %get3A_520, %shift_right_logical3A_522 : vector<16xi32>
      %and3A_524 = arith.constant 127 : i32
      %and3A_525 = vector.broadcast %and3A_524 : i32 to vector<16xi32>
      %and3A_526 = arith.andi %get3A_520, %and3A_525 : vector<16xi32>
      tpu.vector_store_idx %arg7[%shift_right_logical3A_523, %and3A_526], %broadcast_in_dim3A_13 {add = true} : memref<80x128xf32, #tpu.memory_space<vmem>>[vector<16xi32>, vector<16xi32>], vector<16xf32>,
      %get3A_527 = arith.constant 4 : i32
      %get3A_528 = arith.constant 0 : i32
      %get3A_529 = arith.constant 0 : i32
      %get3A_530 = tpu.memref_slice %arg5[%rem3A_34, %get3A_528, %get3A_529] : memref<2x8x128xi32, #tpu.memory_space<vmem>> -> memref<1x8x128xi32, #tpu.memory_space<vmem>>
      %get3A_531 = tpu.memref_squeeze %get3A_530 : memref<1x8x128xi32, #tpu.memory_space<vmem>> -> memref<8x128xi32, #tpu.memory_space<vmem>>
      %get3A_532 = arith.index_cast %get3A_527 : i32 to index
      %get3A_533 = arith.constant 32 : index
      %get3A_534 = tpu.vector_load %get3A_531[%get3A_532, %get3A_533] {strides = array<i32>} : memref<8x128xi32, #tpu.memory_space<vmem>>, vector<16xi32>,
      %shift_right_logical3A_535 = arith.constant 7 : i32
      %shift_right_logical3A_536 = vector.broadcast %shift_right_logical3A_535 : i32 to vector<16xi32>
      %shift_right_logical3A_537 = arith.shrui %get3A_534, %shift_right_logical3A_536 : vector<16xi32>
      %and3A_538 = arith.constant 127 : i32
      %and3A_539 = vector.broadcast %and3A_538 : i32 to vector<16xi32>
      %and3A_540 = arith.andi %get3A_534, %and3A_539 : vector<16xi32>
      tpu.vector_store_idx %arg7[%shift_right_logical3A_537, %and3A_540], %broadcast_in_dim3A_13 {add = true} : memref<80x128xf32, #tpu.memory_space<vmem>>[vector<16xi32>, vector<16xi32>], vector<16xf32>,
      %get3A_541 = arith.constant 4 : i32
      %get3A_542 = arith.constant 0 : i32
      %get3A_543 = arith.constant 0 : i32
      %get3A_544 = tpu.memref_slice %arg5[%rem3A_34, %get3A_542, %get3A_543] : memref<2x8x128xi32, #tpu.memory_space<vmem>> -> memref<1x8x128xi32, #tpu.memory_space<vmem>>
      %get3A_545 = tpu.memref_squeeze %get3A_544 : memref<1x8x128xi32, #tpu.memory_space<vmem>> -> memref<8x128xi32, #tpu.memory_space<vmem>>
      %get3A_546 = arith.index_cast %get3A_541 : i32 to index
      %get3A_547 = arith.constant 48 : index
      %get3A_548 = tpu.vector_load %get3A_545[%get3A_546, %get3A_547] {strides = array<i32>} : memref<8x128xi32, #tpu.memory_space<vmem>>, vector<16xi32>,
      %shift_right_logical3A_549 = arith.constant 7 : i32
      %shift_right_logical3A_550 = vector.broadcast %shift_right_logical3A_549 : i32 to vector<16xi32>
      %shift_right_logical3A_551 = arith.shrui %get3A_548, %shift_right_logical3A_550 : vector<16xi32>
      %and3A_552 = arith.constant 127 : i32
      %and3A_553 = vector.broadcast %and3A_552 : i32 to vector<16xi32>
      %and3A_554 = arith.andi %get3A_548, %and3A_553 : vector<16xi32>
      tpu.vector_store_idx %arg7[%shift_right_logical3A_551, %and3A_554], %broadcast_in_dim3A_13 {add = true} : memref<80x128xf32, #tpu.memory_space<vmem>>[vector<16xi32>, vector<16xi32>], vector<16xf32>,
      %get3A_555 = arith.constant 4 : i32
      %get3A_556 = arith.constant 0 : i32
      %get3A_557 = arith.constant 0 : i32
      %get3A_558 = tpu.memref_slice %arg5[%rem3A_34, %get3A_556, %get3A_557] : memref<2x8x128xi32, #tpu.memory_space<vmem>> -> memref<1x8x128xi32, #tpu.memory_space<vmem>>
      %get3A_559 = tpu.memref_squeeze %get3A_558 : memref<1x8x128xi32, #tpu.memory_space<vmem>> -> memref<8x128xi32, #tpu.memory_space<vmem>>
      %get3A_560 = arith.index_cast %get3A_555 : i32 to index
      %get3A_561 = arith.constant 64 : index
      %get3A_562 = tpu.vector_load %get3A_559[%get3A_560, %get3A_561] {strides = array<i32>} : memref<8x128xi32, #tpu.memory_space<vmem>>, vector<16xi32>,
      %shift_right_logical3A_563 = arith.constant 7 : i32
      %shift_right_logical3A_564 = vector.broadcast %shift_right_logical3A_563 : i32 to vector<16xi32>
      %shift_right_logical3A_565 = arith.shrui %get3A_562, %shift_right_logical3A_564 : vector<16xi32>
      %and3A_566 = arith.constant 127 : i32
      %and3A_567 = vector.broadcast %and3A_566 : i32 to vector<16xi32>
      %and3A_568 = arith.andi %get3A_562, %and3A_567 : vector<16xi32>
      tpu.vector_store_idx %arg7[%shift_right_logical3A_565, %and3A_568], %broadcast_in_dim3A_13 {add = true} : memref<80x128xf32, #tpu.memory_space<vmem>>[vector<16xi32>, vector<16xi32>], vector<16xf32>,
      %get3A_569 = arith.constant 4 : i32
      %get3A_570 = arith.constant 0 : i32
      %get3A_571 = arith.constant 0 : i32
      %get3A_572 = tpu.memref_slice %arg5[%rem3A_34, %get3A_570, %get3A_571] : memref<2x8x128xi32, #tpu.memory_space<vmem>> -> memref<1x8x128xi32, #tpu.memory_space<vmem>>
      %get3A_573 = tpu.memref_squeeze %get3A_572 : memref<1x8x128xi32, #tpu.memory_space<vmem>> -> memref<8x128xi32, #tpu.memory_space<vmem>>
      %get3A_574 = arith.index_cast %get3A_569 : i32 to index
      %get3A_575 = arith.constant 80 : index
      %get3A_576 = tpu.vector_load %get3A_573[%get3A_574, %get3A_575] {strides = array<i32>} : memref<8x128xi32, #tpu.memory_space<vmem>>, vector<16xi32>,
      %shift_right_logical3A_577 = arith.constant 7 : i32
      %shift_right_logical3A_578 = vector.broadcast %shift_right_logical3A_577 : i32 to vector<16xi32>
      %shift_right_logical3A_579 = arith.shrui %get3A_576, %shift_right_logical3A_578 : vector<16xi32>
      %and3A_580 = arith.constant 127 : i32
      %and3A_581 = vector.broadcast %and3A_580 : i32 to vector<16xi32>
      %and3A_582 = arith.andi %get3A_576, %and3A_581 : vector<16xi32>
      tpu.vector_store_idx %arg7[%shift_right_logical3A_579, %and3A_582], %broadcast_in_dim3A_13 {add = true} : memref<80x128xf32, #tpu.memory_space<vmem>>[vector<16xi32>, vector<16xi32>], vector<16xf32>,
      %get3A_583 = arith.constant 4 : i32
      %get3A_584 = arith.constant 0 : i32
      %get3A_585 = arith.constant 0 : i32
      %get3A_586 = tpu.memref_slice %arg5[%rem3A_34, %get3A_584, %get3A_585] : memref<2x8x128xi32, #tpu.memory_space<vmem>> -> memref<1x8x128xi32, #tpu.memory_space<vmem>>
      %get3A_587 = tpu.memref_squeeze %get3A_586 : memref<1x8x128xi32, #tpu.memory_space<vmem>> -> memref<8x128xi32, #tpu.memory_space<vmem>>
      %get3A_588 = arith.index_cast %get3A_583 : i32 to index
      %get3A_589 = arith.constant 96 : index
      %get3A_590 = tpu.vector_load %get3A_587[%get3A_588, %get3A_589] {strides = array<i32>} : memref<8x128xi32, #tpu.memory_space<vmem>>, vector<16xi32>,
      %shift_right_logical3A_591 = arith.constant 7 : i32
      %shift_right_logical3A_592 = vector.broadcast %shift_right_logical3A_591 : i32 to vector<16xi32>
      %shift_right_logical3A_593 = arith.shrui %get3A_590, %shift_right_logical3A_592 : vector<16xi32>
      %and3A_594 = arith.constant 127 : i32
      %and3A_595 = vector.broadcast %and3A_594 : i32 to vector<16xi32>
      %and3A_596 = arith.andi %get3A_590, %and3A_595 : vector<16xi32>
      tpu.vector_store_idx %arg7[%shift_right_logical3A_593, %and3A_596], %broadcast_in_dim3A_13 {add = true} : memref<80x128xf32, #tpu.memory_space<vmem>>[vector<16xi32>, vector<16xi32>], vector<16xf32>,
      %get3A_597 = arith.constant 4 : i32
      %get3A_598 = arith.constant 0 : i32
      %get3A_599 = arith.constant 0 : i32
      %get3A_600 = tpu.memref_slice %arg5[%rem3A_34, %get3A_598, %get3A_599] : memref<2x8x128xi32, #tpu.memory_space<vmem>> -> memref<1x8x128xi32, #tpu.memory_space<vmem>>
      %get3A_601 = tpu.memref_squeeze %get3A_600 : memref<1x8x128xi32, #tpu.memory_space<vmem>> -> memref<8x128xi32, #tpu.memory_space<vmem>>
      %get3A_602 = arith.index_cast %get3A_597 : i32 to index
      %get3A_603 = arith.constant 112 : index
      %get3A_604 = tpu.vector_load %get3A_601[%get3A_602, %get3A_603] {strides = array<i32>} : memref<8x128xi32, #tpu.memory_space<vmem>>, vector<16xi32>,
      %shift_right_logical3A_605 = arith.constant 7 : i32
      %shift_right_logical3A_606 = vector.broadcast %shift_right_logical3A_605 : i32 to vector<16xi32>
      %shift_right_logical3A_607 = arith.shrui %get3A_604, %shift_right_logical3A_606 : vector<16xi32>
      %and3A_608 = arith.constant 127 : i32
      %and3A_609 = vector.broadcast %and3A_608 : i32 to vector<16xi32>
      %and3A_610 = arith.andi %get3A_604, %and3A_609 : vector<16xi32>
      tpu.vector_store_idx %arg7[%shift_right_logical3A_607, %and3A_610], %broadcast_in_dim3A_13 {add = true} : memref<80x128xf32, #tpu.memory_space<vmem>>[vector<16xi32>, vector<16xi32>], vector<16xf32>,
      %get3A_611 = arith.constant 5 : i32
      %get3A_612 = arith.constant 0 : i32
      %get3A_613 = arith.constant 0 : i32
      %get3A_614 = tpu.memref_slice %arg5[%rem3A_34, %get3A_612, %get3A_613] : memref<2x8x128xi32, #tpu.memory_space<vmem>> -> memref<1x8x128xi32, #tpu.memory_space<vmem>>
      %get3A_615 = tpu.memref_squeeze %get3A_614 : memref<1x8x128xi32, #tpu.memory_space<vmem>> -> memref<8x128xi32, #tpu.memory_space<vmem>>
      %get3A_616 = arith.index_cast %get3A_611 : i32 to index
      %get3A_617 = arith.constant 0 : index
      %get3A_618 = tpu.vector_load %get3A_615[%get3A_616, %get3A_617] {strides = array<i32>} : memref<8x128xi32, #tpu.memory_space<vmem>>, vector<16xi32>,
      %shift_right_logical3A_619 = arith.constant 7 : i32
      %shift_right_logical3A_620 = vector.broadcast %shift_right_logical3A_619 : i32 to vector<16xi32>
      %shift_right_logical3A_621 = arith.shrui %get3A_618, %shift_right_logical3A_620 : vector<16xi32>
      %and3A_622 = arith.constant 127 : i32
      %and3A_623 = vector.broadcast %and3A_622 : i32 to vector<16xi32>
      %and3A_624 = arith.andi %get3A_618, %and3A_623 : vector<16xi32>
      tpu.vector_store_idx %arg7[%shift_right_logical3A_621, %and3A_624], %broadcast_in_dim3A_13 {add = true} : memref<80x128xf32, #tpu.memory_space<vmem>>[vector<16xi32>, vector<16xi32>], vector<16xf32>,
      %get3A_625 = arith.constant 5 : i32
      %get3A_626 = arith.constant 0 : i32
      %get3A_627 = arith.constant 0 : i32
      %get3A_628 = tpu.memref_slice %arg5[%rem3A_34, %get3A_626, %get3A_627] : memref<2x8x128xi32, #tpu.memory_space<vmem>> -> memref<1x8x128xi32, #tpu.memory_space<vmem>>
      %get3A_629 = tpu.memref_squeeze %get3A_628 : memref<1x8x128xi32, #tpu.memory_space<vmem>> -> memref<8x128xi32, #tpu.memory_space<vmem>>
      %get3A_630 = arith.index_cast %get3A_625 : i32 to index
      %get3A_631 = arith.constant 16 : index
      %get3A_632 = tpu.vector_load %get3A_629[%get3A_630, %get3A_631] {strides = array<i32>} : memref<8x128xi32, #tpu.memory_space<vmem>>, vector<16xi32>,
      %shift_right_logical3A_633 = arith.constant 7 : i32
      %shift_right_logical3A_634 = vector.broadcast %shift_right_logical3A_633 : i32 to vector<16xi32>
      %shift_right_logical3A_635 = arith.shrui %get3A_632, %shift_right_logical3A_634 : vector<16xi32>
      %and3A_636 = arith.constant 127 : i32
      %and3A_637 = vector.broadcast %and3A_636 : i32 to vector<16xi32>
      %and3A_638 = arith.andi %get3A_632, %and3A_637 : vector<16xi32>
      tpu.vector_store_idx %arg7[%shift_right_logical3A_635, %and3A_638], %broadcast_in_dim3A_13 {add = true} : memref<80x128xf32, #tpu.memory_space<vmem>>[vector<16xi32>, vector<16xi32>], vector<16xf32>,
      %get3A_639 = arith.constant 5 : i32
      %get3A_640 = arith.constant 0 : i32
      %get3A_641 = arith.constant 0 : i32
      %get3A_642 = tpu.memref_slice %arg5[%rem3A_34, %get3A_640, %get3A_641] : memref<2x8x128xi32, #tpu.memory_space<vmem>> -> memref<1x8x128xi32, #tpu.memory_space<vmem>>
      %get3A_643 = tpu.memref_squeeze %get3A_642 : memref<1x8x128xi32, #tpu.memory_space<vmem>> -> memref<8x128xi32, #tpu.memory_space<vmem>>
      %get3A_644 = arith.index_cast %get3A_639 : i32 to index
      %get3A_645 = arith.constant 32 : index
      %get3A_646 = tpu.vector_load %get3A_643[%get3A_644, %get3A_645] {strides = array<i32>} : memref<8x128xi32, #tpu.memory_space<vmem>>, vector<16xi32>,
      %shift_right_logical3A_647 = arith.constant 7 : i32
      %shift_right_logical3A_648 = vector.broadcast %shift_right_logical3A_647 : i32 to vector<16xi32>
      %shift_right_logical3A_649 = arith.shrui %get3A_646, %shift_right_logical3A_648 : vector<16xi32>
      %and3A_650 = arith.constant 127 : i32
      %and3A_651 = vector.broadcast %and3A_650 : i32 to vector<16xi32>
      %and3A_652 = arith.andi %get3A_646, %and3A_651 : vector<16xi32>
      tpu.vector_store_idx %arg7[%shift_right_logical3A_649, %and3A_652], %broadcast_in_dim3A_13 {add = true} : memref<80x128xf32, #tpu.memory_space<vmem>>[vector<16xi32>, vector<16xi32>], vector<16xf32>,
      %get3A_653 = arith.constant 5 : i32
      %get3A_654 = arith.constant 0 : i32
      %get3A_655 = arith.constant 0 : i32
      %get3A_656 = tpu.memref_slice %arg5[%rem3A_34, %get3A_654, %get3A_655] : memref<2x8x128xi32, #tpu.memory_space<vmem>> -> memref<1x8x128xi32, #tpu.memory_space<vmem>>
      %get3A_657 = tpu.memref_squeeze %get3A_656 : memref<1x8x128xi32, #tpu.memory_space<vmem>> -> memref<8x128xi32, #tpu.memory_space<vmem>>
      %get3A_658 = arith.index_cast %get3A_653 : i32 to index
      %get3A_659 = arith.constant 48 : index
      %get3A_660 = tpu.vector_load %get3A_657[%get3A_658, %get3A_659] {strides = array<i32>} : memref<8x128xi32, #tpu.memory_space<vmem>>, vector<16xi32>,
      %shift_right_logical3A_661 = arith.constant 7 : i32
      %shift_right_logical3A_662 = vector.broadcast %shift_right_logical3A_661 : i32 to vector<16xi32>
      %shift_right_logical3A_663 = arith.shrui %get3A_660, %shift_right_logical3A_662 : vector<16xi32>
      %and3A_664 = arith.constant 127 : i32
      %and3A_665 = vector.broadcast %and3A_664 : i32 to vector<16xi32>
      %and3A_666 = arith.andi %get3A_660, %and3A_665 : vector<16xi32>
      tpu.vector_store_idx %arg7[%shift_right_logical3A_663, %and3A_666], %broadcast_in_dim3A_13 {add = true} : memref<80x128xf32, #tpu.memory_space<vmem>>[vector<16xi32>, vector<16xi32>], vector<16xf32>,
      %get3A_667 = arith.constant 5 : i32
      %get3A_668 = arith.constant 0 : i32
      %get3A_669 = arith.constant 0 : i32
      %get3A_670 = tpu.memref_slice %arg5[%rem3A_34, %get3A_668, %get3A_669] : memref<2x8x128xi32, #tpu.memory_space<vmem>> -> memref<1x8x128xi32, #tpu.memory_space<vmem>>
      %get3A_671 = tpu.memref_squeeze %get3A_670 : memref<1x8x128xi32, #tpu.memory_space<vmem>> -> memref<8x128xi32, #tpu.memory_space<vmem>>
      %get3A_672 = arith.index_cast %get3A_667 : i32 to index
      %get3A_673 = arith.constant 64 : index
      %get3A_674 = tpu.vector_load %get3A_671[%get3A_672, %get3A_673] {strides = array<i32>} : memref<8x128xi32, #tpu.memory_space<vmem>>, vector<16xi32>,
      %shift_right_logical3A_675 = arith.constant 7 : i32
      %shift_right_logical3A_676 = vector.broadcast %shift_right_logical3A_675 : i32 to vector<16xi32>
      %shift_right_logical3A_677 = arith.shrui %get3A_674, %shift_right_logical3A_676 : vector<16xi32>
      %and3A_678 = arith.constant 127 : i32
      %and3A_679 = vector.broadcast %and3A_678 : i32 to vector<16xi32>
      %and3A_680 = arith.andi %get3A_674, %and3A_679 : vector<16xi32>
      tpu.vector_store_idx %arg7[%shift_right_logical3A_677, %and3A_680], %broadcast_in_dim3A_13 {add = true} : memref<80x128xf32, #tpu.memory_space<vmem>>[vector<16xi32>, vector<16xi32>], vector<16xf32>,
      %get3A_681 = arith.constant 5 : i32
      %get3A_682 = arith.constant 0 : i32
      %get3A_683 = arith.constant 0 : i32
      %get3A_684 = tpu.memref_slice %arg5[%rem3A_34, %get3A_682, %get3A_683] : memref<2x8x128xi32, #tpu.memory_space<vmem>> -> memref<1x8x128xi32, #tpu.memory_space<vmem>>
      %get3A_685 = tpu.memref_squeeze %get3A_684 : memref<1x8x128xi32, #tpu.memory_space<vmem>> -> memref<8x128xi32, #tpu.memory_space<vmem>>
      %get3A_686 = arith.index_cast %get3A_681 : i32 to index
      %get3A_687 = arith.constant 80 : index
      %get3A_688 = tpu.vector_load %get3A_685[%get3A_686, %get3A_687] {strides = array<i32>} : memref<8x128xi32, #tpu.memory_space<vmem>>, vector<16xi32>,
      %shift_right_logical3A_689 = arith.constant 7 : i32
      %shift_right_logical3A_690 = vector.broadcast %shift_right_logical3A_689 : i32 to vector<16xi32>
      %shift_right_logical3A_691 = arith.shrui %get3A_688, %shift_right_logical3A_690 : vector<16xi32>
      %and3A_692 = arith.constant 127 : i32
      %and3A_693 = vector.broadcast %and3A_692 : i32 to vector<16xi32>
      %and3A_694 = arith.andi %get3A_688, %and3A_693 : vector<16xi32>
      tpu.vector_store_idx %arg7[%shift_right_logical3A_691, %and3A_694], %broadcast_in_dim3A_13 {add = true} : memref<80x128xf32, #tpu.memory_space<vmem>>[vector<16xi32>, vector<16xi32>], vector<16xf32>,
      %get3A_695 = arith.constant 5 : i32
      %get3A_696 = arith.constant 0 : i32
      %get3A_697 = arith.constant 0 : i32
      %get3A_698 = tpu.memref_slice %arg5[%rem3A_34, %get3A_696, %get3A_697] : memref<2x8x128xi32, #tpu.memory_space<vmem>> -> memref<1x8x128xi32, #tpu.memory_space<vmem>>
      %get3A_699 = tpu.memref_squeeze %get3A_698 : memref<1x8x128xi32, #tpu.memory_space<vmem>> -> memref<8x128xi32, #tpu.memory_space<vmem>>
      %get3A_700 = arith.index_cast %get3A_695 : i32 to index
      %get3A_701 = arith.constant 96 : index
      %get3A_702 = tpu.vector_load %get3A_699[%get3A_700, %get3A_701] {strides = array<i32>} : memref<8x128xi32, #tpu.memory_space<vmem>>, vector<16xi32>,
      %shift_right_logical3A_703 = arith.constant 7 : i32
      %shift_right_logical3A_704 = vector.broadcast %shift_right_logical3A_703 : i32 to vector<16xi32>
      %shift_right_logical3A_705 = arith.shrui %get3A_702, %shift_right_logical3A_704 : vector<16xi32>
      %and3A_706 = arith.constant 127 : i32
      %and3A_707 = vector.broadcast %and3A_706 : i32 to vector<16xi32>
      %and3A_708 = arith.andi %get3A_702, %and3A_707 : vector<16xi32>
      tpu.vector_store_idx %arg7[%shift_right_logical3A_705, %and3A_708], %broadcast_in_dim3A_13 {add = true} : memref<80x128xf32, #tpu.memory_space<vmem>>[vector<16xi32>, vector<16xi32>], vector<16xf32>,
      %get3A_709 = arith.constant 5 : i32
      %get3A_710 = arith.constant 0 : i32
      %get3A_711 = arith.constant 0 : i32
      %get3A_712 = tpu.memref_slice %arg5[%rem3A_34, %get3A_710, %get3A_711] : memref<2x8x128xi32, #tpu.memory_space<vmem>> -> memref<1x8x128xi32, #tpu.memory_space<vmem>>
      %get3A_713 = tpu.memref_squeeze %get3A_712 : memref<1x8x128xi32, #tpu.memory_space<vmem>> -> memref<8x128xi32, #tpu.memory_space<vmem>>
      %get3A_714 = arith.index_cast %get3A_709 : i32 to index
      %get3A_715 = arith.constant 112 : index
      %get3A_716 = tpu.vector_load %get3A_713[%get3A_714, %get3A_715] {strides = array<i32>} : memref<8x128xi32, #tpu.memory_space<vmem>>, vector<16xi32>,
      %shift_right_logical3A_717 = arith.constant 7 : i32
      %shift_right_logical3A_718 = vector.broadcast %shift_right_logical3A_717 : i32 to vector<16xi32>
      %shift_right_logical3A_719 = arith.shrui %get3A_716, %shift_right_logical3A_718 : vector<16xi32>
      %and3A_720 = arith.constant 127 : i32
      %and3A_721 = vector.broadcast %and3A_720 : i32 to vector<16xi32>
      %and3A_722 = arith.andi %get3A_716, %and3A_721 : vector<16xi32>
      tpu.vector_store_idx %arg7[%shift_right_logical3A_719, %and3A_722], %broadcast_in_dim3A_13 {add = true} : memref<80x128xf32, #tpu.memory_space<vmem>>[vector<16xi32>, vector<16xi32>], vector<16xf32>,
      %get3A_723 = arith.constant 6 : i32
      %get3A_724 = arith.constant 0 : i32
      %get3A_725 = arith.constant 0 : i32
      %get3A_726 = tpu.memref_slice %arg5[%rem3A_34, %get3A_724, %get3A_725] : memref<2x8x128xi32, #tpu.memory_space<vmem>> -> memref<1x8x128xi32, #tpu.memory_space<vmem>>
      %get3A_727 = tpu.memref_squeeze %get3A_726 : memref<1x8x128xi32, #tpu.memory_space<vmem>> -> memref<8x128xi32, #tpu.memory_space<vmem>>
      %get3A_728 = arith.index_cast %get3A_723 : i32 to index
      %get3A_729 = arith.constant 0 : index
      %get3A_730 = tpu.vector_load %get3A_727[%get3A_728, %get3A_729] {strides = array<i32>} : memref<8x128xi32, #tpu.memory_space<vmem>>, vector<16xi32>,
      %shift_right_logical3A_731 = arith.constant 7 : i32
      %shift_right_logical3A_732 = vector.broadcast %shift_right_logical3A_731 : i32 to vector<16xi32>
      %shift_right_logical3A_733 = arith.shrui %get3A_730, %shift_right_logical3A_732 : vector<16xi32>
      %and3A_734 = arith.constant 127 : i32
      %and3A_735 = vector.broadcast %and3A_734 : i32 to vector<16xi32>
      %and3A_736 = arith.andi %get3A_730, %and3A_735 : vector<16xi32>
      tpu.vector_store_idx %arg7[%shift_right_logical3A_733, %and3A_736], %broadcast_in_dim3A_13 {add = true} : memref<80x128xf32, #tpu.memory_space<vmem>>[vector<16xi32>, vector<16xi32>], vector<16xf32>,
      %get3A_737 = arith.constant 6 : i32
      %get3A_738 = arith.constant 0 : i32
      %get3A_739 = arith.constant 0 : i32
      %get3A_740 = tpu.memref_slice %arg5[%rem3A_34, %get3A_738, %get3A_739] : memref<2x8x128xi32, #tpu.memory_space<vmem>> -> memref<1x8x128xi32, #tpu.memory_space<vmem>>
      %get3A_741 = tpu.memref_squeeze %get3A_740 : memref<1x8x128xi32, #tpu.memory_space<vmem>> -> memref<8x128xi32, #tpu.memory_space<vmem>>
      %get3A_742 = arith.index_cast %get3A_737 : i32 to index
      %get3A_743 = arith.constant 16 : index
      %get3A_744 = tpu.vector_load %get3A_741[%get3A_742, %get3A_743] {strides = array<i32>} : memref<8x128xi32, #tpu.memory_space<vmem>>, vector<16xi32>,
      %shift_right_logical3A_745 = arith.constant 7 : i32
      %shift_right_logical3A_746 = vector.broadcast %shift_right_logical3A_745 : i32 to vector<16xi32>
      %shift_right_logical3A_747 = arith.shrui %get3A_744, %shift_right_logical3A_746 : vector<16xi32>
      %and3A_748 = arith.constant 127 : i32
      %and3A_749 = vector.broadcast %and3A_748 : i32 to vector<16xi32>
      %and3A_750 = arith.andi %get3A_744, %and3A_749 : vector<16xi32>
      tpu.vector_store_idx %arg7[%shift_right_logical3A_747, %and3A_750], %broadcast_in_dim3A_13 {add = true} : memref<80x128xf32, #tpu.memory_space<vmem>>[vector<16xi32>, vector<16xi32>], vector<16xf32>,
      %get3A_751 = arith.constant 6 : i32
      %get3A_752 = arith.constant 0 : i32
      %get3A_753 = arith.constant 0 : i32
      %get3A_754 = tpu.memref_slice %arg5[%rem3A_34, %get3A_752, %get3A_753] : memref<2x8x128xi32, #tpu.memory_space<vmem>> -> memref<1x8x128xi32, #tpu.memory_space<vmem>>
      %get3A_755 = tpu.memref_squeeze %get3A_754 : memref<1x8x128xi32, #tpu.memory_space<vmem>> -> memref<8x128xi32, #tpu.memory_space<vmem>>
      %get3A_756 = arith.index_cast %get3A_751 : i32 to index
      %get3A_757 = arith.constant 32 : index
      %get3A_758 = tpu.vector_load %get3A_755[%get3A_756, %get3A_757] {strides = array<i32>} : memref<8x128xi32, #tpu.memory_space<vmem>>, vector<16xi32>,
      %shift_right_logical3A_759 = arith.constant 7 : i32
      %shift_right_logical3A_760 = vector.broadcast %shift_right_logical3A_759 : i32 to vector<16xi32>
      %shift_right_logical3A_761 = arith.shrui %get3A_758, %shift_right_logical3A_760 : vector<16xi32>
      %and3A_762 = arith.constant 127 : i32
      %and3A_763 = vector.broadcast %and3A_762 : i32 to vector<16xi32>
      %and3A_764 = arith.andi %get3A_758, %and3A_763 : vector<16xi32>
      tpu.vector_store_idx %arg7[%shift_right_logical3A_761, %and3A_764], %broadcast_in_dim3A_13 {add = true} : memref<80x128xf32, #tpu.memory_space<vmem>>[vector<16xi32>, vector<16xi32>], vector<16xf32>,
      %get3A_765 = arith.constant 6 : i32
      %get3A_766 = arith.constant 0 : i32
      %get3A_767 = arith.constant 0 : i32
      %get3A_768 = tpu.memref_slice %arg5[%rem3A_34, %get3A_766, %get3A_767] : memref<2x8x128xi32, #tpu.memory_space<vmem>> -> memref<1x8x128xi32, #tpu.memory_space<vmem>>
      %get3A_769 = tpu.memref_squeeze %get3A_768 : memref<1x8x128xi32, #tpu.memory_space<vmem>> -> memref<8x128xi32, #tpu.memory_space<vmem>>
      %get3A_770 = arith.index_cast %get3A_765 : i32 to index
      %get3A_771 = arith.constant 48 : index
      %get3A_772 = tpu.vector_load %get3A_769[%get3A_770, %get3A_771] {strides = array<i32>} : memref<8x128xi32, #tpu.memory_space<vmem>>, vector<16xi32>,
      %shift_right_logical3A_773 = arith.constant 7 : i32
      %shift_right_logical3A_774 = vector.broadcast %shift_right_logical3A_773 : i32 to vector<16xi32>
      %shift_right_logical3A_775 = arith.shrui %get3A_772, %shift_right_logical3A_774 : vector<16xi32>
      %and3A_776 = arith.constant 127 : i32
      %and3A_777 = vector.broadcast %and3A_776 : i32 to vector<16xi32>
      %and3A_778 = arith.andi %get3A_772, %and3A_777 : vector<16xi32>
      tpu.vector_store_idx %arg7[%shift_right_logical3A_775, %and3A_778], %broadcast_in_dim3A_13 {add = true} : memref<80x128xf32, #tpu.memory_space<vmem>>[vector<16xi32>, vector<16xi32>], vector<16xf32>,
      %get3A_779 = arith.constant 6 : i32
      %get3A_780 = arith.constant 0 : i32
      %get3A_781 = arith.constant 0 : i32
      %get3A_782 = tpu.memref_slice %arg5[%rem3A_34, %get3A_780, %get3A_781] : memref<2x8x128xi32, #tpu.memory_space<vmem>> -> memref<1x8x128xi32, #tpu.memory_space<vmem>>
      %get3A_783 = tpu.memref_squeeze %get3A_782 : memref<1x8x128xi32, #tpu.memory_space<vmem>> -> memref<8x128xi32, #tpu.memory_space<vmem>>
      %get3A_784 = arith.index_cast %get3A_779 : i32 to index
      %get3A_785 = arith.constant 64 : index
      %get3A_786 = tpu.vector_load %get3A_783[%get3A_784, %get3A_785] {strides = array<i32>} : memref<8x128xi32, #tpu.memory_space<vmem>>, vector<16xi32>,
      %shift_right_logical3A_787 = arith.constant 7 : i32
      %shift_right_logical3A_788 = vector.broadcast %shift_right_logical3A_787 : i32 to vector<16xi32>
      %shift_right_logical3A_789 = arith.shrui %get3A_786, %shift_right_logical3A_788 : vector<16xi32>
      %and3A_790 = arith.constant 127 : i32
      %and3A_791 = vector.broadcast %and3A_790 : i32 to vector<16xi32>
      %and3A_792 = arith.andi %get3A_786, %and3A_791 : vector<16xi32>
      tpu.vector_store_idx %arg7[%shift_right_logical3A_789, %and3A_792], %broadcast_in_dim3A_13 {add = true} : memref<80x128xf32, #tpu.memory_space<vmem>>[vector<16xi32>, vector<16xi32>], vector<16xf32>,
      %get3A_793 = arith.constant 6 : i32
      %get3A_794 = arith.constant 0 : i32
      %get3A_795 = arith.constant 0 : i32
      %get3A_796 = tpu.memref_slice %arg5[%rem3A_34, %get3A_794, %get3A_795] : memref<2x8x128xi32, #tpu.memory_space<vmem>> -> memref<1x8x128xi32, #tpu.memory_space<vmem>>
      %get3A_797 = tpu.memref_squeeze %get3A_796 : memref<1x8x128xi32, #tpu.memory_space<vmem>> -> memref<8x128xi32, #tpu.memory_space<vmem>>
      %get3A_798 = arith.index_cast %get3A_793 : i32 to index
      %get3A_799 = arith.constant 80 : index
      %get3A_800 = tpu.vector_load %get3A_797[%get3A_798, %get3A_799] {strides = array<i32>} : memref<8x128xi32, #tpu.memory_space<vmem>>, vector<16xi32>,
      %shift_right_logical3A_801 = arith.constant 7 : i32
      %shift_right_logical3A_802 = vector.broadcast %shift_right_logical3A_801 : i32 to vector<16xi32>
      %shift_right_logical3A_803 = arith.shrui %get3A_800, %shift_right_logical3A_802 : vector<16xi32>
      %and3A_804 = arith.constant 127 : i32
      %and3A_805 = vector.broadcast %and3A_804 : i32 to vector<16xi32>
      %and3A_806 = arith.andi %get3A_800, %and3A_805 : vector<16xi32>
      tpu.vector_store_idx %arg7[%shift_right_logical3A_803, %and3A_806], %broadcast_in_dim3A_13 {add = true} : memref<80x128xf32, #tpu.memory_space<vmem>>[vector<16xi32>, vector<16xi32>], vector<16xf32>,
      %get3A_807 = arith.constant 6 : i32
      %get3A_808 = arith.constant 0 : i32
      %get3A_809 = arith.constant 0 : i32
      %get3A_810 = tpu.memref_slice %arg5[%rem3A_34, %get3A_808, %get3A_809] : memref<2x8x128xi32, #tpu.memory_space<vmem>> -> memref<1x8x128xi32, #tpu.memory_space<vmem>>
      %get3A_811 = tpu.memref_squeeze %get3A_810 : memref<1x8x128xi32, #tpu.memory_space<vmem>> -> memref<8x128xi32, #tpu.memory_space<vmem>>
      %get3A_812 = arith.index_cast %get3A_807 : i32 to index
      %get3A_813 = arith.constant 96 : index
      %get3A_814 = tpu.vector_load %get3A_811[%get3A_812, %get3A_813] {strides = array<i32>} : memref<8x128xi32, #tpu.memory_space<vmem>>, vector<16xi32>,
      %shift_right_logical3A_815 = arith.constant 7 : i32
      %shift_right_logical3A_816 = vector.broadcast %shift_right_logical3A_815 : i32 to vector<16xi32>
      %shift_right_logical3A_817 = arith.shrui %get3A_814, %shift_right_logical3A_816 : vector<16xi32>
      %and3A_818 = arith.constant 127 : i32
      %and3A_819 = vector.broadcast %and3A_818 : i32 to vector<16xi32>
      %and3A_820 = arith.andi %get3A_814, %and3A_819 : vector<16xi32>
      tpu.vector_store_idx %arg7[%shift_right_logical3A_817, %and3A_820], %broadcast_in_dim3A_13 {add = true} : memref<80x128xf32, #tpu.memory_space<vmem>>[vector<16xi32>, vector<16xi32>], vector<16xf32>,
      %get3A_821 = arith.constant 6 : i32
      %get3A_822 = arith.constant 0 : i32
      %get3A_823 = arith.constant 0 : i32
      %get3A_824 = tpu.memref_slice %arg5[%rem3A_34, %get3A_822, %get3A_823] : memref<2x8x128xi32, #tpu.memory_space<vmem>> -> memref<1x8x128xi32, #tpu.memory_space<vmem>>
      %get3A_825 = tpu.memref_squeeze %get3A_824 : memref<1x8x128xi32, #tpu.memory_space<vmem>> -> memref<8x128xi32, #tpu.memory_space<vmem>>
      %get3A_826 = arith.index_cast %get3A_821 : i32 to index
      %get3A_827 = arith.constant 112 : index
      %get3A_828 = tpu.vector_load %get3A_825[%get3A_826, %get3A_827] {strides = array<i32>} : memref<8x128xi32, #tpu.memory_space<vmem>>, vector<16xi32>,
      %shift_right_logical3A_829 = arith.constant 7 : i32
      %shift_right_logical3A_830 = vector.broadcast %shift_right_logical3A_829 : i32 to vector<16xi32>
      %shift_right_logical3A_831 = arith.shrui %get3A_828, %shift_right_logical3A_830 : vector<16xi32>
      %and3A_832 = arith.constant 127 : i32
      %and3A_833 = vector.broadcast %and3A_832 : i32 to vector<16xi32>
      %and3A_834 = arith.andi %get3A_828, %and3A_833 : vector<16xi32>
      tpu.vector_store_idx %arg7[%shift_right_logical3A_831, %and3A_834], %broadcast_in_dim3A_13 {add = true} : memref<80x128xf32, #tpu.memory_space<vmem>>[vector<16xi32>, vector<16xi32>], vector<16xf32>,
      %get3A_835 = arith.constant 7 : i32
      %get3A_836 = arith.constant 0 : i32
      %get3A_837 = arith.constant 0 : i32
      %get3A_838 = tpu.memref_slice %arg5[%rem3A_34, %get3A_836, %get3A_837] : memref<2x8x128xi32, #tpu.memory_space<vmem>> -> memref<1x8x128xi32, #tpu.memory_space<vmem>>
      %get3A_839 = tpu.memref_squeeze %get3A_838 : memref<1x8x128xi32, #tpu.memory_space<vmem>> -> memref<8x128xi32, #tpu.memory_space<vmem>>
      %get3A_840 = arith.index_cast %get3A_835 : i32 to index
      %get3A_841 = arith.constant 0 : index
      %get3A_842 = tpu.vector_load %get3A_839[%get3A_840, %get3A_841] {strides = array<i32>} : memref<8x128xi32, #tpu.memory_space<vmem>>, vector<16xi32>,
      %shift_right_logical3A_843 = arith.constant 7 : i32
      %shift_right_logical3A_844 = vector.broadcast %shift_right_logical3A_843 : i32 to vector<16xi32>
      %shift_right_logical3A_845 = arith.shrui %get3A_842, %shift_right_logical3A_844 : vector<16xi32>
      %and3A_846 = arith.constant 127 : i32
      %and3A_847 = vector.broadcast %and3A_846 : i32 to vector<16xi32>
      %and3A_848 = arith.andi %get3A_842, %and3A_847 : vector<16xi32>
      tpu.vector_store_idx %arg7[%shift_right_logical3A_845, %and3A_848], %broadcast_in_dim3A_13 {add = true} : memref<80x128xf32, #tpu.memory_space<vmem>>[vector<16xi32>, vector<16xi32>], vector<16xf32>,
      %get3A_849 = arith.constant 7 : i32
      %get3A_850 = arith.constant 0 : i32
      %get3A_851 = arith.constant 0 : i32
      %get3A_852 = tpu.memref_slice %arg5[%rem3A_34, %get3A_850, %get3A_851] : memref<2x8x128xi32, #tpu.memory_space<vmem>> -> memref<1x8x128xi32, #tpu.memory_space<vmem>>
      %get3A_853 = tpu.memref_squeeze %get3A_852 : memref<1x8x128xi32, #tpu.memory_space<vmem>> -> memref<8x128xi32, #tpu.memory_space<vmem>>
      %get3A_854 = arith.index_cast %get3A_849 : i32 to index
      %get3A_855 = arith.constant 16 : index
      %get3A_856 = tpu.vector_load %get3A_853[%get3A_854, %get3A_855] {strides = array<i32>} : memref<8x128xi32, #tpu.memory_space<vmem>>, vector<16xi32>,
      %shift_right_logical3A_857 = arith.constant 7 : i32
      %shift_right_logical3A_858 = vector.broadcast %shift_right_logical3A_857 : i32 to vector<16xi32>
      %shift_right_logical3A_859 = arith.shrui %get3A_856, %shift_right_logical3A_858 : vector<16xi32>
      %and3A_860 = arith.constant 127 : i32
      %and3A_861 = vector.broadcast %and3A_860 : i32 to vector<16xi32>
      %and3A_862 = arith.andi %get3A_856, %and3A_861 : vector<16xi32>
      tpu.vector_store_idx %arg7[%shift_right_logical3A_859, %and3A_862], %broadcast_in_dim3A_13 {add = true} : memref<80x128xf32, #tpu.memory_space<vmem>>[vector<16xi32>, vector<16xi32>], vector<16xf32>,
      %get3A_863 = arith.constant 7 : i32
      %get3A_864 = arith.constant 0 : i32
      %get3A_865 = arith.constant 0 : i32
      %get3A_866 = tpu.memref_slice %arg5[%rem3A_34, %get3A_864, %get3A_865] : memref<2x8x128xi32, #tpu.memory_space<vmem>> -> memref<1x8x128xi32, #tpu.memory_space<vmem>>
      %get3A_867 = tpu.memref_squeeze %get3A_866 : memref<1x8x128xi32, #tpu.memory_space<vmem>> -> memref<8x128xi32, #tpu.memory_space<vmem>>
      %get3A_868 = arith.index_cast %get3A_863 : i32 to index
      %get3A_869 = arith.constant 32 : index
      %get3A_870 = tpu.vector_load %get3A_867[%get3A_868, %get3A_869] {strides = array<i32>} : memref<8x128xi32, #tpu.memory_space<vmem>>, vector<16xi32>,
      %shift_right_logical3A_871 = arith.constant 7 : i32
      %shift_right_logical3A_872 = vector.broadcast %shift_right_logical3A_871 : i32 to vector<16xi32>
      %shift_right_logical3A_873 = arith.shrui %get3A_870, %shift_right_logical3A_872 : vector<16xi32>
      %and3A_874 = arith.constant 127 : i32
      %and3A_875 = vector.broadcast %and3A_874 : i32 to vector<16xi32>
      %and3A_876 = arith.andi %get3A_870, %and3A_875 : vector<16xi32>
      tpu.vector_store_idx %arg7[%shift_right_logical3A_873, %and3A_876], %broadcast_in_dim3A_13 {add = true} : memref<80x128xf32, #tpu.memory_space<vmem>>[vector<16xi32>, vector<16xi32>], vector<16xf32>,
      %get3A_877 = arith.constant 7 : i32
      %get3A_878 = arith.constant 0 : i32
      %get3A_879 = arith.constant 0 : i32
      %get3A_880 = tpu.memref_slice %arg5[%rem3A_34, %get3A_878, %get3A_879] : memref<2x8x128xi32, #tpu.memory_space<vmem>> -> memref<1x8x128xi32, #tpu.memory_space<vmem>>
      %get3A_881 = tpu.memref_squeeze %get3A_880 : memref<1x8x128xi32, #tpu.memory_space<vmem>> -> memref<8x128xi32, #tpu.memory_space<vmem>>
      %get3A_882 = arith.index_cast %get3A_877 : i32 to index
      %get3A_883 = arith.constant 48 : index
      %get3A_884 = tpu.vector_load %get3A_881[%get3A_882, %get3A_883] {strides = array<i32>} : memref<8x128xi32, #tpu.memory_space<vmem>>, vector<16xi32>,
      %shift_right_logical3A_885 = arith.constant 7 : i32
      %shift_right_logical3A_886 = vector.broadcast %shift_right_logical3A_885 : i32 to vector<16xi32>
      %shift_right_logical3A_887 = arith.shrui %get3A_884, %shift_right_logical3A_886 : vector<16xi32>
      %and3A_888 = arith.constant 127 : i32
      %and3A_889 = vector.broadcast %and3A_888 : i32 to vector<16xi32>
      %and3A_890 = arith.andi %get3A_884, %and3A_889 : vector<16xi32>
      tpu.vector_store_idx %arg7[%shift_right_logical3A_887, %and3A_890], %broadcast_in_dim3A_13 {add = true} : memref<80x128xf32, #tpu.memory_space<vmem>>[vector<16xi32>, vector<16xi32>], vector<16xf32>,
      %get3A_891 = arith.constant 7 : i32
      %get3A_892 = arith.constant 0 : i32
      %get3A_893 = arith.constant 0 : i32
      %get3A_894 = tpu.memref_slice %arg5[%rem3A_34, %get3A_892, %get3A_893] : memref<2x8x128xi32, #tpu.memory_space<vmem>> -> memref<1x8x128xi32, #tpu.memory_space<vmem>>
      %get3A_895 = tpu.memref_squeeze %get3A_894 : memref<1x8x128xi32, #tpu.memory_space<vmem>> -> memref<8x128xi32, #tpu.memory_space<vmem>>
      %get3A_896 = arith.index_cast %get3A_891 : i32 to index
      %get3A_897 = arith.constant 64 : index
      %get3A_898 = tpu.vector_load %get3A_895[%get3A_896, %get3A_897] {strides = array<i32>} : memref<8x128xi32, #tpu.memory_space<vmem>>, vector<16xi32>,
      %shift_right_logical3A_899 = arith.constant 7 : i32
      %shift_right_logical3A_900 = vector.broadcast %shift_right_logical3A_899 : i32 to vector<16xi32>
      %shift_right_logical3A_901 = arith.shrui %get3A_898, %shift_right_logical3A_900 : vector<16xi32>
      %and3A_902 = arith.constant 127 : i32
      %and3A_903 = vector.broadcast %and3A_902 : i32 to vector<16xi32>
      %and3A_904 = arith.andi %get3A_898, %and3A_903 : vector<16xi32>
      tpu.vector_store_idx %arg7[%shift_right_logical3A_901, %and3A_904], %broadcast_in_dim3A_13 {add = true} : memref<80x128xf32, #tpu.memory_space<vmem>>[vector<16xi32>, vector<16xi32>], vector<16xf32>,
      %get3A_905 = arith.constant 7 : i32
      %get3A_906 = arith.constant 0 : i32
      %get3A_907 = arith.constant 0 : i32
      %get3A_908 = tpu.memref_slice %arg5[%rem3A_34, %get3A_906, %get3A_907] : memref<2x8x128xi32, #tpu.memory_space<vmem>> -> memref<1x8x128xi32, #tpu.memory_space<vmem>>
      %get3A_909 = tpu.memref_squeeze %get3A_908 : memref<1x8x128xi32, #tpu.memory_space<vmem>> -> memref<8x128xi32, #tpu.memory_space<vmem>>
      %get3A_910 = arith.index_cast %get3A_905 : i32 to index
      %get3A_911 = arith.constant 80 : index
      %get3A_912 = tpu.vector_load %get3A_909[%get3A_910, %get3A_911] {strides = array<i32>} : memref<8x128xi32, #tpu.memory_space<vmem>>, vector<16xi32>,
      %shift_right_logical3A_913 = arith.constant 7 : i32
      %shift_right_logical3A_914 = vector.broadcast %shift_right_logical3A_913 : i32 to vector<16xi32>
      %shift_right_logical3A_915 = arith.shrui %get3A_912, %shift_right_logical3A_914 : vector<16xi32>
      %and3A_916 = arith.constant 127 : i32
      %and3A_917 = vector.broadcast %and3A_916 : i32 to vector<16xi32>
      %and3A_918 = arith.andi %get3A_912, %and3A_917 : vector<16xi32>
      tpu.vector_store_idx %arg7[%shift_right_logical3A_915, %and3A_918], %broadcast_in_dim3A_13 {add = true} : memref<80x128xf32, #tpu.memory_space<vmem>>[vector<16xi32>, vector<16xi32>], vector<16xf32>,
      %get3A_919 = arith.constant 7 : i32
      %get3A_920 = arith.constant 0 : i32
      %get3A_921 = arith.constant 0 : i32
      %get3A_922 = tpu.memref_slice %arg5[%rem3A_34, %get3A_920, %get3A_921] : memref<2x8x128xi32, #tpu.memory_space<vmem>> -> memref<1x8x128xi32, #tpu.memory_space<vmem>>
      %get3A_923 = tpu.memref_squeeze %get3A_922 : memref<1x8x128xi32, #tpu.memory_space<vmem>> -> memref<8x128xi32, #tpu.memory_space<vmem>>
      %get3A_924 = arith.index_cast %get3A_919 : i32 to index
      %get3A_925 = arith.constant 96 : index
      %get3A_926 = tpu.vector_load %get3A_923[%get3A_924, %get3A_925] {strides = array<i32>} : memref<8x128xi32, #tpu.memory_space<vmem>>, vector<16xi32>,
      %shift_right_logical3A_927 = arith.constant 7 : i32
      %shift_right_logical3A_928 = vector.broadcast %shift_right_logical3A_927 : i32 to vector<16xi32>
      %shift_right_logical3A_929 = arith.shrui %get3A_926, %shift_right_logical3A_928 : vector<16xi32>
      %and3A_930 = arith.constant 127 : i32
      %and3A_931 = vector.broadcast %and3A_930 : i32 to vector<16xi32>
      %and3A_932 = arith.andi %get3A_926, %and3A_931 : vector<16xi32>
      tpu.vector_store_idx %arg7[%shift_right_logical3A_929, %and3A_932], %broadcast_in_dim3A_13 {add = true} : memref<80x128xf32, #tpu.memory_space<vmem>>[vector<16xi32>, vector<16xi32>], vector<16xf32>,
      %get3A_933 = arith.constant 7 : i32
      %get3A_934 = arith.constant 0 : i32
      %get3A_935 = arith.constant 0 : i32
      %get3A_936 = tpu.memref_slice %arg5[%rem3A_34, %get3A_934, %get3A_935] : memref<2x8x128xi32, #tpu.memory_space<vmem>> -> memref<1x8x128xi32, #tpu.memory_space<vmem>>
      %get3A_937 = tpu.memref_squeeze %get3A_936 : memref<1x8x128xi32, #tpu.memory_space<vmem>> -> memref<8x128xi32, #tpu.memory_space<vmem>>
      %get3A_938 = arith.index_cast %get3A_933 : i32 to index
      %get3A_939 = arith.constant 112 : index
      %get3A_940 = tpu.vector_load %get3A_937[%get3A_938, %get3A_939] {strides = array<i32>} : memref<8x128xi32, #tpu.memory_space<vmem>>, vector<16xi32>,
      %shift_right_logical3A_941 = arith.constant 7 : i32
      %shift_right_logical3A_942 = vector.broadcast %shift_right_logical3A_941 : i32 to vector<16xi32>
      %shift_right_logical3A_943 = arith.shrui %get3A_940, %shift_right_logical3A_942 : vector<16xi32>
      %and3A_944 = arith.constant 127 : i32
      %and3A_945 = vector.broadcast %and3A_944 : i32 to vector<16xi32>
      %and3A_946 = arith.andi %get3A_940, %and3A_945 : vector<16xi32>
      tpu.vector_store_idx %arg7[%shift_right_logical3A_943, %and3A_946], %broadcast_in_dim3A_13 {add = true} : memref<80x128xf32, #tpu.memory_space<vmem>>[vector<16xi32>, vector<16xi32>], vector<16xf32>,
      %while3A_947 = arith.constant 0 : i32
      scf.yield %while3A_947 : i32
    }
    %while3A_25 = arith.constant 1 : i32
    %while3A_26 = scf.for %while3A_32 = %while3A_22 to %while3A_18 step %while3A_25 iter_args(%while3A_33 = %while3A_24) -> (i32)  : i32 {
      %rem3A = arith.constant 2 : i32
      %rem3A_34 = arith.remsi %while3A_32, %rem3A : i32
      %dma_wait3A = arith.constant 0 : i32
      %dma_wait3A_35 = arith.constant 0 : i32
      %dma_wait3A_36 = tpu.memref_slice %arg5[%rem3A_34, %dma_wait3A, %dma_wait3A_35] : memref<2x8x128xi32, #tpu.memory_space<vmem>> -> memref<1x8x128xi32, #tpu.memory_space<vmem>>
      %dma_wait3A_37 = tpu.memref_squeeze %dma_wait3A_36 : memref<1x8x128xi32, #tpu.memory_space<vmem>> -> memref<8x128xi32, #tpu.memory_space<vmem>>
      %dma_wait3A_38 = arith.constant 0 : i32
      %dma_wait3A_39 = arith.constant 0 : i32
      %dma_wait3A_40 = tpu.memref_slice %arg2[%dma_wait3A_38, %dma_wait3A_39] : memref<2500x128xi32, #tpu.memory_space<hbm>> -> memref<8x128xi32, #tpu.memory_space<hbm>>
      %dma_wait3A_41 = arith.constant 0 : i32
      %dma_wait3A_42 = arith.constant 0 : i32
      %dma_wait3A_43 = tpu.memref_slice %arg5[%rem3A_34, %dma_wait3A_41, %dma_wait3A_42] : memref<2x8x128xi32, #tpu.memory_space<vmem>> -> memref<1x8x128xi32, #tpu.memory_space<vmem>>
      %dma_wait3A_44 = tpu.memref_squeeze %dma_wait3A_43 : memref<1x8x128xi32, #tpu.memory_space<vmem>> -> memref<8x128xi32, #tpu.memory_space<vmem>>
      %dma_wait3A_45 = arith.constant 0 : i32
      %dma_wait3A_46 = arith.constant 0 : i32
      %dma_wait3A_47 = tpu.memref_slice %arg2[%dma_wait3A_45, %dma_wait3A_46] : memref<2500x128xi32, #tpu.memory_space<hbm>> -> memref<8x128xi32, #tpu.memory_space<hbm>>
      tpu.wait_dma2 semaphore(%arg8 : memref<!tpu.dma_semaphore, #tpu.memory_space<semaphore_mem>>) src(%dma_wait3A_47 : memref<8x128xi32, #tpu.memory_space<hbm>>) dst(%dma_wait3A_44 : memref<8x128xi32, #tpu.memory_space<vmem>>)
      %add3A_48 = arith.constant 1 : i32
      %add3A_49 = arith.addi %while3A_32, %add3A_48 : i32
      %lt3A_50 = arith.cmpi slt, %add3A_49, %add3A_4 : i32
      %convert_element_type3A_51 = arith.extui %lt3A_50 : i1 to i32
      %cond3A_52 = arith.constant 0 : i32
      %cond3A_53 = arith.cmpi ne, %convert_element_type3A_51, %cond3A_52 : i32
      scf.if %cond3A_53 {
        %add3A_948 = arith.constant 1 : i32
        %add3A_949 = arith.addi %while3A_32, %add3A_948 : i32
        %mul3A_950 = arith.constant 32 : i32
        %mul3A_951 = arith.muli %add3A_949, %mul3A_950 : i32
        %add3A_952 = arith.addi %add3A, %mul3A_951 : i32
        %mul3A_953 = arith.constant 8 : i32
        %mul3A_954 = arith.muli %add3A_952, %mul3A_953 : i32
        %sub3A = arith.constant 1 : i32
        %sub3A_955 = arith.subi %sub3A, %rem3A_34 : i32
        %dma_start3A = arith.constant 0 : i32
        %dma_start3A_956 = arith.constant 0 : i32
        %dma_start3A_957 = tpu.memref_slice %arg5[%sub3A_955, %dma_start3A, %dma_start3A_956] : memref<2x8x128xi32, #tpu.memory_space<vmem>> -> memref<1x8x128xi32, #tpu.memory_space<vmem>>
        %dma_start3A_958 = tpu.memref_squeeze %dma_start3A_957 : memref<1x8x128xi32, #tpu.memory_space<vmem>> -> memref<8x128xi32, #tpu.memory_space<vmem>>
        %dma_start3A_959 = arith.constant 0 : i32
        %dma_start3A_960 = tpu.memref_slice %arg2[%mul3A_954, %dma_start3A_959] : memref<2500x128xi32, #tpu.memory_space<hbm>> -> memref<8x128xi32, #tpu.memory_space<hbm>>
        %dma_start3A_961 = arith.constant 0 : i32
        %dma_start3A_962 = arith.constant 0 : i32
        %dma_start3A_963 = tpu.memref_slice %arg5[%sub3A_955, %dma_start3A_961, %dma_start3A_962] : memref<2x8x128xi32, #tpu.memory_space<vmem>> -> memref<1x8x128xi32, #tpu.memory_space<vmem>>
        %dma_start3A_964 = tpu.memref_squeeze %dma_start3A_963 : memref<1x8x128xi32, #tpu.memory_space<vmem>> -> memref<8x128xi32, #tpu.memory_space<vmem>>
        %dma_start3A_965 = arith.constant 0 : i32
        %dma_start3A_966 = tpu.memref_slice %arg2[%mul3A_954, %dma_start3A_965] : memref<2500x128xi32, #tpu.memory_space<hbm>> -> memref<8x128xi32, #tpu.memory_space<hbm>>
        tpu.enqueue_dma source(%dma_start3A_966 : memref<8x128xi32, #tpu.memory_space<hbm>>) target(%dma_start3A_964 : memref<8x128xi32, #tpu.memory_space<vmem>>) target_semaphore(%arg8 : memref<!tpu.dma_semaphore, #tpu.memory_space<semaphore_mem>>)
      } else {
      }
      %get3A = arith.constant 0 : i32
      %get3A_54 = arith.constant 0 : i32
      %get3A_55 = arith.constant 0 : i32
      %get3A_56 = tpu.memref_slice %arg5[%rem3A_34, %get3A_54, %get3A_55] : memref<2x8x128xi32, #tpu.memory_space<vmem>> -> memref<1x8x128xi32, #tpu.memory_space<vmem>>
      %get3A_57 = tpu.memref_squeeze %get3A_56 : memref<1x8x128xi32, #tpu.memory_space<vmem>> -> memref<8x128xi32, #tpu.memory_space<vmem>>
      %get3A_58 = arith.index_cast %get3A : i32 to index
      %get3A_59 = arith.constant 0 : index
      %get3A_60 = tpu.vector_load %get3A_57[%get3A_58, %get3A_59] {strides = array<i32>} : memref<8x128xi32, #tpu.memory_space<vmem>>, vector<16xi32>,
      %shift_right_logical3A = arith.constant 7 : i32
      %shift_right_logical3A_61 = vector.broadcast %shift_right_logical3A : i32 to vector<16xi32>
      %shift_right_logical3A_62 = arith.shrui %get3A_60, %shift_right_logical3A_61 : vector<16xi32>
      %and3A = arith.constant 127 : i32
      %and3A_63 = vector.broadcast %and3A : i32 to vector<16xi32>
      %and3A_64 = arith.andi %get3A_60, %and3A_63 : vector<16xi32>
      tpu.vector_store_idx %arg7[%shift_right_logical3A_62, %and3A_64], %broadcast_in_dim3A_13 {add = true} : memref<80x128xf32, #tpu.memory_space<vmem>>[vector<16xi32>, vector<16xi32>], vector<16xf32>,
      %get3A_65 = arith.constant 0 : i32
      %get3A_66 = arith.constant 0 : i32
      %get3A_67 = arith.constant 0 : i32
      %get3A_68 = tpu.memref_slice %arg5[%rem3A_34, %get3A_66, %get3A_67] : memref<2x8x128xi32, #tpu.memory_space<vmem>> -> memref<1x8x128xi32, #tpu.memory_space<vmem>>
      %get3A_69 = tpu.memref_squeeze %get3A_68 : memref<1x8x128xi32, #tpu.memory_space<vmem>> -> memref<8x128xi32, #tpu.memory_space<vmem>>
      %get3A_70 = arith.index_cast %get3A_65 : i32 to index
      %get3A_71 = arith.constant 16 : index
      %get3A_72 = tpu.vector_load %get3A_69[%get3A_70, %get3A_71] {strides = array<i32>} : memref<8x128xi32, #tpu.memory_space<vmem>>, vector<16xi32>,
      %shift_right_logical3A_73 = arith.constant 7 : i32
      %shift_right_logical3A_74 = vector.broadcast %shift_right_logical3A_73 : i32 to vector<16xi32>
      %shift_right_logical3A_75 = arith.shrui %get3A_72, %shift_right_logical3A_74 : vector<16xi32>
      %and3A_76 = arith.constant 127 : i32
      %and3A_77 = vector.broadcast %and3A_76 : i32 to vector<16xi32>
      %and3A_78 = arith.andi %get3A_72, %and3A_77 : vector<16xi32>
      tpu.vector_store_idx %arg7[%shift_right_logical3A_75, %and3A_78], %broadcast_in_dim3A_13 {add = true} : memref<80x128xf32, #tpu.memory_space<vmem>>[vector<16xi32>, vector<16xi32>], vector<16xf32>,
      %get3A_79 = arith.constant 0 : i32
      %get3A_80 = arith.constant 0 : i32
      %get3A_81 = arith.constant 0 : i32
      %get3A_82 = tpu.memref_slice %arg5[%rem3A_34, %get3A_80, %get3A_81] : memref<2x8x128xi32, #tpu.memory_space<vmem>> -> memref<1x8x128xi32, #tpu.memory_space<vmem>>
      %get3A_83 = tpu.memref_squeeze %get3A_82 : memref<1x8x128xi32, #tpu.memory_space<vmem>> -> memref<8x128xi32, #tpu.memory_space<vmem>>
      %get3A_84 = arith.index_cast %get3A_79 : i32 to index
      %get3A_85 = arith.constant 32 : index
      %get3A_86 = tpu.vector_load %get3A_83[%get3A_84, %get3A_85] {strides = array<i32>} : memref<8x128xi32, #tpu.memory_space<vmem>>, vector<16xi32>,
      %shift_right_logical3A_87 = arith.constant 7 : i32
      %shift_right_logical3A_88 = vector.broadcast %shift_right_logical3A_87 : i32 to vector<16xi32>
      %shift_right_logical3A_89 = arith.shrui %get3A_86, %shift_right_logical3A_88 : vector<16xi32>
      %and3A_90 = arith.constant 127 : i32
      %and3A_91 = vector.broadcast %and3A_90 : i32 to vector<16xi32>
      %and3A_92 = arith.andi %get3A_86, %and3A_91 : vector<16xi32>
      tpu.vector_store_idx %arg7[%shift_right_logical3A_89, %and3A_92], %broadcast_in_dim3A_13 {add = true} : memref<80x128xf32, #tpu.memory_space<vmem>>[vector<16xi32>, vector<16xi32>], vector<16xf32>,
      %get3A_93 = arith.constant 0 : i32
      %get3A_94 = arith.constant 0 : i32
      %get3A_95 = arith.constant 0 : i32
      %get3A_96 = tpu.memref_slice %arg5[%rem3A_34, %get3A_94, %get3A_95] : memref<2x8x128xi32, #tpu.memory_space<vmem>> -> memref<1x8x128xi32, #tpu.memory_space<vmem>>
      %get3A_97 = tpu.memref_squeeze %get3A_96 : memref<1x8x128xi32, #tpu.memory_space<vmem>> -> memref<8x128xi32, #tpu.memory_space<vmem>>
      %get3A_98 = arith.index_cast %get3A_93 : i32 to index
      %get3A_99 = arith.constant 48 : index
      %get3A_100 = tpu.vector_load %get3A_97[%get3A_98, %get3A_99] {strides = array<i32>} : memref<8x128xi32, #tpu.memory_space<vmem>>, vector<16xi32>,
      %shift_right_logical3A_101 = arith.constant 7 : i32
      %shift_right_logical3A_102 = vector.broadcast %shift_right_logical3A_101 : i32 to vector<16xi32>
      %shift_right_logical3A_103 = arith.shrui %get3A_100, %shift_right_logical3A_102 : vector<16xi32>
      %and3A_104 = arith.constant 127 : i32
      %and3A_105 = vector.broadcast %and3A_104 : i32 to vector<16xi32>
      %and3A_106 = arith.andi %get3A_100, %and3A_105 : vector<16xi32>
      tpu.vector_store_idx %arg7[%shift_right_logical3A_103, %and3A_106], %broadcast_in_dim3A_13 {add = true} : memref<80x128xf32, #tpu.memory_space<vmem>>[vector<16xi32>, vector<16xi32>], vector<16xf32>,
      %get3A_107 = arith.constant 0 : i32
      %get3A_108 = arith.constant 0 : i32
      %get3A_109 = arith.constant 0 : i32
      %get3A_110 = tpu.memref_slice %arg5[%rem3A_34, %get3A_108, %get3A_109] : memref<2x8x128xi32, #tpu.memory_space<vmem>> -> memref<1x8x128xi32, #tpu.memory_space<vmem>>
      %get3A_111 = tpu.memref_squeeze %get3A_110 : memref<1x8x128xi32, #tpu.memory_space<vmem>> -> memref<8x128xi32, #tpu.memory_space<vmem>>
      %get3A_112 = arith.index_cast %get3A_107 : i32 to index
      %get3A_113 = arith.constant 64 : index
      %get3A_114 = tpu.vector_load %get3A_111[%get3A_112, %get3A_113] {strides = array<i32>} : memref<8x128xi32, #tpu.memory_space<vmem>>, vector<16xi32>,
      %shift_right_logical3A_115 = arith.constant 7 : i32
      %shift_right_logical3A_116 = vector.broadcast %shift_right_logical3A_115 : i32 to vector<16xi32>
      %shift_right_logical3A_117 = arith.shrui %get3A_114, %shift_right_logical3A_116 : vector<16xi32>
      %and3A_118 = arith.constant 127 : i32
      %and3A_119 = vector.broadcast %and3A_118 : i32 to vector<16xi32>
      %and3A_120 = arith.andi %get3A_114, %and3A_119 : vector<16xi32>
      tpu.vector_store_idx %arg7[%shift_right_logical3A_117, %and3A_120], %broadcast_in_dim3A_13 {add = true} : memref<80x128xf32, #tpu.memory_space<vmem>>[vector<16xi32>, vector<16xi32>], vector<16xf32>,
      %get3A_121 = arith.constant 0 : i32
      %get3A_122 = arith.constant 0 : i32
      %get3A_123 = arith.constant 0 : i32
      %get3A_124 = tpu.memref_slice %arg5[%rem3A_34, %get3A_122, %get3A_123] : memref<2x8x128xi32, #tpu.memory_space<vmem>> -> memref<1x8x128xi32, #tpu.memory_space<vmem>>
      %get3A_125 = tpu.memref_squeeze %get3A_124 : memref<1x8x128xi32, #tpu.memory_space<vmem>> -> memref<8x128xi32, #tpu.memory_space<vmem>>
      %get3A_126 = arith.index_cast %get3A_121 : i32 to index
      %get3A_127 = arith.constant 80 : index
      %get3A_128 = tpu.vector_load %get3A_125[%get3A_126, %get3A_127] {strides = array<i32>} : memref<8x128xi32, #tpu.memory_space<vmem>>, vector<16xi32>,
      %shift_right_logical3A_129 = arith.constant 7 : i32
      %shift_right_logical3A_130 = vector.broadcast %shift_right_logical3A_129 : i32 to vector<16xi32>
      %shift_right_logical3A_131 = arith.shrui %get3A_128, %shift_right_logical3A_130 : vector<16xi32>
      %and3A_132 = arith.constant 127 : i32
      %and3A_133 = vector.broadcast %and3A_132 : i32 to vector<16xi32>
      %and3A_134 = arith.andi %get3A_128, %and3A_133 : vector<16xi32>
      tpu.vector_store_idx %arg7[%shift_right_logical3A_131, %and3A_134], %broadcast_in_dim3A_13 {add = true} : memref<80x128xf32, #tpu.memory_space<vmem>>[vector<16xi32>, vector<16xi32>], vector<16xf32>,
      %get3A_135 = arith.constant 0 : i32
      %get3A_136 = arith.constant 0 : i32
      %get3A_137 = arith.constant 0 : i32
      %get3A_138 = tpu.memref_slice %arg5[%rem3A_34, %get3A_136, %get3A_137] : memref<2x8x128xi32, #tpu.memory_space<vmem>> -> memref<1x8x128xi32, #tpu.memory_space<vmem>>
      %get3A_139 = tpu.memref_squeeze %get3A_138 : memref<1x8x128xi32, #tpu.memory_space<vmem>> -> memref<8x128xi32, #tpu.memory_space<vmem>>
      %get3A_140 = arith.index_cast %get3A_135 : i32 to index
      %get3A_141 = arith.constant 96 : index
      %get3A_142 = tpu.vector_load %get3A_139[%get3A_140, %get3A_141] {strides = array<i32>} : memref<8x128xi32, #tpu.memory_space<vmem>>, vector<16xi32>,
      %shift_right_logical3A_143 = arith.constant 7 : i32
      %shift_right_logical3A_144 = vector.broadcast %shift_right_logical3A_143 : i32 to vector<16xi32>
      %shift_right_logical3A_145 = arith.shrui %get3A_142, %shift_right_logical3A_144 : vector<16xi32>
      %and3A_146 = arith.constant 127 : i32
      %and3A_147 = vector.broadcast %and3A_146 : i32 to vector<16xi32>
      %and3A_148 = arith.andi %get3A_142, %and3A_147 : vector<16xi32>
      tpu.vector_store_idx %arg7[%shift_right_logical3A_145, %and3A_148], %broadcast_in_dim3A_13 {add = true} : memref<80x128xf32, #tpu.memory_space<vmem>>[vector<16xi32>, vector<16xi32>], vector<16xf32>,
      %get3A_149 = arith.constant 0 : i32
      %get3A_150 = arith.constant 0 : i32
      %get3A_151 = arith.constant 0 : i32
      %get3A_152 = tpu.memref_slice %arg5[%rem3A_34, %get3A_150, %get3A_151] : memref<2x8x128xi32, #tpu.memory_space<vmem>> -> memref<1x8x128xi32, #tpu.memory_space<vmem>>
      %get3A_153 = tpu.memref_squeeze %get3A_152 : memref<1x8x128xi32, #tpu.memory_space<vmem>> -> memref<8x128xi32, #tpu.memory_space<vmem>>
      %get3A_154 = arith.index_cast %get3A_149 : i32 to index
      %get3A_155 = arith.constant 112 : index
      %get3A_156 = tpu.vector_load %get3A_153[%get3A_154, %get3A_155] {strides = array<i32>} : memref<8x128xi32, #tpu.memory_space<vmem>>, vector<16xi32>,
      %shift_right_logical3A_157 = arith.constant 7 : i32
      %shift_right_logical3A_158 = vector.broadcast %shift_right_logical3A_157 : i32 to vector<16xi32>
      %shift_right_logical3A_159 = arith.shrui %get3A_156, %shift_right_logical3A_158 : vector<16xi32>
      %and3A_160 = arith.constant 127 : i32
      %and3A_161 = vector.broadcast %and3A_160 : i32 to vector<16xi32>
      %and3A_162 = arith.andi %get3A_156, %and3A_161 : vector<16xi32>
      tpu.vector_store_idx %arg7[%shift_right_logical3A_159, %and3A_162], %broadcast_in_dim3A_13 {add = true} : memref<80x128xf32, #tpu.memory_space<vmem>>[vector<16xi32>, vector<16xi32>], vector<16xf32>,
      %get3A_163 = arith.constant 1 : i32
      %get3A_164 = arith.constant 0 : i32
      %get3A_165 = arith.constant 0 : i32
      %get3A_166 = tpu.memref_slice %arg5[%rem3A_34, %get3A_164, %get3A_165] : memref<2x8x128xi32, #tpu.memory_space<vmem>> -> memref<1x8x128xi32, #tpu.memory_space<vmem>>
      %get3A_167 = tpu.memref_squeeze %get3A_166 : memref<1x8x128xi32, #tpu.memory_space<vmem>> -> memref<8x128xi32, #tpu.memory_space<vmem>>
      %get3A_168 = arith.index_cast %get3A_163 : i32 to index
      %get3A_169 = arith.constant 0 : index
      %get3A_170 = tpu.vector_load %get3A_167[%get3A_168, %get3A_169] {strides = array<i32>} : memref<8x128xi32, #tpu.memory_space<vmem>>, vector<16xi32>,
      %shift_right_logical3A_171 = arith.constant 7 : i32
      %shift_right_logical3A_172 = vector.broadcast %shift_right_logical3A_171 : i32 to vector<16xi32>
      %shift_right_logical3A_173 = arith.shrui %get3A_170, %shift_right_logical3A_172 : vector<16xi32>
      %and3A_174 = arith.constant 127 : i32
      %and3A_175 = vector.broadcast %and3A_174 : i32 to vector<16xi32>
      %and3A_176 = arith.andi %get3A_170, %and3A_175 : vector<16xi32>
      tpu.vector_store_idx %arg7[%shift_right_logical3A_173, %and3A_176], %broadcast_in_dim3A_13 {add = true} : memref<80x128xf32, #tpu.memory_space<vmem>>[vector<16xi32>, vector<16xi32>], vector<16xf32>,
      %get3A_177 = arith.constant 1 : i32
      %get3A_178 = arith.constant 0 : i32
      %get3A_179 = arith.constant 0 : i32
      %get3A_180 = tpu.memref_slice %arg5[%rem3A_34, %get3A_178, %get3A_179] : memref<2x8x128xi32, #tpu.memory_space<vmem>> -> memref<1x8x128xi32, #tpu.memory_space<vmem>>
      %get3A_181 = tpu.memref_squeeze %get3A_180 : memref<1x8x128xi32, #tpu.memory_space<vmem>> -> memref<8x128xi32, #tpu.memory_space<vmem>>
      %get3A_182 = arith.index_cast %get3A_177 : i32 to index
      %get3A_183 = arith.constant 16 : index
      %get3A_184 = tpu.vector_load %get3A_181[%get3A_182, %get3A_183] {strides = array<i32>} : memref<8x128xi32, #tpu.memory_space<vmem>>, vector<16xi32>,
      %shift_right_logical3A_185 = arith.constant 7 : i32
      %shift_right_logical3A_186 = vector.broadcast %shift_right_logical3A_185 : i32 to vector<16xi32>
      %shift_right_logical3A_187 = arith.shrui %get3A_184, %shift_right_logical3A_186 : vector<16xi32>
      %and3A_188 = arith.constant 127 : i32
      %and3A_189 = vector.broadcast %and3A_188 : i32 to vector<16xi32>
      %and3A_190 = arith.andi %get3A_184, %and3A_189 : vector<16xi32>
      tpu.vector_store_idx %arg7[%shift_right_logical3A_187, %and3A_190], %broadcast_in_dim3A_13 {add = true} : memref<80x128xf32, #tpu.memory_space<vmem>>[vector<16xi32>, vector<16xi32>], vector<16xf32>,
      %get3A_191 = arith.constant 1 : i32
      %get3A_192 = arith.constant 0 : i32
      %get3A_193 = arith.constant 0 : i32
      %get3A_194 = tpu.memref_slice %arg5[%rem3A_34, %get3A_192, %get3A_193] : memref<2x8x128xi32, #tpu.memory_space<vmem>> -> memref<1x8x128xi32, #tpu.memory_space<vmem>>
      %get3A_195 = tpu.memref_squeeze %get3A_194 : memref<1x8x128xi32, #tpu.memory_space<vmem>> -> memref<8x128xi32, #tpu.memory_space<vmem>>
      %get3A_196 = arith.index_cast %get3A_191 : i32 to index
      %get3A_197 = arith.constant 32 : index
      %get3A_198 = tpu.vector_load %get3A_195[%get3A_196, %get3A_197] {strides = array<i32>} : memref<8x128xi32, #tpu.memory_space<vmem>>, vector<16xi32>,
      %shift_right_logical3A_199 = arith.constant 7 : i32
      %shift_right_logical3A_200 = vector.broadcast %shift_right_logical3A_199 : i32 to vector<16xi32>
      %shift_right_logical3A_201 = arith.shrui %get3A_198, %shift_right_logical3A_200 : vector<16xi32>
      %and3A_202 = arith.constant 127 : i32
      %and3A_203 = vector.broadcast %and3A_202 : i32 to vector<16xi32>
      %and3A_204 = arith.andi %get3A_198, %and3A_203 : vector<16xi32>
      tpu.vector_store_idx %arg7[%shift_right_logical3A_201, %and3A_204], %broadcast_in_dim3A_13 {add = true} : memref<80x128xf32, #tpu.memory_space<vmem>>[vector<16xi32>, vector<16xi32>], vector<16xf32>,
      %get3A_205 = arith.constant 1 : i32
      %get3A_206 = arith.constant 0 : i32
      %get3A_207 = arith.constant 0 : i32
      %get3A_208 = tpu.memref_slice %arg5[%rem3A_34, %get3A_206, %get3A_207] : memref<2x8x128xi32, #tpu.memory_space<vmem>> -> memref<1x8x128xi32, #tpu.memory_space<vmem>>
      %get3A_209 = tpu.memref_squeeze %get3A_208 : memref<1x8x128xi32, #tpu.memory_space<vmem>> -> memref<8x128xi32, #tpu.memory_space<vmem>>
      %get3A_210 = arith.index_cast %get3A_205 : i32 to index
      %get3A_211 = arith.constant 48 : index
      %get3A_212 = tpu.vector_load %get3A_209[%get3A_210, %get3A_211] {strides = array<i32>} : memref<8x128xi32, #tpu.memory_space<vmem>>, vector<16xi32>,
      %shift_right_logical3A_213 = arith.constant 7 : i32
      %shift_right_logical3A_214 = vector.broadcast %shift_right_logical3A_213 : i32 to vector<16xi32>
      %shift_right_logical3A_215 = arith.shrui %get3A_212, %shift_right_logical3A_214 : vector<16xi32>
      %and3A_216 = arith.constant 127 : i32
      %and3A_217 = vector.broadcast %and3A_216 : i32 to vector<16xi32>
      %and3A_218 = arith.andi %get3A_212, %and3A_217 : vector<16xi32>
      tpu.vector_store_idx %arg7[%shift_right_logical3A_215, %and3A_218], %broadcast_in_dim3A_13 {add = true} : memref<80x128xf32, #tpu.memory_space<vmem>>[vector<16xi32>, vector<16xi32>], vector<16xf32>,
      %get3A_219 = arith.constant 1 : i32
      %get3A_220 = arith.constant 0 : i32
      %get3A_221 = arith.constant 0 : i32
      %get3A_222 = tpu.memref_slice %arg5[%rem3A_34, %get3A_220, %get3A_221] : memref<2x8x128xi32, #tpu.memory_space<vmem>> -> memref<1x8x128xi32, #tpu.memory_space<vmem>>
      %get3A_223 = tpu.memref_squeeze %get3A_222 : memref<1x8x128xi32, #tpu.memory_space<vmem>> -> memref<8x128xi32, #tpu.memory_space<vmem>>
      %get3A_224 = arith.index_cast %get3A_219 : i32 to index
      %get3A_225 = arith.constant 64 : index
      %get3A_226 = tpu.vector_load %get3A_223[%get3A_224, %get3A_225] {strides = array<i32>} : memref<8x128xi32, #tpu.memory_space<vmem>>, vector<16xi32>,
      %shift_right_logical3A_227 = arith.constant 7 : i32
      %shift_right_logical3A_228 = vector.broadcast %shift_right_logical3A_227 : i32 to vector<16xi32>
      %shift_right_logical3A_229 = arith.shrui %get3A_226, %shift_right_logical3A_228 : vector<16xi32>
      %and3A_230 = arith.constant 127 : i32
      %and3A_231 = vector.broadcast %and3A_230 : i32 to vector<16xi32>
      %and3A_232 = arith.andi %get3A_226, %and3A_231 : vector<16xi32>
      tpu.vector_store_idx %arg7[%shift_right_logical3A_229, %and3A_232], %broadcast_in_dim3A_13 {add = true} : memref<80x128xf32, #tpu.memory_space<vmem>>[vector<16xi32>, vector<16xi32>], vector<16xf32>,
      %get3A_233 = arith.constant 1 : i32
      %get3A_234 = arith.constant 0 : i32
      %get3A_235 = arith.constant 0 : i32
      %get3A_236 = tpu.memref_slice %arg5[%rem3A_34, %get3A_234, %get3A_235] : memref<2x8x128xi32, #tpu.memory_space<vmem>> -> memref<1x8x128xi32, #tpu.memory_space<vmem>>
      %get3A_237 = tpu.memref_squeeze %get3A_236 : memref<1x8x128xi32, #tpu.memory_space<vmem>> -> memref<8x128xi32, #tpu.memory_space<vmem>>
      %get3A_238 = arith.index_cast %get3A_233 : i32 to index
      %get3A_239 = arith.constant 80 : index
      %get3A_240 = tpu.vector_load %get3A_237[%get3A_238, %get3A_239] {strides = array<i32>} : memref<8x128xi32, #tpu.memory_space<vmem>>, vector<16xi32>,
      %shift_right_logical3A_241 = arith.constant 7 : i32
      %shift_right_logical3A_242 = vector.broadcast %shift_right_logical3A_241 : i32 to vector<16xi32>
      %shift_right_logical3A_243 = arith.shrui %get3A_240, %shift_right_logical3A_242 : vector<16xi32>
      %and3A_244 = arith.constant 127 : i32
      %and3A_245 = vector.broadcast %and3A_244 : i32 to vector<16xi32>
      %and3A_246 = arith.andi %get3A_240, %and3A_245 : vector<16xi32>
      tpu.vector_store_idx %arg7[%shift_right_logical3A_243, %and3A_246], %broadcast_in_dim3A_13 {add = true} : memref<80x128xf32, #tpu.memory_space<vmem>>[vector<16xi32>, vector<16xi32>], vector<16xf32>,
      %get3A_247 = arith.constant 1 : i32
      %get3A_248 = arith.constant 0 : i32
      %get3A_249 = arith.constant 0 : i32
      %get3A_250 = tpu.memref_slice %arg5[%rem3A_34, %get3A_248, %get3A_249] : memref<2x8x128xi32, #tpu.memory_space<vmem>> -> memref<1x8x128xi32, #tpu.memory_space<vmem>>
      %get3A_251 = tpu.memref_squeeze %get3A_250 : memref<1x8x128xi32, #tpu.memory_space<vmem>> -> memref<8x128xi32, #tpu.memory_space<vmem>>
      %get3A_252 = arith.index_cast %get3A_247 : i32 to index
      %get3A_253 = arith.constant 96 : index
      %get3A_254 = tpu.vector_load %get3A_251[%get3A_252, %get3A_253] {strides = array<i32>} : memref<8x128xi32, #tpu.memory_space<vmem>>, vector<16xi32>,
      %shift_right_logical3A_255 = arith.constant 7 : i32
      %shift_right_logical3A_256 = vector.broadcast %shift_right_logical3A_255 : i32 to vector<16xi32>
      %shift_right_logical3A_257 = arith.shrui %get3A_254, %shift_right_logical3A_256 : vector<16xi32>
      %and3A_258 = arith.constant 127 : i32
      %and3A_259 = vector.broadcast %and3A_258 : i32 to vector<16xi32>
      %and3A_260 = arith.andi %get3A_254, %and3A_259 : vector<16xi32>
      tpu.vector_store_idx %arg7[%shift_right_logical3A_257, %and3A_260], %broadcast_in_dim3A_13 {add = true} : memref<80x128xf32, #tpu.memory_space<vmem>>[vector<16xi32>, vector<16xi32>], vector<16xf32>,
      %get3A_261 = arith.constant 1 : i32
      %get3A_262 = arith.constant 0 : i32
      %get3A_263 = arith.constant 0 : i32
      %get3A_264 = tpu.memref_slice %arg5[%rem3A_34, %get3A_262, %get3A_263] : memref<2x8x128xi32, #tpu.memory_space<vmem>> -> memref<1x8x128xi32, #tpu.memory_space<vmem>>
      %get3A_265 = tpu.memref_squeeze %get3A_264 : memref<1x8x128xi32, #tpu.memory_space<vmem>> -> memref<8x128xi32, #tpu.memory_space<vmem>>
      %get3A_266 = arith.index_cast %get3A_261 : i32 to index
      %get3A_267 = arith.constant 112 : index
      %get3A_268 = tpu.vector_load %get3A_265[%get3A_266, %get3A_267] {strides = array<i32>} : memref<8x128xi32, #tpu.memory_space<vmem>>, vector<16xi32>,
      %shift_right_logical3A_269 = arith.constant 7 : i32
      %shift_right_logical3A_270 = vector.broadcast %shift_right_logical3A_269 : i32 to vector<16xi32>
      %shift_right_logical3A_271 = arith.shrui %get3A_268, %shift_right_logical3A_270 : vector<16xi32>
      %and3A_272 = arith.constant 127 : i32
      %and3A_273 = vector.broadcast %and3A_272 : i32 to vector<16xi32>
      %and3A_274 = arith.andi %get3A_268, %and3A_273 : vector<16xi32>
      tpu.vector_store_idx %arg7[%shift_right_logical3A_271, %and3A_274], %broadcast_in_dim3A_13 {add = true} : memref<80x128xf32, #tpu.memory_space<vmem>>[vector<16xi32>, vector<16xi32>], vector<16xf32>,
      %get3A_275 = arith.constant 2 : i32
      %get3A_276 = arith.constant 0 : i32
      %get3A_277 = arith.constant 0 : i32
      %get3A_278 = tpu.memref_slice %arg5[%rem3A_34, %get3A_276, %get3A_277] : memref<2x8x128xi32, #tpu.memory_space<vmem>> -> memref<1x8x128xi32, #tpu.memory_space<vmem>>
      %get3A_279 = tpu.memref_squeeze %get3A_278 : memref<1x8x128xi32, #tpu.memory_space<vmem>> -> memref<8x128xi32, #tpu.memory_space<vmem>>
      %get3A_280 = arith.index_cast %get3A_275 : i32 to index
      %get3A_281 = arith.constant 0 : index
      %get3A_282 = tpu.vector_load %get3A_279[%get3A_280, %get3A_281] {strides = array<i32>} : memref<8x128xi32, #tpu.memory_space<vmem>>, vector<16xi32>,
      %shift_right_logical3A_283 = arith.constant 7 : i32
      %shift_right_logical3A_284 = vector.broadcast %shift_right_logical3A_283 : i32 to vector<16xi32>
      %shift_right_logical3A_285 = arith.shrui %get3A_282, %shift_right_logical3A_284 : vector<16xi32>
      %and3A_286 = arith.constant 127 : i32
      %and3A_287 = vector.broadcast %and3A_286 : i32 to vector<16xi32>
      %and3A_288 = arith.andi %get3A_282, %and3A_287 : vector<16xi32>
      tpu.vector_store_idx %arg7[%shift_right_logical3A_285, %and3A_288], %broadcast_in_dim3A_13 {add = true} : memref<80x128xf32, #tpu.memory_space<vmem>>[vector<16xi32>, vector<16xi32>], vector<16xf32>,
      %get3A_289 = arith.constant 2 : i32
      %get3A_290 = arith.constant 0 : i32
      %get3A_291 = arith.constant 0 : i32
      %get3A_292 = tpu.memref_slice %arg5[%rem3A_34, %get3A_290, %get3A_291] : memref<2x8x128xi32, #tpu.memory_space<vmem>> -> memref<1x8x128xi32, #tpu.memory_space<vmem>>
      %get3A_293 = tpu.memref_squeeze %get3A_292 : memref<1x8x128xi32, #tpu.memory_space<vmem>> -> memref<8x128xi32, #tpu.memory_space<vmem>>
      %get3A_294 = arith.index_cast %get3A_289 : i32 to index
      %get3A_295 = arith.constant 16 : index
      %get3A_296 = tpu.vector_load %get3A_293[%get3A_294, %get3A_295] {strides = array<i32>} : memref<8x128xi32, #tpu.memory_space<vmem>>, vector<16xi32>,
      %shift_right_logical3A_297 = arith.constant 7 : i32
      %shift_right_logical3A_298 = vector.broadcast %shift_right_logical3A_297 : i32 to vector<16xi32>
      %shift_right_logical3A_299 = arith.shrui %get3A_296, %shift_right_logical3A_298 : vector<16xi32>
      %and3A_300 = arith.constant 127 : i32
      %and3A_301 = vector.broadcast %and3A_300 : i32 to vector<16xi32>
      %and3A_302 = arith.andi %get3A_296, %and3A_301 : vector<16xi32>
      tpu.vector_store_idx %arg7[%shift_right_logical3A_299, %and3A_302], %broadcast_in_dim3A_13 {add = true} : memref<80x128xf32, #tpu.memory_space<vmem>>[vector<16xi32>, vector<16xi32>], vector<16xf32>,
      %get3A_303 = arith.constant 2 : i32
      %get3A_304 = arith.constant 0 : i32
      %get3A_305 = arith.constant 0 : i32
      %get3A_306 = tpu.memref_slice %arg5[%rem3A_34, %get3A_304, %get3A_305] : memref<2x8x128xi32, #tpu.memory_space<vmem>> -> memref<1x8x128xi32, #tpu.memory_space<vmem>>
      %get3A_307 = tpu.memref_squeeze %get3A_306 : memref<1x8x128xi32, #tpu.memory_space<vmem>> -> memref<8x128xi32, #tpu.memory_space<vmem>>
      %get3A_308 = arith.index_cast %get3A_303 : i32 to index
      %get3A_309 = arith.constant 32 : index
      %get3A_310 = tpu.vector_load %get3A_307[%get3A_308, %get3A_309] {strides = array<i32>} : memref<8x128xi32, #tpu.memory_space<vmem>>, vector<16xi32>,
      %shift_right_logical3A_311 = arith.constant 7 : i32
      %shift_right_logical3A_312 = vector.broadcast %shift_right_logical3A_311 : i32 to vector<16xi32>
      %shift_right_logical3A_313 = arith.shrui %get3A_310, %shift_right_logical3A_312 : vector<16xi32>
      %and3A_314 = arith.constant 127 : i32
      %and3A_315 = vector.broadcast %and3A_314 : i32 to vector<16xi32>
      %and3A_316 = arith.andi %get3A_310, %and3A_315 : vector<16xi32>
      tpu.vector_store_idx %arg7[%shift_right_logical3A_313, %and3A_316], %broadcast_in_dim3A_13 {add = true} : memref<80x128xf32, #tpu.memory_space<vmem>>[vector<16xi32>, vector<16xi32>], vector<16xf32>,
      %get3A_317 = arith.constant 2 : i32
      %get3A_318 = arith.constant 0 : i32
      %get3A_319 = arith.constant 0 : i32
      %get3A_320 = tpu.memref_slice %arg5[%rem3A_34, %get3A_318, %get3A_319] : memref<2x8x128xi32, #tpu.memory_space<vmem>> -> memref<1x8x128xi32, #tpu.memory_space<vmem>>
      %get3A_321 = tpu.memref_squeeze %get3A_320 : memref<1x8x128xi32, #tpu.memory_space<vmem>> -> memref<8x128xi32, #tpu.memory_space<vmem>>
      %get3A_322 = arith.index_cast %get3A_317 : i32 to index
      %get3A_323 = arith.constant 48 : index
      %get3A_324 = tpu.vector_load %get3A_321[%get3A_322, %get3A_323] {strides = array<i32>} : memref<8x128xi32, #tpu.memory_space<vmem>>, vector<16xi32>,
      %shift_right_logical3A_325 = arith.constant 7 : i32
      %shift_right_logical3A_326 = vector.broadcast %shift_right_logical3A_325 : i32 to vector<16xi32>
      %shift_right_logical3A_327 = arith.shrui %get3A_324, %shift_right_logical3A_326 : vector<16xi32>
      %and3A_328 = arith.constant 127 : i32
      %and3A_329 = vector.broadcast %and3A_328 : i32 to vector<16xi32>
      %and3A_330 = arith.andi %get3A_324, %and3A_329 : vector<16xi32>
      tpu.vector_store_idx %arg7[%shift_right_logical3A_327, %and3A_330], %broadcast_in_dim3A_13 {add = true} : memref<80x128xf32, #tpu.memory_space<vmem>>[vector<16xi32>, vector<16xi32>], vector<16xf32>,
      %get3A_331 = arith.constant 2 : i32
      %get3A_332 = arith.constant 0 : i32
      %get3A_333 = arith.constant 0 : i32
      %get3A_334 = tpu.memref_slice %arg5[%rem3A_34, %get3A_332, %get3A_333] : memref<2x8x128xi32, #tpu.memory_space<vmem>> -> memref<1x8x128xi32, #tpu.memory_space<vmem>>
      %get3A_335 = tpu.memref_squeeze %get3A_334 : memref<1x8x128xi32, #tpu.memory_space<vmem>> -> memref<8x128xi32, #tpu.memory_space<vmem>>
      %get3A_336 = arith.index_cast %get3A_331 : i32 to index
      %get3A_337 = arith.constant 64 : index
      %get3A_338 = tpu.vector_load %get3A_335[%get3A_336, %get3A_337] {strides = array<i32>} : memref<8x128xi32, #tpu.memory_space<vmem>>, vector<16xi32>,
      %shift_right_logical3A_339 = arith.constant 7 : i32
      %shift_right_logical3A_340 = vector.broadcast %shift_right_logical3A_339 : i32 to vector<16xi32>
      %shift_right_logical3A_341 = arith.shrui %get3A_338, %shift_right_logical3A_340 : vector<16xi32>
      %and3A_342 = arith.constant 127 : i32
      %and3A_343 = vector.broadcast %and3A_342 : i32 to vector<16xi32>
      %and3A_344 = arith.andi %get3A_338, %and3A_343 : vector<16xi32>
      tpu.vector_store_idx %arg7[%shift_right_logical3A_341, %and3A_344], %broadcast_in_dim3A_13 {add = true} : memref<80x128xf32, #tpu.memory_space<vmem>>[vector<16xi32>, vector<16xi32>], vector<16xf32>,
      %get3A_345 = arith.constant 2 : i32
      %get3A_346 = arith.constant 0 : i32
      %get3A_347 = arith.constant 0 : i32
      %get3A_348 = tpu.memref_slice %arg5[%rem3A_34, %get3A_346, %get3A_347] : memref<2x8x128xi32, #tpu.memory_space<vmem>> -> memref<1x8x128xi32, #tpu.memory_space<vmem>>
      %get3A_349 = tpu.memref_squeeze %get3A_348 : memref<1x8x128xi32, #tpu.memory_space<vmem>> -> memref<8x128xi32, #tpu.memory_space<vmem>>
      %get3A_350 = arith.index_cast %get3A_345 : i32 to index
      %get3A_351 = arith.constant 80 : index
      %get3A_352 = tpu.vector_load %get3A_349[%get3A_350, %get3A_351] {strides = array<i32>} : memref<8x128xi32, #tpu.memory_space<vmem>>, vector<16xi32>,
      %shift_right_logical3A_353 = arith.constant 7 : i32
      %shift_right_logical3A_354 = vector.broadcast %shift_right_logical3A_353 : i32 to vector<16xi32>
      %shift_right_logical3A_355 = arith.shrui %get3A_352, %shift_right_logical3A_354 : vector<16xi32>
      %and3A_356 = arith.constant 127 : i32
      %and3A_357 = vector.broadcast %and3A_356 : i32 to vector<16xi32>
      %and3A_358 = arith.andi %get3A_352, %and3A_357 : vector<16xi32>
      tpu.vector_store_idx %arg7[%shift_right_logical3A_355, %and3A_358], %broadcast_in_dim3A_13 {add = true} : memref<80x128xf32, #tpu.memory_space<vmem>>[vector<16xi32>, vector<16xi32>], vector<16xf32>,
      %get3A_359 = arith.constant 2 : i32
      %get3A_360 = arith.constant 0 : i32
      %get3A_361 = arith.constant 0 : i32
      %get3A_362 = tpu.memref_slice %arg5[%rem3A_34, %get3A_360, %get3A_361] : memref<2x8x128xi32, #tpu.memory_space<vmem>> -> memref<1x8x128xi32, #tpu.memory_space<vmem>>
      %get3A_363 = tpu.memref_squeeze %get3A_362 : memref<1x8x128xi32, #tpu.memory_space<vmem>> -> memref<8x128xi32, #tpu.memory_space<vmem>>
      %get3A_364 = arith.index_cast %get3A_359 : i32 to index
      %get3A_365 = arith.constant 96 : index
      %get3A_366 = tpu.vector_load %get3A_363[%get3A_364, %get3A_365] {strides = array<i32>} : memref<8x128xi32, #tpu.memory_space<vmem>>, vector<16xi32>,
      %shift_right_logical3A_367 = arith.constant 7 : i32
      %shift_right_logical3A_368 = vector.broadcast %shift_right_logical3A_367 : i32 to vector<16xi32>
      %shift_right_logical3A_369 = arith.shrui %get3A_366, %shift_right_logical3A_368 : vector<16xi32>
      %and3A_370 = arith.constant 127 : i32
      %and3A_371 = vector.broadcast %and3A_370 : i32 to vector<16xi32>
      %and3A_372 = arith.andi %get3A_366, %and3A_371 : vector<16xi32>
      tpu.vector_store_idx %arg7[%shift_right_logical3A_369, %and3A_372], %broadcast_in_dim3A_13 {add = true} : memref<80x128xf32, #tpu.memory_space<vmem>>[vector<16xi32>, vector<16xi32>], vector<16xf32>,
      %get3A_373 = arith.constant 2 : i32
      %get3A_374 = arith.constant 0 : i32
      %get3A_375 = arith.constant 0 : i32
      %get3A_376 = tpu.memref_slice %arg5[%rem3A_34, %get3A_374, %get3A_375] : memref<2x8x128xi32, #tpu.memory_space<vmem>> -> memref<1x8x128xi32, #tpu.memory_space<vmem>>
      %get3A_377 = tpu.memref_squeeze %get3A_376 : memref<1x8x128xi32, #tpu.memory_space<vmem>> -> memref<8x128xi32, #tpu.memory_space<vmem>>
      %get3A_378 = arith.index_cast %get3A_373 : i32 to index
      %get3A_379 = arith.constant 112 : index
      %get3A_380 = tpu.vector_load %get3A_377[%get3A_378, %get3A_379] {strides = array<i32>} : memref<8x128xi32, #tpu.memory_space<vmem>>, vector<16xi32>,
      %shift_right_logical3A_381 = arith.constant 7 : i32
      %shift_right_logical3A_382 = vector.broadcast %shift_right_logical3A_381 : i32 to vector<16xi32>
      %shift_right_logical3A_383 = arith.shrui %get3A_380, %shift_right_logical3A_382 : vector<16xi32>
      %and3A_384 = arith.constant 127 : i32
      %and3A_385 = vector.broadcast %and3A_384 : i32 to vector<16xi32>
      %and3A_386 = arith.andi %get3A_380, %and3A_385 : vector<16xi32>
      tpu.vector_store_idx %arg7[%shift_right_logical3A_383, %and3A_386], %broadcast_in_dim3A_13 {add = true} : memref<80x128xf32, #tpu.memory_space<vmem>>[vector<16xi32>, vector<16xi32>], vector<16xf32>,
      %get3A_387 = arith.constant 3 : i32
      %get3A_388 = arith.constant 0 : i32
      %get3A_389 = arith.constant 0 : i32
      %get3A_390 = tpu.memref_slice %arg5[%rem3A_34, %get3A_388, %get3A_389] : memref<2x8x128xi32, #tpu.memory_space<vmem>> -> memref<1x8x128xi32, #tpu.memory_space<vmem>>
      %get3A_391 = tpu.memref_squeeze %get3A_390 : memref<1x8x128xi32, #tpu.memory_space<vmem>> -> memref<8x128xi32, #tpu.memory_space<vmem>>
      %get3A_392 = arith.index_cast %get3A_387 : i32 to index
      %get3A_393 = arith.constant 0 : index
      %get3A_394 = tpu.vector_load %get3A_391[%get3A_392, %get3A_393] {strides = array<i32>} : memref<8x128xi32, #tpu.memory_space<vmem>>, vector<16xi32>,
      %shift_right_logical3A_395 = arith.constant 7 : i32
      %shift_right_logical3A_396 = vector.broadcast %shift_right_logical3A_395 : i32 to vector<16xi32>
      %shift_right_logical3A_397 = arith.shrui %get3A_394, %shift_right_logical3A_396 : vector<16xi32>
      %and3A_398 = arith.constant 127 : i32
      %and3A_399 = vector.broadcast %and3A_398 : i32 to vector<16xi32>
      %and3A_400 = arith.andi %get3A_394, %and3A_399 : vector<16xi32>
      tpu.vector_store_idx %arg7[%shift_right_logical3A_397, %and3A_400], %broadcast_in_dim3A_13 {add = true} : memref<80x128xf32, #tpu.memory_space<vmem>>[vector<16xi32>, vector<16xi32>], vector<16xf32>,
      %get3A_401 = arith.constant 3 : i32
      %get3A_402 = arith.constant 0 : i32
      %get3A_403 = arith.constant 0 : i32
      %get3A_404 = tpu.memref_slice %arg5[%rem3A_34, %get3A_402, %get3A_403] : memref<2x8x128xi32, #tpu.memory_space<vmem>> -> memref<1x8x128xi32, #tpu.memory_space<vmem>>
      %get3A_405 = tpu.memref_squeeze %get3A_404 : memref<1x8x128xi32, #tpu.memory_space<vmem>> -> memref<8x128xi32, #tpu.memory_space<vmem>>
      %get3A_406 = arith.index_cast %get3A_401 : i32 to index
      %get3A_407 = arith.constant 16 : index
      %get3A_408 = tpu.vector_load %get3A_405[%get3A_406, %get3A_407] {strides = array<i32>} : memref<8x128xi32, #tpu.memory_space<vmem>>, vector<16xi32>,
      %shift_right_logical3A_409 = arith.constant 7 : i32
      %shift_right_logical3A_410 = vector.broadcast %shift_right_logical3A_409 : i32 to vector<16xi32>
      %shift_right_logical3A_411 = arith.shrui %get3A_408, %shift_right_logical3A_410 : vector<16xi32>
      %and3A_412 = arith.constant 127 : i32
      %and3A_413 = vector.broadcast %and3A_412 : i32 to vector<16xi32>
      %and3A_414 = arith.andi %get3A_408, %and3A_413 : vector<16xi32>
      tpu.vector_store_idx %arg7[%shift_right_logical3A_411, %and3A_414], %broadcast_in_dim3A_13 {add = true} : memref<80x128xf32, #tpu.memory_space<vmem>>[vector<16xi32>, vector<16xi32>], vector<16xf32>,
      %get3A_415 = arith.constant 3 : i32
      %get3A_416 = arith.constant 0 : i32
      %get3A_417 = arith.constant 0 : i32
      %get3A_418 = tpu.memref_slice %arg5[%rem3A_34, %get3A_416, %get3A_417] : memref<2x8x128xi32, #tpu.memory_space<vmem>> -> memref<1x8x128xi32, #tpu.memory_space<vmem>>
      %get3A_419 = tpu.memref_squeeze %get3A_418 : memref<1x8x128xi32, #tpu.memory_space<vmem>> -> memref<8x128xi32, #tpu.memory_space<vmem>>
      %get3A_420 = arith.index_cast %get3A_415 : i32 to index
      %get3A_421 = arith.constant 32 : index
      %get3A_422 = tpu.vector_load %get3A_419[%get3A_420, %get3A_421] {strides = array<i32>} : memref<8x128xi32, #tpu.memory_space<vmem>>, vector<16xi32>,
      %shift_right_logical3A_423 = arith.constant 7 : i32
      %shift_right_logical3A_424 = vector.broadcast %shift_right_logical3A_423 : i32 to vector<16xi32>
      %shift_right_logical3A_425 = arith.shrui %get3A_422, %shift_right_logical3A_424 : vector<16xi32>
      %and3A_426 = arith.constant 127 : i32
      %and3A_427 = vector.broadcast %and3A_426 : i32 to vector<16xi32>
      %and3A_428 = arith.andi %get3A_422, %and3A_427 : vector<16xi32>
      tpu.vector_store_idx %arg7[%shift_right_logical3A_425, %and3A_428], %broadcast_in_dim3A_13 {add = true} : memref<80x128xf32, #tpu.memory_space<vmem>>[vector<16xi32>, vector<16xi32>], vector<16xf32>,
      %get3A_429 = arith.constant 3 : i32
      %get3A_430 = arith.constant 0 : i32
      %get3A_431 = arith.constant 0 : i32
      %get3A_432 = tpu.memref_slice %arg5[%rem3A_34, %get3A_430, %get3A_431] : memref<2x8x128xi32, #tpu.memory_space<vmem>> -> memref<1x8x128xi32, #tpu.memory_space<vmem>>
      %get3A_433 = tpu.memref_squeeze %get3A_432 : memref<1x8x128xi32, #tpu.memory_space<vmem>> -> memref<8x128xi32, #tpu.memory_space<vmem>>
      %get3A_434 = arith.index_cast %get3A_429 : i32 to index
      %get3A_435 = arith.constant 48 : index
      %get3A_436 = tpu.vector_load %get3A_433[%get3A_434, %get3A_435] {strides = array<i32>} : memref<8x128xi32, #tpu.memory_space<vmem>>, vector<16xi32>,
      %shift_right_logical3A_437 = arith.constant 7 : i32
      %shift_right_logical3A_438 = vector.broadcast %shift_right_logical3A_437 : i32 to vector<16xi32>
      %shift_right_logical3A_439 = arith.shrui %get3A_436, %shift_right_logical3A_438 : vector<16xi32>
      %and3A_440 = arith.constant 127 : i32
      %and3A_441 = vector.broadcast %and3A_440 : i32 to vector<16xi32>
      %and3A_442 = arith.andi %get3A_436, %and3A_441 : vector<16xi32>
      tpu.vector_store_idx %arg7[%shift_right_logical3A_439, %and3A_442], %broadcast_in_dim3A_13 {add = true} : memref<80x128xf32, #tpu.memory_space<vmem>>[vector<16xi32>, vector<16xi32>], vector<16xf32>,
      %get3A_443 = arith.constant 3 : i32
      %get3A_444 = arith.constant 0 : i32
      %get3A_445 = arith.constant 0 : i32
      %get3A_446 = tpu.memref_slice %arg5[%rem3A_34, %get3A_444, %get3A_445] : memref<2x8x128xi32, #tpu.memory_space<vmem>> -> memref<1x8x128xi32, #tpu.memory_space<vmem>>
      %get3A_447 = tpu.memref_squeeze %get3A_446 : memref<1x8x128xi32, #tpu.memory_space<vmem>> -> memref<8x128xi32, #tpu.memory_space<vmem>>
      %get3A_448 = arith.index_cast %get3A_443 : i32 to index
      %get3A_449 = arith.constant 64 : index
      %get3A_450 = tpu.vector_load %get3A_447[%get3A_448, %get3A_449] {strides = array<i32>} : memref<8x128xi32, #tpu.memory_space<vmem>>, vector<16xi32>,
      %shift_right_logical3A_451 = arith.constant 7 : i32
      %shift_right_logical3A_452 = vector.broadcast %shift_right_logical3A_451 : i32 to vector<16xi32>
      %shift_right_logical3A_453 = arith.shrui %get3A_450, %shift_right_logical3A_452 : vector<16xi32>
      %and3A_454 = arith.constant 127 : i32
      %and3A_455 = vector.broadcast %and3A_454 : i32 to vector<16xi32>
      %and3A_456 = arith.andi %get3A_450, %and3A_455 : vector<16xi32>
      tpu.vector_store_idx %arg7[%shift_right_logical3A_453, %and3A_456], %broadcast_in_dim3A_13 {add = true} : memref<80x128xf32, #tpu.memory_space<vmem>>[vector<16xi32>, vector<16xi32>], vector<16xf32>,
      %get3A_457 = arith.constant 3 : i32
      %get3A_458 = arith.constant 0 : i32
      %get3A_459 = arith.constant 0 : i32
      %get3A_460 = tpu.memref_slice %arg5[%rem3A_34, %get3A_458, %get3A_459] : memref<2x8x128xi32, #tpu.memory_space<vmem>> -> memref<1x8x128xi32, #tpu.memory_space<vmem>>
      %get3A_461 = tpu.memref_squeeze %get3A_460 : memref<1x8x128xi32, #tpu.memory_space<vmem>> -> memref<8x128xi32, #tpu.memory_space<vmem>>
      %get3A_462 = arith.index_cast %get3A_457 : i32 to index
      %get3A_463 = arith.constant 80 : index
      %get3A_464 = tpu.vector_load %get3A_461[%get3A_462, %get3A_463] {strides = array<i32>} : memref<8x128xi32, #tpu.memory_space<vmem>>, vector<16xi32>,
      %shift_right_logical3A_465 = arith.constant 7 : i32
      %shift_right_logical3A_466 = vector.broadcast %shift_right_logical3A_465 : i32 to vector<16xi32>
      %shift_right_logical3A_467 = arith.shrui %get3A_464, %shift_right_logical3A_466 : vector<16xi32>
      %and3A_468 = arith.constant 127 : i32
      %and3A_469 = vector.broadcast %and3A_468 : i32 to vector<16xi32>
      %and3A_470 = arith.andi %get3A_464, %and3A_469 : vector<16xi32>
      tpu.vector_store_idx %arg7[%shift_right_logical3A_467, %and3A_470], %broadcast_in_dim3A_13 {add = true} : memref<80x128xf32, #tpu.memory_space<vmem>>[vector<16xi32>, vector<16xi32>], vector<16xf32>,
      %get3A_471 = arith.constant 3 : i32
      %get3A_472 = arith.constant 0 : i32
      %get3A_473 = arith.constant 0 : i32
      %get3A_474 = tpu.memref_slice %arg5[%rem3A_34, %get3A_472, %get3A_473] : memref<2x8x128xi32, #tpu.memory_space<vmem>> -> memref<1x8x128xi32, #tpu.memory_space<vmem>>
      %get3A_475 = tpu.memref_squeeze %get3A_474 : memref<1x8x128xi32, #tpu.memory_space<vmem>> -> memref<8x128xi32, #tpu.memory_space<vmem>>
      %get3A_476 = arith.index_cast %get3A_471 : i32 to index
      %get3A_477 = arith.constant 96 : index
      %get3A_478 = tpu.vector_load %get3A_475[%get3A_476, %get3A_477] {strides = array<i32>} : memref<8x128xi32, #tpu.memory_space<vmem>>, vector<16xi32>,
      %shift_right_logical3A_479 = arith.constant 7 : i32
      %shift_right_logical3A_480 = vector.broadcast %shift_right_logical3A_479 : i32 to vector<16xi32>
      %shift_right_logical3A_481 = arith.shrui %get3A_478, %shift_right_logical3A_480 : vector<16xi32>
      %and3A_482 = arith.constant 127 : i32
      %and3A_483 = vector.broadcast %and3A_482 : i32 to vector<16xi32>
      %and3A_484 = arith.andi %get3A_478, %and3A_483 : vector<16xi32>
      tpu.vector_store_idx %arg7[%shift_right_logical3A_481, %and3A_484], %broadcast_in_dim3A_13 {add = true} : memref<80x128xf32, #tpu.memory_space<vmem>>[vector<16xi32>, vector<16xi32>], vector<16xf32>,
      %get3A_485 = arith.constant 3 : i32
      %get3A_486 = arith.constant 0 : i32
      %get3A_487 = arith.constant 0 : i32
      %get3A_488 = tpu.memref_slice %arg5[%rem3A_34, %get3A_486, %get3A_487] : memref<2x8x128xi32, #tpu.memory_space<vmem>> -> memref<1x8x128xi32, #tpu.memory_space<vmem>>
      %get3A_489 = tpu.memref_squeeze %get3A_488 : memref<1x8x128xi32, #tpu.memory_space<vmem>> -> memref<8x128xi32, #tpu.memory_space<vmem>>
      %get3A_490 = arith.index_cast %get3A_485 : i32 to index
      %get3A_491 = arith.constant 112 : index
      %get3A_492 = tpu.vector_load %get3A_489[%get3A_490, %get3A_491] {strides = array<i32>} : memref<8x128xi32, #tpu.memory_space<vmem>>, vector<16xi32>,
      %shift_right_logical3A_493 = arith.constant 7 : i32
      %shift_right_logical3A_494 = vector.broadcast %shift_right_logical3A_493 : i32 to vector<16xi32>
      %shift_right_logical3A_495 = arith.shrui %get3A_492, %shift_right_logical3A_494 : vector<16xi32>
      %and3A_496 = arith.constant 127 : i32
      %and3A_497 = vector.broadcast %and3A_496 : i32 to vector<16xi32>
      %and3A_498 = arith.andi %get3A_492, %and3A_497 : vector<16xi32>
      tpu.vector_store_idx %arg7[%shift_right_logical3A_495, %and3A_498], %broadcast_in_dim3A_13 {add = true} : memref<80x128xf32, #tpu.memory_space<vmem>>[vector<16xi32>, vector<16xi32>], vector<16xf32>,
      %get3A_499 = arith.constant 4 : i32
      %get3A_500 = arith.constant 0 : i32
      %get3A_501 = arith.constant 0 : i32
      %get3A_502 = tpu.memref_slice %arg5[%rem3A_34, %get3A_500, %get3A_501] : memref<2x8x128xi32, #tpu.memory_space<vmem>> -> memref<1x8x128xi32, #tpu.memory_space<vmem>>
      %get3A_503 = tpu.memref_squeeze %get3A_502 : memref<1x8x128xi32, #tpu.memory_space<vmem>> -> memref<8x128xi32, #tpu.memory_space<vmem>>
      %get3A_504 = arith.index_cast %get3A_499 : i32 to index
      %get3A_505 = arith.constant 0 : index
      %get3A_506 = tpu.vector_load %get3A_503[%get3A_504, %get3A_505] {strides = array<i32>} : memref<8x128xi32, #tpu.memory_space<vmem>>, vector<16xi32>,
      %shift_right_logical3A_507 = arith.constant 7 : i32
      %shift_right_logical3A_508 = vector.broadcast %shift_right_logical3A_507 : i32 to vector<16xi32>
      %shift_right_logical3A_509 = arith.shrui %get3A_506, %shift_right_logical3A_508 : vector<16xi32>
      %and3A_510 = arith.constant 127 : i32
      %and3A_511 = vector.broadcast %and3A_510 : i32 to vector<16xi32>
      %and3A_512 = arith.andi %get3A_506, %and3A_511 : vector<16xi32>
      tpu.vector_store_idx %arg7[%shift_right_logical3A_509, %and3A_512], %broadcast_in_dim3A_13 {add = true} : memref<80x128xf32, #tpu.memory_space<vmem>>[vector<16xi32>, vector<16xi32>], vector<16xf32>,
      %get3A_513 = arith.constant 4 : i32
      %get3A_514 = arith.constant 0 : i32
      %get3A_515 = arith.constant 0 : i32
      %get3A_516 = tpu.memref_slice %arg5[%rem3A_34, %get3A_514, %get3A_515] : memref<2x8x128xi32, #tpu.memory_space<vmem>> -> memref<1x8x128xi32, #tpu.memory_space<vmem>>
      %get3A_517 = tpu.memref_squeeze %get3A_516 : memref<1x8x128xi32, #tpu.memory_space<vmem>> -> memref<8x128xi32, #tpu.memory_space<vmem>>
      %get3A_518 = arith.index_cast %get3A_513 : i32 to index
      %get3A_519 = arith.constant 16 : index
      %get3A_520 = tpu.vector_load %get3A_517[%get3A_518, %get3A_519] {strides = array<i32>} : memref<8x128xi32, #tpu.memory_space<vmem>>, vector<16xi32>,
      %shift_right_logical3A_521 = arith.constant 7 : i32
      %shift_right_logical3A_522 = vector.broadcast %shift_right_logical3A_521 : i32 to vector<16xi32>
      %shift_right_logical3A_523 = arith.shrui %get3A_520, %shift_right_logical3A_522 : vector<16xi32>
      %and3A_524 = arith.constant 127 : i32
      %and3A_525 = vector.broadcast %and3A_524 : i32 to vector<16xi32>
      %and3A_526 = arith.andi %get3A_520, %and3A_525 : vector<16xi32>
      tpu.vector_store_idx %arg7[%shift_right_logical3A_523, %and3A_526], %broadcast_in_dim3A_13 {add = true} : memref<80x128xf32, #tpu.memory_space<vmem>>[vector<16xi32>, vector<16xi32>], vector<16xf32>,
      %get3A_527 = arith.constant 4 : i32
      %get3A_528 = arith.constant 0 : i32
      %get3A_529 = arith.constant 0 : i32
      %get3A_530 = tpu.memref_slice %arg5[%rem3A_34, %get3A_528, %get3A_529] : memref<2x8x128xi32, #tpu.memory_space<vmem>> -> memref<1x8x128xi32, #tpu.memory_space<vmem>>
      %get3A_531 = tpu.memref_squeeze %get3A_530 : memref<1x8x128xi32, #tpu.memory_space<vmem>> -> memref<8x128xi32, #tpu.memory_space<vmem>>
      %get3A_532 = arith.index_cast %get3A_527 : i32 to index
      %get3A_533 = arith.constant 32 : index
      %get3A_534 = tpu.vector_load %get3A_531[%get3A_532, %get3A_533] {strides = array<i32>} : memref<8x128xi32, #tpu.memory_space<vmem>>, vector<16xi32>,
      %shift_right_logical3A_535 = arith.constant 7 : i32
      %shift_right_logical3A_536 = vector.broadcast %shift_right_logical3A_535 : i32 to vector<16xi32>
      %shift_right_logical3A_537 = arith.shrui %get3A_534, %shift_right_logical3A_536 : vector<16xi32>
      %and3A_538 = arith.constant 127 : i32
      %and3A_539 = vector.broadcast %and3A_538 : i32 to vector<16xi32>
      %and3A_540 = arith.andi %get3A_534, %and3A_539 : vector<16xi32>
      tpu.vector_store_idx %arg7[%shift_right_logical3A_537, %and3A_540], %broadcast_in_dim3A_13 {add = true} : memref<80x128xf32, #tpu.memory_space<vmem>>[vector<16xi32>, vector<16xi32>], vector<16xf32>,
      %get3A_541 = arith.constant 4 : i32
      %get3A_542 = arith.constant 0 : i32
      %get3A_543 = arith.constant 0 : i32
      %get3A_544 = tpu.memref_slice %arg5[%rem3A_34, %get3A_542, %get3A_543] : memref<2x8x128xi32, #tpu.memory_space<vmem>> -> memref<1x8x128xi32, #tpu.memory_space<vmem>>
      %get3A_545 = tpu.memref_squeeze %get3A_544 : memref<1x8x128xi32, #tpu.memory_space<vmem>> -> memref<8x128xi32, #tpu.memory_space<vmem>>
      %get3A_546 = arith.index_cast %get3A_541 : i32 to index
      %get3A_547 = arith.constant 48 : index
      %get3A_548 = tpu.vector_load %get3A_545[%get3A_546, %get3A_547] {strides = array<i32>} : memref<8x128xi32, #tpu.memory_space<vmem>>, vector<16xi32>,
      %shift_right_logical3A_549 = arith.constant 7 : i32
      %shift_right_logical3A_550 = vector.broadcast %shift_right_logical3A_549 : i32 to vector<16xi32>
      %shift_right_logical3A_551 = arith.shrui %get3A_548, %shift_right_logical3A_550 : vector<16xi32>
      %and3A_552 = arith.constant 127 : i32
      %and3A_553 = vector.broadcast %and3A_552 : i32 to vector<16xi32>
      %and3A_554 = arith.andi %get3A_548, %and3A_553 : vector<16xi32>
      tpu.vector_store_idx %arg7[%shift_right_logical3A_551, %and3A_554], %broadcast_in_dim3A_13 {add = true} : memref<80x128xf32, #tpu.memory_space<vmem>>[vector<16xi32>, vector<16xi32>], vector<16xf32>,
      %get3A_555 = arith.constant 4 : i32
      %get3A_556 = arith.constant 0 : i32
      %get3A_557 = arith.constant 0 : i32
      %get3A_558 = tpu.memref_slice %arg5[%rem3A_34, %get3A_556, %get3A_557] : memref<2x8x128xi32, #tpu.memory_space<vmem>> -> memref<1x8x128xi32, #tpu.memory_space<vmem>>
      %get3A_559 = tpu.memref_squeeze %get3A_558 : memref<1x8x128xi32, #tpu.memory_space<vmem>> -> memref<8x128xi32, #tpu.memory_space<vmem>>
      %get3A_560 = arith.index_cast %get3A_555 : i32 to index
      %get3A_561 = arith.constant 64 : index
      %get3A_562 = tpu.vector_load %get3A_559[%get3A_560, %get3A_561] {strides = array<i32>} : memref<8x128xi32, #tpu.memory_space<vmem>>, vector<16xi32>,
      %shift_right_logical3A_563 = arith.constant 7 : i32
      %shift_right_logical3A_564 = vector.broadcast %shift_right_logical3A_563 : i32 to vector<16xi32>
      %shift_right_logical3A_565 = arith.shrui %get3A_562, %shift_right_logical3A_564 : vector<16xi32>
      %and3A_566 = arith.constant 127 : i32
      %and3A_567 = vector.broadcast %and3A_566 : i32 to vector<16xi32>
      %and3A_568 = arith.andi %get3A_562, %and3A_567 : vector<16xi32>
      tpu.vector_store_idx %arg7[%shift_right_logical3A_565, %and3A_568], %broadcast_in_dim3A_13 {add = true} : memref<80x128xf32, #tpu.memory_space<vmem>>[vector<16xi32>, vector<16xi32>], vector<16xf32>,
      %get3A_569 = arith.constant 4 : i32
      %get3A_570 = arith.constant 0 : i32
      %get3A_571 = arith.constant 0 : i32
      %get3A_572 = tpu.memref_slice %arg5[%rem3A_34, %get3A_570, %get3A_571] : memref<2x8x128xi32, #tpu.memory_space<vmem>> -> memref<1x8x128xi32, #tpu.memory_space<vmem>>
      %get3A_573 = tpu.memref_squeeze %get3A_572 : memref<1x8x128xi32, #tpu.memory_space<vmem>> -> memref<8x128xi32, #tpu.memory_space<vmem>>
      %get3A_574 = arith.index_cast %get3A_569 : i32 to index
      %get3A_575 = arith.constant 80 : index
      %get3A_576 = tpu.vector_load %get3A_573[%get3A_574, %get3A_575] {strides = array<i32>} : memref<8x128xi32, #tpu.memory_space<vmem>>, vector<16xi32>,
      %shift_right_logical3A_577 = arith.constant 7 : i32
      %shift_right_logical3A_578 = vector.broadcast %shift_right_logical3A_577 : i32 to vector<16xi32>
      %shift_right_logical3A_579 = arith.shrui %get3A_576, %shift_right_logical3A_578 : vector<16xi32>
      %and3A_580 = arith.constant 127 : i32
      %and3A_581 = vector.broadcast %and3A_580 : i32 to vector<16xi32>
      %and3A_582 = arith.andi %get3A_576, %and3A_581 : vector<16xi32>
      tpu.vector_store_idx %arg7[%shift_right_logical3A_579, %and3A_582], %broadcast_in_dim3A_13 {add = true} : memref<80x128xf32, #tpu.memory_space<vmem>>[vector<16xi32>, vector<16xi32>], vector<16xf32>,
      %get3A_583 = arith.constant 4 : i32
      %get3A_584 = arith.constant 0 : i32
      %get3A_585 = arith.constant 0 : i32
      %get3A_586 = tpu.memref_slice %arg5[%rem3A_34, %get3A_584, %get3A_585] : memref<2x8x128xi32, #tpu.memory_space<vmem>> -> memref<1x8x128xi32, #tpu.memory_space<vmem>>
      %get3A_587 = tpu.memref_squeeze %get3A_586 : memref<1x8x128xi32, #tpu.memory_space<vmem>> -> memref<8x128xi32, #tpu.memory_space<vmem>>
      %get3A_588 = arith.index_cast %get3A_583 : i32 to index
      %get3A_589 = arith.constant 96 : index
      %get3A_590 = tpu.vector_load %get3A_587[%get3A_588, %get3A_589] {strides = array<i32>} : memref<8x128xi32, #tpu.memory_space<vmem>>, vector<16xi32>,
      %shift_right_logical3A_591 = arith.constant 7 : i32
      %shift_right_logical3A_592 = vector.broadcast %shift_right_logical3A_591 : i32 to vector<16xi32>
      %shift_right_logical3A_593 = arith.shrui %get3A_590, %shift_right_logical3A_592 : vector<16xi32>
      %and3A_594 = arith.constant 127 : i32
      %and3A_595 = vector.broadcast %and3A_594 : i32 to vector<16xi32>
      %and3A_596 = arith.andi %get3A_590, %and3A_595 : vector<16xi32>
      tpu.vector_store_idx %arg7[%shift_right_logical3A_593, %and3A_596], %broadcast_in_dim3A_13 {add = true} : memref<80x128xf32, #tpu.memory_space<vmem>>[vector<16xi32>, vector<16xi32>], vector<16xf32>,
      %get3A_597 = arith.constant 4 : i32
      %get3A_598 = arith.constant 0 : i32
      %get3A_599 = arith.constant 0 : i32
      %get3A_600 = tpu.memref_slice %arg5[%rem3A_34, %get3A_598, %get3A_599] : memref<2x8x128xi32, #tpu.memory_space<vmem>> -> memref<1x8x128xi32, #tpu.memory_space<vmem>>
      %get3A_601 = tpu.memref_squeeze %get3A_600 : memref<1x8x128xi32, #tpu.memory_space<vmem>> -> memref<8x128xi32, #tpu.memory_space<vmem>>
      %get3A_602 = arith.index_cast %get3A_597 : i32 to index
      %get3A_603 = arith.constant 112 : index
      %get3A_604 = tpu.vector_load %get3A_601[%get3A_602, %get3A_603] {strides = array<i32>} : memref<8x128xi32, #tpu.memory_space<vmem>>, vector<16xi32>,
      %shift_right_logical3A_605 = arith.constant 7 : i32
      %shift_right_logical3A_606 = vector.broadcast %shift_right_logical3A_605 : i32 to vector<16xi32>
      %shift_right_logical3A_607 = arith.shrui %get3A_604, %shift_right_logical3A_606 : vector<16xi32>
      %and3A_608 = arith.constant 127 : i32
      %and3A_609 = vector.broadcast %and3A_608 : i32 to vector<16xi32>
      %and3A_610 = arith.andi %get3A_604, %and3A_609 : vector<16xi32>
      tpu.vector_store_idx %arg7[%shift_right_logical3A_607, %and3A_610], %broadcast_in_dim3A_13 {add = true} : memref<80x128xf32, #tpu.memory_space<vmem>>[vector<16xi32>, vector<16xi32>], vector<16xf32>,
      %get3A_611 = arith.constant 5 : i32
      %get3A_612 = arith.constant 0 : i32
      %get3A_613 = arith.constant 0 : i32
      %get3A_614 = tpu.memref_slice %arg5[%rem3A_34, %get3A_612, %get3A_613] : memref<2x8x128xi32, #tpu.memory_space<vmem>> -> memref<1x8x128xi32, #tpu.memory_space<vmem>>
      %get3A_615 = tpu.memref_squeeze %get3A_614 : memref<1x8x128xi32, #tpu.memory_space<vmem>> -> memref<8x128xi32, #tpu.memory_space<vmem>>
      %get3A_616 = arith.index_cast %get3A_611 : i32 to index
      %get3A_617 = arith.constant 0 : index
      %get3A_618 = tpu.vector_load %get3A_615[%get3A_616, %get3A_617] {strides = array<i32>} : memref<8x128xi32, #tpu.memory_space<vmem>>, vector<16xi32>,
      %shift_right_logical3A_619 = arith.constant 7 : i32
      %shift_right_logical3A_620 = vector.broadcast %shift_right_logical3A_619 : i32 to vector<16xi32>
      %shift_right_logical3A_621 = arith.shrui %get3A_618, %shift_right_logical3A_620 : vector<16xi32>
      %and3A_622 = arith.constant 127 : i32
      %and3A_623 = vector.broadcast %and3A_622 : i32 to vector<16xi32>
      %and3A_624 = arith.andi %get3A_618, %and3A_623 : vector<16xi32>
      tpu.vector_store_idx %arg7[%shift_right_logical3A_621, %and3A_624], %broadcast_in_dim3A_13 {add = true} : memref<80x128xf32, #tpu.memory_space<vmem>>[vector<16xi32>, vector<16xi32>], vector<16xf32>,
      %get3A_625 = arith.constant 5 : i32
      %get3A_626 = arith.constant 0 : i32
      %get3A_627 = arith.constant 0 : i32
      %get3A_628 = tpu.memref_slice %arg5[%rem3A_34, %get3A_626, %get3A_627] : memref<2x8x128xi32, #tpu.memory_space<vmem>> -> memref<1x8x128xi32, #tpu.memory_space<vmem>>
      %get3A_629 = tpu.memref_squeeze %get3A_628 : memref<1x8x128xi32, #tpu.memory_space<vmem>> -> memref<8x128xi32, #tpu.memory_space<vmem>>
      %get3A_630 = arith.index_cast %get3A_625 : i32 to index
      %get3A_631 = arith.constant 16 : index
      %get3A_632 = tpu.vector_load %get3A_629[%get3A_630, %get3A_631] {strides = array<i32>} : memref<8x128xi32, #tpu.memory_space<vmem>>, vector<16xi32>,
      %shift_right_logical3A_633 = arith.constant 7 : i32
      %shift_right_logical3A_634 = vector.broadcast %shift_right_logical3A_633 : i32 to vector<16xi32>
      %shift_right_logical3A_635 = arith.shrui %get3A_632, %shift_right_logical3A_634 : vector<16xi32>
      %and3A_636 = arith.constant 127 : i32
      %and3A_637 = vector.broadcast %and3A_636 : i32 to vector<16xi32>
      %and3A_638 = arith.andi %get3A_632, %and3A_637 : vector<16xi32>
      tpu.vector_store_idx %arg7[%shift_right_logical3A_635, %and3A_638], %broadcast_in_dim3A_13 {add = true} : memref<80x128xf32, #tpu.memory_space<vmem>>[vector<16xi32>, vector<16xi32>], vector<16xf32>,
      %get3A_639 = arith.constant 5 : i32
      %get3A_640 = arith.constant 0 : i32
      %get3A_641 = arith.constant 0 : i32
      %get3A_642 = tpu.memref_slice %arg5[%rem3A_34, %get3A_640, %get3A_641] : memref<2x8x128xi32, #tpu.memory_space<vmem>> -> memref<1x8x128xi32, #tpu.memory_space<vmem>>
      %get3A_643 = tpu.memref_squeeze %get3A_642 : memref<1x8x128xi32, #tpu.memory_space<vmem>> -> memref<8x128xi32, #tpu.memory_space<vmem>>
      %get3A_644 = arith.index_cast %get3A_639 : i32 to index
      %get3A_645 = arith.constant 32 : index
      %get3A_646 = tpu.vector_load %get3A_643[%get3A_644, %get3A_645] {strides = array<i32>} : memref<8x128xi32, #tpu.memory_space<vmem>>, vector<16xi32>,
      %shift_right_logical3A_647 = arith.constant 7 : i32
      %shift_right_logical3A_648 = vector.broadcast %shift_right_logical3A_647 : i32 to vector<16xi32>
      %shift_right_logical3A_649 = arith.shrui %get3A_646, %shift_right_logical3A_648 : vector<16xi32>
      %and3A_650 = arith.constant 127 : i32
      %and3A_651 = vector.broadcast %and3A_650 : i32 to vector<16xi32>
      %and3A_652 = arith.andi %get3A_646, %and3A_651 : vector<16xi32>
      tpu.vector_store_idx %arg7[%shift_right_logical3A_649, %and3A_652], %broadcast_in_dim3A_13 {add = true} : memref<80x128xf32, #tpu.memory_space<vmem>>[vector<16xi32>, vector<16xi32>], vector<16xf32>,
      %get3A_653 = arith.constant 5 : i32
      %get3A_654 = arith.constant 0 : i32
      %get3A_655 = arith.constant 0 : i32
      %get3A_656 = tpu.memref_slice %arg5[%rem3A_34, %get3A_654, %get3A_655] : memref<2x8x128xi32, #tpu.memory_space<vmem>> -> memref<1x8x128xi32, #tpu.memory_space<vmem>>
      %get3A_657 = tpu.memref_squeeze %get3A_656 : memref<1x8x128xi32, #tpu.memory_space<vmem>> -> memref<8x128xi32, #tpu.memory_space<vmem>>
      %get3A_658 = arith.index_cast %get3A_653 : i32 to index
      %get3A_659 = arith.constant 48 : index
      %get3A_660 = tpu.vector_load %get3A_657[%get3A_658, %get3A_659] {strides = array<i32>} : memref<8x128xi32, #tpu.memory_space<vmem>>, vector<16xi32>,
      %shift_right_logical3A_661 = arith.constant 7 : i32
      %shift_right_logical3A_662 = vector.broadcast %shift_right_logical3A_661 : i32 to vector<16xi32>
      %shift_right_logical3A_663 = arith.shrui %get3A_660, %shift_right_logical3A_662 : vector<16xi32>
      %and3A_664 = arith.constant 127 : i32
      %and3A_665 = vector.broadcast %and3A_664 : i32 to vector<16xi32>
      %and3A_666 = arith.andi %get3A_660, %and3A_665 : vector<16xi32>
      tpu.vector_store_idx %arg7[%shift_right_logical3A_663, %and3A_666], %broadcast_in_dim3A_13 {add = true} : memref<80x128xf32, #tpu.memory_space<vmem>>[vector<16xi32>, vector<16xi32>], vector<16xf32>,
      %get3A_667 = arith.constant 5 : i32
      %get3A_668 = arith.constant 0 : i32
      %get3A_669 = arith.constant 0 : i32
      %get3A_670 = tpu.memref_slice %arg5[%rem3A_34, %get3A_668, %get3A_669] : memref<2x8x128xi32, #tpu.memory_space<vmem>> -> memref<1x8x128xi32, #tpu.memory_space<vmem>>
      %get3A_671 = tpu.memref_squeeze %get3A_670 : memref<1x8x128xi32, #tpu.memory_space<vmem>> -> memref<8x128xi32, #tpu.memory_space<vmem>>
      %get3A_672 = arith.index_cast %get3A_667 : i32 to index
      %get3A_673 = arith.constant 64 : index
      %get3A_674 = tpu.vector_load %get3A_671[%get3A_672, %get3A_673] {strides = array<i32>} : memref<8x128xi32, #tpu.memory_space<vmem>>, vector<16xi32>,
      %shift_right_logical3A_675 = arith.constant 7 : i32
      %shift_right_logical3A_676 = vector.broadcast %shift_right_logical3A_675 : i32 to vector<16xi32>
      %shift_right_logical3A_677 = arith.shrui %get3A_674, %shift_right_logical3A_676 : vector<16xi32>
      %and3A_678 = arith.constant 127 : i32
      %and3A_679 = vector.broadcast %and3A_678 : i32 to vector<16xi32>
      %and3A_680 = arith.andi %get3A_674, %and3A_679 : vector<16xi32>
      tpu.vector_store_idx %arg7[%shift_right_logical3A_677, %and3A_680], %broadcast_in_dim3A_13 {add = true} : memref<80x128xf32, #tpu.memory_space<vmem>>[vector<16xi32>, vector<16xi32>], vector<16xf32>,
      %get3A_681 = arith.constant 5 : i32
      %get3A_682 = arith.constant 0 : i32
      %get3A_683 = arith.constant 0 : i32
      %get3A_684 = tpu.memref_slice %arg5[%rem3A_34, %get3A_682, %get3A_683] : memref<2x8x128xi32, #tpu.memory_space<vmem>> -> memref<1x8x128xi32, #tpu.memory_space<vmem>>
      %get3A_685 = tpu.memref_squeeze %get3A_684 : memref<1x8x128xi32, #tpu.memory_space<vmem>> -> memref<8x128xi32, #tpu.memory_space<vmem>>
      %get3A_686 = arith.index_cast %get3A_681 : i32 to index
      %get3A_687 = arith.constant 80 : index
      %get3A_688 = tpu.vector_load %get3A_685[%get3A_686, %get3A_687] {strides = array<i32>} : memref<8x128xi32, #tpu.memory_space<vmem>>, vector<16xi32>,
      %shift_right_logical3A_689 = arith.constant 7 : i32
      %shift_right_logical3A_690 = vector.broadcast %shift_right_logical3A_689 : i32 to vector<16xi32>
      %shift_right_logical3A_691 = arith.shrui %get3A_688, %shift_right_logical3A_690 : vector<16xi32>
      %and3A_692 = arith.constant 127 : i32
      %and3A_693 = vector.broadcast %and3A_692 : i32 to vector<16xi32>
      %and3A_694 = arith.andi %get3A_688, %and3A_693 : vector<16xi32>
      tpu.vector_store_idx %arg7[%shift_right_logical3A_691, %and3A_694], %broadcast_in_dim3A_13 {add = true} : memref<80x128xf32, #tpu.memory_space<vmem>>[vector<16xi32>, vector<16xi32>], vector<16xf32>,
      %get3A_695 = arith.constant 5 : i32
      %get3A_696 = arith.constant 0 : i32
      %get3A_697 = arith.constant 0 : i32
      %get3A_698 = tpu.memref_slice %arg5[%rem3A_34, %get3A_696, %get3A_697] : memref<2x8x128xi32, #tpu.memory_space<vmem>> -> memref<1x8x128xi32, #tpu.memory_space<vmem>>
      %get3A_699 = tpu.memref_squeeze %get3A_698 : memref<1x8x128xi32, #tpu.memory_space<vmem>> -> memref<8x128xi32, #tpu.memory_space<vmem>>
      %get3A_700 = arith.index_cast %get3A_695 : i32 to index
      %get3A_701 = arith.constant 96 : index
      %get3A_702 = tpu.vector_load %get3A_699[%get3A_700, %get3A_701] {strides = array<i32>} : memref<8x128xi32, #tpu.memory_space<vmem>>, vector<16xi32>,
      %shift_right_logical3A_703 = arith.constant 7 : i32
      %shift_right_logical3A_704 = vector.broadcast %shift_right_logical3A_703 : i32 to vector<16xi32>
      %shift_right_logical3A_705 = arith.shrui %get3A_702, %shift_right_logical3A_704 : vector<16xi32>
      %and3A_706 = arith.constant 127 : i32
      %and3A_707 = vector.broadcast %and3A_706 : i32 to vector<16xi32>
      %and3A_708 = arith.andi %get3A_702, %and3A_707 : vector<16xi32>
      tpu.vector_store_idx %arg7[%shift_right_logical3A_705, %and3A_708], %broadcast_in_dim3A_13 {add = true} : memref<80x128xf32, #tpu.memory_space<vmem>>[vector<16xi32>, vector<16xi32>], vector<16xf32>,
      %get3A_709 = arith.constant 5 : i32
      %get3A_710 = arith.constant 0 : i32
      %get3A_711 = arith.constant 0 : i32
      %get3A_712 = tpu.memref_slice %arg5[%rem3A_34, %get3A_710, %get3A_711] : memref<2x8x128xi32, #tpu.memory_space<vmem>> -> memref<1x8x128xi32, #tpu.memory_space<vmem>>
      %get3A_713 = tpu.memref_squeeze %get3A_712 : memref<1x8x128xi32, #tpu.memory_space<vmem>> -> memref<8x128xi32, #tpu.memory_space<vmem>>
      %get3A_714 = arith.index_cast %get3A_709 : i32 to index
      %get3A_715 = arith.constant 112 : index
      %get3A_716 = tpu.vector_load %get3A_713[%get3A_714, %get3A_715] {strides = array<i32>} : memref<8x128xi32, #tpu.memory_space<vmem>>, vector<16xi32>,
      %shift_right_logical3A_717 = arith.constant 7 : i32
      %shift_right_logical3A_718 = vector.broadcast %shift_right_logical3A_717 : i32 to vector<16xi32>
      %shift_right_logical3A_719 = arith.shrui %get3A_716, %shift_right_logical3A_718 : vector<16xi32>
      %and3A_720 = arith.constant 127 : i32
      %and3A_721 = vector.broadcast %and3A_720 : i32 to vector<16xi32>
      %and3A_722 = arith.andi %get3A_716, %and3A_721 : vector<16xi32>
      tpu.vector_store_idx %arg7[%shift_right_logical3A_719, %and3A_722], %broadcast_in_dim3A_13 {add = true} : memref<80x128xf32, #tpu.memory_space<vmem>>[vector<16xi32>, vector<16xi32>], vector<16xf32>,
      %get3A_723 = arith.constant 6 : i32
      %get3A_724 = arith.constant 0 : i32
      %get3A_725 = arith.constant 0 : i32
      %get3A_726 = tpu.memref_slice %arg5[%rem3A_34, %get3A_724, %get3A_725] : memref<2x8x128xi32, #tpu.memory_space<vmem>> -> memref<1x8x128xi32, #tpu.memory_space<vmem>>
      %get3A_727 = tpu.memref_squeeze %get3A_726 : memref<1x8x128xi32, #tpu.memory_space<vmem>> -> memref<8x128xi32, #tpu.memory_space<vmem>>
      %get3A_728 = arith.index_cast %get3A_723 : i32 to index
      %get3A_729 = arith.constant 0 : index
      %get3A_730 = tpu.vector_load %get3A_727[%get3A_728, %get3A_729] {strides = array<i32>} : memref<8x128xi32, #tpu.memory_space<vmem>>, vector<16xi32>,
      %shift_right_logical3A_731 = arith.constant 7 : i32
      %shift_right_logical3A_732 = vector.broadcast %shift_right_logical3A_731 : i32 to vector<16xi32>
      %shift_right_logical3A_733 = arith.shrui %get3A_730, %shift_right_logical3A_732 : vector<16xi32>
      %and3A_734 = arith.constant 127 : i32
      %and3A_735 = vector.broadcast %and3A_734 : i32 to vector<16xi32>
      %and3A_736 = arith.andi %get3A_730, %and3A_735 : vector<16xi32>
      tpu.vector_store_idx %arg7[%shift_right_logical3A_733, %and3A_736], %broadcast_in_dim3A_13 {add = true} : memref<80x128xf32, #tpu.memory_space<vmem>>[vector<16xi32>, vector<16xi32>], vector<16xf32>,
      %get3A_737 = arith.constant 6 : i32
      %get3A_738 = arith.constant 0 : i32
      %get3A_739 = arith.constant 0 : i32
      %get3A_740 = tpu.memref_slice %arg5[%rem3A_34, %get3A_738, %get3A_739] : memref<2x8x128xi32, #tpu.memory_space<vmem>> -> memref<1x8x128xi32, #tpu.memory_space<vmem>>
      %get3A_741 = tpu.memref_squeeze %get3A_740 : memref<1x8x128xi32, #tpu.memory_space<vmem>> -> memref<8x128xi32, #tpu.memory_space<vmem>>
      %get3A_742 = arith.index_cast %get3A_737 : i32 to index
      %get3A_743 = arith.constant 16 : index
      %get3A_744 = tpu.vector_load %get3A_741[%get3A_742, %get3A_743] {strides = array<i32>} : memref<8x128xi32, #tpu.memory_space<vmem>>, vector<16xi32>,
      %shift_right_logical3A_745 = arith.constant 7 : i32
      %shift_right_logical3A_746 = vector.broadcast %shift_right_logical3A_745 : i32 to vector<16xi32>
      %shift_right_logical3A_747 = arith.shrui %get3A_744, %shift_right_logical3A_746 : vector<16xi32>
      %and3A_748 = arith.constant 127 : i32
      %and3A_749 = vector.broadcast %and3A_748 : i32 to vector<16xi32>
      %and3A_750 = arith.andi %get3A_744, %and3A_749 : vector<16xi32>
      tpu.vector_store_idx %arg7[%shift_right_logical3A_747, %and3A_750], %broadcast_in_dim3A_13 {add = true} : memref<80x128xf32, #tpu.memory_space<vmem>>[vector<16xi32>, vector<16xi32>], vector<16xf32>,
      %get3A_751 = arith.constant 6 : i32
      %get3A_752 = arith.constant 0 : i32
      %get3A_753 = arith.constant 0 : i32
      %get3A_754 = tpu.memref_slice %arg5[%rem3A_34, %get3A_752, %get3A_753] : memref<2x8x128xi32, #tpu.memory_space<vmem>> -> memref<1x8x128xi32, #tpu.memory_space<vmem>>
      %get3A_755 = tpu.memref_squeeze %get3A_754 : memref<1x8x128xi32, #tpu.memory_space<vmem>> -> memref<8x128xi32, #tpu.memory_space<vmem>>
      %get3A_756 = arith.index_cast %get3A_751 : i32 to index
      %get3A_757 = arith.constant 32 : index
      %get3A_758 = tpu.vector_load %get3A_755[%get3A_756, %get3A_757] {strides = array<i32>} : memref<8x128xi32, #tpu.memory_space<vmem>>, vector<16xi32>,
      %shift_right_logical3A_759 = arith.constant 7 : i32
      %shift_right_logical3A_760 = vector.broadcast %shift_right_logical3A_759 : i32 to vector<16xi32>
      %shift_right_logical3A_761 = arith.shrui %get3A_758, %shift_right_logical3A_760 : vector<16xi32>
      %and3A_762 = arith.constant 127 : i32
      %and3A_763 = vector.broadcast %and3A_762 : i32 to vector<16xi32>
      %and3A_764 = arith.andi %get3A_758, %and3A_763 : vector<16xi32>
      tpu.vector_store_idx %arg7[%shift_right_logical3A_761, %and3A_764], %broadcast_in_dim3A_13 {add = true} : memref<80x128xf32, #tpu.memory_space<vmem>>[vector<16xi32>, vector<16xi32>], vector<16xf32>,
      %get3A_765 = arith.constant 6 : i32
      %get3A_766 = arith.constant 0 : i32
      %get3A_767 = arith.constant 0 : i32
      %get3A_768 = tpu.memref_slice %arg5[%rem3A_34, %get3A_766, %get3A_767] : memref<2x8x128xi32, #tpu.memory_space<vmem>> -> memref<1x8x128xi32, #tpu.memory_space<vmem>>
      %get3A_769 = tpu.memref_squeeze %get3A_768 : memref<1x8x128xi32, #tpu.memory_space<vmem>> -> memref<8x128xi32, #tpu.memory_space<vmem>>
      %get3A_770 = arith.index_cast %get3A_765 : i32 to index
      %get3A_771 = arith.constant 48 : index
      %get3A_772 = tpu.vector_load %get3A_769[%get3A_770, %get3A_771] {strides = array<i32>} : memref<8x128xi32, #tpu.memory_space<vmem>>, vector<16xi32>,
      %shift_right_logical3A_773 = arith.constant 7 : i32
      %shift_right_logical3A_774 = vector.broadcast %shift_right_logical3A_773 : i32 to vector<16xi32>
      %shift_right_logical3A_775 = arith.shrui %get3A_772, %shift_right_logical3A_774 : vector<16xi32>
      %and3A_776 = arith.constant 127 : i32
      %and3A_777 = vector.broadcast %and3A_776 : i32 to vector<16xi32>
      %and3A_778 = arith.andi %get3A_772, %and3A_777 : vector<16xi32>
      tpu.vector_store_idx %arg7[%shift_right_logical3A_775, %and3A_778], %broadcast_in_dim3A_13 {add = true} : memref<80x128xf32, #tpu.memory_space<vmem>>[vector<16xi32>, vector<16xi32>], vector<16xf32>,
      %get3A_779 = arith.constant 6 : i32
      %get3A_780 = arith.constant 0 : i32
      %get3A_781 = arith.constant 0 : i32
      %get3A_782 = tpu.memref_slice %arg5[%rem3A_34, %get3A_780, %get3A_781] : memref<2x8x128xi32, #tpu.memory_space<vmem>> -> memref<1x8x128xi32, #tpu.memory_space<vmem>>
      %get3A_783 = tpu.memref_squeeze %get3A_782 : memref<1x8x128xi32, #tpu.memory_space<vmem>> -> memref<8x128xi32, #tpu.memory_space<vmem>>
      %get3A_784 = arith.index_cast %get3A_779 : i32 to index
      %get3A_785 = arith.constant 64 : index
      %get3A_786 = tpu.vector_load %get3A_783[%get3A_784, %get3A_785] {strides = array<i32>} : memref<8x128xi32, #tpu.memory_space<vmem>>, vector<16xi32>,
      %shift_right_logical3A_787 = arith.constant 7 : i32
      %shift_right_logical3A_788 = vector.broadcast %shift_right_logical3A_787 : i32 to vector<16xi32>
      %shift_right_logical3A_789 = arith.shrui %get3A_786, %shift_right_logical3A_788 : vector<16xi32>
      %and3A_790 = arith.constant 127 : i32
      %and3A_791 = vector.broadcast %and3A_790 : i32 to vector<16xi32>
      %and3A_792 = arith.andi %get3A_786, %and3A_791 : vector<16xi32>
      tpu.vector_store_idx %arg7[%shift_right_logical3A_789, %and3A_792], %broadcast_in_dim3A_13 {add = true} : memref<80x128xf32, #tpu.memory_space<vmem>>[vector<16xi32>, vector<16xi32>], vector<16xf32>,
      %get3A_793 = arith.constant 6 : i32
      %get3A_794 = arith.constant 0 : i32
      %get3A_795 = arith.constant 0 : i32
      %get3A_796 = tpu.memref_slice %arg5[%rem3A_34, %get3A_794, %get3A_795] : memref<2x8x128xi32, #tpu.memory_space<vmem>> -> memref<1x8x128xi32, #tpu.memory_space<vmem>>
      %get3A_797 = tpu.memref_squeeze %get3A_796 : memref<1x8x128xi32, #tpu.memory_space<vmem>> -> memref<8x128xi32, #tpu.memory_space<vmem>>
      %get3A_798 = arith.index_cast %get3A_793 : i32 to index
      %get3A_799 = arith.constant 80 : index
      %get3A_800 = tpu.vector_load %get3A_797[%get3A_798, %get3A_799] {strides = array<i32>} : memref<8x128xi32, #tpu.memory_space<vmem>>, vector<16xi32>,
      %shift_right_logical3A_801 = arith.constant 7 : i32
      %shift_right_logical3A_802 = vector.broadcast %shift_right_logical3A_801 : i32 to vector<16xi32>
      %shift_right_logical3A_803 = arith.shrui %get3A_800, %shift_right_logical3A_802 : vector<16xi32>
      %and3A_804 = arith.constant 127 : i32
      %and3A_805 = vector.broadcast %and3A_804 : i32 to vector<16xi32>
      %and3A_806 = arith.andi %get3A_800, %and3A_805 : vector<16xi32>
      tpu.vector_store_idx %arg7[%shift_right_logical3A_803, %and3A_806], %broadcast_in_dim3A_13 {add = true} : memref<80x128xf32, #tpu.memory_space<vmem>>[vector<16xi32>, vector<16xi32>], vector<16xf32>,
      %get3A_807 = arith.constant 6 : i32
      %get3A_808 = arith.constant 0 : i32
      %get3A_809 = arith.constant 0 : i32
      %get3A_810 = tpu.memref_slice %arg5[%rem3A_34, %get3A_808, %get3A_809] : memref<2x8x128xi32, #tpu.memory_space<vmem>> -> memref<1x8x128xi32, #tpu.memory_space<vmem>>
      %get3A_811 = tpu.memref_squeeze %get3A_810 : memref<1x8x128xi32, #tpu.memory_space<vmem>> -> memref<8x128xi32, #tpu.memory_space<vmem>>
      %get3A_812 = arith.index_cast %get3A_807 : i32 to index
      %get3A_813 = arith.constant 96 : index
      %get3A_814 = tpu.vector_load %get3A_811[%get3A_812, %get3A_813] {strides = array<i32>} : memref<8x128xi32, #tpu.memory_space<vmem>>, vector<16xi32>,
      %shift_right_logical3A_815 = arith.constant 7 : i32
      %shift_right_logical3A_816 = vector.broadcast %shift_right_logical3A_815 : i32 to vector<16xi32>
      %shift_right_logical3A_817 = arith.shrui %get3A_814, %shift_right_logical3A_816 : vector<16xi32>
      %and3A_818 = arith.constant 127 : i32
      %and3A_819 = vector.broadcast %and3A_818 : i32 to vector<16xi32>
      %and3A_820 = arith.andi %get3A_814, %and3A_819 : vector<16xi32>
      tpu.vector_store_idx %arg7[%shift_right_logical3A_817, %and3A_820], %broadcast_in_dim3A_13 {add = true} : memref<80x128xf32, #tpu.memory_space<vmem>>[vector<16xi32>, vector<16xi32>], vector<16xf32>,
      %get3A_821 = arith.constant 6 : i32
      %get3A_822 = arith.constant 0 : i32
      %get3A_823 = arith.constant 0 : i32
      %get3A_824 = tpu.memref_slice %arg5[%rem3A_34, %get3A_822, %get3A_823] : memref<2x8x128xi32, #tpu.memory_space<vmem>> -> memref<1x8x128xi32, #tpu.memory_space<vmem>>
      %get3A_825 = tpu.memref_squeeze %get3A_824 : memref<1x8x128xi32, #tpu.memory_space<vmem>> -> memref<8x128xi32, #tpu.memory_space<vmem>>
      %get3A_826 = arith.index_cast %get3A_821 : i32 to index
      %get3A_827 = arith.constant 112 : index
      %get3A_828 = tpu.vector_load %get3A_825[%get3A_826, %get3A_827] {strides = array<i32>} : memref<8x128xi32, #tpu.memory_space<vmem>>, vector<16xi32>,
      %shift_right_logical3A_829 = arith.constant 7 : i32
      %shift_right_logical3A_830 = vector.broadcast %shift_right_logical3A_829 : i32 to vector<16xi32>
      %shift_right_logical3A_831 = arith.shrui %get3A_828, %shift_right_logical3A_830 : vector<16xi32>
      %and3A_832 = arith.constant 127 : i32
      %and3A_833 = vector.broadcast %and3A_832 : i32 to vector<16xi32>
      %and3A_834 = arith.andi %get3A_828, %and3A_833 : vector<16xi32>
      tpu.vector_store_idx %arg7[%shift_right_logical3A_831, %and3A_834], %broadcast_in_dim3A_13 {add = true} : memref<80x128xf32, #tpu.memory_space<vmem>>[vector<16xi32>, vector<16xi32>], vector<16xf32>,
      %get3A_835 = arith.constant 7 : i32
      %get3A_836 = arith.constant 0 : i32
      %get3A_837 = arith.constant 0 : i32
      %get3A_838 = tpu.memref_slice %arg5[%rem3A_34, %get3A_836, %get3A_837] : memref<2x8x128xi32, #tpu.memory_space<vmem>> -> memref<1x8x128xi32, #tpu.memory_space<vmem>>
      %get3A_839 = tpu.memref_squeeze %get3A_838 : memref<1x8x128xi32, #tpu.memory_space<vmem>> -> memref<8x128xi32, #tpu.memory_space<vmem>>
      %get3A_840 = arith.index_cast %get3A_835 : i32 to index
      %get3A_841 = arith.constant 0 : index
      %get3A_842 = tpu.vector_load %get3A_839[%get3A_840, %get3A_841] {strides = array<i32>} : memref<8x128xi32, #tpu.memory_space<vmem>>, vector<16xi32>,
      %shift_right_logical3A_843 = arith.constant 7 : i32
      %shift_right_logical3A_844 = vector.broadcast %shift_right_logical3A_843 : i32 to vector<16xi32>
      %shift_right_logical3A_845 = arith.shrui %get3A_842, %shift_right_logical3A_844 : vector<16xi32>
      %and3A_846 = arith.constant 127 : i32
      %and3A_847 = vector.broadcast %and3A_846 : i32 to vector<16xi32>
      %and3A_848 = arith.andi %get3A_842, %and3A_847 : vector<16xi32>
      tpu.vector_store_idx %arg7[%shift_right_logical3A_845, %and3A_848], %broadcast_in_dim3A_13 {add = true} : memref<80x128xf32, #tpu.memory_space<vmem>>[vector<16xi32>, vector<16xi32>], vector<16xf32>,
      %get3A_849 = arith.constant 7 : i32
      %get3A_850 = arith.constant 0 : i32
      %get3A_851 = arith.constant 0 : i32
      %get3A_852 = tpu.memref_slice %arg5[%rem3A_34, %get3A_850, %get3A_851] : memref<2x8x128xi32, #tpu.memory_space<vmem>> -> memref<1x8x128xi32, #tpu.memory_space<vmem>>
      %get3A_853 = tpu.memref_squeeze %get3A_852 : memref<1x8x128xi32, #tpu.memory_space<vmem>> -> memref<8x128xi32, #tpu.memory_space<vmem>>
      %get3A_854 = arith.index_cast %get3A_849 : i32 to index
      %get3A_855 = arith.constant 16 : index
      %get3A_856 = tpu.vector_load %get3A_853[%get3A_854, %get3A_855] {strides = array<i32>} : memref<8x128xi32, #tpu.memory_space<vmem>>, vector<16xi32>,
      %shift_right_logical3A_857 = arith.constant 7 : i32
      %shift_right_logical3A_858 = vector.broadcast %shift_right_logical3A_857 : i32 to vector<16xi32>
      %shift_right_logical3A_859 = arith.shrui %get3A_856, %shift_right_logical3A_858 : vector<16xi32>
      %and3A_860 = arith.constant 127 : i32
      %and3A_861 = vector.broadcast %and3A_860 : i32 to vector<16xi32>
      %and3A_862 = arith.andi %get3A_856, %and3A_861 : vector<16xi32>
      tpu.vector_store_idx %arg7[%shift_right_logical3A_859, %and3A_862], %broadcast_in_dim3A_13 {add = true} : memref<80x128xf32, #tpu.memory_space<vmem>>[vector<16xi32>, vector<16xi32>], vector<16xf32>,
      %get3A_863 = arith.constant 7 : i32
      %get3A_864 = arith.constant 0 : i32
      %get3A_865 = arith.constant 0 : i32
      %get3A_866 = tpu.memref_slice %arg5[%rem3A_34, %get3A_864, %get3A_865] : memref<2x8x128xi32, #tpu.memory_space<vmem>> -> memref<1x8x128xi32, #tpu.memory_space<vmem>>
      %get3A_867 = tpu.memref_squeeze %get3A_866 : memref<1x8x128xi32, #tpu.memory_space<vmem>> -> memref<8x128xi32, #tpu.memory_space<vmem>>
      %get3A_868 = arith.index_cast %get3A_863 : i32 to index
      %get3A_869 = arith.constant 32 : index
      %get3A_870 = tpu.vector_load %get3A_867[%get3A_868, %get3A_869] {strides = array<i32>} : memref<8x128xi32, #tpu.memory_space<vmem>>, vector<16xi32>,
      %shift_right_logical3A_871 = arith.constant 7 : i32
      %shift_right_logical3A_872 = vector.broadcast %shift_right_logical3A_871 : i32 to vector<16xi32>
      %shift_right_logical3A_873 = arith.shrui %get3A_870, %shift_right_logical3A_872 : vector<16xi32>
      %and3A_874 = arith.constant 127 : i32
      %and3A_875 = vector.broadcast %and3A_874 : i32 to vector<16xi32>
      %and3A_876 = arith.andi %get3A_870, %and3A_875 : vector<16xi32>
      tpu.vector_store_idx %arg7[%shift_right_logical3A_873, %and3A_876], %broadcast_in_dim3A_13 {add = true} : memref<80x128xf32, #tpu.memory_space<vmem>>[vector<16xi32>, vector<16xi32>], vector<16xf32>,
      %get3A_877 = arith.constant 7 : i32
      %get3A_878 = arith.constant 0 : i32
      %get3A_879 = arith.constant 0 : i32
      %get3A_880 = tpu.memref_slice %arg5[%rem3A_34, %get3A_878, %get3A_879] : memref<2x8x128xi32, #tpu.memory_space<vmem>> -> memref<1x8x128xi32, #tpu.memory_space<vmem>>
      %get3A_881 = tpu.memref_squeeze %get3A_880 : memref<1x8x128xi32, #tpu.memory_space<vmem>> -> memref<8x128xi32, #tpu.memory_space<vmem>>
      %get3A_882 = arith.index_cast %get3A_877 : i32 to index
      %get3A_883 = arith.constant 48 : index
      %get3A_884 = tpu.vector_load %get3A_881[%get3A_882, %get3A_883] {strides = array<i32>} : memref<8x128xi32, #tpu.memory_space<vmem>>, vector<16xi32>,
      %shift_right_logical3A_885 = arith.constant 7 : i32
      %shift_right_logical3A_886 = vector.broadcast %shift_right_logical3A_885 : i32 to vector<16xi32>
      %shift_right_logical3A_887 = arith.shrui %get3A_884, %shift_right_logical3A_886 : vector<16xi32>
      %and3A_888 = arith.constant 127 : i32
      %and3A_889 = vector.broadcast %and3A_888 : i32 to vector<16xi32>
      %and3A_890 = arith.andi %get3A_884, %and3A_889 : vector<16xi32>
      tpu.vector_store_idx %arg7[%shift_right_logical3A_887, %and3A_890], %broadcast_in_dim3A_13 {add = true} : memref<80x128xf32, #tpu.memory_space<vmem>>[vector<16xi32>, vector<16xi32>], vector<16xf32>,
      %get3A_891 = arith.constant 7 : i32
      %get3A_892 = arith.constant 0 : i32
      %get3A_893 = arith.constant 0 : i32
      %get3A_894 = tpu.memref_slice %arg5[%rem3A_34, %get3A_892, %get3A_893] : memref<2x8x128xi32, #tpu.memory_space<vmem>> -> memref<1x8x128xi32, #tpu.memory_space<vmem>>
      %get3A_895 = tpu.memref_squeeze %get3A_894 : memref<1x8x128xi32, #tpu.memory_space<vmem>> -> memref<8x128xi32, #tpu.memory_space<vmem>>
      %get3A_896 = arith.index_cast %get3A_891 : i32 to index
      %get3A_897 = arith.constant 64 : index
      %get3A_898 = tpu.vector_load %get3A_895[%get3A_896, %get3A_897] {strides = array<i32>} : memref<8x128xi32, #tpu.memory_space<vmem>>, vector<16xi32>,
      %shift_right_logical3A_899 = arith.constant 7 : i32
      %shift_right_logical3A_900 = vector.broadcast %shift_right_logical3A_899 : i32 to vector<16xi32>
      %shift_right_logical3A_901 = arith.shrui %get3A_898, %shift_right_logical3A_900 : vector<16xi32>
      %and3A_902 = arith.constant 127 : i32
      %and3A_903 = vector.broadcast %and3A_902 : i32 to vector<16xi32>
      %and3A_904 = arith.andi %get3A_898, %and3A_903 : vector<16xi32>
      tpu.vector_store_idx %arg7[%shift_right_logical3A_901, %and3A_904], %broadcast_in_dim3A_13 {add = true} : memref<80x128xf32, #tpu.memory_space<vmem>>[vector<16xi32>, vector<16xi32>], vector<16xf32>,
      %get3A_905 = arith.constant 7 : i32
      %get3A_906 = arith.constant 0 : i32
      %get3A_907 = arith.constant 0 : i32
      %get3A_908 = tpu.memref_slice %arg5[%rem3A_34, %get3A_906, %get3A_907] : memref<2x8x128xi32, #tpu.memory_space<vmem>> -> memref<1x8x128xi32, #tpu.memory_space<vmem>>
      %get3A_909 = tpu.memref_squeeze %get3A_908 : memref<1x8x128xi32, #tpu.memory_space<vmem>> -> memref<8x128xi32, #tpu.memory_space<vmem>>
      %get3A_910 = arith.index_cast %get3A_905 : i32 to index
      %get3A_911 = arith.constant 80 : index
      %get3A_912 = tpu.vector_load %get3A_909[%get3A_910, %get3A_911] {strides = array<i32>} : memref<8x128xi32, #tpu.memory_space<vmem>>, vector<16xi32>,
      %shift_right_logical3A_913 = arith.constant 7 : i32
      %shift_right_logical3A_914 = vector.broadcast %shift_right_logical3A_913 : i32 to vector<16xi32>
      %shift_right_logical3A_915 = arith.shrui %get3A_912, %shift_right_logical3A_914 : vector<16xi32>
      %and3A_916 = arith.constant 127 : i32
      %and3A_917 = vector.broadcast %and3A_916 : i32 to vector<16xi32>
      %and3A_918 = arith.andi %get3A_912, %and3A_917 : vector<16xi32>
      tpu.vector_store_idx %arg7[%shift_right_logical3A_915, %and3A_918], %broadcast_in_dim3A_13 {add = true} : memref<80x128xf32, #tpu.memory_space<vmem>>[vector<16xi32>, vector<16xi32>], vector<16xf32>,
      %get3A_919 = arith.constant 7 : i32
      %get3A_920 = arith.constant 0 : i32
      %get3A_921 = arith.constant 0 : i32
      %get3A_922 = tpu.memref_slice %arg5[%rem3A_34, %get3A_920, %get3A_921] : memref<2x8x128xi32, #tpu.memory_space<vmem>> -> memref<1x8x128xi32, #tpu.memory_space<vmem>>
      %get3A_923 = tpu.memref_squeeze %get3A_922 : memref<1x8x128xi32, #tpu.memory_space<vmem>> -> memref<8x128xi32, #tpu.memory_space<vmem>>
      %get3A_924 = arith.index_cast %get3A_919 : i32 to index
      %get3A_925 = arith.constant 96 : index
      %get3A_926 = tpu.vector_load %get3A_923[%get3A_924, %get3A_925] {strides = array<i32>} : memref<8x128xi32, #tpu.memory_space<vmem>>, vector<16xi32>,
      %shift_right_logical3A_927 = arith.constant 7 : i32
      %shift_right_logical3A_928 = vector.broadcast %shift_right_logical3A_927 : i32 to vector<16xi32>
      %shift_right_logical3A_929 = arith.shrui %get3A_926, %shift_right_logical3A_928 : vector<16xi32>
      %and3A_930 = arith.constant 127 : i32
      %and3A_931 = vector.broadcast %and3A_930 : i32 to vector<16xi32>
      %and3A_932 = arith.andi %get3A_926, %and3A_931 : vector<16xi32>
      tpu.vector_store_idx %arg7[%shift_right_logical3A_929, %and3A_932], %broadcast_in_dim3A_13 {add = true} : memref<80x128xf32, #tpu.memory_space<vmem>>[vector<16xi32>, vector<16xi32>], vector<16xf32>,
      %get3A_933 = arith.constant 7 : i32
      %get3A_934 = arith.constant 0 : i32
      %get3A_935 = arith.constant 0 : i32
      %get3A_936 = tpu.memref_slice %arg5[%rem3A_34, %get3A_934, %get3A_935] : memref<2x8x128xi32, #tpu.memory_space<vmem>> -> memref<1x8x128xi32, #tpu.memory_space<vmem>>
      %get3A_937 = tpu.memref_squeeze %get3A_936 : memref<1x8x128xi32, #tpu.memory_space<vmem>> -> memref<8x128xi32, #tpu.memory_space<vmem>>
      %get3A_938 = arith.index_cast %get3A_933 : i32 to index
      %get3A_939 = arith.constant 112 : index
      %get3A_940 = tpu.vector_load %get3A_937[%get3A_938, %get3A_939] {strides = array<i32>} : memref<8x128xi32, #tpu.memory_space<vmem>>, vector<16xi32>,
      %shift_right_logical3A_941 = arith.constant 7 : i32
      %shift_right_logical3A_942 = vector.broadcast %shift_right_logical3A_941 : i32 to vector<16xi32>
      %shift_right_logical3A_943 = arith.shrui %get3A_940, %shift_right_logical3A_942 : vector<16xi32>
      %and3A_944 = arith.constant 127 : i32
      %and3A_945 = vector.broadcast %and3A_944 : i32 to vector<16xi32>
      %and3A_946 = arith.andi %get3A_940, %and3A_945 : vector<16xi32>
      tpu.vector_store_idx %arg7[%shift_right_logical3A_943, %and3A_946], %broadcast_in_dim3A_13 {add = true} : memref<80x128xf32, #tpu.memory_space<vmem>>[vector<16xi32>, vector<16xi32>], vector<16xf32>,
      %while3A_947 = arith.constant 0 : i32
      scf.yield %while3A_947 : i32
    }
    %lt3A_27 = arith.constant 4 : i32
    %lt3A_28 = arith.cmpi slt, %add3A, %lt3A_27 : i32
    %convert_element_type3A_29 = arith.extui %lt3A_28 : i1 to i32
    %cond3A_30 = arith.constant 0 : i32
    %cond3A_31 = arith.cmpi ne, %convert_element_type3A_29, %cond3A_30 : i32
    scf.if %cond3A_31 {
      "tpu.region"() ({
        %run_scoped3A = tpu.sem_alloc : memref<!tpu.dma_semaphore, #tpu.memory_space<semaphore_mem>>
        tpu.enqueue_dma source(%arg3 : memref<4x128xi32, #tpu.memory_space<hbm>>) target(%arg6 : memref<4x128xi32, #tpu.memory_space<vmem>>) target_semaphore(%run_scoped3A : memref<!tpu.dma_semaphore, #tpu.memory_space<semaphore_mem>>)
        tpu.wait_dma2 semaphore(%run_scoped3A : memref<!tpu.dma_semaphore, #tpu.memory_space<semaphore_mem>>) src(%arg3 : memref<4x128xi32, #tpu.memory_space<hbm>>) dst(%arg6 : memref<4x128xi32, #tpu.memory_space<vmem>>)
        tpu.yield
      }) : () -> ()
      %get3A = arith.index_cast %add3A : i32 to index
      %get3A_32 = arith.constant 0 : index
      %get3A_33 = tpu.vector_load %arg6[%get3A, %get3A_32] {strides = array<i32>} : memref<4x128xi32, #tpu.memory_space<vmem>>, vector<16xi32>,
      %shift_right_logical3A = arith.constant 7 : i32
      %shift_right_logical3A_34 = vector.broadcast %shift_right_logical3A : i32 to vector<16xi32>
      %shift_right_logical3A_35 = arith.shrui %get3A_33, %shift_right_logical3A_34 : vector<16xi32>
      %and3A = arith.constant 127 : i32
      %and3A_36 = vector.broadcast %and3A : i32 to vector<16xi32>
      %and3A_37 = arith.andi %get3A_33, %and3A_36 : vector<16xi32>
      tpu.vector_store_idx %arg7[%shift_right_logical3A_35, %and3A_37], %broadcast_in_dim3A_13 {add = true} : memref<80x128xf32, #tpu.memory_space<vmem>>[vector<16xi32>, vector<16xi32>], vector<16xf32>,
      %get3A_38 = arith.index_cast %add3A : i32 to index
      %get3A_39 = arith.constant 16 : index
      %get3A_40 = tpu.vector_load %arg6[%get3A_38, %get3A_39] {strides = array<i32>} : memref<4x128xi32, #tpu.memory_space<vmem>>, vector<16xi32>,
      %shift_right_logical3A_41 = arith.constant 7 : i32
      %shift_right_logical3A_42 = vector.broadcast %shift_right_logical3A_41 : i32 to vector<16xi32>
      %shift_right_logical3A_43 = arith.shrui %get3A_40, %shift_right_logical3A_42 : vector<16xi32>
      %and3A_44 = arith.constant 127 : i32
      %and3A_45 = vector.broadcast %and3A_44 : i32 to vector<16xi32>
      %and3A_46 = arith.andi %get3A_40, %and3A_45 : vector<16xi32>
      tpu.vector_store_idx %arg7[%shift_right_logical3A_43, %and3A_46], %broadcast_in_dim3A_13 {add = true} : memref<80x128xf32, #tpu.memory_space<vmem>>[vector<16xi32>, vector<16xi32>], vector<16xf32>,
      %get3A_47 = arith.index_cast %add3A : i32 to index
      %get3A_48 = arith.constant 32 : index
      %get3A_49 = tpu.vector_load %arg6[%get3A_47, %get3A_48] {strides = array<i32>} : memref<4x128xi32, #tpu.memory_space<vmem>>, vector<16xi32>,
      %shift_right_logical3A_50 = arith.constant 7 : i32
      %shift_right_logical3A_51 = vector.broadcast %shift_right_logical3A_50 : i32 to vector<16xi32>
      %shift_right_logical3A_52 = arith.shrui %get3A_49, %shift_right_logical3A_51 : vector<16xi32>
      %and3A_53 = arith.constant 127 : i32
      %and3A_54 = vector.broadcast %and3A_53 : i32 to vector<16xi32>
      %and3A_55 = arith.andi %get3A_49, %and3A_54 : vector<16xi32>
      tpu.vector_store_idx %arg7[%shift_right_logical3A_52, %and3A_55], %broadcast_in_dim3A_13 {add = true} : memref<80x128xf32, #tpu.memory_space<vmem>>[vector<16xi32>, vector<16xi32>], vector<16xf32>,
      %get3A_56 = arith.index_cast %add3A : i32 to index
      %get3A_57 = arith.constant 48 : index
      %get3A_58 = tpu.vector_load %arg6[%get3A_56, %get3A_57] {strides = array<i32>} : memref<4x128xi32, #tpu.memory_space<vmem>>, vector<16xi32>,
      %shift_right_logical3A_59 = arith.constant 7 : i32
      %shift_right_logical3A_60 = vector.broadcast %shift_right_logical3A_59 : i32 to vector<16xi32>
      %shift_right_logical3A_61 = arith.shrui %get3A_58, %shift_right_logical3A_60 : vector<16xi32>
      %and3A_62 = arith.constant 127 : i32
      %and3A_63 = vector.broadcast %and3A_62 : i32 to vector<16xi32>
      %and3A_64 = arith.andi %get3A_58, %and3A_63 : vector<16xi32>
      tpu.vector_store_idx %arg7[%shift_right_logical3A_61, %and3A_64], %broadcast_in_dim3A_13 {add = true} : memref<80x128xf32, #tpu.memory_space<vmem>>[vector<16xi32>, vector<16xi32>], vector<16xf32>,
      %get3A_65 = arith.index_cast %add3A : i32 to index
      %get3A_66 = arith.constant 64 : index
      %get3A_67 = tpu.vector_load %arg6[%get3A_65, %get3A_66] {strides = array<i32>} : memref<4x128xi32, #tpu.memory_space<vmem>>, vector<16xi32>,
      %shift_right_logical3A_68 = arith.constant 7 : i32
      %shift_right_logical3A_69 = vector.broadcast %shift_right_logical3A_68 : i32 to vector<16xi32>
      %shift_right_logical3A_70 = arith.shrui %get3A_67, %shift_right_logical3A_69 : vector<16xi32>
      %and3A_71 = arith.constant 127 : i32
      %and3A_72 = vector.broadcast %and3A_71 : i32 to vector<16xi32>
      %and3A_73 = arith.andi %get3A_67, %and3A_72 : vector<16xi32>
      tpu.vector_store_idx %arg7[%shift_right_logical3A_70, %and3A_73], %broadcast_in_dim3A_13 {add = true} : memref<80x128xf32, #tpu.memory_space<vmem>>[vector<16xi32>, vector<16xi32>], vector<16xf32>,
      %get3A_74 = arith.index_cast %add3A : i32 to index
      %get3A_75 = arith.constant 80 : index
      %get3A_76 = tpu.vector_load %arg6[%get3A_74, %get3A_75] {strides = array<i32>} : memref<4x128xi32, #tpu.memory_space<vmem>>, vector<16xi32>,
      %shift_right_logical3A_77 = arith.constant 7 : i32
      %shift_right_logical3A_78 = vector.broadcast %shift_right_logical3A_77 : i32 to vector<16xi32>
      %shift_right_logical3A_79 = arith.shrui %get3A_76, %shift_right_logical3A_78 : vector<16xi32>
      %and3A_80 = arith.constant 127 : i32
      %and3A_81 = vector.broadcast %and3A_80 : i32 to vector<16xi32>
      %and3A_82 = arith.andi %get3A_76, %and3A_81 : vector<16xi32>
      tpu.vector_store_idx %arg7[%shift_right_logical3A_79, %and3A_82], %broadcast_in_dim3A_13 {add = true} : memref<80x128xf32, #tpu.memory_space<vmem>>[vector<16xi32>, vector<16xi32>], vector<16xf32>,
      %get3A_83 = arith.index_cast %add3A : i32 to index
      %get3A_84 = arith.constant 96 : index
      %get3A_85 = tpu.vector_load %arg6[%get3A_83, %get3A_84] {strides = array<i32>} : memref<4x128xi32, #tpu.memory_space<vmem>>, vector<16xi32>,
      %shift_right_logical3A_86 = arith.constant 7 : i32
      %shift_right_logical3A_87 = vector.broadcast %shift_right_logical3A_86 : i32 to vector<16xi32>
      %shift_right_logical3A_88 = arith.shrui %get3A_85, %shift_right_logical3A_87 : vector<16xi32>
      %and3A_89 = arith.constant 127 : i32
      %and3A_90 = vector.broadcast %and3A_89 : i32 to vector<16xi32>
      %and3A_91 = arith.andi %get3A_85, %and3A_90 : vector<16xi32>
      tpu.vector_store_idx %arg7[%shift_right_logical3A_88, %and3A_91], %broadcast_in_dim3A_13 {add = true} : memref<80x128xf32, #tpu.memory_space<vmem>>[vector<16xi32>, vector<16xi32>], vector<16xf32>,
      %get3A_92 = arith.index_cast %add3A : i32 to index
      %get3A_93 = arith.constant 112 : index
      %get3A_94 = tpu.vector_load %arg6[%get3A_92, %get3A_93] {strides = array<i32>} : memref<4x128xi32, #tpu.memory_space<vmem>>, vector<16xi32>,
      %shift_right_logical3A_95 = arith.constant 7 : i32
      %shift_right_logical3A_96 = vector.broadcast %shift_right_logical3A_95 : i32 to vector<16xi32>
      %shift_right_logical3A_97 = arith.shrui %get3A_94, %shift_right_logical3A_96 : vector<16xi32>
      %and3A_98 = arith.constant 127 : i32
      %and3A_99 = vector.broadcast %and3A_98 : i32 to vector<16xi32>
      %and3A_100 = arith.andi %get3A_94, %and3A_99 : vector<16xi32>
      tpu.vector_store_idx %arg7[%shift_right_logical3A_97, %and3A_100], %broadcast_in_dim3A_13 {add = true} : memref<80x128xf32, #tpu.memory_space<vmem>>[vector<16xi32>, vector<16xi32>], vector<16xf32>,
    } else {
    }
    "tpu.region"() ({
      %run_scoped3A = tpu.sem_alloc : memref<!tpu.dma_semaphore, #tpu.memory_space<semaphore_mem>>
      %dma_start3A = arith.constant 0 : i32
      %dma_start3A_32 = arith.constant 0 : i32
      %dma_start3A_33 = tpu.memref_slice %arg4[%add3A, %dma_start3A, %dma_start3A_32] : memref<32x80x128xf32, #tpu.memory_space<hbm>> -> memref<1x80x128xf32, #tpu.memory_space<hbm>>
      %dma_start3A_34 = tpu.memref_squeeze %dma_start3A_33 : memref<1x80x128xf32, #tpu.memory_space<hbm>> -> memref<80x128xf32, #tpu.memory_space<hbm>>
      %dma_start3A_35 = arith.constant 0 : i32
      %dma_start3A_36 = arith.constant 0 : i32
      %dma_start3A_37 = tpu.memref_slice %arg4[%add3A, %dma_start3A_35, %dma_start3A_36] : memref<32x80x128xf32, #tpu.memory_space<hbm>> -> memref<1x80x128xf32, #tpu.memory_space<hbm>>
      %dma_start3A_38 = tpu.memref_squeeze %dma_start3A_37 : memref<1x80x128xf32, #tpu.memory_space<hbm>> -> memref<80x128xf32, #tpu.memory_space<hbm>>
      tpu.enqueue_dma source(%arg7 : memref<80x128xf32, #tpu.memory_space<vmem>>) target(%dma_start3A_38 : memref<80x128xf32, #tpu.memory_space<hbm>>) target_semaphore(%run_scoped3A : memref<!tpu.dma_semaphore, #tpu.memory_space<semaphore_mem>>)
      %dma_wait3A = arith.constant 0 : i32
      %dma_wait3A_39 = arith.constant 0 : i32
      %dma_wait3A_40 = tpu.memref_slice %arg4[%add3A, %dma_wait3A, %dma_wait3A_39] : memref<32x80x128xf32, #tpu.memory_space<hbm>> -> memref<1x80x128xf32, #tpu.memory_space<hbm>>
      %dma_wait3A_41 = tpu.memref_squeeze %dma_wait3A_40 : memref<1x80x128xf32, #tpu.memory_space<hbm>> -> memref<80x128xf32, #tpu.memory_space<hbm>>
      %dma_wait3A_42 = arith.constant 0 : i32
      %dma_wait3A_43 = arith.constant 0 : i32
      %dma_wait3A_44 = tpu.memref_slice %arg4[%add3A, %dma_wait3A_42, %dma_wait3A_43] : memref<32x80x128xf32, #tpu.memory_space<hbm>> -> memref<1x80x128xf32, #tpu.memory_space<hbm>>
      %dma_wait3A_45 = tpu.memref_squeeze %dma_wait3A_44 : memref<1x80x128xf32, #tpu.memory_space<hbm>> -> memref<80x128xf32, #tpu.memory_space<hbm>>
      tpu.wait_dma2 semaphore(%run_scoped3A : memref<!tpu.dma_semaphore, #tpu.memory_space<semaphore_mem>>) src(%arg7 : memref<80x128xf32, #tpu.memory_space<vmem>>) dst(%dma_wait3A_45 : memref<80x128xf32, #tpu.memory_space<hbm>>)
      tpu.yield
    }) : () -> ()
    return
  }
}

module attributes {stable_mosaic.version = 14 : i64} {
  func.func @body(%arg0: memref<10000x128xf32, #tpu.memory_space<vmem>>, %arg1: memref<128x128xf32, #tpu.memory_space<vmem>>, %arg2: memref<32x80x128xf32, #tpu.memory_space<vmem>>, %arg3: memref<10000x128xf32, #tpu.memory_space<vmem>>, %arg4: memref<10240x1xf32, #tpu.memory_space<vmem>>) attributes {dimension_semantics = [], scalar_prefetch = 0 : i64, scratch_operands = 0 : i64, tpu.core_type = #tpu.core_type<tc>} {
    %get3A = arith.constant 0 : index
    %get3A_0 = arith.constant 0 : index
    %get3A_1 = arith.constant 0 : index
    %get3A_2 = vector.load %arg2[%get3A, %get3A_0, %get3A_1] : memref<32x80x128xf32, #tpu.memory_space<vmem>>, vector<32x80x128xf32>
    %reduce_sum3A = arith.constant dense<0.000000e+00> : vector<80x128xf32>
    %reduce_sum3A_3 = vector.multi_reduction <add>, %get3A_2, %reduce_sum3A [0] : vector<32x80x128xf32> to vector<80x128xf32>
    %reshape3A = vector.shape_cast %reduce_sum3A_3 : vector<80x128xf32> to vector<10240xf32>
    %add3A = arith.constant 1.000000e+00 : f32
    %add3A_4 = vector.broadcast %add3A : f32 to vector<10240xf32>
    %add3A_5 = arith.addf %reshape3A, %add3A_4 : vector<10240xf32>
    %rsqrt3A = math.rsqrt %add3A_5 : vector<10240xf32>
    %broadcast_in_dim3A = vector.shape_cast %rsqrt3A : vector<10240xf32> to vector<10240x1xf32>
    %div3A = arith.constant 1.000000e+00 : f32
    %div3A_6 = vector.broadcast %div3A : f32 to vector<10240xf32>
    %div3A_7 = arith.divf %div3A_6, %add3A_5 : vector<10240xf32>
    %broadcast_in_dim3A_8 = vector.shape_cast %div3A_7 : vector<10240xf32> to vector<10240x1xf32>
    %swap3A = arith.constant 0 : index
    %swap3A_9 = arith.constant 0 : index
    %swap3A_10 = vector.load %arg4[%swap3A, %swap3A_9] : memref<10240x1xf32, #tpu.memory_space<vmem>>, vector<10240x1xf32>
    tpu.vector_store %arg4[%swap3A, %swap3A_9], %broadcast_in_dim3A_8 {strides = array<i32>} : memref<10240x1xf32, #tpu.memory_space<vmem>>, vector<10240x1xf32>,
    %get3A_11 = arith.constant 0 : index
    %get3A_12 = arith.constant 0 : index
    %get3A_13 = vector.load %arg0[%get3A_11, %get3A_12] : memref<10000x128xf32, #tpu.memory_space<vmem>>, vector<10000x128xf32>
    %get3A_14 = arith.constant 0 : index
    %get3A_15 = arith.constant 0 : index
    %get3A_16 = vector.load %arg1[%get3A_14, %get3A_15] : memref<128x128xf32, #tpu.memory_space<vmem>>, vector<128x128xf32>
    %dot_general3A = arith.constant dense<0.000000e+00> : vector<10000x128xf32>
    %dot_general3A_17 = tpu.matmul %get3A_13, %get3A_16, %dot_general3A {dimension_numbers = #tpu.dot_dimension_numbers<[1], [0], [0], [1], [0, 0, 1, 1], [], []>, transpose_lhs_hint = false} : vector<10000x128xf32>, vector<128x128xf32>, vector<10000x128xf32> -> vector<10000x128xf32>
    %slice3A = vector.extract_strided_slice %broadcast_in_dim3A {offsets = [0, 0], sizes = [10000, 1], strides = [1, 1]} : vector<10240x1xf32> to vector<10000x1xf32>
    %mul3A = vector.broadcast %slice3A : vector<10000x1xf32> to vector<10000x128xf32>
    %mul3A_18 = arith.mulf %dot_general3A_17, %mul3A : vector<10000x128xf32>
    %swap3A_19 = arith.constant 0 : index
    %swap3A_20 = arith.constant 0 : index
    %swap3A_21 = vector.load %arg3[%swap3A_19, %swap3A_20] : memref<10000x128xf32, #tpu.memory_space<vmem>>, vector<10000x128xf32>
    tpu.vector_store %arg3[%swap3A_19, %swap3A_20], %mul3A_18 {strides = array<i32>} : memref<10000x128xf32, #tpu.memory_space<vmem>>, vector<10000x128xf32>,
    return
  }
}

module attributes {stable_mosaic.version = 14 : i64} {
  func.func @body(%arg0: memref<2x10000x128xf32, #tpu.memory_space<vmem>>, %arg1: memref<10240x1xf32, #tpu.memory_space<vmem>>, %arg2: memref<128xf32, #tpu.memory_space<vmem>>, %arg3: memref<10000x128xf32, #tpu.memory_space<vmem>>) attributes {dimension_semantics = [], scalar_prefetch = 0 : i64, scratch_operands = 0 : i64, tpu.core_type = #tpu.core_type<tc>} {
    %get3A = arith.constant 0 : index
    %get3A_0 = arith.constant 0 : index
    %get3A_1 = arith.constant 0 : index
    %get3A_2 = vector.load %arg0[%get3A, %get3A_0, %get3A_1] : memref<2x10000x128xf32, #tpu.memory_space<vmem>>, vector<1x10000x128xf32>
    %get3A_3 = vector.shape_cast %get3A_2 : vector<1x10000x128xf32> to vector<10000x128xf32>
    %get3A_4 = arith.constant 1 : index
    %get3A_5 = arith.constant 0 : index
    %get3A_6 = arith.constant 0 : index
    %get3A_7 = vector.load %arg0[%get3A_4, %get3A_5, %get3A_6] : memref<2x10000x128xf32, #tpu.memory_space<vmem>>, vector<1x10000x128xf32>
    %get3A_8 = vector.shape_cast %get3A_7 : vector<1x10000x128xf32> to vector<10000x128xf32>
    %add3A = arith.addf %get3A_3, %get3A_8 : vector<10000x128xf32>
    %get3A_9 = arith.constant 0 : index
    %get3A_10 = arith.constant 0 : index
    %get3A_11 = vector.load %arg1[%get3A_9, %get3A_10] : memref<10240x1xf32, #tpu.memory_space<vmem>>, vector<10000x1xf32>
    %mul3A = vector.broadcast %get3A_11 : vector<10000x1xf32> to vector<10000x128xf32>
    %mul3A_12 = arith.mulf %add3A, %mul3A : vector<10000x128xf32>
    %get3A_13 = arith.constant 0 : index
    %get3A_14 = vector.load %arg2[%get3A_13] : memref<128xf32, #tpu.memory_space<vmem>>, vector<128xf32>
    %broadcast_in_dim3A = vector.shape_cast %get3A_14 : vector<128xf32> to vector<1x128xf32>
    %add3A_15 = vector.broadcast %broadcast_in_dim3A : vector<1x128xf32> to vector<10000x128xf32>
    %add3A_16 = arith.addf %mul3A_12, %add3A_15 : vector<10000x128xf32>
    %neg3A = arith.constant 0.000000e+00 : f32
    %neg3A_17 = vector.broadcast %neg3A : f32 to vector<10000x128xf32>
    %neg3A_18 = arith.subf %neg3A_17, %add3A_16 : vector<10000x128xf32>
    %exp3A = math.exp %neg3A_18 : vector<10000x128xf32>
    %add3A_19 = arith.constant 1.000000e+00 : f32
    %add3A_20 = vector.broadcast %add3A_19 : f32 to vector<10000x128xf32>
    %add3A_21 = arith.addf %add3A_20, %exp3A : vector<10000x128xf32>
    %div3A = arith.divf %add3A_16, %add3A_21 : vector<10000x128xf32>
    %swap3A = arith.constant 0 : index
    %swap3A_22 = arith.constant 0 : index
    %swap3A_23 = vector.load %arg3[%swap3A, %swap3A_22] : memref<10000x128xf32, #tpu.memory_space<vmem>>, vector<10000x128xf32>
    tpu.vector_store %arg3[%swap3A, %swap3A_22], %div3A {strides = array<i32>} : memref<10000x128xf32, #tpu.memory_space<vmem>>, vector<10000x128xf32>,
    return
  }
}

</mosaic_0001>

<sc_bundles>
// kernel: kernel.6.cloned.1.call-start
scs
__scs_entry_jumppad:
0x0: {  	(pc) =	sbr.rel $0x88, $3  }
0x1: {  	(tag) =	ssettag $0x0;
	lr =	simm.s32 $0x1  }
0x2: {  	[smem:$0x3F9D] =	sst lr;
	_ =	strace $0xD0000000  }
0x3: {  	_ = 	snop  }
0x4: {  	_ = 	snop  }
0x5: {  	_ = 	snop  }
0x6: {  	_ = 	snop  }
0x7: {  	_ = 	snop  }
__scs_overlays_trampoline_lowered:
0x8: {  	[smem:$0x3FAC] =	sst s0  }
0x9: {  	[smem:$0x3FAD] =	sst s1  }
0xa: {  	[smem:$0x3FAE] =	sst s2  }
0xb: {  	[smem:$0x3FAF] =	sst s3  }
0xc: {  	[smem:$0x3FB0] =	sst s4  }
0xd: {  	[smem:$0x3FB1] =	sst s5  }
0xe: {  	[smem:$0x3FB2] =	sst s6  }
0xf: {  	[smem:$0x3FB3] =	sst s7  }
0x10: {  	[smem:$0x3FB4] =	sst s8  }
0x11: {  	[smem:$0x3FB5] =	sst s9;
	s0 =	simm.s32 @!p0 $0x0  }
0x12: {  	s1 =	sld [smem:$0x3F9B];
	s0 =	simm.s32 @p0 $0x1  }
0x13: {  	[smem:$0x3FB6] =	sst s0;
	s0 =	simm.s32 @!p1 $0x0  }
0x14: {  	s2 =	sld [smem:$0x3F9A];
	s0 =	simm.s32 @p1 $0x1  }
0x15: {  	[smem:$0x3FB7] =	sst s0;
	s0 =	simm.s32 @!p2 $0x0  }
0x16: {  	s3 =	sld [smem:$0x3FDB];
	s0 =	simm.s32 @p2 $0x1  }
0x17: {  	s4 =	simm.s32 $0x1BF5;
	[smem:$0x3FB9] =	sst s0  }
0x18: {  	s0 =	sld [smem:$0x3F9C];
	_ =	swait.ge [sflag:s4], $0x0  }
0x19: {  	s7 =	sld [smem:$0x3F9D]  }
0x1a: {  	s8 =	sadd.s32 $0xFFFFE003, lr  }
0x1b: {  	s9 =	sadd.s32 $0xFFFFFEF7, lr;
	s5 =	simm.s32 $0xFFFFFFFF;
	p2 =	slt.u32 s8, $0xFFFFF086  }
0x1c: {  	p1 =	slt.u32 s9, $0xF7A;
	s5 =	simm.s32 @!p2 $0x0  }
0x1d: {  	s5 =	simm.s32 @p1 $0x1;
	p0 =	seq.s32 s7, s2  }
0x1e: {  	s7 =	smul.u32 @!p0 $0xF7A, s2;
	p2 =	seq.s32 @!p0 s5, $0x0  }
0x1f: {  	s9 =	smul.u32 $0xF7A, s1;
	s8 =	simm.s32 @!p0 $0x1BF5;
	p2 =	por !p2, p0  }
0x20: {  	[sflag:s8] =	ssyncset.s32 @!p0 $0xFFFFF086;
	s6 =	sadd.s32 @!p0 s3, s7;
	s7 =	simm.s32 @!p0 $0x108  }
0x21: {  	s3 =	sadd.s32 s3, s9;
	s6 =	sadd.s32 @!p0 $0x88, s6;
	s7 =	simm.s32 @p2 $0x1082  }
0x22: {  	[simem:s7], [sflag:s8] =	dma.local @!p0 [hbm:s6], $0xF7A  }
0x23: {  	s9 =	sor.u32 $0xD0000000, s2;
	s6 =	simm.s32 $0x108;
	_ =	swait.ge @!p0 [sflag:s8], $0x0  }
0x24: {  	s3 =	sadd.s32 $0x88, s3;
	s6 =	simm.s32 @!p1 $0x1082;
	[sflag:s4] =	ssyncset.s32 $0xFFFFF086  }
0x25: {  	[simem:s6], [sflag:s4] =	dma.local [hbm:s3], $0xF7A  }
0x26: {  	[smem:$0x3F9D] =	sst s1;
	(tag) =	ssettag s2;
	_ =	strace s9  }
0x27: {  	s1 =	sld [smem:$0x3FAD]  }
0x28: {  	s2 =	sld [smem:$0x3FAE]  }
0x29: {  	s4 =	sld [smem:$0x3FB0]  }
0x2a: {  	p0 =	seq.s32 s5, $0x0;
	s5 =	sld [smem:$0x3FB1]  }
0x2b: {  	s6 =	sld [smem:$0x3FB2]  }
0x2c: {  	s7 =	sld [smem:$0x3FB3]  }
0x2d: {  	s3 =	simm.s32 $0x108;
	s8 =	sld [smem:$0x3FB4]  }
0x2e: {  	s3 =	simm.s32 @!p0 $0x1082;
	s9 =	sld [smem:$0x3FB5]  }
0x2f: {  	lr =	sadd.s32 s0, s3;
	s0 =	sld [smem:$0x3FAC]  }
0x30: {  	s3 =	sld [smem:$0x3FAF]  }
0x31: {  	[smem:$0x3FB8] =	sst s10  }
0x32: {  	s10 =	sld [smem:$0x3FB6];
	_ =	sdelay $0x3  }
0x33: {  	p0 =	seq.s32 s10, $0x1;
	s10 =	sld [smem:$0x3FB8];
	_ =	sdelay $0x3  }
0x34: {  	[smem:$0x3FB8] =	sst s10  }
0x35: {  	s10 =	sld [smem:$0x3FB7];
	_ =	sdelay $0x3  }
0x36: {  	p1 =	seq.s32 s10, $0x1;
	s10 =	sld [smem:$0x3FB8];
	_ =	sdelay $0x3  }
0x37: {  	[smem:$0x3FB8] =	sst s10  }
0x38: {  	s10 =	sld [smem:$0x3FB9]  }
0x39: {  	_ = 	snop;
	(pc) =	sbr.ind lr, $3  }
0x3a: {  	_ = 	snop  }
0x3b: {  	_ = 	snop  }
0x3c: {  	p2 =	seq.s32 s10, $0x1;
	s10 =	sld [smem:$0x3FB8]  }
0x3d: {  	_ =	shalt  }
0x3e: {  	_ =	shalt  }
0x3f: {  	_ =	shalt  }
0x40: {  	_ =	shalt  }
0x41: {  	_ =	shalt  }
0x42: {  	_ =	shalt  }
0x43: {  	_ =	shalt  }
0x44: {  	_ =	shalt  }
0x45: {  	_ =	shalt  }
0x46: {  	_ =	shalt  }
0x47: {  	_ =	shalt  }
0x48: {  	_ =	shalt  }
0x49: {  	_ =	shalt  }
0x4a: {  	_ =	shalt  }
0x4b: {  	_ =	shalt  }
0x4c: {  	_ =	shalt  }
0x4d: {  	_ =	shalt  }
0x4e: {  	_ =	shalt  }
0x4f: {  	_ =	shalt  }
0x50: {  	_ =	shalt  }
0x51: {  	_ =	shalt  }
0x52: {  	_ =	shalt  }
0x53: {  	_ =	shalt  }
0x54: {  	_ =	shalt  }
0x55: {  	_ =	shalt  }
0x56: {  	_ =	shalt  }
0x57: {  	_ =	shalt  }
0x58: {  	_ =	shalt  }
0x59: {  	_ =	shalt  }
0x5a: {  	_ =	shalt  }
0x5b: {  	_ =	shalt  }
0x5c: {  	_ =	shalt  }
0x5d: {  	_ =	shalt  }
0x5e: {  	_ =	shalt  }
0x5f: {  	_ =	shalt  }
0x60: {  	_ =	shalt  }
0x61: {  	_ =	shalt  }
0x62: {  	_ =	shalt  }
0x63: {  	_ =	shalt  }
0x64: {  	_ =	shalt  }
0x65: {  	_ =	shalt  }
0x66: {  	_ =	shalt  }
0x67: {  	_ =	shalt  }
0x68: {  	_ =	shalt  }
0x69: {  	_ =	shalt  }
0x6a: {  	_ =	shalt  }
0x6b: {  	_ =	shalt  }
0x6c: {  	_ =	shalt  }
0x6d: {  	_ =	shalt  }
0x6e: {  	_ =	shalt  }
0x6f: {  	_ =	shalt  }
0x70: {  	_ =	shalt  }
0x71: {  	_ =	shalt  }
0x72: {  	_ =	shalt  }
0x73: {  	_ =	shalt  }
0x74: {  	_ =	shalt  }
0x75: {  	_ =	shalt  }
0x76: {  	_ =	shalt  }
0x77: {  	_ =	shalt  }
0x78: {  	_ =	shalt  }
0x79: {  	_ =	shalt  }
0x7a: {  	_ =	shalt  }
0x7b: {  	_ =	shalt  }
0x7c: {  	_ =	shalt  }
0x7d: {  	_ =	shalt  }
0x7e: {  	_ =	shalt  }
0x7f: {  	_ =	shalt  }
0x80: {  	_ =	shalt  }
0x81: {  	_ =	shalt  }
0x82: {  	_ =	shalt  }
0x83: {  	_ =	shalt  }
0x84: {  	_ =	shalt  }
0x85: {  	_ =	shalt  }
0x86: {  	_ =	shalt  }
0x87: {  	_ =	shalt  }
.Lfunc_end0:
.L_simem_size_0:
called_computation_lowered:
.L_overlay_start_0:
0x88: {  	s2 =	sld [smem:$0x3FD9]  }
0x89: {  	s3 =	sld [smem:$0x3FFE];
	_ =	sdelay $0x1  }
0x8a: {  	s1 =	srdreg.scid  }
0x8b: {  	s0 =	sand.u32 $0x1, s1  }
0x8c: {  	s17 =	sshll.u32 s0, $0xA;
	s2 =	sadd.s32 s3, s2  }
0x8d: {  	s2 =	sadd.s32 s2, s17  }
0x8e: {  	[smem:$0x3FC4] =	sst s2  }
0x8f: {  	_ = 	snop  }
0x90: {  	s2 =	sld [smem:$0x3FD0];
	(tm) =	ssettm $0x1  }
0x91: {  	s18 =	sld [smem:$0x3FFB];
	_ =	sdelay $0x3  }
0x92: {  	_ =	strace s18  }
0x93: {  	s3 =	sld [smem:$0x3FFC];
	_ =	sdelay $0x3  }
0x94: {  	_ =	strace s3  }
0x95: {  	s3 =	sld [smem:$0x3FFD];
	_ =	sdelay $0x3  }
0x96: {  	_ =	strace s3  }
0x97: {  	_ =	strace $0x8FFFFFFF  }
0x98: {  	s19 =	sld [smem:$0x3FDB];
	_ =	sdelay $0x1  }
0x99: {  	s4 =	simm.s32 $_scs_section_size  }
0x9a: {  	s5 =	simm.s32 $_size__tile_overlayer_lowered;
	s6 =	simm.s32 $_tile_overlayer_lowered  }
0x9b: {  	s22 =	simm.s32 $0x1BFF;
	s21 =	sshll.u32 s6, $0x1;
	s3 =	sadd.s32 s4, s19  }
0x9c: {  	s7 =	simm.s32 $0x0;
	s20 =	sshll.u32 s5, $0x1;
	s5 =	sadd.s32 s21, s3  }
0x9d: {  	[timem:s7], [sflag:s22] =	dma.local [hbm:s5], s20  }
0x9e: {  	_ =	swait.ge [sflag:s22], s20  }
0x9f: {  	s4 =	ssub.s32 $0x0, s20;
	[sflag:s22] =	ssyncset.done $0x0  }
0xa0: {  	[sflag:s22] =	ssyncadd.s32 s4;
	_ =	sdelay $0x1  }
0xa1: {  	s23 =	simm.s32 $0x1B8B  }
0xa2: {  	_ =	swait.ge [sflag:s23], $0x1  }
0xa3: {  	[sflag:s23] =	ssyncset.done $0x0  }
0xa4: {  	s25 =	simm.s32 $0x1B8E;
	s24 =	sld [smem:$0x3FFE];
	[sflag:s23] =	ssyncadd.s32 $0xFFFFFFFF  }
0xa5: {  	s26 =	simm.s32 $execute0_lowered;
	[smem:$0x3FD2] =	sst s25  }
0xa6: {  	s5 =	sshll.u32 s26, $0x1;
	_ =	strace $0x80000046;
	[dreg:$0x1] =	wrdreg $0xFFFFFFFF  }
0xa7: {  	s28 =	simm.s32 $_size_execute0_lowered;
	s3 =	sadd.s32 s3, s5;
	[dreg:$0x0] =	wrdreg $0x0  }
0xa8: {  	s5 =	sshll.u32 s28, $0x1;
	[dreg:$0x2] =	wrdreg s3  }
0xa9: {  	[dreg:$0x3] =	wrdreg s5  }
0xaa: {  	[dreg:$0x4] =	wrdreg $0xC0  }
0xab: {  	_ =	task [dreg:s7], $0x5FFFF  }
0xac: {  	[dreg:$0x1] =	wrdreg $0xFFFFFFFF  }
0xad: {  	[dreg:$0x0] =	wrdreg $0x60  }
0xae: {  	[dreg:$0x2] =	wrdreg s24  }
0xaf: {  	[dreg:$0x3] =	wrdreg s2  }
0xb0: {  	[dreg:$0x4] =	wrdreg $0x9  }
0xb1: {  	_ =	task.clear_ibuf [dreg:s7], $0x5FFFF;
	_ =	strace $0x90000046  }
0xb2: {  	s29 =	simm.s32 $0x9;
	_ =	strace $0x80000048  }
0xb3: {  	_ =	swait.ge [sflag:s29], $0x1  }
0xb4: {  	[sflag:s29] =	ssyncadd.s32 $0xFFFFFFFF  }
0xb5: {  	_ =	strace $0x90000048  }
0xb6: {  	_ =	sfence  }
0xb7: {  	s30 =	sld [smem:$0x0];
	_ =	sdelay $0x2  }
0xb8: {  	s31 =	sshll.u32 s1, $0xD;
	s1 =	sshrl.u32 s1, $0x2  }
0xb9: {  	s3 =	sand.u32 $0x4000, s31;
	s1 =	sadd.s32 s1, s30  }
0xba: {  	s0 =	sor.u32 s3, s0;
	s1 =	sshll.u32 s1, $0x11  }
0xbb: {  	s0 =	sor.u32 s1, s0  }
0xbc: {  	s0 =	sadd.s32 $0x8F2B, s0  }
0xbd: {  	[sflag:s0] =	ssyncadd.remote.s32 $0x1  }
0xbe: {  	_ =	sfence.sel $0xFFFF  }
0xbf: {  	[dreg:$0x0] =	wrdreg $0xFFFFFFFF;
	(pc) =	sbr.abs _section_cstart, $3  }
0xc0: {  	[dreg:$0x1] =	wrdreg $0xFFFFFFFF  }
0xc1: {  	_ =	task.clear_ibuf [dreg:s7], $0x2FFFF;
	_ =	strace $0x9FFFFFFF  }
0xc2: {  	(tm) =	ssettm $0x7FFFFFFF  }
0xc3: {  	_ =	shalt  }
tec
execute0_lowered:
.L_overlay_start_1:
0x0: {  	(tag) =	ssettag $0x1  }
0x1: {  	s4 =	rddreg [dreg:$0x0]  }
0x2: {  	s8 =	rddreg [dreg:$0x1]  }
0x3: {  	s0 =	rddreg [dreg:$0x2];
	s1 =	simm.s32 $0x0  }
0x4: {  	s2 =	srdreg.scid;
	[smem:$0x7FF] =	sst s1  }
0x5: {  	s3 =	sadd.s32 $0x1800, s4;
	s9 =	sand.u32 $0x1, s2;
	s2 =	stileid.u32  }
0x6: {  	s4 =	sadd.s32 $0x15400, s4;
	_ =	strace $0x80000047;
	s5 =	ssub.s32 $0x2, s9  }
0x7: {  	s6 =	sshll.u32 s9, $0x4;
	s12 =	sshll.u32 s9, $0xE;
	s14 =	sshll.u32 s2, $0xA  }
0x8: {  	s7 =	sshrl.u32 s5, $0x1;
	s13 =	sor.u32 s2, s6;
	s31 =	sor.u32 s14, s12  }
0x9: {  	s12 =	simm.s32 $0xA00;
	s14 =	simm.s32 $0x0;
	s10 =	ssub.s32 s5, s7  }
0xa: {  	p0 =	slt.u32 s13, $0x18;
	s5 =	simm.s32 $0xA;
	s6 =	sshll.u32 s13, $0x7  }
0xb: {  	s11 =	smul.u32 $0x500, s13;
	s5 =	simm.s32 @!p0 $0x9;
	s7 =	sadd.s32 s3, s6  }
0xc: {  	s9 =	smax.u32 s10, $0x1;
	s10 =	sor.u32 $0x8000, s31;
	p0 =	sgt.u32 s13, $0x3  }
0xd: {  	v0 =	vimm.f32 $0.0e+00;
	v1 =	vimm.f32 $1.000000000e+00;
	s13 =	simm.s32 $0x2;
	s8 =	sadd.s32 s8, s11;
	s11 =	simm.s32 $0x1  }
.LBB2_1:
0xe: {  	s15 =	simm.s32 $0x0;
	s16 =	simm.s32 $0x200  }
.LBB2_2:
0xf: {  	p1 =	sne.s32 s16, $0x9E00;
	[tilespmem:s15+$0xA70] =	vst v0  }
0x10: {  	[tilespmem:s15+$0xA00] =	vst v0  }
0x11: {  	[tilespmem:s15+$0xA10] =	vst v0  }
.Ltmp0:
0x12: {  	[tilespmem:s15+$0xA20] =	vst v0;
	(pc) =	sbr.rel @p1 .LBB2_2-.Ltmp0, $4  }
0x13: {  	[tilespmem:s15+$0xA30] =	vst v0  }
0x14: {  	[tilespmem:s15+$0xA40] =	vst v0  }
0x15: {  	[tilespmem:s15+$0xA50] =	vst v0  }
0x16: {  	[tilespmem:s15+$0xA60] =	vst v0;
	s15 =	sshra.s32 s16, $0x2;
	s16 =	sadd.s32 $0x200, s16  }
0x17: {  	[tilespmem:s15+$0xA70] =	vst v0  }
0x18: {  	[tilespmem:s15+$0xA00] =	vst v0  }
0x19: {  	[tilespmem:s15+$0xA10] =	vst v0  }
0x1a: {  	[tilespmem:s15+$0xA20] =	vst v0  }
0x1b: {  	[tilespmem:s15+$0xA30] =	vst v0  }
0x1c: {  	[tilespmem:s15+$0xA40] =	vst v0  }
0x1d: {  	[tilespmem:s15+$0xA50] =	vst v0  }
0x1e: {  	[tilespmem:s15+$0xA60] =	vst v0;
	s15 =	simm.s32 $0x0;
	s16 =	smov.u32 s10  }
0x1f: {  	[tilespmem:s15], [sflag:$0x1] =	stream.linear.gather [hbm4b:s7+s15], $0x400, $0x38;
	[tilespmem:$0x3200] =	vst v63  }
.LBB2_4:
0x20: {  	s18 =	sand.u32 $0x1, s15;
	_ =	swait.ge [sflag:s11], $0x400;
	s15 =	sadd.s32 $0x1, s15  }
0x21: {  	s17 =	sshll.u32 s18, $0xA;
	[sflag:s11] =	ssyncset.done $0x0;
	p1 =	sge.u32 s15, s5  }
0x22: {  	[sflag:s11] =	ssyncadd.s32 $0xFFFFFC00;
	s18 =	sshll.u32 @!p1 s18, $0xA;
	s19 =	sshrl.u32 @!p1 s16, $0x3  }
0x23: {  	s20 =	simm.s32 @!p1 $0x0;
	s18 =	sxor.u32 @!p1 $0x400, s18;
	s19 =	sadd.s32 @!p1 s3, s19  }
0x24: {  	[tilespmem:s18], [sflag:$0x1] =	stream.linear.gather @!p1 [hbm4b:s19+s20], $0x400, $0x38;
	[tilespmem:$0x3200] =	vst v63  }
0x25: {  	v2 =	vld [tilespmem:s17+$0x0];
	_ =	sdelay $0x7  }
0x26: {  	[tilespmem:v2+s12+$0x0] =	vst.idx.add.f32.msk $0xffff, v1  }
0x27: {  	v2 =	vld [tilespmem:s17+$0x10];
	_ =	sdelay $0x7  }
0x28: {  	[tilespmem:v2+s12+$0x0] =	vst.idx.add.f32.msk $0xffff, v1  }
0x29: {  	v2 =	vld [tilespmem:s17+$0x20];
	_ =	sdelay $0x7  }
0x2a: {  	[tilespmem:v2+s12+$0x0] =	vst.idx.add.f32.msk $0xffff, v1  }
0x2b: {  	v2 =	vld [tilespmem:s17+$0x30];
	_ =	sdelay $0x7  }
0x2c: {  	[tilespmem:v2+s12+$0x0] =	vst.idx.add.f32.msk $0xffff, v1  }
0x2d: {  	v2 =	vld [tilespmem:s17+$0x40];
	_ =	sdelay $0x7  }
0x2e: {  	[tilespmem:v2+s12+$0x0] =	vst.idx.add.f32.msk $0xffff, v1  }
0x2f: {  	v2 =	vld [tilespmem:s17+$0x50];
	_ =	sdelay $0x7  }
0x30: {  	[tilespmem:v2+s12+$0x0] =	vst.idx.add.f32.msk $0xffff, v1  }
0x31: {  	v2 =	vld [tilespmem:s17+$0x60];
	_ =	sdelay $0x7  }
0x32: {  	[tilespmem:v2+s12+$0x0] =	vst.idx.add.f32.msk $0xffff, v1  }
0x33: {  	v2 =	vld [tilespmem:s17+$0x70];
	_ =	sdelay $0x7  }
0x34: {  	[tilespmem:v2+s12+$0x0] =	vst.idx.add.f32.msk $0xffff, v1  }
0x35: {  	v2 =	vld [tilespmem:s17+$0x80];
	_ =	sdelay $0x7  }
0x36: {  	[tilespmem:v2+s12+$0x0] =	vst.idx.add.f32.msk $0xffff, v1  }
0x37: {  	v2 =	vld [tilespmem:s17+$0x90];
	_ =	sdelay $0x7  }
0x38: {  	[tilespmem:v2+s12+$0x0] =	vst.idx.add.f32.msk $0xffff, v1  }
0x39: {  	v2 =	vld [tilespmem:s17+$0xA0];
	_ =	sdelay $0x7  }
0x3a: {  	[tilespmem:v2+s12+$0x0] =	vst.idx.add.f32.msk $0xffff, v1  }
0x3b: {  	v2 =	vld [tilespmem:s17+$0xB0];
	_ =	sdelay $0x7  }
0x3c: {  	[tilespmem:v2+s12+$0x0] =	vst.idx.add.f32.msk $0xffff, v1  }
0x3d: {  	v2 =	vld [tilespmem:s17+$0xC0];
	_ =	sdelay $0x7  }
0x3e: {  	[tilespmem:v2+s12+$0x0] =	vst.idx.add.f32.msk $0xffff, v1  }
0x3f: {  	v2 =	vld [tilespmem:s17+$0xD0];
	_ =	sdelay $0x7  }
0x40: {  	[tilespmem:v2+s12+$0x0] =	vst.idx.add.f32.msk $0xffff, v1  }
0x41: {  	v2 =	vld [tilespmem:s17+$0xE0];
	_ =	sdelay $0x7  }
0x42: {  	[tilespmem:v2+s12+$0x0] =	vst.idx.add.f32.msk $0xffff, v1  }
0x43: {  	v2 =	vld [tilespmem:s17+$0xF0];
	_ =	sdelay $0x7  }
0x44: {  	[tilespmem:v2+s12+$0x0] =	vst.idx.add.f32.msk $0xffff, v1  }
0x45: {  	v2 =	vld [tilespmem:s17+$0x100];
	_ =	sdelay $0x7  }
0x46: {  	[tilespmem:v2+s12+$0x0] =	vst.idx.add.f32.msk $0xffff, v1  }
0x47: {  	v2 =	vld [tilespmem:s17+$0x110];
	_ =	sdelay $0x7  }
0x48: {  	[tilespmem:v2+s12+$0x0] =	vst.idx.add.f32.msk $0xffff, v1  }
0x49: {  	v2 =	vld [tilespmem:s17+$0x120];
	_ =	sdelay $0x7  }
0x4a: {  	[tilespmem:v2+s12+$0x0] =	vst.idx.add.f32.msk $0xffff, v1  }
0x4b: {  	v2 =	vld [tilespmem:s17+$0x130];
	_ =	sdelay $0x7  }
0x4c: {  	[tilespmem:v2+s12+$0x0] =	vst.idx.add.f32.msk $0xffff, v1  }
0x4d: {  	v2 =	vld [tilespmem:s17+$0x140];
	_ =	sdelay $0x7  }
0x4e: {  	[tilespmem:v2+s12+$0x0] =	vst.idx.add.f32.msk $0xffff, v1  }
0x4f: {  	v2 =	vld [tilespmem:s17+$0x150];
	_ =	sdelay $0x7  }
0x50: {  	[tilespmem:v2+s12+$0x0] =	vst.idx.add.f32.msk $0xffff, v1  }
0x51: {  	v2 =	vld [tilespmem:s17+$0x160];
	_ =	sdelay $0x7  }
0x52: {  	[tilespmem:v2+s12+$0x0] =	vst.idx.add.f32.msk $0xffff, v1  }
0x53: {  	v2 =	vld [tilespmem:s17+$0x170];
	_ =	sdelay $0x7  }
0x54: {  	[tilespmem:v2+s12+$0x0] =	vst.idx.add.f32.msk $0xffff, v1  }
0x55: {  	v2 =	vld [tilespmem:s17+$0x180];
	_ =	sdelay $0x7  }
0x56: {  	[tilespmem:v2+s12+$0x0] =	vst.idx.add.f32.msk $0xffff, v1  }
0x57: {  	v2 =	vld [tilespmem:s17+$0x190];
	_ =	sdelay $0x7  }
0x58: {  	[tilespmem:v2+s12+$0x0] =	vst.idx.add.f32.msk $0xffff, v1  }
0x59: {  	v2 =	vld [tilespmem:s17+$0x1A0];
	_ =	sdelay $0x7  }
0x5a: {  	[tilespmem:v2+s12+$0x0] =	vst.idx.add.f32.msk $0xffff, v1  }
0x5b: {  	v2 =	vld [tilespmem:s17+$0x1B0];
	_ =	sdelay $0x7  }
0x5c: {  	[tilespmem:v2+s12+$0x0] =	vst.idx.add.f32.msk $0xffff, v1  }
0x5d: {  	v2 =	vld [tilespmem:s17+$0x1C0];
	_ =	sdelay $0x7  }
0x5e: {  	[tilespmem:v2+s12+$0x0] =	vst.idx.add.f32.msk $0xffff, v1  }
0x5f: {  	v2 =	vld [tilespmem:s17+$0x1D0];
	_ =	sdelay $0x7  }
0x60: {  	[tilespmem:v2+s12+$0x0] =	vst.idx.add.f32.msk $0xffff, v1  }
0x61: {  	v2 =	vld [tilespmem:s17+$0x1E0];
	_ =	sdelay $0x7  }
0x62: {  	[tilespmem:v2+s12+$0x0] =	vst.idx.add.f32.msk $0xffff, v1  }
0x63: {  	v2 =	vld [tilespmem:s17+$0x1F0];
	_ =	sdelay $0x7  }
0x64: {  	[tilespmem:v2+s12+$0x0] =	vst.idx.add.f32.msk $0xffff, v1  }
0x65: {  	v2 =	vld [tilespmem:s17+$0x200];
	_ =	sdelay $0x7  }
0x66: {  	[tilespmem:v2+s12+$0x0] =	vst.idx.add.f32.msk $0xffff, v1  }
0x67: {  	v2 =	vld [tilespmem:s17+$0x210];
	_ =	sdelay $0x7  }
0x68: {  	[tilespmem:v2+s12+$0x0] =	vst.idx.add.f32.msk $0xffff, v1  }
0x69: {  	v2 =	vld [tilespmem:s17+$0x220];
	_ =	sdelay $0x7  }
0x6a: {  	[tilespmem:v2+s12+$0x0] =	vst.idx.add.f32.msk $0xffff, v1  }
0x6b: {  	v2 =	vld [tilespmem:s17+$0x230];
	_ =	sdelay $0x7  }
0x6c: {  	[tilespmem:v2+s12+$0x0] =	vst.idx.add.f32.msk $0xffff, v1  }
0x6d: {  	v2 =	vld [tilespmem:s17+$0x240];
	_ =	sdelay $0x7  }
0x6e: {  	[tilespmem:v2+s12+$0x0] =	vst.idx.add.f32.msk $0xffff, v1  }
0x6f: {  	v2 =	vld [tilespmem:s17+$0x250];
	_ =	sdelay $0x7  }
0x70: {  	[tilespmem:v2+s12+$0x0] =	vst.idx.add.f32.msk $0xffff, v1  }
0x71: {  	v2 =	vld [tilespmem:s17+$0x260];
	_ =	sdelay $0x7  }
0x72: {  	[tilespmem:v2+s12+$0x0] =	vst.idx.add.f32.msk $0xffff, v1  }
0x73: {  	v2 =	vld [tilespmem:s17+$0x270];
	_ =	sdelay $0x7  }
0x74: {  	[tilespmem:v2+s12+$0x0] =	vst.idx.add.f32.msk $0xffff, v1  }
0x75: {  	v2 =	vld [tilespmem:s17+$0x280];
	_ =	sdelay $0x7  }
0x76: {  	[tilespmem:v2+s12+$0x0] =	vst.idx.add.f32.msk $0xffff, v1  }
0x77: {  	v2 =	vld [tilespmem:s17+$0x290];
	_ =	sdelay $0x7  }
0x78: {  	[tilespmem:v2+s12+$0x0] =	vst.idx.add.f32.msk $0xffff, v1  }
0x79: {  	v2 =	vld [tilespmem:s17+$0x2A0];
	_ =	sdelay $0x7  }
0x7a: {  	[tilespmem:v2+s12+$0x0] =	vst.idx.add.f32.msk $0xffff, v1  }
0x7b: {  	v2 =	vld [tilespmem:s17+$0x2B0];
	_ =	sdelay $0x7  }
0x7c: {  	[tilespmem:v2+s12+$0x0] =	vst.idx.add.f32.msk $0xffff, v1  }
0x7d: {  	v2 =	vld [tilespmem:s17+$0x2C0];
	_ =	sdelay $0x7  }
0x7e: {  	[tilespmem:v2+s12+$0x0] =	vst.idx.add.f32.msk $0xffff, v1  }
0x7f: {  	v2 =	vld [tilespmem:s17+$0x2D0];
	_ =	sdelay $0x7  }
0x80: {  	[tilespmem:v2+s12+$0x0] =	vst.idx.add.f32.msk $0xffff, v1  }
0x81: {  	v2 =	vld [tilespmem:s17+$0x2E0];
	_ =	sdelay $0x7  }
0x82: {  	[tilespmem:v2+s12+$0x0] =	vst.idx.add.f32.msk $0xffff, v1  }
0x83: {  	v2 =	vld [tilespmem:s17+$0x2F0];
	_ =	sdelay $0x7  }
0x84: {  	[tilespmem:v2+s12+$0x0] =	vst.idx.add.f32.msk $0xffff, v1  }
0x85: {  	v2 =	vld [tilespmem:s17+$0x300];
	_ =	sdelay $0x7  }
0x86: {  	[tilespmem:v2+s12+$0x0] =	vst.idx.add.f32.msk $0xffff, v1  }
0x87: {  	v2 =	vld [tilespmem:s17+$0x310];
	_ =	sdelay $0x7  }
0x88: {  	[tilespmem:v2+s12+$0x0] =	vst.idx.add.f32.msk $0xffff, v1  }
0x89: {  	v2 =	vld [tilespmem:s17+$0x320];
	_ =	sdelay $0x7  }
0x8a: {  	[tilespmem:v2+s12+$0x0] =	vst.idx.add.f32.msk $0xffff, v1  }
0x8b: {  	v2 =	vld [tilespmem:s17+$0x330];
	_ =	sdelay $0x7  }
0x8c: {  	[tilespmem:v2+s12+$0x0] =	vst.idx.add.f32.msk $0xffff, v1  }
0x8d: {  	v2 =	vld [tilespmem:s17+$0x340];
	_ =	sdelay $0x7  }
0x8e: {  	[tilespmem:v2+s12+$0x0] =	vst.idx.add.f32.msk $0xffff, v1  }
0x8f: {  	v2 =	vld [tilespmem:s17+$0x350];
	_ =	sdelay $0x7  }
0x90: {  	[tilespmem:v2+s12+$0x0] =	vst.idx.add.f32.msk $0xffff, v1  }
0x91: {  	v2 =	vld [tilespmem:s17+$0x360];
	_ =	sdelay $0x7  }
0x92: {  	[tilespmem:v2+s12+$0x0] =	vst.idx.add.f32.msk $0xffff, v1  }
0x93: {  	v2 =	vld [tilespmem:s17+$0x370];
	_ =	sdelay $0x7  }
0x94: {  	[tilespmem:v2+s12+$0x0] =	vst.idx.add.f32.msk $0xffff, v1  }
0x95: {  	v2 =	vld [tilespmem:s17+$0x380];
	_ =	sdelay $0x7  }
0x96: {  	[tilespmem:v2+s12+$0x0] =	vst.idx.add.f32.msk $0xffff, v1  }
0x97: {  	v2 =	vld [tilespmem:s17+$0x390];
	_ =	sdelay $0x7  }
0x98: {  	[tilespmem:v2+s12+$0x0] =	vst.idx.add.f32.msk $0xffff, v1  }
0x99: {  	v2 =	vld [tilespmem:s17+$0x3A0];
	_ =	sdelay $0x7  }
0x9a: {  	[tilespmem:v2+s12+$0x0] =	vst.idx.add.f32.msk $0xffff, v1  }
0x9b: {  	v2 =	vld [tilespmem:s17+$0x3B0];
	_ =	sdelay $0x7  }
0x9c: {  	[tilespmem:v2+s12+$0x0] =	vst.idx.add.f32.msk $0xffff, v1  }
0x9d: {  	v2 =	vld [tilespmem:s17+$0x3C0];
	_ =	sdelay $0x7  }
0x9e: {  	[tilespmem:v2+s12+$0x0] =	vst.idx.add.f32.msk $0xffff, v1  }
0x9f: {  	v2 =	vld [tilespmem:s17+$0x3D0];
	_ =	sdelay $0x7  }
0xa0: {  	[tilespmem:v2+s12+$0x0] =	vst.idx.add.f32.msk $0xffff, v1  }
0xa1: {  	v2 =	vld [tilespmem:s17+$0x3E0];
	_ =	sdelay $0x7  }
0xa2: {  	[tilespmem:v2+s12+$0x0] =	vst.idx.add.f32.msk $0xffff, v1  }
0xa3: {  	v2 =	vld [tilespmem:s17+$0x3F0];
	_ =	sdelay $0x2  }
0xa4: {  	p1 =	sne.s32 s5, s15  }
.Ltmp1:
0xa5: {  	_ = 	snop;
	(pc) =	sbr.rel @p1 .LBB2_4-.Ltmp1, $2  }
0xa6: {  	_ =	sdelay $0x2  }
0xa7: {  	s16 =	sadd.s32 $0x8000, s16;
	[tilespmem:v2+s12+$0x0] =	vst.idx.add.f32.msk $0xffff, v1  }
0xa8: {  	s15 =	simm.s32 @!p0 $0x0;
	s16 =	simm.s32 @!p0 $0x800  }
0xa9: {  	[tilespmem:s16], [sflag:$0x2] =	stream.linear.gather @!p0 [hbm4b:s4+s15], $0x200, $0x38;
	[tilespmem:$0x3200] =	vst v63  }
0xaa: {  	s15 =	simm.s32 @!p0 $0x2  }
0xab: {  	_ =	swait.ge @!p0 [sflag:s15], $0x200  }
0xac: {  	[sflag:s15] =	ssyncset.done @!p0 $0x0  }
0xad: {  	[sflag:s15] =	ssyncadd.s32 @!p0 $0xFFFFFE00  }
0xae: {  	v2 =	vld @!p0 [tilespmem:s6+$0x800];
	_ =	sdelay $0x6  }
0xaf: {  	v3 =	vimm.f32 @!p0 $1.000000000e+00;
	s15 =	simm.s32 @!p0 $0xA00  }
0xb0: {  	[tilespmem:v2+s15+$0x0] =	vst.idx.add.f32.msk @!p0 $0xffff, v3  }
0xb1: {  	v2 =	vld @!p0 [tilespmem:s6+$0x810];
	_ =	sdelay $0x7  }
0xb2: {  	[tilespmem:v2+s15+$0x0] =	vst.idx.add.f32.msk @!p0 $0xffff, v3  }
0xb3: {  	v2 =	vld @!p0 [tilespmem:s6+$0x820];
	_ =	sdelay $0x7  }
0xb4: {  	[tilespmem:v2+s15+$0x0] =	vst.idx.add.f32.msk @!p0 $0xffff, v3  }
0xb5: {  	v2 =	vld @!p0 [tilespmem:s6+$0x830];
	_ =	sdelay $0x7  }
0xb6: {  	[tilespmem:v2+s15+$0x0] =	vst.idx.add.f32.msk @!p0 $0xffff, v3  }
0xb7: {  	v2 =	vld @!p0 [tilespmem:s6+$0x840];
	_ =	sdelay $0x7  }
0xb8: {  	[tilespmem:v2+s15+$0x0] =	vst.idx.add.f32.msk @!p0 $0xffff, v3  }
0xb9: {  	v2 =	vld @!p0 [tilespmem:s6+$0x850];
	_ =	sdelay $0x7  }
0xba: {  	[tilespmem:v2+s15+$0x0] =	vst.idx.add.f32.msk @!p0 $0xffff, v3  }
0xbb: {  	v2 =	vld @!p0 [tilespmem:s6+$0x860];
	_ =	sdelay $0x7  }
0xbc: {  	[tilespmem:v2+s15+$0x0] =	vst.idx.add.f32.msk @!p0 $0xffff, v3  }
0xbd: {  	v2 =	vld @!p0 [tilespmem:s6+$0x870];
	_ =	sdelay $0x5  }
0xbe: {  	s14 =	sadd.s32 $0x1, s14  }
0xbf: {  	p1 =	sne.s32 s14, s9  }
.Ltmp2:
0xc0: {  	[tilespmem:v2+s15+$0x0] =	vst.idx.add.f32.msk @!p0 $0xffff, v3;
	(pc) =	sbr.rel @p1 .LBB2_1-.Ltmp2, $4  }
0xc1: {  	[hbm4b:s8+s1] =	stream.linear.scatter [tilespmem:s12], [sflag:$0x2], $0x2800, $0x38;
	[tilespmem:$0x3200] =	vst v63  }
0xc2: {  	_ =	swait.ge [sflag:s13], $0x2800  }
0xc3: {  	[sflag:s13] =	ssyncset.done $0x0  }
0xc4: {  	[sflag:s13] =	ssyncadd.s32 $0xFFFFD800  }
0xc5: {  	_ =	sfence.sel $0x180000  }
0xc6: {  	[bflag:$0x0] =	sbarrier.arrive $0xFFFF  }
0xc7: {  	p0 =	sne.s32 s2, $0x0;
	_ =	strace $0x90000047  }
0xc8: {  	s0 =	sadd.s32 @!p0 $0x100000, s0;
	[bflag:$0x2] =	sbarrier.arrive $0xFFFF  }
0xc9: {  	[sflag:s0] =	ssyncadd.tile.s32 @!p0 $0x1;
	_ =	shalt  }
.Lfunc_end2:
_tile_overlayer_lowered:
.L_overlay_start_2:
0xca: {  	(tag) =	ssettag $0x2  }
0xcb: {  	s0 =	rddreg [dreg:$0x0];
	s2 =	stileid.u32  }
0xcc: {  	s1 =	rddreg [dreg:$0x1];
	p0 =	sne.s32 s2, $0x0  }
0xcd: {  	s3 =	rddreg [dreg:$0x2];
	[bflag:$0x3] =	sbarrier.arrive $0xFFFF;
	s2 =	simm.s32 @!p0 $0x1C02  }
0xce: {  	[timem:s3], [sflag:s2] =	dma.local @!p0 [hbm:s0], s1  }
0xcf: {  	s0 =	simm.s32 @!p0 $0x2  }
0xd0: {  	_ =	swait.ge @!p0 [sflag:s0], s1  }
0xd1: {  	s1 =	ssub.s32 @!p0 $0x0, s1;
	[sflag:s0] =	ssyncset.done @!p0 $0x0  }
0xd2: {  	[sflag:s0] =	ssyncadd.s32 @!p0 s1  }
0xd3: {  	[bflag:$0x3] =	sbarrier.arrive $0xFFFF  }
0xd4: {  	_ =	shalt  }

// kernel: kernel.9.cloned.1.call-start
scs
__scs_entry_jumppad:
0x0: {  	(pc) =	sbr.rel $0x88, $3  }
0x1: {  	(tag) =	ssettag $0x0;
	lr =	simm.s32 $0x1  }
0x2: {  	[smem:$0x3F9D] =	sst lr;
	_ =	strace $0xD0000000  }
0x3: {  	_ = 	snop  }
0x4: {  	_ = 	snop  }
0x5: {  	_ = 	snop  }
0x6: {  	_ = 	snop  }
0x7: {  	_ = 	snop  }
__scs_overlays_trampoline_lowered:
0x8: {  	[smem:$0x3FAC] =	sst s0  }
0x9: {  	[smem:$0x3FAD] =	sst s1  }
0xa: {  	[smem:$0x3FAE] =	sst s2  }
0xb: {  	[smem:$0x3FAF] =	sst s3  }
0xc: {  	[smem:$0x3FB0] =	sst s4  }
0xd: {  	[smem:$0x3FB1] =	sst s5  }
0xe: {  	[smem:$0x3FB2] =	sst s6  }
0xf: {  	[smem:$0x3FB3] =	sst s7  }
0x10: {  	[smem:$0x3FB4] =	sst s8  }
0x11: {  	[smem:$0x3FB5] =	sst s9;
	s0 =	simm.s32 @!p0 $0x0  }
0x12: {  	s1 =	sld [smem:$0x3F9B];
	s0 =	simm.s32 @p0 $0x1  }
0x13: {  	[smem:$0x3FB6] =	sst s0;
	s0 =	simm.s32 @!p1 $0x0  }
0x14: {  	s2 =	sld [smem:$0x3F9A];
	s0 =	simm.s32 @p1 $0x1  }
0x15: {  	[smem:$0x3FB7] =	sst s0;
	s0 =	simm.s32 @!p2 $0x0  }
0x16: {  	s3 =	sld [smem:$0x3FDB];
	s0 =	simm.s32 @p2 $0x1  }
0x17: {  	s4 =	simm.s32 $0x1BF5;
	[smem:$0x3FB9] =	sst s0  }
0x18: {  	s0 =	sld [smem:$0x3F9C];
	_ =	swait.ge [sflag:s4], $0x0  }
0x19: {  	s7 =	sld [smem:$0x3F9D]  }
0x1a: {  	s8 =	sadd.s32 $0xFFFFE003, lr  }
0x1b: {  	s9 =	sadd.s32 $0xFFFFFEF7, lr;
	s5 =	simm.s32 $0xFFFFFFFF;
	p2 =	slt.u32 s8, $0xFFFFF086  }
0x1c: {  	p1 =	slt.u32 s9, $0xF7A;
	s5 =	simm.s32 @!p2 $0x0  }
0x1d: {  	s5 =	simm.s32 @p1 $0x1;
	p0 =	seq.s32 s7, s2  }
0x1e: {  	s7 =	smul.u32 @!p0 $0xF7A, s2;
	p2 =	seq.s32 @!p0 s5, $0x0  }
0x1f: {  	s9 =	smul.u32 $0xF7A, s1;
	s8 =	simm.s32 @!p0 $0x1BF5;
	p2 =	por !p2, p0  }
0x20: {  	[sflag:s8] =	ssyncset.s32 @!p0 $0xFFFFF086;
	s6 =	sadd.s32 @!p0 s3, s7;
	s7 =	simm.s32 @!p0 $0x108  }
0x21: {  	s3 =	sadd.s32 s3, s9;
	s6 =	sadd.s32 @!p0 $0x88, s6;
	s7 =	simm.s32 @p2 $0x1082  }
0x22: {  	[simem:s7], [sflag:s8] =	dma.local @!p0 [hbm:s6], $0xF7A  }
0x23: {  	s9 =	sor.u32 $0xD0000000, s2;
	s6 =	simm.s32 $0x108;
	_ =	swait.ge @!p0 [sflag:s8], $0x0  }
0x24: {  	s3 =	sadd.s32 $0x88, s3;
	s6 =	simm.s32 @!p1 $0x1082;
	[sflag:s4] =	ssyncset.s32 $0xFFFFF086  }
0x25: {  	[simem:s6], [sflag:s4] =	dma.local [hbm:s3], $0xF7A  }
0x26: {  	[smem:$0x3F9D] =	sst s1;
	(tag) =	ssettag s2;
	_ =	strace s9  }
0x27: {  	s1 =	sld [smem:$0x3FAD]  }
0x28: {  	s2 =	sld [smem:$0x3FAE]  }
0x29: {  	s4 =	sld [smem:$0x3FB0]  }
0x2a: {  	p0 =	seq.s32 s5, $0x0;
	s5 =	sld [smem:$0x3FB1]  }
0x2b: {  	s6 =	sld [smem:$0x3FB2]  }
0x2c: {  	s7 =	sld [smem:$0x3FB3]  }
0x2d: {  	s3 =	simm.s32 $0x108;
	s8 =	sld [smem:$0x3FB4]  }
0x2e: {  	s3 =	simm.s32 @!p0 $0x1082;
	s9 =	sld [smem:$0x3FB5]  }
0x2f: {  	lr =	sadd.s32 s0, s3;
	s0 =	sld [smem:$0x3FAC]  }
0x30: {  	s3 =	sld [smem:$0x3FAF]  }
0x31: {  	[smem:$0x3FB8] =	sst s10  }
0x32: {  	s10 =	sld [smem:$0x3FB6];
	_ =	sdelay $0x3  }
0x33: {  	p0 =	seq.s32 s10, $0x1;
	s10 =	sld [smem:$0x3FB8];
	_ =	sdelay $0x3  }
0x34: {  	[smem:$0x3FB8] =	sst s10  }
0x35: {  	s10 =	sld [smem:$0x3FB7];
	_ =	sdelay $0x3  }
0x36: {  	p1 =	seq.s32 s10, $0x1;
	s10 =	sld [smem:$0x3FB8];
	_ =	sdelay $0x3  }
0x37: {  	[smem:$0x3FB8] =	sst s10  }
0x38: {  	s10 =	sld [smem:$0x3FB9]  }
0x39: {  	_ = 	snop;
	(pc) =	sbr.ind lr, $3  }
0x3a: {  	_ = 	snop  }
0x3b: {  	_ = 	snop  }
0x3c: {  	p2 =	seq.s32 s10, $0x1;
	s10 =	sld [smem:$0x3FB8]  }
0x3d: {  	_ =	shalt  }
0x3e: {  	_ =	shalt  }
0x3f: {  	_ =	shalt  }
0x40: {  	_ =	shalt  }
0x41: {  	_ =	shalt  }
0x42: {  	_ =	shalt  }
0x43: {  	_ =	shalt  }
0x44: {  	_ =	shalt  }
0x45: {  	_ =	shalt  }
0x46: {  	_ =	shalt  }
0x47: {  	_ =	shalt  }
0x48: {  	_ =	shalt  }
0x49: {  	_ =	shalt  }
0x4a: {  	_ =	shalt  }
0x4b: {  	_ =	shalt  }
0x4c: {  	_ =	shalt  }
0x4d: {  	_ =	shalt  }
0x4e: {  	_ =	shalt  }
0x4f: {  	_ =	shalt  }
0x50: {  	_ =	shalt  }
0x51: {  	_ =	shalt  }
0x52: {  	_ =	shalt  }
0x53: {  	_ =	shalt  }
0x54: {  	_ =	shalt  }
0x55: {  	_ =	shalt  }
0x56: {  	_ =	shalt  }
0x57: {  	_ =	shalt  }
0x58: {  	_ =	shalt  }
0x59: {  	_ =	shalt  }
0x5a: {  	_ =	shalt  }
0x5b: {  	_ =	shalt  }
0x5c: {  	_ =	shalt  }
0x5d: {  	_ =	shalt  }
0x5e: {  	_ =	shalt  }
0x5f: {  	_ =	shalt  }
0x60: {  	_ =	shalt  }
0x61: {  	_ =	shalt  }
0x62: {  	_ =	shalt  }
0x63: {  	_ =	shalt  }
0x64: {  	_ =	shalt  }
0x65: {  	_ =	shalt  }
0x66: {  	_ =	shalt  }
0x67: {  	_ =	shalt  }
0x68: {  	_ =	shalt  }
0x69: {  	_ =	shalt  }
0x6a: {  	_ =	shalt  }
0x6b: {  	_ =	shalt  }
0x6c: {  	_ =	shalt  }
0x6d: {  	_ =	shalt  }
0x6e: {  	_ =	shalt  }
0x6f: {  	_ =	shalt  }
0x70: {  	_ =	shalt  }
0x71: {  	_ =	shalt  }
0x72: {  	_ =	shalt  }
0x73: {  	_ =	shalt  }
0x74: {  	_ =	shalt  }
0x75: {  	_ =	shalt  }
0x76: {  	_ =	shalt  }
0x77: {  	_ =	shalt  }
0x78: {  	_ =	shalt  }
0x79: {  	_ =	shalt  }
0x7a: {  	_ =	shalt  }
0x7b: {  	_ =	shalt  }
0x7c: {  	_ =	shalt  }
0x7d: {  	_ =	shalt  }
0x7e: {  	_ =	shalt  }
0x7f: {  	_ =	shalt  }
0x80: {  	_ =	shalt  }
0x81: {  	_ =	shalt  }
0x82: {  	_ =	shalt  }
0x83: {  	_ =	shalt  }
0x84: {  	_ =	shalt  }
0x85: {  	_ =	shalt  }
0x86: {  	_ =	shalt  }
0x87: {  	_ =	shalt  }
.Lfunc_end0:
.L_simem_size_0:
called_computation.1_lowered:
.L_overlay_start_0:
0x88: {  	s2 =	sld [smem:$0x3FD9]  }
0x89: {  	s3 =	sld [smem:$0x3FFE];
	_ =	sdelay $0x1  }
0x8a: {  	s1 =	srdreg.scid  }
0x8b: {  	s0 =	sand.u32 $0x1, s1  }
0x8c: {  	s17 =	sshll.u32 s0, $0xA;
	s2 =	sadd.s32 s3, s2  }
0x8d: {  	s2 =	sadd.s32 s2, s17  }
0x8e: {  	[smem:$0x3FC4] =	sst s2  }
0x8f: {  	_ = 	snop  }
0x90: {  	s2 =	sld [smem:$0x3FD0];
	(tm) =	ssettm $0x1  }
0x91: {  	s18 =	sld [smem:$0x3FFB];
	_ =	sdelay $0x3  }
0x92: {  	_ =	strace s18  }
0x93: {  	s3 =	sld [smem:$0x3FFC];
	_ =	sdelay $0x3  }
0x94: {  	_ =	strace s3  }
0x95: {  	s3 =	sld [smem:$0x3FFD];
	_ =	sdelay $0x3  }
0x96: {  	_ =	strace s3  }
0x97: {  	_ =	strace $0x8FFFFFFF  }
0x98: {  	s19 =	sld [smem:$0x3FDB];
	_ =	sdelay $0x1  }
0x99: {  	s4 =	simm.s32 $_scs_section_size  }
0x9a: {  	s5 =	simm.s32 $_size__tile_overlayer_lowered;
	s6 =	simm.s32 $_tile_overlayer_lowered  }
0x9b: {  	s22 =	simm.s32 $0x1BFF;
	s21 =	sshll.u32 s6, $0x1;
	s3 =	sadd.s32 s4, s19  }
0x9c: {  	s7 =	simm.s32 $0x0;
	s20 =	sshll.u32 s5, $0x1;
	s5 =	sadd.s32 s21, s3  }
0x9d: {  	[timem:s7], [sflag:s22] =	dma.local [hbm:s5], s20  }
0x9e: {  	_ =	swait.ge [sflag:s22], s20  }
0x9f: {  	s4 =	ssub.s32 $0x0, s20;
	[sflag:s22] =	ssyncset.done $0x0  }
0xa0: {  	[sflag:s22] =	ssyncadd.s32 s4;
	_ =	sdelay $0x1  }
0xa1: {  	s23 =	simm.s32 $0x1B8B  }
0xa2: {  	_ =	swait.ge [sflag:s23], $0x1  }
0xa3: {  	[sflag:s23] =	ssyncset.done $0x0  }
0xa4: {  	s25 =	simm.s32 $0x1B8E;
	s24 =	sld [smem:$0x3FFE];
	[sflag:s23] =	ssyncadd.s32 $0xFFFFFFFF  }
0xa5: {  	s26 =	simm.s32 $execute0_lowered;
	[smem:$0x3FD2] =	sst s25  }
0xa6: {  	s5 =	sshll.u32 s26, $0x1;
	_ =	strace $0x80000049;
	[dreg:$0x1] =	wrdreg $0xFFFFFFFF  }
0xa7: {  	s28 =	simm.s32 $_size_execute0_lowered;
	s3 =	sadd.s32 s3, s5;
	[dreg:$0x0] =	wrdreg $0x0  }
0xa8: {  	s5 =	sshll.u32 s28, $0x1;
	[dreg:$0x2] =	wrdreg s3  }
0xa9: {  	[dreg:$0x3] =	wrdreg s5  }
0xaa: {  	[dreg:$0x4] =	wrdreg $0xC0  }
0xab: {  	_ =	task [dreg:s7], $0x5FFFF  }
0xac: {  	[dreg:$0x1] =	wrdreg $0xFFFFFFFF  }
0xad: {  	[dreg:$0x0] =	wrdreg $0x60  }
0xae: {  	[dreg:$0x2] =	wrdreg s2  }
0xaf: {  	[dreg:$0x3] =	wrdreg s24  }
0xb0: {  	[dreg:$0x4] =	wrdreg $0x94000  }
0xb1: {  	[dreg:$0x5] =	wrdreg $0x9  }
0xb2: {  	_ =	task.clear_ibuf [dreg:s7], $0x6FFFF;
	_ =	strace $0x90000049  }
0xb3: {  	s29 =	simm.s32 $0x9;
	_ =	strace $0x8000004B  }
0xb4: {  	_ =	swait.ge [sflag:s29], $0x1  }
0xb5: {  	[sflag:s29] =	ssyncadd.s32 $0xFFFFFFFF  }
0xb6: {  	_ =	strace $0x9000004B  }
0xb7: {  	_ =	sfence  }
0xb8: {  	s30 =	sld [smem:$0x0];
	_ =	sdelay $0x2  }
0xb9: {  	s31 =	sshll.u32 s1, $0xD;
	s1 =	sshrl.u32 s1, $0x2  }
0xba: {  	s3 =	sand.u32 $0x4000, s31;
	s1 =	sadd.s32 s1, s30  }
0xbb: {  	s0 =	sor.u32 s3, s0;
	s1 =	sshll.u32 s1, $0x11  }
0xbc: {  	s0 =	sor.u32 s1, s0  }
0xbd: {  	s0 =	sadd.s32 $0x8F2B, s0  }
0xbe: {  	[sflag:s0] =	ssyncadd.remote.s32 $0x1  }
0xbf: {  	_ =	sfence.sel $0xFFFF  }
0xc0: {  	[dreg:$0x0] =	wrdreg $0xFFFFFFFF;
	(pc) =	sbr.abs _section_cstart, $3  }
0xc1: {  	[dreg:$0x1] =	wrdreg $0xFFFFFFFF  }
0xc2: {  	_ =	task.clear_ibuf [dreg:s7], $0x2FFFF;
	_ =	strace $0x9FFFFFFF  }
0xc3: {  	(tm) =	ssettm $0x7FFFFFFF  }
tec
execute0_lowered:
.L_overlay_start_1:
0x0: {  	(tag) =	ssettag $0x1  }
0x1: {  	s1 =	rddreg [dreg:$0x0]  }
0x2: {  	s0 =	rddreg [dreg:$0x1]  }
0x3: {  	s2 =	rddreg [dreg:$0x2]  }
0x4: {  	s3 =	simm.s32 $0x0;
	s4 =	srdreg.scid;
	s15 =	stileid.u32  }
0x5: {  	s19 =	simm.s32 $0x6;
	s28 =	simm.s32 $0x4;
	s29 =	simm.s32 $0x3  }
0x6: {  	s30 =	simm.s32 $0x5;
	s31 =	simm.s32 $0x0;
	[smem:$0x7FF] =	sst s3  }
0x7: {  	s6 =	sand.u32 $0x1, s4;
	s4 =	sadd.s32 $0xB600, s0;
	s5 =	sadd.s32 $0x1800, s0  }
0x8: {  	s8 =	sadd.s32 $0x15600, s0;
	s20 =	sadd.s32 $0x15400, s0;
	s22 =	smul.u32 $0x4E000, s15  }
0x9: {  	s12 =	smul.u32 $0x2700, s15;
	s25 =	sshll.u32 s15, $0xA;
	s26 =	sshll.u32 s15, $0x6  }
0xa: {  	_ =	strace $0x8000004A;
	s7 =	smul.u32 $0x27100, s6;
	[dreg:$0x4] =	wrdreg s8  }
0xb: {  	[dreg:$0x5] =	wrdreg s20;
	s8 =	sadd.s32 $0x15800, s0;
	s21 =	ssub.s32 $0x2, s6  }
0xc: {  	s10 =	sshll.u32 s6, $0x4;
	s17 =	sor.u32 $0x1C06, s26;
	s26 =	simm.s32 $0x2  }
0xd: {  	s9 =	sshrl.u32 s21, $0x1;
	s11 =	sor.u32 s15, s10;
	s10 =	sshrl.u32 s22, $0x2  }
0xe: {  	s22 =	simm.s32 $0x80;
	s0 =	sadd.s32 s7, s0;
	s7 =	ssub.s32 s21, s9  }
0xf: {  	p0 =	slt.u32 s11, $0x18;
	s9 =	simm.s32 $0xA;
	s14 =	sshll.u32 s11, $0x7  }
0x10: {  	s13 =	sadd.s32 s10, s2;
	s10 =	sadd.s32 s1, s12;
	s16 =	sadd.s32 s4, s14  }
0x11: {  	s21 =	simm.s32 $0x1;
	s23 =	sadd.s32 s5, s14;
	[dreg:$0x7] =	wrdreg s16  }
0x12: {  	s9 =	simm.s32 @!p0 $0x9;
	s24 =	sor.u32 $0x9000, s14;
	[dreg:$0x8] =	wrdreg s23  }
0x13: {  	p0 =	seq.s32 s6, $0x1;
	s14 =	sadd.s32 $0x9200, s14;
	[dreg:$0x9] =	wrdreg s24  }
0x14: {  	s6 =	sshll.u32 s6, $0xE;
	s7 =	smax.u32 s7, $0x1;
	[dreg:$0xa] =	wrdreg s14  }
0x15: {  	s0 =	sadd.s32 $0x18000, s0;
	s18 =	sshrl.u32 s13, $0x3;
	[dreg:$0xb] =	wrdreg s7  }
0x16: {  	s6 =	sor.u32 s25, s6;
	s10 =	smov.u32 @p0 s8;
	p0 =	sgt.u32 s11, $0x3  }
0x17: {  	s23 =	simm.s32 $0x1000;
	s0 =	sadd.s32 s12, s0;
	[dreg:$0x6] =	wrdreg s10  }
0x18: {  	s25 =	simm.s32 $0x5000;
	s7 =	sor.u32 $0x8000, s6;
	[dreg:$0xc] =	wrdreg s0  }
.LBB2_1:
0x19: {  	s0 =	rddreg [dreg:$0x6]  }
0x1a: {  	[spmem:s18], [sflag:s17] =	dma.local [hbm:s0], $0x2800  }
0x1b: {  	_ =	swait.ge [sflag:s19], $0x2800  }
0x1c: {  	[sflag:s19] =	ssyncset.done $0x0  }
0x1d: {  	[sflag:s19] =	ssyncadd.s32 $0xFFFFD800  }
0x1e: {  	[bflag:$0x0] =	sbarrier.arrive $0xFFFF  }
0x1f: {  	s20 =	rddreg [dreg:$0x7]  }
0x20: {  	[tilespmem:s3], [sflag:$0x1] =	stream.linear.gather [hbm4b:s20+s3], $0x400, $0x38;
	[tilespmem:$0x1CC80] =	vst v63  }
0x21: {  	s6 =	simm.s32 $0x800;
	s24 =	rddreg [dreg:$0x8]  }
0x22: {  	[tilespmem:s6], [sflag:$0x1] =	stream.linear.gather [hbm4b:s24+s3], $0x400, $0x38;
	[tilespmem:$0x1CC80] =	vst v63  }
0x23: {  	_ =	swait.ge [sflag:s21], $0x400  }
0x24: {  	p3 =	sne.s32 s9, $0x1;
	[sflag:s21] =	ssyncset.done $0x0  }
.Ltmp0:
0x25: {  	[sflag:s21] =	ssyncadd.s32 $0xFFFFFC00;
	(pc) =	sbr.rel @!p3 .LBB2_2-.Ltmp0, $4  }
0x26: {  	_ =	swait.ge [sflag:s21], $0x400  }
0x27: {  	p1 =	sle.u32 s9, $0x1;
	p2 =	por $0x0, $0x0;
	[sflag:s21] =	ssyncset.done $0x0  }
0x28: {  	s0 =	simm.s32 $0x1;
	s6 =	sand.u32 $0x1, s3;
	[sflag:s21] =	ssyncadd.s32 $0xFFFFFC00  }
0x29: {  	[tilespmem:s23], [sflag:$0x2] =	stream.indirect.gather [hbm4b:s1+s22], $0x80, s3, s22, $0xb8;
	[tilespmem:$0x1CC80] =	vst v63  }
0x2a: {  	s8 =	sshll.u32 @!p1 s6, $0xA;
	s11 =	sshrl.u32 @!p1 s7, $0x3  }
0x2b: {  	s16 =	simm.s32 @!p1 $0x0;
	s12 =	sxor.u32 @!p1 $0x400, s8;
	s13 =	sadd.s32 @!p1 s4, s11  }
0x2c: {  	[tilespmem:s12], [sflag:$0x1] =	stream.linear.gather @!p1 [hbm4b:s13+s16], $0x400, $0x38;
	[tilespmem:$0x1CC80] =	vst v63  }
0x2d: {  	p2 =	por $0x1, $0x1;
	s8 =	sxor.u32 @!p1 $0xC00, s8;
	s11 =	sadd.s32 @!p1 s5, s11  }
0x2e: {  	[tilespmem:s8], [sflag:$0x1] =	stream.linear.gather @!p1 [hbm4b:s11+s16], $0x400, $0x38;
	[tilespmem:$0x1CC80] =	vst v63  }
0x2f: {  	s8 =	simm.s32 @!p2 $0x5  }
0x30: {  	_ =	swait.ge @!p2 [sflag:s8], $0x4000  }
0x31: {  	s6 =	sshll.u32 s6, $0xA;
	[sflag:s8] =	ssyncset.done @!p2 $0x0  }
0x32: {  	s13 =	sor.u32 $0x80, s6;
	[sflag:s8] =	ssyncadd.s32 @!p2 $0xFFFFC000  }
0x33: {  	[tilespmem:s25], [sflag:$0x3] =	stream.indirect.gather [hbm4b:s1+s22], $0x80, s13, s22, $0xb8;
	[tilespmem:$0x1CC80] =	vst v63  }
0x34: {  	_ =	swait.ge [sflag:s26], $0x4000  }
0x35: {  	[sflag:s26] =	ssyncset.done $0x0  }
0x36: {  	s14 =	sor.u32 $0x800, s6;
	[sflag:s26] =	ssyncadd.s32 $0xFFFFC000  }
0x37: {  	[spmem:s2] =	stream.indirect.scatter.add.f32 [tilespmem:s23], [sflag:$0x4], $0x80, s14, s22, $0xb8;
	[tilespmem:$0x1CC80] =	vst v63  }
0x38: {  	_ =	swait.ge [sflag:s28], $0x4000  }
0x39: {  	[sflag:s28] =	ssyncset.done $0x0  }
0x3a: {  	s15 =	sor.u32 $0x100, s6;
	[sflag:s28] =	ssyncadd.s32 $0xFFFFC000  }
0x3b: {  	[tilespmem:s23], [sflag:$0x2] =	stream.indirect.gather [hbm4b:s1+s22], $0x80, s15, s22, $0xb8;
	[tilespmem:$0x1CC80] =	vst v63  }
0x3c: {  	_ =	swait.ge [sflag:s29], $0x4000  }
0x3d: {  	[sflag:s29] =	ssyncset.done $0x0  }
0x3e: {  	s16 =	sor.u32 $0x880, s6;
	[sflag:s29] =	ssyncadd.s32 $0xFFFFC000  }
0x3f: {  	[spmem:s2] =	stream.indirect.scatter.add.f32 [tilespmem:s25], [sflag:$0x5], $0x80, s16, s22, $0xb8;
	[tilespmem:$0x1CC80] =	vst v63  }
0x40: {  	_ =	swait.ge [sflag:s30], $0x4000  }
0x41: {  	[sflag:s30] =	ssyncset.done $0x0  }
0x42: {  	s20 =	sor.u32 $0x180, s6;
	[sflag:s30] =	ssyncadd.s32 $0xFFFFC000  }
0x43: {  	[tilespmem:s25], [sflag:$0x3] =	stream.indirect.gather [hbm4b:s1+s22], $0x80, s20, s22, $0xb8;
	[tilespmem:$0x1CC80] =	vst v63  }
0x44: {  	_ =	swait.ge [sflag:s26], $0x4000  }
0x45: {  	[sflag:s26] =	ssyncset.done $0x0  }
0x46: {  	s24 =	sor.u32 $0x900, s6;
	[sflag:s26] =	ssyncadd.s32 $0xFFFFC000  }
0x47: {  	[spmem:s2] =	stream.indirect.scatter.add.f32 [tilespmem:s23], [sflag:$0x4], $0x80, s24, s22, $0xb8;
	[tilespmem:$0x1CC80] =	vst v63  }
0x48: {  	_ =	swait.ge [sflag:s28], $0x4000  }
0x49: {  	[sflag:s28] =	ssyncset.done $0x0  }
0x4a: {  	s10 =	sor.u32 $0x200, s6;
	[sflag:s28] =	ssyncadd.s32 $0xFFFFC000  }
0x4b: {  	[tilespmem:s23], [sflag:$0x2] =	stream.indirect.gather [hbm4b:s1+s22], $0x80, s10, s22, $0xb8;
	[tilespmem:$0x1CC80] =	vst v63  }
0x4c: {  	_ =	swait.ge [sflag:s29], $0x4000  }
0x4d: {  	[sflag:s29] =	ssyncset.done $0x0  }
0x4e: {  	s11 =	sor.u32 $0x980, s6;
	[sflag:s29] =	ssyncadd.s32 $0xFFFFC000  }
0x4f: {  	[spmem:s2] =	stream.indirect.scatter.add.f32 [tilespmem:s25], [sflag:$0x5], $0x80, s11, s22, $0xb8;
	[tilespmem:$0x1CC80] =	vst v63  }
0x50: {  	_ =	swait.ge [sflag:s30], $0x4000  }
0x51: {  	[sflag:s30] =	ssyncset.done $0x0  }
0x52: {  	s12 =	sor.u32 $0x280, s6;
	[sflag:s30] =	ssyncadd.s32 $0xFFFFC000  }
0x53: {  	[tilespmem:s25], [sflag:$0x3] =	stream.indirect.gather [hbm4b:s1+s22], $0x80, s12, s22, $0xb8;
	[tilespmem:$0x1CC80] =	vst v63  }
0x54: {  	_ =	swait.ge [sflag:s26], $0x4000  }
0x55: {  	[sflag:s26] =	ssyncset.done $0x0  }
0x56: {  	s13 =	sor.u32 $0xA00, s6;
	[sflag:s26] =	ssyncadd.s32 $0xFFFFC000  }
0x57: {  	[spmem:s2] =	stream.indirect.scatter.add.f32 [tilespmem:s23], [sflag:$0x4], $0x80, s13, s22, $0xb8;
	[tilespmem:$0x1CC80] =	vst v63  }
0x58: {  	_ =	swait.ge [sflag:s28], $0x4000  }
0x59: {  	[sflag:s28] =	ssyncset.done $0x0  }
0x5a: {  	s14 =	sor.u32 $0x300, s6;
	[sflag:s28] =	ssyncadd.s32 $0xFFFFC000  }
0x5b: {  	[tilespmem:s23], [sflag:$0x2] =	stream.indirect.gather [hbm4b:s1+s22], $0x80, s14, s22, $0xb8;
	[tilespmem:$0x1CC80] =	vst v63  }
0x5c: {  	_ =	swait.ge [sflag:s29], $0x4000  }
0x5d: {  	[sflag:s29] =	ssyncset.done $0x0  }
0x5e: {  	s15 =	sor.u32 $0xA80, s6;
	[sflag:s29] =	ssyncadd.s32 $0xFFFFC000  }
0x5f: {  	[spmem:s2] =	stream.indirect.scatter.add.f32 [tilespmem:s25], [sflag:$0x5], $0x80, s15, s22, $0xb8;
	[tilespmem:$0x1CC80] =	vst v63  }
0x60: {  	_ =	swait.ge [sflag:s30], $0x4000  }
0x61: {  	[sflag:s30] =	ssyncset.done $0x0  }
0x62: {  	s16 =	sor.u32 $0x380, s6;
	[sflag:s30] =	ssyncadd.s32 $0xFFFFC000  }
0x63: {  	[tilespmem:s25], [sflag:$0x3] =	stream.indirect.gather [hbm4b:s1+s22], $0x80, s16, s22, $0xb8;
	[tilespmem:$0x1CC80] =	vst v63  }
0x64: {  	_ =	swait.ge [sflag:s26], $0x4000  }
0x65: {  	[sflag:s26] =	ssyncset.done $0x0  }
0x66: {  	s20 =	sor.u32 $0xB00, s6;
	[sflag:s26] =	ssyncadd.s32 $0xFFFFC000  }
0x67: {  	[spmem:s2] =	stream.indirect.scatter.add.f32 [tilespmem:s23], [sflag:$0x4], $0x80, s20, s22, $0xb8;
	[tilespmem:$0x1CC80] =	vst v63  }
0x68: {  	_ =	swait.ge [sflag:s28], $0x4000  }
0x69: {  	[sflag:s28] =	ssyncset.done $0x0  }
0x6a: {  	p3 =	por p1, p1;
	[sflag:s28] =	ssyncadd.s32 $0xFFFFC000  }
0x6b: {  	p4 =	sne.s32 s9, $0x2;
	p1 =	sle.u32 s9, $0x2;
	_ =	swait.ge [sflag:s29], $0x4000  }
0x6c: {  	s8 =	simm.s32 @!p3 $0x1;
	p2 =	por $0x1, $0x1;
	[sflag:s29] =	ssyncset.done $0x0  }
.Ltmp1:
0x6d: {  	s24 =	sor.u32 $0xB80, s6;
	[sflag:s29] =	ssyncadd.s32 $0xFFFFC000;
	(pc) =	sbr.rel @!p4 .LBB2_5-.Ltmp1, $4  }
0x6e: {  	[spmem:s2] =	stream.indirect.scatter.add.f32 [tilespmem:s25], [sflag:$0x5], $0x80, s24, s22, $0xb8;
	[tilespmem:$0x1CC80] =	vst v63  }
0x6f: {  	s11 =	simm.s32 @!p3 $0x1000;
	s12 =	ssub.s32 @!p3 $0x400, s6;
	_ =	swait.ge @!p3 [sflag:s8], $0x400  }
0x70: {  	s6 =	sand.u32 $0x1, s0;
	s13 =	simm.s32 @!p3 $0x80;
	[sflag:s8] =	ssyncset.done @!p3 $0x0  }
0x71: {  	s16 =	sadd.s32 $0x8000, s7;
	s20 =	simm.s32 $0x2;
	[sflag:s8] =	ssyncadd.s32 @!p3 $0xFFFFFC00  }
.LBB2_4:
0x72: {  	s14 =	sshll.u32 @!p1 s6, $0xA;
	s15 =	sshrl.u32 @!p1 s16, $0x3;
	_ =	swait.ge @!p3 [sflag:s8], $0x400  }
0x73: {  	s24 =	sxor.u32 @!p1 $0x400, s14;
	s10 =	sadd.s32 @!p1 s4, s15;
	[sflag:s8] =	ssyncset.done @!p3 $0x0  }
0x74: {  	s14 =	sxor.u32 @!p1 $0xC00, s14;
	s15 =	sadd.s32 @!p1 s5, s15;
	[sflag:s8] =	ssyncadd.s32 @!p3 $0xFFFFFC00  }
0x75: {  	[tilespmem:s11], [sflag:$0x2] =	stream.indirect.gather @!p3 [hbm4b:s1+s13], $0x80, s12, s13, $0xb8;
	[tilespmem:$0x1CC80] =	vst v63  }
0x76: {  	s8 =	simm.s32 @!p1 $0x0;
	s11 =	smov.u32 s20;
	s20 =	sadd.s32 $0x1, s20  }
0x77: {  	[tilespmem:s24], [sflag:$0x1] =	stream.linear.gather @!p1 [hbm4b:s10+s8], $0x400, $0x38;
	[tilespmem:$0x1CC80] =	vst v63  }
0x78: {  	p5 =	seq.s32 s0, $0x0;
	s6 =	sshll.u32 s6, $0xA;
	p4 =	sne.s32 s9, s20  }
0x79: {  	[tilespmem:s14], [sflag:$0x1] =	stream.linear.gather @!p1 [hbm4b:s15+s8], $0x400, $0x38;
	[tilespmem:$0x1CC80] =	vst v63  }
0x7a: {  	s0 =	smov.u32 s11;
	s10 =	sor.u32 $0x80, s6;
	s8 =	simm.s32 @!p5 $0x5  }
0x7b: {  	p3 =	por p1, p1;
	_ =	swait.ge @!p5 [sflag:s8], $0x4000  }
0x7c: {  	[sflag:s8] =	ssyncset.done @!p5 $0x0  }
0x7d: {  	[sflag:s8] =	ssyncadd.s32 @!p5 $0xFFFFC000  }
0x7e: {  	[tilespmem:s25], [sflag:$0x3] =	stream.indirect.gather [hbm4b:s1+s22], $0x80, s10, s22, $0xb8;
	[tilespmem:$0x1CC80] =	vst v63  }
0x7f: {  	s8 =	sor.u32 $0x800, s6;
	_ =	swait.ge [sflag:s26], $0x4000  }
0x80: {  	[sflag:s26] =	ssyncset.done $0x0  }
0x81: {  	[sflag:s26] =	ssyncadd.s32 $0xFFFFC000  }
0x82: {  	[spmem:s2] =	stream.indirect.scatter.add.f32 [tilespmem:s23], [sflag:$0x4], $0x80, s8, s22, $0xb8;
	[tilespmem:$0x1CC80] =	vst v63  }
0x83: {  	s8 =	sor.u32 $0x100, s6;
	_ =	swait.ge [sflag:s28], $0x4000  }
0x84: {  	[sflag:s28] =	ssyncset.done $0x0  }
0x85: {  	[sflag:s28] =	ssyncadd.s32 $0xFFFFC000  }
0x86: {  	[tilespmem:s23], [sflag:$0x2] =	stream.indirect.gather [hbm4b:s1+s22], $0x80, s8, s22, $0xb8;
	[tilespmem:$0x1CC80] =	vst v63  }
0x87: {  	_ =	swait.ge [sflag:s29], $0x4000  }
0x88: {  	[sflag:s29] =	ssyncset.done $0x0  }
0x89: {  	s8 =	sor.u32 $0x880, s6;
	[sflag:s29] =	ssyncadd.s32 $0xFFFFC000  }
0x8a: {  	[spmem:s2] =	stream.indirect.scatter.add.f32 [tilespmem:s25], [sflag:$0x5], $0x80, s8, s22, $0xb8;
	[tilespmem:$0x1CC80] =	vst v63  }
0x8b: {  	_ =	swait.ge [sflag:s30], $0x4000  }
0x8c: {  	[sflag:s30] =	ssyncset.done $0x0  }
0x8d: {  	s8 =	sor.u32 $0x180, s6;
	[sflag:s30] =	ssyncadd.s32 $0xFFFFC000  }
0x8e: {  	[tilespmem:s25], [sflag:$0x3] =	stream.indirect.gather [hbm4b:s1+s22], $0x80, s8, s22, $0xb8;
	[tilespmem:$0x1CC80] =	vst v63  }
0x8f: {  	_ =	swait.ge [sflag:s26], $0x4000  }
0x90: {  	[sflag:s26] =	ssyncset.done $0x0  }
0x91: {  	s8 =	sor.u32 $0x900, s6;
	[sflag:s26] =	ssyncadd.s32 $0xFFFFC000  }
0x92: {  	[spmem:s2] =	stream.indirect.scatter.add.f32 [tilespmem:s23], [sflag:$0x4], $0x80, s8, s22, $0xb8;
	[tilespmem:$0x1CC80] =	vst v63  }
0x93: {  	_ =	swait.ge [sflag:s28], $0x4000  }
0x94: {  	[sflag:s28] =	ssyncset.done $0x0  }
0x95: {  	s8 =	sor.u32 $0x200, s6;
	[sflag:s28] =	ssyncadd.s32 $0xFFFFC000  }
0x96: {  	[tilespmem:s23], [sflag:$0x2] =	stream.indirect.gather [hbm4b:s1+s22], $0x80, s8, s22, $0xb8;
	[tilespmem:$0x1CC80] =	vst v63  }
0x97: {  	_ =	swait.ge [sflag:s29], $0x4000  }
0x98: {  	[sflag:s29] =	ssyncset.done $0x0  }
0x99: {  	s8 =	sor.u32 $0x980, s6;
	[sflag:s29] =	ssyncadd.s32 $0xFFFFC000  }
0x9a: {  	[spmem:s2] =	stream.indirect.scatter.add.f32 [tilespmem:s25], [sflag:$0x5], $0x80, s8, s22, $0xb8;
	[tilespmem:$0x1CC80] =	vst v63  }
0x9b: {  	_ =	swait.ge [sflag:s30], $0x4000  }
0x9c: {  	[sflag:s30] =	ssyncset.done $0x0  }
0x9d: {  	s8 =	sor.u32 $0x280, s6;
	[sflag:s30] =	ssyncadd.s32 $0xFFFFC000  }
0x9e: {  	[tilespmem:s25], [sflag:$0x3] =	stream.indirect.gather [hbm4b:s1+s22], $0x80, s8, s22, $0xb8;
	[tilespmem:$0x1CC80] =	vst v63  }
0x9f: {  	_ =	swait.ge [sflag:s26], $0x4000  }
0xa0: {  	[sflag:s26] =	ssyncset.done $0x0  }
0xa1: {  	s8 =	sor.u32 $0xA00, s6;
	[sflag:s26] =	ssyncadd.s32 $0xFFFFC000  }
0xa2: {  	[spmem:s2] =	stream.indirect.scatter.add.f32 [tilespmem:s23], [sflag:$0x4], $0x80, s8, s22, $0xb8;
	[tilespmem:$0x1CC80] =	vst v63  }
0xa3: {  	s8 =	sor.u32 $0x300, s6;
	_ =	swait.ge [sflag:s28], $0x4000  }
0xa4: {  	[sflag:s28] =	ssyncset.done $0x0  }
0xa5: {  	[sflag:s28] =	ssyncadd.s32 $0xFFFFC000  }
0xa6: {  	[tilespmem:s23], [sflag:$0x2] =	stream.indirect.gather [hbm4b:s1+s22], $0x80, s8, s22, $0xb8;
	[tilespmem:$0x1CC80] =	vst v63  }
0xa7: {  	_ =	swait.ge [sflag:s29], $0x4000  }
0xa8: {  	[sflag:s29] =	ssyncset.done $0x0  }
0xa9: {  	s8 =	sor.u32 $0xA80, s6;
	[sflag:s29] =	ssyncadd.s32 $0xFFFFC000  }
0xaa: {  	[spmem:s2] =	stream.indirect.scatter.add.f32 [tilespmem:s25], [sflag:$0x5], $0x80, s8, s22, $0xb8;
	[tilespmem:$0x1CC80] =	vst v63  }
0xab: {  	s8 =	sor.u32 $0x380, s6;
	_ =	swait.ge [sflag:s30], $0x4000  }
0xac: {  	[sflag:s30] =	ssyncset.done $0x0  }
0xad: {  	[sflag:s30] =	ssyncadd.s32 $0xFFFFC000  }
0xae: {  	[tilespmem:s25], [sflag:$0x3] =	stream.indirect.gather [hbm4b:s1+s22], $0x80, s8, s22, $0xb8;
	[tilespmem:$0x1CC80] =	vst v63  }
0xaf: {  	s8 =	sor.u32 $0xB00, s6;
	_ =	swait.ge [sflag:s26], $0x4000  }
0xb0: {  	[sflag:s26] =	ssyncset.done $0x0  }
0xb1: {  	[sflag:s26] =	ssyncadd.s32 $0xFFFFC000  }
0xb2: {  	[spmem:s2] =	stream.indirect.scatter.add.f32 [tilespmem:s23], [sflag:$0x4], $0x80, s8, s22, $0xb8;
	[tilespmem:$0x1CC80] =	vst v63  }
0xb3: {  	_ =	swait.ge [sflag:s28], $0x4000  }
0xb4: {  	[sflag:s28] =	ssyncset.done $0x0  }
0xb5: {  	s10 =	sor.u32 $0xB80, s6;
	s8 =	simm.s32 @!p3 $0x1;
	[sflag:s28] =	ssyncadd.s32 $0xFFFFC000  }
0xb6: {  	_ =	swait.ge [sflag:s29], $0x4000  }
0xb7: {  	[sflag:s29] =	ssyncset.done $0x0  }
.Ltmp2:
0xb8: {  	[sflag:s29] =	ssyncadd.s32 $0xFFFFC000;
	(pc) =	sbr.rel @p4 .LBB2_4-.Ltmp2, $4  }
0xb9: {  	[spmem:s2] =	stream.indirect.scatter.add.f32 [tilespmem:s25], [sflag:$0x5], $0x80, s10, s22, $0xb8;
	[tilespmem:$0x1CC80] =	vst v63  }
0xba: {  	s16 =	sadd.s32 $0x8000, s16;
	s11 =	simm.s32 @!p3 $0x1000;
	_ =	swait.ge @!p3 [sflag:s8], $0x400  }
0xbb: {  	s12 =	ssub.s32 @!p3 $0x400, s6;
	s13 =	simm.s32 @!p3 $0x80;
	[sflag:s8] =	ssyncset.done @!p3 $0x0  }
0xbc: {  	p1 =	sge.u32 s20, s9;
	s6 =	sand.u32 $0x1, s0;
	[sflag:s8] =	ssyncadd.s32 @!p3 $0xFFFFFC00  }
.LBB2_5:
0xbd: {  	p2 =	por p3, !p2  }
0xbe: {  	_ =	swait.ge @!p2 [sflag:s8], $0x400  }
0xbf: {  	[sflag:s8] =	ssyncset.done @!p2 $0x0  }
0xc0: {  	s10 =	sshrl.u32 @!p1 s16, $0x3;
	[sflag:s8] =	ssyncadd.s32 @!p2 $0xFFFFFC00;
	s8 =	sshll.u32 @!p1 s6, $0xA  }
0xc1: {  	[tilespmem:s11], [sflag:$0x2] =	stream.indirect.gather @!p2 [hbm4b:s1+s13], $0x80, s12, s13, $0xb8;
	[tilespmem:$0x1CC80] =	vst v63  }
0xc2: {  	s11 =	sxor.u32 @!p1 $0x400, s8;
	s12 =	sadd.s32 @!p1 s4, s10;
	s13 =	simm.s32 @!p1 $0x0  }
0xc3: {  	[tilespmem:s11], [sflag:$0x1] =	stream.linear.gather @!p1 [hbm4b:s12+s13], $0x400, $0x38;
	[tilespmem:$0x1CC80] =	vst v63  }
0xc4: {  	p2 =	seq.s32 s0, $0x0;
	s0 =	sxor.u32 @!p1 $0xC00, s8;
	s8 =	sadd.s32 @!p1 s5, s10  }
0xc5: {  	[tilespmem:s0], [sflag:$0x1] =	stream.linear.gather @!p1 [hbm4b:s8+s13], $0x400, $0x38;
	[tilespmem:$0x1CC80] =	vst v63  }
0xc6: {  	s8 =	simm.s32 @!p2 $0x5  }
0xc7: {  	_ =	swait.ge @!p2 [sflag:s8], $0x4000  }
0xc8: {  	s0 =	sshll.u32 s6, $0xA;
	[sflag:s8] =	ssyncset.done @!p2 $0x0  }
0xc9: {  	s6 =	sor.u32 $0x80, s0;
	[sflag:s8] =	ssyncadd.s32 @!p2 $0xFFFFC000  }
0xca: {  	[tilespmem:s25], [sflag:$0x3] =	stream.indirect.gather [hbm4b:s1+s22], $0x80, s6, s22, $0xb8;
	[tilespmem:$0x1CC80] =	vst v63  }
0xcb: {  	_ =	swait.ge [sflag:s26], $0x4000  }
0xcc: {  	[sflag:s26] =	ssyncset.done $0x0  }
0xcd: {  	s13 =	sor.u32 $0x800, s0;
	[sflag:s26] =	ssyncadd.s32 $0xFFFFC000  }
0xce: {  	[spmem:s2] =	stream.indirect.scatter.add.f32 [tilespmem:s23], [sflag:$0x4], $0x80, s13, s22, $0xb8;
	[tilespmem:$0x1CC80] =	vst v63  }
0xcf: {  	_ =	swait.ge [sflag:s28], $0x4000  }
0xd0: {  	[sflag:s28] =	ssyncset.done $0x0  }
0xd1: {  	s14 =	sor.u32 $0x100, s0;
	[sflag:s28] =	ssyncadd.s32 $0xFFFFC000  }
0xd2: {  	[tilespmem:s23], [sflag:$0x2] =	stream.indirect.gather [hbm4b:s1+s22], $0x80, s14, s22, $0xb8;
	[tilespmem:$0x1CC80] =	vst v63  }
0xd3: {  	_ =	swait.ge [sflag:s29], $0x4000  }
0xd4: {  	[sflag:s29] =	ssyncset.done $0x0  }
0xd5: {  	s15 =	sor.u32 $0x880, s0;
	[sflag:s29] =	ssyncadd.s32 $0xFFFFC000  }
0xd6: {  	[spmem:s2] =	stream.indirect.scatter.add.f32 [tilespmem:s25], [sflag:$0x5], $0x80, s15, s22, $0xb8;
	[tilespmem:$0x1CC80] =	vst v63  }
0xd7: {  	_ =	swait.ge [sflag:s30], $0x4000  }
0xd8: {  	[sflag:s30] =	ssyncset.done $0x0  }
0xd9: {  	s16 =	sor.u32 $0x180, s0;
	[sflag:s30] =	ssyncadd.s32 $0xFFFFC000  }
0xda: {  	[tilespmem:s25], [sflag:$0x3] =	stream.indirect.gather [hbm4b:s1+s22], $0x80, s16, s22, $0xb8;
	[tilespmem:$0x1CC80] =	vst v63  }
0xdb: {  	_ =	swait.ge [sflag:s26], $0x4000  }
0xdc: {  	[sflag:s26] =	ssyncset.done $0x0  }
0xdd: {  	s20 =	sor.u32 $0x900, s0;
	[sflag:s26] =	ssyncadd.s32 $0xFFFFC000  }
0xde: {  	[spmem:s2] =	stream.indirect.scatter.add.f32 [tilespmem:s23], [sflag:$0x4], $0x80, s20, s22, $0xb8;
	[tilespmem:$0x1CC80] =	vst v63  }
0xdf: {  	_ =	swait.ge [sflag:s28], $0x4000  }
0xe0: {  	[sflag:s28] =	ssyncset.done $0x0  }
0xe1: {  	s24 =	sor.u32 $0x200, s0;
	[sflag:s28] =	ssyncadd.s32 $0xFFFFC000  }
0xe2: {  	[tilespmem:s23], [sflag:$0x2] =	stream.indirect.gather [hbm4b:s1+s22], $0x80, s24, s22, $0xb8;
	[tilespmem:$0x1CC80] =	vst v63  }
0xe3: {  	_ =	swait.ge [sflag:s29], $0x4000  }
0xe4: {  	[sflag:s29] =	ssyncset.done $0x0  }
0xe5: {  	s8 =	sor.u32 $0x980, s0;
	[sflag:s29] =	ssyncadd.s32 $0xFFFFC000  }
0xe6: {  	[spmem:s2] =	stream.indirect.scatter.add.f32 [tilespmem:s25], [sflag:$0x5], $0x80, s8, s22, $0xb8;
	[tilespmem:$0x1CC80] =	vst v63  }
0xe7: {  	_ =	swait.ge [sflag:s30], $0x4000  }
0xe8: {  	[sflag:s30] =	ssyncset.done $0x0  }
0xe9: {  	s10 =	sor.u32 $0x280, s0;
	[sflag:s30] =	ssyncadd.s32 $0xFFFFC000  }
0xea: {  	[tilespmem:s25], [sflag:$0x3] =	stream.indirect.gather [hbm4b:s1+s22], $0x80, s10, s22, $0xb8;
	[tilespmem:$0x1CC80] =	vst v63  }
0xeb: {  	_ =	swait.ge [sflag:s26], $0x4000  }
0xec: {  	[sflag:s26] =	ssyncset.done $0x0  }
0xed: {  	s11 =	sor.u32 $0xA00, s0;
	[sflag:s26] =	ssyncadd.s32 $0xFFFFC000  }
0xee: {  	[spmem:s2] =	stream.indirect.scatter.add.f32 [tilespmem:s23], [sflag:$0x4], $0x80, s11, s22, $0xb8;
	[tilespmem:$0x1CC80] =	vst v63  }
0xef: {  	_ =	swait.ge [sflag:s28], $0x4000  }
0xf0: {  	[sflag:s28] =	ssyncset.done $0x0  }
0xf1: {  	s12 =	sor.u32 $0x300, s0;
	[sflag:s28] =	ssyncadd.s32 $0xFFFFC000  }
0xf2: {  	[tilespmem:s23], [sflag:$0x2] =	stream.indirect.gather [hbm4b:s1+s22], $0x80, s12, s22, $0xb8;
	[tilespmem:$0x1CC80] =	vst v63  }
0xf3: {  	_ =	swait.ge [sflag:s29], $0x4000  }
0xf4: {  	[sflag:s29] =	ssyncset.done $0x0  }
0xf5: {  	s13 =	sor.u32 $0xA80, s0;
	[sflag:s29] =	ssyncadd.s32 $0xFFFFC000  }
0xf6: {  	[spmem:s2] =	stream.indirect.scatter.add.f32 [tilespmem:s25], [sflag:$0x5], $0x80, s13, s22, $0xb8;
	[tilespmem:$0x1CC80] =	vst v63  }
0xf7: {  	_ =	swait.ge [sflag:s30], $0x4000  }
0xf8: {  	[sflag:s30] =	ssyncset.done $0x0  }
0xf9: {  	s14 =	sor.u32 $0x380, s0;
	[sflag:s30] =	ssyncadd.s32 $0xFFFFC000  }
0xfa: {  	[tilespmem:s25], [sflag:$0x3] =	stream.indirect.gather [hbm4b:s1+s22], $0x80, s14, s22, $0xb8;
	[tilespmem:$0x1CC80] =	vst v63  }
0xfb: {  	_ =	swait.ge [sflag:s26], $0x4000  }
0xfc: {  	[sflag:s26] =	ssyncset.done $0x0  }
0xfd: {  	s15 =	sor.u32 $0xB00, s0;
	[sflag:s26] =	ssyncadd.s32 $0xFFFFC000  }
0xfe: {  	[spmem:s2] =	stream.indirect.scatter.add.f32 [tilespmem:s23], [sflag:$0x4], $0x80, s15, s22, $0xb8;
	[tilespmem:$0x1CC80] =	vst v63  }
0xff: {  	_ =	swait.ge [sflag:s28], $0x4000  }
0x100: {  	[sflag:s28] =	ssyncset.done $0x0  }
0x101: {  	[sflag:s28] =	ssyncadd.s32 $0xFFFFC000  }
0x102: {  	_ =	swait.ge [sflag:s29], $0x4000  }
0x103: {  	p1 =	por p1, p1;
	[sflag:s29] =	ssyncset.done $0x0  }
0x104: {  	s16 =	sor.u32 $0xB80, s0;
	s8 =	simm.s32 @!p1 $0x1;
	[sflag:s29] =	ssyncadd.s32 $0xFFFFC000  }
0x105: {  	[spmem:s2] =	stream.indirect.scatter.add.f32 [tilespmem:s25], [sflag:$0x5], $0x80, s16, s22, $0xb8;
	[tilespmem:$0x1CC80] =	vst v63  }
0x106: {  	_ =	swait.ge @!p1 [sflag:s8], $0x400  }
0x107: {  	[sflag:s8] =	ssyncset.done @!p1 $0x0  }
0x108: {  	[sflag:s8] =	ssyncadd.s32 @!p1 $0xFFFFFC00  }
0x109: {  	_ =	swait.ge @!p1 [sflag:s8], $0x400  }
0x10a: {  	s6 =	simm.s32 @!p1 $0x1000;
	[sflag:s8] =	ssyncset.done @!p1 $0x0  }
0x10b: {  	s0 =	ssub.s32 @!p1 $0x400, s0;
	s10 =	simm.s32 @!p1 $0x80;
	[sflag:s8] =	ssyncadd.s32 @!p1 $0xFFFFFC00  }
0x10c: {  	[tilespmem:s6], [sflag:$0x2] =	stream.indirect.gather @!p1 [hbm4b:s1+s10], $0x80, s0, s10, $0xb8;
	[tilespmem:$0x1CC80] =	vst v63  }
0x10d: {  	_ =	swait.ge [sflag:s30], $0x4000  }
0x10e: {  	s0 =	simm.s32 @!p0 $0x0;
	[sflag:s30] =	ssyncset.done $0x0  }
0x10f: {  	s6 =	simm.s32 @!p0 $0x9000;
	s8 =	rddreg [dreg:$0x4];
	[sflag:s30] =	ssyncadd.s32 $0xFFFFC000  }
0x110: {  	[tilespmem:s6], [sflag:$0x6] =	stream.linear.gather @!p0 [hbm4b:s8+s0], $0x200, $0x38;
	[tilespmem:$0x1CC80] =	vst v63  }
0x111: {  	s6 =	simm.s32 @!p0 $0x6  }
0x112: {  	_ =	swait.ge @!p0 [sflag:s6], $0x200  }
0x113: {  	[sflag:s6] =	ssyncset.done @!p0 $0x0  }
0x114: {  	s8 =	simm.s32 @!p0 $0x9200;
	s10 =	rddreg [dreg:$0x5];
	[sflag:s6] =	ssyncadd.s32 @!p0 $0xFFFFFE00  }
0x115: {  	[tilespmem:s8], [sflag:$0x6] =	stream.linear.gather @!p0 [hbm4b:s10+s0], $0x200, $0x38;
	[tilespmem:$0x1CC80] =	vst v63  }
0x116: {  	_ =	swait.ge @!p0 [sflag:s6], $0x200  }
0x117: {  	s0 =	simm.s32 @!p0 $0x80;
	[sflag:s6] =	ssyncset.done @!p0 $0x0  }
0x118: {  	s8 =	simm.s32 @!p0 $0x1000;
	s10 =	rddreg [dreg:$0x9];
	[sflag:s6] =	ssyncadd.s32 @!p0 $0xFFFFFE00  }
0x119: {  	[tilespmem:s8], [sflag:$0x2] =	stream.indirect.gather @!p0 [hbm4b:s1+s0], $0x80, s10, s0, $0xb8;
	[tilespmem:$0x1CC80] =	vst v63  }
0x11a: {  	s10 =	simm.s32 @!p0 $0x2  }
0x11b: {  	_ =	swait.ge @!p0 [sflag:s10], $0x4000  }
0x11c: {  	[sflag:s10] =	ssyncset.done @!p0 $0x0  }
0x11d: {  	[sflag:s10] =	ssyncadd.s32 @!p0 $0xFFFFC000;
	s10 =	rddreg [dreg:$0xa]  }
0x11e: {  	[spmem:s2] =	stream.indirect.scatter.add.f32 @!p0 [tilespmem:s8], [sflag:$0x6], $0x80, s10, s0, $0xb8;
	[tilespmem:$0x1CC80] =	vst v63  }
0x11f: {  	_ =	swait.ge @!p0 [sflag:s6], $0x4000  }
0x120: {  	[sflag:s6] =	ssyncset.done @!p0 $0x0  }
0x121: {  	[sflag:s6] =	ssyncadd.s32 @!p0 $0xFFFFC000  }
0x122: {  	[bflag:$0x0] =	sbarrier.arrive $0xFFFF  }
0x123: {  	s20 =	rddreg [dreg:$0xc]  }
0x124: {  	[hbm:s20], [sflag:s17] =	dma.local [spmem:s18], $0x2800  }
0x125: {  	_ =	swait.ge [sflag:s19], $0x2800  }
0x126: {  	s31 =	sadd.s32 $0x1, s31;
	s24 =	rddreg [dreg:$0xb]  }
0x127: {  	p1 =	sne.s32 s31, s24  }
.Ltmp3:
0x128: {  	_ = 	snop;
	(pc) =	sbr.rel @p1 .LBB2_1-.Ltmp3, $4  }
.Ltmp4:
0x129: {  	_ = 	snop;
	(pc) =	sbr.rel @!p1 .LBB2_6-.Ltmp4, $4  }
0x12a: {  	_ = 	snop  }
0x12b: {  	[sflag:s19] =	ssyncset.done $0x0  }
0x12c: {  	[sflag:s19] =	ssyncadd.s32 $0xFFFFD800  }
0x12d: {  	_ = 	snop  }
.LBB2_2:
.Ltmp5:
0x12e: {  	(pc) =	sbr.rel .LBB2_5-.Ltmp5, $2  }
0x12f: {  	_ =	sdelay $0x2  }
0x130: {  	s16 =	smov.u32 s7;
	s0 =	simm.s32 $0x0  }
.LBB2_6:
0x131: {  	_ =	sfence.sel $0x180000  }
0x132: {  	[bflag:$0x0] =	sbarrier.arrive $0xFFFF  }
0x133: {  	_ =	strace $0x9000004A  }
0x134: {  	s0 =	stileid.u32;
	[bflag:$0x2] =	sbarrier.arrive $0xFFFF  }
0x135: {  	p0 =	sne.s32 s0, $0x0;
	s0 =	rddreg [dreg:$0x3]  }
0x136: {  	s0 =	sadd.s32 @!p0 $0x100000, s0  }
0x137: {  	[sflag:s0] =	ssyncadd.tile.s32 @!p0 $0x1;
	_ =	shalt  }
.Lfunc_end2:
_tile_overlayer_lowered:
.L_overlay_start_2:
0x138: {  	(tag) =	ssettag $0x2  }
0x139: {  	s0 =	rddreg [dreg:$0x0];
	s2 =	stileid.u32  }
0x13a: {  	s1 =	rddreg [dreg:$0x1];
	p0 =	sne.s32 s2, $0x0  }
0x13b: {  	s3 =	rddreg [dreg:$0x2];
	[bflag:$0x3] =	sbarrier.arrive $0xFFFF;
	s2 =	simm.s32 @!p0 $0x1C06  }
0x13c: {  	[timem:s3], [sflag:s2] =	dma.local @!p0 [hbm:s0], s1  }
0x13d: {  	s0 =	simm.s32 @!p0 $0x6  }
0x13e: {  	_ =	swait.ge @!p0 [sflag:s0], s1  }
0x13f: {  	s1 =	ssub.s32 @!p0 $0x0, s1;
	[sflag:s0] =	ssyncset.done @!p0 $0x0  }
0x140: {  	[sflag:s0] =	ssyncadd.s32 @!p0 s1  }
0x141: {  	[bflag:$0x3] =	sbarrier.arrive $0xFFFF  }
0x142: {  	_ =	shalt  }

</sc_bundles>
